<compile_context>
chip_gen: v7x
topology: tpu7x:2x2x1
jax: 0.10.2.dev20260603
libtpu: 0.0.44.dev20260713+nightly
codegen_flags: <defaults>
</compile_context>

<pallas_src>
import functools

import jax
import jax.numpy as jnp
import numpy as np
from jax import lax
from jax.experimental import pallas as pl
from jax.experimental.pallas import tpu as pltpu
from jax.experimental.pallas import tpu_sc as plsc

V = 100000
F = 26
D = 32
DENSE_IN = 13
B = 4096
NF = F + 1
NPAIR = NF * (NF - 1) // 2

BF = B * F

try:
    _info = plsc.get_sparse_core_info()
    _NC, _NS = _info.num_cores, _info.num_subcores
except ValueError:
    _NC, _NS = 2, 16
NW = _NC * _NS
BPW = BF // NW
CH = 128


_RCB = 12800
_RGRID = -(-F * V // _RCB)
PACKED_ROWS = _RGRID * (_RCB // 4)


_RQ = _RCB // 4


def _repack_body(in_ref, out_ref):
    out_ref[:] = jnp.concatenate(
        [jnp.transpose(in_ref[:, u * _RQ:(u + 1) * _RQ], (1, 0))
         for u in range(4)], axis=1)


def _repack(tableT):
    return pl.pallas_call(
        _repack_body,
        grid=(_RGRID,),
        in_specs=[pl.BlockSpec((D, _RCB), lambda i: (0, i))],
        out_specs=pl.BlockSpec((_RCB // 4, 128), lambda i: (i, 0)),
        out_shape=jax.ShapeDtypeStruct((PACKED_ROWS, 128), jnp.float32),
    )(tableT)


def _sc_gather_body(packed_hbm, q_hbm, out_hbm, q_v, w0, w1, sem0, sem1):
    wid = lax.axis_index("s") * _NC + lax.axis_index("c")
    pltpu.sync_copy(q_hbm.at[:, wid, :, :], q_v)
    bufs = (w0, w1)
    sems = (sem0, sem1)
    cps = [None, None]
    for j in range(F):
        cps[j % 2] = pltpu.async_copy(
            packed_hbm.at[q_v.at[j // 8, j % 8]], bufs[j % 2], sems[j % 2])
        if j >= 1:
            k = (j - 1) % 2
            cps[k].wait()
            pltpu.sync_copy(
                bufs[k], out_hbm.at[pl.ds(wid * CH, CH), j - 1, :])
    k = (F - 1) % 2
    cps[k].wait()
    pltpu.sync_copy(bufs[k], out_hbm.at[pl.ds(wid * CH, CH), F - 1, :])


@functools.cache
def _sc_gather():
    return pl.kernel(
        _sc_gather_body,
        mesh=plsc.VectorSubcoreMesh(core_axis_name="c", subcore_axis_name="s"),
        out_type=jax.ShapeDtypeStruct((B, F, 128), jnp.float32),
        scratch_types=[
            pltpu.VMEM((4, 8, CH), jnp.int32),
            pltpu.VMEM((CH, 128), jnp.float32),
            pltpu.VMEM((CH, 128), jnp.float32),
            pltpu.SemaphoreType.DMA,
            pltpu.SemaphoreType.DMA,
        ],
        compiler_params=pltpu.CompilerParams(use_tc_tiling_on_sc=False),
    )


BB = 512
NBLK = B // BB


def _tc_body(dense_ref, wide_ref, sub_ref, dW0, db0, dW1, db1, dW2, db2,
             oW0a, Wt, ob0, oW1, ob1, oW2, ob2, oW3, ob3, out_ref):
    f32 = jnp.float32
    h = dense_ref[:]
    h = jnp.maximum(jnp.dot(h, dW0[:], preferred_element_type=f32) + db0[:], 0.0)
    h = jnp.maximum(jnp.dot(h, dW1[:], preferred_element_type=f32) + db1[:], 0.0)
    h = jnp.maximum(jnp.dot(h, dW2[:], preferred_element_type=f32) + db2[:], 0.0)
    parts = [h]
    for f in range(F):
        wf = wide_ref[:, f, :]
        sf = jnp.concatenate(
            [jnp.transpose(sub_ref[f // 8, g, f % 8, :].reshape(1, CH), (1, 0))
             for g in range(BB // CH)], axis=0)
        x = jnp.where(sf == 0, wf[:, 0:32],
            jnp.where(sf == 1, wf[:, 32:64],
            jnp.where(sf == 2, wf[:, 64:96], wf[:, 96:128])))
        parts.append(x)
    X = jnp.concatenate(parts, axis=1)
    r1 = lax.broadcasted_iota(jnp.int32, (D, NF * D), 1)
    r0 = lax.broadcasted_iota(jnp.int32, (D, NF * D), 0)
    E = (r1 % D == r0).astype(f32)
    s0 = lax.broadcasted_iota(jnp.int32, (NF * D, NF), 0)
    s1 = lax.broadcasted_iota(jnp.int32, (NF * D, NF), 1)
    ONES = (s0 // D == s1).astype(f32)
    acc = jnp.dot(h, oW0a[:], preferred_element_type=f32) + ob0[:]
    for n in range(NF):
        Xn = X[:, D * n:D * (n + 1)]
        Tn = jnp.dot(Xn, E, preferred_element_type=f32)
        Pn = X * Tn
        Gn = jnp.dot(Pn, ONES, preferred_element_type=f32)
        acc = acc + jnp.dot(Gn, Wt[n], preferred_element_type=f32)
    h = jnp.maximum(acc, 0.0)
    h = jnp.maximum(jnp.dot(h, oW1[:], preferred_element_type=f32) + ob1[:], 0.0)
    h = jnp.maximum(jnp.dot(h, oW2[:], preferred_element_type=f32) + ob2[:], 0.0)
    out_ref[:] = jnp.dot(h, oW3[:], preferred_element_type=f32) + ob3[:]


def _full(shape):
    nd = len(shape)
    return pl.BlockSpec(shape, lambda i, _nd=nd: (0,) * _nd)


def _tile_view(a):
    ap = jnp.pad(a, ((0, 0), (0, 32 - F)))
    return ap.reshape(32, 128, 4, 8).transpose(2, 0, 3, 1)


def kernel(dense_features, sparse_indices, table, dW0, db0, dW1, db1, dW2, db2,
           oW0, ob0, oW1, ob1, oW2, ob2, oW3, ob3):
    si = sparse_indices.astype(jnp.int32)
    offs = (jnp.arange(F, dtype=jnp.int32) * V)[None, :]
    flat = si + offs
    q4 = _tile_view((flat // _RCB) * _RQ + flat % _RQ)
    sub4 = _tile_view((flat % _RCB) // _RQ)

    packed = _repack(table.T)
    wide = _sc_gather()(packed, q4)

    ti0, ti1 = np.triu_indices(NF, 1)
    P = np.zeros((NF * NF, NPAIR), dtype=np.float32)
    P[ti0 * NF + ti1, np.arange(NPAIR)] = 1.0
    Wt = (jnp.asarray(P) @ oW0[D:]).reshape(NF, NF, oW0.shape[1])

    b2 = lambda x: x.reshape(1, -1)
    grid_spec = pl.GridSpec(
        grid=(NBLK,),
        in_specs=[
            pl.BlockSpec((BB, DENSE_IN), lambda i: (i, 0)),
            pl.BlockSpec((BB, F, 128), lambda i: (i, 0, 0)),
            pl.BlockSpec((4, BB // CH, 8, CH), lambda i: (0, i, 0, 0)),
            _full(dW0.shape), _full((1, 512)),
            _full(dW1.shape), _full((1, 256)),
            _full(dW2.shape), _full((1, D)),
            _full((D, 512)), _full(Wt.shape), _full((1, 512)),
            _full(oW1.shape), _full((1, 512)),
            _full(oW2.shape), _full((1, 256)),
            _full(oW3.shape), _full((1, 1)),
        ],
        out_specs=pl.BlockSpec((BB, 1), lambda i: (i, 0)),
    )
    logits = pl.pallas_call(
        _tc_body,
        grid_spec=grid_spec,
        out_shape=jax.ShapeDtypeStruct((B, 1), jnp.float32),
    )(dense_features, wide, sub4, dW0, b2(db0), dW1, b2(db1), dW2, b2(db2),
      oW0[:D], Wt, b2(ob0), oW1, b2(ob1), oW2, b2(ob2), oW3, b2(ob3))
    return logits

# --- scband reference (transcript-rebuilt; emitter-appended) ---
"""Pipeline reference for scband-dlrm-12927851561553 (READ-ONLY COPY).

The authoritative reference and input builder live on the scoring server;
editing this copy changes nothing except your own understanding.
"""

import jax, jax.numpy as jnp
import numpy as np

V = 100000
F = 26
D = 32
DENSE_IN = 13
B = 4096
DENSE_LAYERS = [512, 256, 32]
OVER_LAYERS = [512, 512, 256, 1]


def setup_inputs(seed: int = 0) -> dict:
    key = jax.random.key(seed)
    ks = jax.random.split(key, 32)
    inp = {}
    inp["dense_features"] = jax.random.normal(ks[0], (B, DENSE_IN), dtype=jnp.float32)
    inp["sparse_indices"] = jax.random.randint(ks[1], (B, F), 0, V, dtype=jnp.int64)
    # embedding tables: F tables of [V, D], flattened to [F*V, D]
    inp["table"] = jax.random.normal(ks[2], (F * V, D), dtype=jnp.float32) * 0.01
    # DenseArch MLP params (relu on every layer)
    dims = [DENSE_IN] + DENSE_LAYERS
    for i in range(len(DENSE_LAYERS)):
        inp[f"dW{i}"] = jax.random.normal(ks[3 + i], (dims[i], dims[i + 1]), dtype=jnp.float32) * (1.0 / np.sqrt(dims[i]))
        inp[f"db{i}"] = jnp.zeros((dims[i + 1],), dtype=jnp.float32)
    # OverArch MLP params: relu on all but last layer
    over_in = D + (F + 1) * F // 2
    odims = [over_in] + OVER_LAYERS
    for i in range(len(OVER_LAYERS)):
        inp[f"oW{i}"] = jax.random.normal(ks[10 + i], (odims[i], odims[i + 1]), dtype=jnp.float32) * (1.0 / np.sqrt(odims[i]))
        inp[f"ob{i}"] = jnp.zeros((odims[i + 1],), dtype=jnp.float32)
    return inp


def reference(dense_features, sparse_indices, table, dW0, db0, dW1, db1, dW2, db2, oW0, ob0, oW1, ob1, oW2, ob2, oW3, ob3):
    b = dense_features.shape[0]
    # SparseArch: per-feature embedding lookup (pooled bag with one id per feature)
    offsets = (jnp.arange(F, dtype=sparse_indices.dtype) * V)[None, :]
    flat_idx = (sparse_indices + offsets).reshape(-1)
    sparse = jnp.take(table, flat_idx, axis=0).reshape(b, F, D)
    # DenseArch MLP (relu on every layer)
    h = dense_features
    for W, bb in ((dW0, db0), (dW1, db1), (dW2, db2)):
        h = jax.nn.relu(h @ W + bb)
    dense_emb = h  # [B, D]
    # InteractionArch: pairwise dot products over (dense + sparse)
    combined = jnp.concatenate([dense_emb[:, None, :], sparse], axis=1)  # [B, F+1, D]
    interactions = jnp.einsum("bnd,bmd->bnm", combined, combined)
    ti0, ti1 = np.triu_indices(F + 1, 1)
    interactions_flat = interactions[:, ti0, ti1]  # [B, (F+1)F/2]
    feats = jnp.concatenate([dense_emb, interactions_flat], axis=1)
    # OverArch: MLP (relu) + final linear
    h = feats
    for W, bb in ((oW0, ob0), (oW1, ob1), (oW2, ob2)):
        h = jax.nn.relu(h @ W + bb)
    logits = h @ oW3 + ob3  # [B, 1]
    return logits

if __name__ == "__main__":
    import jax
    _d = setup_inputs()
    print(jax.jit(kernel)(*tuple(_d.values())))

</pallas_src>

<mosaic_0001>
#map = affine_map<(d0, d1) -> (0, 0)>
#map1 = affine_map<(d0, d1) -> (0, 0, 0, 0)>
#map2 = affine_map<(d0, d1) -> (0, 0, 0)>
module attributes {stable_mosaic.version = 14 : i64} {
  func.func @_sc_gather_body(%arg0: i32, %arg1: i32, %arg2: memref<652800x128xf32, #tpu.memory_space<hbm>>, %arg3: memref<4x32x8x128xi32, #tpu.memory_space<hbm>>, %arg4: memref<4096x26x128xf32, #tpu.memory_space<hbm>>, %arg5: memref<4x8x128xi32, #tpu.memory_space<vmem>>, %arg6: memref<128x128xf32, #tpu.memory_space<vmem>>, %arg7: memref<128x128xf32, #tpu.memory_space<vmem>>, %arg8: memref<!tpu.dma_semaphore, #tpu.memory_space<semaphore_mem>>, %arg9: memref<!tpu.dma_semaphore, #tpu.memory_space<semaphore_mem>>) attributes {dimension_semantics = [#tpu.dimension_semantics<core_parallel>, #tpu.dimension_semantics<subcore_parallel>], iteration_bounds = array<i64: 2, 16>, scalar_prefetch = 0 : i64, scratch_operands = 5 : i64, tpu.core_type = #tpu.core_type<sc_vector_subcore>, window_params = [{transform_indices = #map}, {transform_indices = #map1}, {transform_indices = #map2}]} {
    %mul3A = arith.constant 2 : i32
    %mul3A_0 = arith.muli %arg1, %mul3A : i32
    %add3A = arith.addi %mul3A_0, %arg0 : i32
    "tpu.region"() ({
      %run_scoped3A_492 = tpu.sem_alloc : memref<!tpu.dma_semaphore, #tpu.memory_space<semaphore_mem>>
      %dma_start3A_493 = arith.constant 0 : i32
      %dma_start3A_494 = arith.constant 0 : i32
      %dma_start3A_495 = arith.constant 0 : i32
      %dma_start3A_496 = tpu.memref_slice %arg3[%dma_start3A_493, %add3A, %dma_start3A_494, %dma_start3A_495] : memref<4x32x8x128xi32, #tpu.memory_space<hbm>> -> memref<4x1x8x128xi32, #tpu.memory_space<hbm>>
      %dma_start3A_497 = tpu.memref_squeeze %dma_start3A_496 : memref<4x1x8x128xi32, #tpu.memory_space<hbm>> -> memref<4x8x128xi32, #tpu.memory_space<hbm>>
      %dma_start3A_498 = arith.constant 0 : i32
      %dma_start3A_499 = arith.constant 0 : i32
      %dma_start3A_500 = arith.constant 0 : i32
      %dma_start3A_501 = tpu.memref_slice %arg3[%dma_start3A_498, %add3A, %dma_start3A_499, %dma_start3A_500] : memref<4x32x8x128xi32, #tpu.memory_space<hbm>> -> memref<4x1x8x128xi32, #tpu.memory_space<hbm>>
      %dma_start3A_502 = tpu.memref_squeeze %dma_start3A_501 : memref<4x1x8x128xi32, #tpu.memory_space<hbm>> -> memref<4x8x128xi32, #tpu.memory_space<hbm>>
      tpu.enqueue_dma source(%dma_start3A_502 : memref<4x8x128xi32, #tpu.memory_space<hbm>>) target(%arg5 : memref<4x8x128xi32, #tpu.memory_space<vmem>>) target_semaphore(%run_scoped3A_492 : memref<!tpu.dma_semaphore, #tpu.memory_space<semaphore_mem>>)
      %dma_wait3A_503 = arith.constant 0 : i32
      %dma_wait3A_504 = arith.constant 0 : i32
      %dma_wait3A_505 = arith.constant 0 : i32
      %dma_wait3A_506 = tpu.memref_slice %arg3[%dma_wait3A_503, %add3A, %dma_wait3A_504, %dma_wait3A_505] : memref<4x32x8x128xi32, #tpu.memory_space<hbm>> -> memref<4x1x8x128xi32, #tpu.memory_space<hbm>>
      %dma_wait3A_507 = tpu.memref_squeeze %dma_wait3A_506 : memref<4x1x8x128xi32, #tpu.memory_space<hbm>> -> memref<4x8x128xi32, #tpu.memory_space<hbm>>
      %dma_wait3A_508 = arith.constant 0 : i32
      %dma_wait3A_509 = arith.constant 0 : i32
      %dma_wait3A_510 = arith.constant 0 : i32
      %dma_wait3A_511 = tpu.memref_slice %arg3[%dma_wait3A_508, %add3A, %dma_wait3A_509, %dma_wait3A_510] : memref<4x32x8x128xi32, #tpu.memory_space<hbm>> -> memref<4x1x8x128xi32, #tpu.memory_space<hbm>>
      %dma_wait3A_512 = tpu.memref_squeeze %dma_wait3A_511 : memref<4x1x8x128xi32, #tpu.memory_space<hbm>> -> memref<4x8x128xi32, #tpu.memory_space<hbm>>
      tpu.wait_dma2 semaphore(%run_scoped3A_492 : memref<!tpu.dma_semaphore, #tpu.memory_space<semaphore_mem>>) src(%dma_wait3A_512 : memref<4x8x128xi32, #tpu.memory_space<hbm>>) dst(%arg5 : memref<4x8x128xi32, #tpu.memory_space<vmem>>)
      tpu.yield
    }) : () -> ()
    %dma_start3A = arith.constant 0 : i32
    %dma_start3A_1 = arith.constant 0 : i32
    %dma_start3A_2 = arith.constant 0 : i32
    %dma_start3A_3 = tpu.memref_slice %arg5[%dma_start3A, %dma_start3A_1, %dma_start3A_2] : memref<4x8x128xi32, #tpu.memory_space<vmem>> -> memref<1x1x128xi32, #tpu.memory_space<vmem>>
    %dma_start3A_4 = tpu.memref_squeeze %dma_start3A_3 : memref<1x1x128xi32, #tpu.memory_space<vmem>> -> memref<128xi32, #tpu.memory_space<vmem>>
    %dma_start3A_5 = arith.constant 0 : i32
    %dma_start3A_6 = arith.constant 0 : i32
    %dma_start3A_7 = tpu.memref_slice %arg2[%dma_start3A_5, %dma_start3A_6] : memref<652800x128xf32, #tpu.memory_space<hbm>> -> memref<652800x128xf32, #tpu.memory_space<hbm>>
    tpu.enqueue_indirect_dma source(%dma_start3A_7 : memref<652800x128xf32, #tpu.memory_space<hbm>>) target(%arg6 : memref<128x128xf32, #tpu.memory_space<vmem>>) offsets(%dma_start3A_4 : memref<128xi32, #tpu.memory_space<vmem>>) semaphore(%arg8 : memref<!tpu.dma_semaphore, #tpu.memory_space<semaphore_mem>>)
    %dma_start3A_8 = arith.constant 0 : i32
    %dma_start3A_9 = arith.constant 1 : i32
    %dma_start3A_10 = arith.constant 0 : i32
    %dma_start3A_11 = tpu.memref_slice %arg5[%dma_start3A_8, %dma_start3A_9, %dma_start3A_10] : memref<4x8x128xi32, #tpu.memory_space<vmem>> -> memref<1x1x128xi32, #tpu.memory_space<vmem>>
    %dma_start3A_12 = tpu.memref_squeeze %dma_start3A_11 : memref<1x1x128xi32, #tpu.memory_space<vmem>> -> memref<128xi32, #tpu.memory_space<vmem>>
    %dma_start3A_13 = arith.constant 0 : i32
    %dma_start3A_14 = arith.constant 0 : i32
    %dma_start3A_15 = tpu.memref_slice %arg2[%dma_start3A_13, %dma_start3A_14] : memref<652800x128xf32, #tpu.memory_space<hbm>> -> memref<652800x128xf32, #tpu.memory_space<hbm>>
    tpu.enqueue_indirect_dma source(%dma_start3A_15 : memref<652800x128xf32, #tpu.memory_space<hbm>>) target(%arg7 : memref<128x128xf32, #tpu.memory_space<vmem>>) offsets(%dma_start3A_12 : memref<128xi32, #tpu.memory_space<vmem>>) semaphore(%arg9 : memref<!tpu.dma_semaphore, #tpu.memory_space<semaphore_mem>>)
    %dma_wait3A = arith.constant 0 : i32
    %dma_wait3A_16 = arith.constant 0 : i32
    %dma_wait3A_17 = arith.constant 0 : i32
    %dma_wait3A_18 = tpu.memref_slice %arg5[%dma_wait3A, %dma_wait3A_16, %dma_wait3A_17] : memref<4x8x128xi32, #tpu.memory_space<vmem>> -> memref<1x1x128xi32, #tpu.memory_space<vmem>>
    %dma_wait3A_19 = tpu.memref_squeeze %dma_wait3A_18 : memref<1x1x128xi32, #tpu.memory_space<vmem>> -> memref<128xi32, #tpu.memory_space<vmem>>
    %dma_wait3A_20 = arith.constant 0 : i32
    %dma_wait3A_21 = arith.constant 0 : i32
    %dma_wait3A_22 = tpu.memref_slice %arg2[%dma_wait3A_20, %dma_wait3A_21] : memref<652800x128xf32, #tpu.memory_space<hbm>> -> memref<652800x128xf32, #tpu.memory_space<hbm>>
    tpu.wait_indirect_dma semaphore(%arg8 : memref<!tpu.dma_semaphore, #tpu.memory_space<semaphore_mem>>) src(%dma_wait3A_22 : memref<652800x128xf32, #tpu.memory_space<hbm>>) dst(%arg6 : memref<128x128xf32, #tpu.memory_space<vmem>>)
    %mul3A_23 = arith.constant 128 : i32
    %mul3A_24 = arith.muli %add3A, %mul3A_23 : i32
    %run_scoped3A = arith.constant 0 : i32
    "tpu.region"() ({
      %run_scoped3A_492 = tpu.sem_alloc : memref<!tpu.dma_semaphore, #tpu.memory_space<semaphore_mem>>
      %dma_start3A_493 = arith.constant 0 : i32
      %dma_start3A_494 = tpu.memref_slice %arg4[%mul3A_24, %run_scoped3A, %dma_start3A_493] : memref<4096x26x128xf32, #tpu.memory_space<hbm>> -> memref<128x1x128xf32, #tpu.memory_space<hbm>>
      %dma_start3A_495 = tpu.memref_squeeze %dma_start3A_494 : memref<128x1x128xf32, #tpu.memory_space<hbm>> -> memref<128x128xf32, #tpu.memory_space<hbm>>
      %dma_start3A_496 = arith.constant 0 : i32
      %dma_start3A_497 = tpu.memref_slice %arg4[%mul3A_24, %run_scoped3A, %dma_start3A_496] : memref<4096x26x128xf32, #tpu.memory_space<hbm>> -> memref<128x1x128xf32, #tpu.memory_space<hbm>>
      %dma_start3A_498 = tpu.memref_squeeze %dma_start3A_497 : memref<128x1x128xf32, #tpu.memory_space<hbm>> -> memref<128x128xf32, #tpu.memory_space<hbm>>
      tpu.enqueue_dma source(%arg6 : memref<128x128xf32, #tpu.memory_space<vmem>>) target(%dma_start3A_498 : memref<128x128xf32, #tpu.memory_space<hbm>>) target_semaphore(%run_scoped3A_492 : memref<!tpu.dma_semaphore, #tpu.memory_space<semaphore_mem>>)
      %dma_wait3A_499 = arith.constant 0 : i32
      %dma_wait3A_500 = tpu.memref_slice %arg4[%mul3A_24, %run_scoped3A, %dma_wait3A_499] : memref<4096x26x128xf32, #tpu.memory_space<hbm>> -> memref<128x1x128xf32, #tpu.memory_space<hbm>>
      %dma_wait3A_501 = tpu.memref_squeeze %dma_wait3A_500 : memref<128x1x128xf32, #tpu.memory_space<hbm>> -> memref<128x128xf32, #tpu.memory_space<hbm>>
      %dma_wait3A_502 = arith.constant 0 : i32
      %dma_wait3A_503 = tpu.memref_slice %arg4[%mul3A_24, %run_scoped3A, %dma_wait3A_502] : memref<4096x26x128xf32, #tpu.memory_space<hbm>> -> memref<128x1x128xf32, #tpu.memory_space<hbm>>
      %dma_wait3A_504 = tpu.memref_squeeze %dma_wait3A_503 : memref<128x1x128xf32, #tpu.memory_space<hbm>> -> memref<128x128xf32, #tpu.memory_space<hbm>>
      tpu.wait_dma2 semaphore(%run_scoped3A_492 : memref<!tpu.dma_semaphore, #tpu.memory_space<semaphore_mem>>) src(%arg6 : memref<128x128xf32, #tpu.memory_space<vmem>>) dst(%dma_wait3A_504 : memref<128x128xf32, #tpu.memory_space<hbm>>)
      tpu.yield
    }) : () -> ()
    %dma_start3A_25 = arith.constant 0 : i32
    %dma_start3A_26 = arith.constant 2 : i32
    %dma_start3A_27 = arith.constant 0 : i32
    %dma_start3A_28 = tpu.memref_slice %arg5[%dma_start3A_25, %dma_start3A_26, %dma_start3A_27] : memref<4x8x128xi32, #tpu.memory_space<vmem>> -> memref<1x1x128xi32, #tpu.memory_space<vmem>>
    %dma_start3A_29 = tpu.memref_squeeze %dma_start3A_28 : memref<1x1x128xi32, #tpu.memory_space<vmem>> -> memref<128xi32, #tpu.memory_space<vmem>>
    %dma_start3A_30 = arith.constant 0 : i32
    %dma_start3A_31 = arith.constant 0 : i32
    %dma_start3A_32 = tpu.memref_slice %arg2[%dma_start3A_30, %dma_start3A_31] : memref<652800x128xf32, #tpu.memory_space<hbm>> -> memref<652800x128xf32, #tpu.memory_space<hbm>>
    tpu.enqueue_indirect_dma source(%dma_start3A_32 : memref<652800x128xf32, #tpu.memory_space<hbm>>) target(%arg6 : memref<128x128xf32, #tpu.memory_space<vmem>>) offsets(%dma_start3A_29 : memref<128xi32, #tpu.memory_space<vmem>>) semaphore(%arg8 : memref<!tpu.dma_semaphore, #tpu.memory_space<semaphore_mem>>)
    %dma_wait3A_33 = arith.constant 0 : i32
    %dma_wait3A_34 = arith.constant 1 : i32
    %dma_wait3A_35 = arith.constant 0 : i32
    %dma_wait3A_36 = tpu.memref_slice %arg5[%dma_wait3A_33, %dma_wait3A_34, %dma_wait3A_35] : memref<4x8x128xi32, #tpu.memory_space<vmem>> -> memref<1x1x128xi32, #tpu.memory_space<vmem>>
    %dma_wait3A_37 = tpu.memref_squeeze %dma_wait3A_36 : memref<1x1x128xi32, #tpu.memory_space<vmem>> -> memref<128xi32, #tpu.memory_space<vmem>>
    %dma_wait3A_38 = arith.constant 0 : i32
    %dma_wait3A_39 = arith.constant 0 : i32
    %dma_wait3A_40 = tpu.memref_slice %arg2[%dma_wait3A_38, %dma_wait3A_39] : memref<652800x128xf32, #tpu.memory_space<hbm>> -> memref<652800x128xf32, #tpu.memory_space<hbm>>
    tpu.wait_indirect_dma semaphore(%arg9 : memref<!tpu.dma_semaphore, #tpu.memory_space<semaphore_mem>>) src(%dma_wait3A_40 : memref<652800x128xf32, #tpu.memory_space<hbm>>) dst(%arg7 : memref<128x128xf32, #tpu.memory_space<vmem>>)
    %mul3A_41 = arith.constant 128 : i32
    %mul3A_42 = arith.muli %add3A, %mul3A_41 : i32
    %run_scoped3A_43 = arith.constant 1 : i32
    "tpu.region"() ({
      %run_scoped3A_492 = tpu.sem_alloc : memref<!tpu.dma_semaphore, #tpu.memory_space<semaphore_mem>>
      %dma_start3A_493 = arith.constant 0 : i32
      %dma_start3A_494 = tpu.memref_slice %arg4[%mul3A_42, %run_scoped3A_43, %dma_start3A_493] : memref<4096x26x128xf32, #tpu.memory_space<hbm>> -> memref<128x1x128xf32, #tpu.memory_space<hbm>>
      %dma_start3A_495 = tpu.memref_squeeze %dma_start3A_494 : memref<128x1x128xf32, #tpu.memory_space<hbm>> -> memref<128x128xf32, #tpu.memory_space<hbm>>
      %dma_start3A_496 = arith.constant 0 : i32
      %dma_start3A_497 = tpu.memref_slice %arg4[%mul3A_42, %run_scoped3A_43, %dma_start3A_496] : memref<4096x26x128xf32, #tpu.memory_space<hbm>> -> memref<128x1x128xf32, #tpu.memory_space<hbm>>
      %dma_start3A_498 = tpu.memref_squeeze %dma_start3A_497 : memref<128x1x128xf32, #tpu.memory_space<hbm>> -> memref<128x128xf32, #tpu.memory_space<hbm>>
      tpu.enqueue_dma source(%arg7 : memref<128x128xf32, #tpu.memory_space<vmem>>) target(%dma_start3A_498 : memref<128x128xf32, #tpu.memory_space<hbm>>) target_semaphore(%run_scoped3A_492 : memref<!tpu.dma_semaphore, #tpu.memory_space<semaphore_mem>>)
      %dma_wait3A_499 = arith.constant 0 : i32
      %dma_wait3A_500 = tpu.memref_slice %arg4[%mul3A_42, %run_scoped3A_43, %dma_wait3A_499] : memref<4096x26x128xf32, #tpu.memory_space<hbm>> -> memref<128x1x128xf32, #tpu.memory_space<hbm>>
      %dma_wait3A_501 = tpu.memref_squeeze %dma_wait3A_500 : memref<128x1x128xf32, #tpu.memory_space<hbm>> -> memref<128x128xf32, #tpu.memory_space<hbm>>
      %dma_wait3A_502 = arith.constant 0 : i32
      %dma_wait3A_503 = tpu.memref_slice %arg4[%mul3A_42, %run_scoped3A_43, %dma_wait3A_502] : memref<4096x26x128xf32, #tpu.memory_space<hbm>> -> memref<128x1x128xf32, #tpu.memory_space<hbm>>
      %dma_wait3A_504 = tpu.memref_squeeze %dma_wait3A_503 : memref<128x1x128xf32, #tpu.memory_space<hbm>> -> memref<128x128xf32, #tpu.memory_space<hbm>>
      tpu.wait_dma2 semaphore(%run_scoped3A_492 : memref<!tpu.dma_semaphore, #tpu.memory_space<semaphore_mem>>) src(%arg7 : memref<128x128xf32, #tpu.memory_space<vmem>>) dst(%dma_wait3A_504 : memref<128x128xf32, #tpu.memory_space<hbm>>)
      tpu.yield
    }) : () -> ()
    %dma_start3A_44 = arith.constant 0 : i32
    %dma_start3A_45 = arith.constant 3 : i32
    %dma_start3A_46 = arith.constant 0 : i32
    %dma_start3A_47 = tpu.memref_slice %arg5[%dma_start3A_44, %dma_start3A_45, %dma_start3A_46] : memref<4x8x128xi32, #tpu.memory_space<vmem>> -> memref<1x1x128xi32, #tpu.memory_space<vmem>>
    %dma_start3A_48 = tpu.memref_squeeze %dma_start3A_47 : memref<1x1x128xi32, #tpu.memory_space<vmem>> -> memref<128xi32, #tpu.memory_space<vmem>>
    %dma_start3A_49 = arith.constant 0 : i32
    %dma_start3A_50 = arith.constant 0 : i32
    %dma_start3A_51 = tpu.memref_slice %arg2[%dma_start3A_49, %dma_start3A_50] : memref<652800x128xf32, #tpu.memory_space<hbm>> -> memref<652800x128xf32, #tpu.memory_space<hbm>>
    tpu.enqueue_indirect_dma source(%dma_start3A_51 : memref<652800x128xf32, #tpu.memory_space<hbm>>) target(%arg7 : memref<128x128xf32, #tpu.memory_space<vmem>>) offsets(%dma_start3A_48 : memref<128xi32, #tpu.memory_space<vmem>>) semaphore(%arg9 : memref<!tpu.dma_semaphore, #tpu.memory_space<semaphore_mem>>)
    %dma_wait3A_52 = arith.constant 0 : i32
    %dma_wait3A_53 = arith.constant 2 : i32
    %dma_wait3A_54 = arith.constant 0 : i32
    %dma_wait3A_55 = tpu.memref_slice %arg5[%dma_wait3A_52, %dma_wait3A_53, %dma_wait3A_54] : memref<4x8x128xi32, #tpu.memory_space<vmem>> -> memref<1x1x128xi32, #tpu.memory_space<vmem>>
    %dma_wait3A_56 = tpu.memref_squeeze %dma_wait3A_55 : memref<1x1x128xi32, #tpu.memory_space<vmem>> -> memref<128xi32, #tpu.memory_space<vmem>>
    %dma_wait3A_57 = arith.constant 0 : i32
    %dma_wait3A_58 = arith.constant 0 : i32
    %dma_wait3A_59 = tpu.memref_slice %arg2[%dma_wait3A_57, %dma_wait3A_58] : memref<652800x128xf32, #tpu.memory_space<hbm>> -> memref<652800x128xf32, #tpu.memory_space<hbm>>
    tpu.wait_indirect_dma semaphore(%arg8 : memref<!tpu.dma_semaphore, #tpu.memory_space<semaphore_mem>>) src(%dma_wait3A_59 : memref<652800x128xf32, #tpu.memory_space<hbm>>) dst(%arg6 : memref<128x128xf32, #tpu.memory_space<vmem>>)
    %mul3A_60 = arith.constant 128 : i32
    %mul3A_61 = arith.muli %add3A, %mul3A_60 : i32
    %run_scoped3A_62 = arith.constant 2 : i32
    "tpu.region"() ({
      %run_scoped3A_492 = tpu.sem_alloc : memref<!tpu.dma_semaphore, #tpu.memory_space<semaphore_mem>>
      %dma_start3A_493 = arith.constant 0 : i32
      %dma_start3A_494 = tpu.memref_slice %arg4[%mul3A_61, %run_scoped3A_62, %dma_start3A_493] : memref<4096x26x128xf32, #tpu.memory_space<hbm>> -> memref<128x1x128xf32, #tpu.memory_space<hbm>>
      %dma_start3A_495 = tpu.memref_squeeze %dma_start3A_494 : memref<128x1x128xf32, #tpu.memory_space<hbm>> -> memref<128x128xf32, #tpu.memory_space<hbm>>
      %dma_start3A_496 = arith.constant 0 : i32
      %dma_start3A_497 = tpu.memref_slice %arg4[%mul3A_61, %run_scoped3A_62, %dma_start3A_496] : memref<4096x26x128xf32, #tpu.memory_space<hbm>> -> memref<128x1x128xf32, #tpu.memory_space<hbm>>
      %dma_start3A_498 = tpu.memref_squeeze %dma_start3A_497 : memref<128x1x128xf32, #tpu.memory_space<hbm>> -> memref<128x128xf32, #tpu.memory_space<hbm>>
      tpu.enqueue_dma source(%arg6 : memref<128x128xf32, #tpu.memory_space<vmem>>) target(%dma_start3A_498 : memref<128x128xf32, #tpu.memory_space<hbm>>) target_semaphore(%run_scoped3A_492 : memref<!tpu.dma_semaphore, #tpu.memory_space<semaphore_mem>>)
      %dma_wait3A_499 = arith.constant 0 : i32
      %dma_wait3A_500 = tpu.memref_slice %arg4[%mul3A_61, %run_scoped3A_62, %dma_wait3A_499] : memref<4096x26x128xf32, #tpu.memory_space<hbm>> -> memref<128x1x128xf32, #tpu.memory_space<hbm>>
      %dma_wait3A_501 = tpu.memref_squeeze %dma_wait3A_500 : memref<128x1x128xf32, #tpu.memory_space<hbm>> -> memref<128x128xf32, #tpu.memory_space<hbm>>
      %dma_wait3A_502 = arith.constant 0 : i32
      %dma_wait3A_503 = tpu.memref_slice %arg4[%mul3A_61, %run_scoped3A_62, %dma_wait3A_502] : memref<4096x26x128xf32, #tpu.memory_space<hbm>> -> memref<128x1x128xf32, #tpu.memory_space<hbm>>
      %dma_wait3A_504 = tpu.memref_squeeze %dma_wait3A_503 : memref<128x1x128xf32, #tpu.memory_space<hbm>> -> memref<128x128xf32, #tpu.memory_space<hbm>>
      tpu.wait_dma2 semaphore(%run_scoped3A_492 : memref<!tpu.dma_semaphore, #tpu.memory_space<semaphore_mem>>) src(%arg6 : memref<128x128xf32, #tpu.memory_space<vmem>>) dst(%dma_wait3A_504 : memref<128x128xf32, #tpu.memory_space<hbm>>)
      tpu.yield
    }) : () -> ()
    %dma_start3A_63 = arith.constant 0 : i32
    %dma_start3A_64 = arith.constant 4 : i32
    %dma_start3A_65 = arith.constant 0 : i32
    %dma_start3A_66 = tpu.memref_slice %arg5[%dma_start3A_63, %dma_start3A_64, %dma_start3A_65] : memref<4x8x128xi32, #tpu.memory_space<vmem>> -> memref<1x1x128xi32, #tpu.memory_space<vmem>>
    %dma_start3A_67 = tpu.memref_squeeze %dma_start3A_66 : memref<1x1x128xi32, #tpu.memory_space<vmem>> -> memref<128xi32, #tpu.memory_space<vmem>>
    %dma_start3A_68 = arith.constant 0 : i32
    %dma_start3A_69 = arith.constant 0 : i32
    %dma_start3A_70 = tpu.memref_slice %arg2[%dma_start3A_68, %dma_start3A_69] : memref<652800x128xf32, #tpu.memory_space<hbm>> -> memref<652800x128xf32, #tpu.memory_space<hbm>>
    tpu.enqueue_indirect_dma source(%dma_start3A_70 : memref<652800x128xf32, #tpu.memory_space<hbm>>) target(%arg6 : memref<128x128xf32, #tpu.memory_space<vmem>>) offsets(%dma_start3A_67 : memref<128xi32, #tpu.memory_space<vmem>>) semaphore(%arg8 : memref<!tpu.dma_semaphore, #tpu.memory_space<semaphore_mem>>)
    %dma_wait3A_71 = arith.constant 0 : i32
    %dma_wait3A_72 = arith.constant 3 : i32
    %dma_wait3A_73 = arith.constant 0 : i32
    %dma_wait3A_74 = tpu.memref_slice %arg5[%dma_wait3A_71, %dma_wait3A_72, %dma_wait3A_73] : memref<4x8x128xi32, #tpu.memory_space<vmem>> -> memref<1x1x128xi32, #tpu.memory_space<vmem>>
    %dma_wait3A_75 = tpu.memref_squeeze %dma_wait3A_74 : memref<1x1x128xi32, #tpu.memory_space<vmem>> -> memref<128xi32, #tpu.memory_space<vmem>>
    %dma_wait3A_76 = arith.constant 0 : i32
    %dma_wait3A_77 = arith.constant 0 : i32
    %dma_wait3A_78 = tpu.memref_slice %arg2[%dma_wait3A_76, %dma_wait3A_77] : memref<652800x128xf32, #tpu.memory_space<hbm>> -> memref<652800x128xf32, #tpu.memory_space<hbm>>
    tpu.wait_indirect_dma semaphore(%arg9 : memref<!tpu.dma_semaphore, #tpu.memory_space<semaphore_mem>>) src(%dma_wait3A_78 : memref<652800x128xf32, #tpu.memory_space<hbm>>) dst(%arg7 : memref<128x128xf32, #tpu.memory_space<vmem>>)
    %mul3A_79 = arith.constant 128 : i32
    %mul3A_80 = arith.muli %add3A, %mul3A_79 : i32
    %run_scoped3A_81 = arith.constant 3 : i32
    "tpu.region"() ({
      %run_scoped3A_492 = tpu.sem_alloc : memref<!tpu.dma_semaphore, #tpu.memory_space<semaphore_mem>>
      %dma_start3A_493 = arith.constant 0 : i32
      %dma_start3A_494 = tpu.memref_slice %arg4[%mul3A_80, %run_scoped3A_81, %dma_start3A_493] : memref<4096x26x128xf32, #tpu.memory_space<hbm>> -> memref<128x1x128xf32, #tpu.memory_space<hbm>>
      %dma_start3A_495 = tpu.memref_squeeze %dma_start3A_494 : memref<128x1x128xf32, #tpu.memory_space<hbm>> -> memref<128x128xf32, #tpu.memory_space<hbm>>
      %dma_start3A_496 = arith.constant 0 : i32
      %dma_start3A_497 = tpu.memref_slice %arg4[%mul3A_80, %run_scoped3A_81, %dma_start3A_496] : memref<4096x26x128xf32, #tpu.memory_space<hbm>> -> memref<128x1x128xf32, #tpu.memory_space<hbm>>
      %dma_start3A_498 = tpu.memref_squeeze %dma_start3A_497 : memref<128x1x128xf32, #tpu.memory_space<hbm>> -> memref<128x128xf32, #tpu.memory_space<hbm>>
      tpu.enqueue_dma source(%arg7 : memref<128x128xf32, #tpu.memory_space<vmem>>) target(%dma_start3A_498 : memref<128x128xf32, #tpu.memory_space<hbm>>) target_semaphore(%run_scoped3A_492 : memref<!tpu.dma_semaphore, #tpu.memory_space<semaphore_mem>>)
      %dma_wait3A_499 = arith.constant 0 : i32
      %dma_wait3A_500 = tpu.memref_slice %arg4[%mul3A_80, %run_scoped3A_81, %dma_wait3A_499] : memref<4096x26x128xf32, #tpu.memory_space<hbm>> -> memref<128x1x128xf32, #tpu.memory_space<hbm>>
      %dma_wait3A_501 = tpu.memref_squeeze %dma_wait3A_500 : memref<128x1x128xf32, #tpu.memory_space<hbm>> -> memref<128x128xf32, #tpu.memory_space<hbm>>
      %dma_wait3A_502 = arith.constant 0 : i32
      %dma_wait3A_503 = tpu.memref_slice %arg4[%mul3A_80, %run_scoped3A_81, %dma_wait3A_502] : memref<4096x26x128xf32, #tpu.memory_space<hbm>> -> memref<128x1x128xf32, #tpu.memory_space<hbm>>
      %dma_wait3A_504 = tpu.memref_squeeze %dma_wait3A_503 : memref<128x1x128xf32, #tpu.memory_space<hbm>> -> memref<128x128xf32, #tpu.memory_space<hbm>>
      tpu.wait_dma2 semaphore(%run_scoped3A_492 : memref<!tpu.dma_semaphore, #tpu.memory_space<semaphore_mem>>) src(%arg7 : memref<128x128xf32, #tpu.memory_space<vmem>>) dst(%dma_wait3A_504 : memref<128x128xf32, #tpu.memory_space<hbm>>)
      tpu.yield
    }) : () -> ()
    %dma_start3A_82 = arith.constant 0 : i32
    %dma_start3A_83 = arith.constant 5 : i32
    %dma_start3A_84 = arith.constant 0 : i32
    %dma_start3A_85 = tpu.memref_slice %arg5[%dma_start3A_82, %dma_start3A_83, %dma_start3A_84] : memref<4x8x128xi32, #tpu.memory_space<vmem>> -> memref<1x1x128xi32, #tpu.memory_space<vmem>>
    %dma_start3A_86 = tpu.memref_squeeze %dma_start3A_85 : memref<1x1x128xi32, #tpu.memory_space<vmem>> -> memref<128xi32, #tpu.memory_space<vmem>>
    %dma_start3A_87 = arith.constant 0 : i32
    %dma_start3A_88 = arith.constant 0 : i32
    %dma_start3A_89 = tpu.memref_slice %arg2[%dma_start3A_87, %dma_start3A_88] : memref<652800x128xf32, #tpu.memory_space<hbm>> -> memref<652800x128xf32, #tpu.memory_space<hbm>>
    tpu.enqueue_indirect_dma source(%dma_start3A_89 : memref<652800x128xf32, #tpu.memory_space<hbm>>) target(%arg7 : memref<128x128xf32, #tpu.memory_space<vmem>>) offsets(%dma_start3A_86 : memref<128xi32, #tpu.memory_space<vmem>>) semaphore(%arg9 : memref<!tpu.dma_semaphore, #tpu.memory_space<semaphore_mem>>)
    %dma_wait3A_90 = arith.constant 0 : i32
    %dma_wait3A_91 = arith.constant 4 : i32
    %dma_wait3A_92 = arith.constant 0 : i32
    %dma_wait3A_93 = tpu.memref_slice %arg5[%dma_wait3A_90, %dma_wait3A_91, %dma_wait3A_92] : memref<4x8x128xi32, #tpu.memory_space<vmem>> -> memref<1x1x128xi32, #tpu.memory_space<vmem>>
    %dma_wait3A_94 = tpu.memref_squeeze %dma_wait3A_93 : memref<1x1x128xi32, #tpu.memory_space<vmem>> -> memref<128xi32, #tpu.memory_space<vmem>>
    %dma_wait3A_95 = arith.constant 0 : i32
    %dma_wait3A_96 = arith.constant 0 : i32
    %dma_wait3A_97 = tpu.memref_slice %arg2[%dma_wait3A_95, %dma_wait3A_96] : memref<652800x128xf32, #tpu.memory_space<hbm>> -> memref<652800x128xf32, #tpu.memory_space<hbm>>
    tpu.wait_indirect_dma semaphore(%arg8 : memref<!tpu.dma_semaphore, #tpu.memory_space<semaphore_mem>>) src(%dma_wait3A_97 : memref<652800x128xf32, #tpu.memory_space<hbm>>) dst(%arg6 : memref<128x128xf32, #tpu.memory_space<vmem>>)
    %mul3A_98 = arith.constant 128 : i32
    %mul3A_99 = arith.muli %add3A, %mul3A_98 : i32
    %run_scoped3A_100 = arith.constant 4 : i32
    "tpu.region"() ({
      %run_scoped3A_492 = tpu.sem_alloc : memref<!tpu.dma_semaphore, #tpu.memory_space<semaphore_mem>>
      %dma_start3A_493 = arith.constant 0 : i32
      %dma_start3A_494 = tpu.memref_slice %arg4[%mul3A_99, %run_scoped3A_100, %dma_start3A_493] : memref<4096x26x128xf32, #tpu.memory_space<hbm>> -> memref<128x1x128xf32, #tpu.memory_space<hbm>>
      %dma_start3A_495 = tpu.memref_squeeze %dma_start3A_494 : memref<128x1x128xf32, #tpu.memory_space<hbm>> -> memref<128x128xf32, #tpu.memory_space<hbm>>
      %dma_start3A_496 = arith.constant 0 : i32
      %dma_start3A_497 = tpu.memref_slice %arg4[%mul3A_99, %run_scoped3A_100, %dma_start3A_496] : memref<4096x26x128xf32, #tpu.memory_space<hbm>> -> memref<128x1x128xf32, #tpu.memory_space<hbm>>
      %dma_start3A_498 = tpu.memref_squeeze %dma_start3A_497 : memref<128x1x128xf32, #tpu.memory_space<hbm>> -> memref<128x128xf32, #tpu.memory_space<hbm>>
      tpu.enqueue_dma source(%arg6 : memref<128x128xf32, #tpu.memory_space<vmem>>) target(%dma_start3A_498 : memref<128x128xf32, #tpu.memory_space<hbm>>) target_semaphore(%run_scoped3A_492 : memref<!tpu.dma_semaphore, #tpu.memory_space<semaphore_mem>>)
      %dma_wait3A_499 = arith.constant 0 : i32
      %dma_wait3A_500 = tpu.memref_slice %arg4[%mul3A_99, %run_scoped3A_100, %dma_wait3A_499] : memref<4096x26x128xf32, #tpu.memory_space<hbm>> -> memref<128x1x128xf32, #tpu.memory_space<hbm>>
      %dma_wait3A_501 = tpu.memref_squeeze %dma_wait3A_500 : memref<128x1x128xf32, #tpu.memory_space<hbm>> -> memref<128x128xf32, #tpu.memory_space<hbm>>
      %dma_wait3A_502 = arith.constant 0 : i32
      %dma_wait3A_503 = tpu.memref_slice %arg4[%mul3A_99, %run_scoped3A_100, %dma_wait3A_502] : memref<4096x26x128xf32, #tpu.memory_space<hbm>> -> memref<128x1x128xf32, #tpu.memory_space<hbm>>
      %dma_wait3A_504 = tpu.memref_squeeze %dma_wait3A_503 : memref<128x1x128xf32, #tpu.memory_space<hbm>> -> memref<128x128xf32, #tpu.memory_space<hbm>>
      tpu.wait_dma2 semaphore(%run_scoped3A_492 : memref<!tpu.dma_semaphore, #tpu.memory_space<semaphore_mem>>) src(%arg6 : memref<128x128xf32, #tpu.memory_space<vmem>>) dst(%dma_wait3A_504 : memref<128x128xf32, #tpu.memory_space<hbm>>)
      tpu.yield
    }) : () -> ()
    %dma_start3A_101 = arith.constant 0 : i32
    %dma_start3A_102 = arith.constant 6 : i32
    %dma_start3A_103 = arith.constant 0 : i32
    %dma_start3A_104 = tpu.memref_slice %arg5[%dma_start3A_101, %dma_start3A_102, %dma_start3A_103] : memref<4x8x128xi32, #tpu.memory_space<vmem>> -> memref<1x1x128xi32, #tpu.memory_space<vmem>>
    %dma_start3A_105 = tpu.memref_squeeze %dma_start3A_104 : memref<1x1x128xi32, #tpu.memory_space<vmem>> -> memref<128xi32, #tpu.memory_space<vmem>>
    %dma_start3A_106 = arith.constant 0 : i32
    %dma_start3A_107 = arith.constant 0 : i32
    %dma_start3A_108 = tpu.memref_slice %arg2[%dma_start3A_106, %dma_start3A_107] : memref<652800x128xf32, #tpu.memory_space<hbm>> -> memref<652800x128xf32, #tpu.memory_space<hbm>>
    tpu.enqueue_indirect_dma source(%dma_start3A_108 : memref<652800x128xf32, #tpu.memory_space<hbm>>) target(%arg6 : memref<128x128xf32, #tpu.memory_space<vmem>>) offsets(%dma_start3A_105 : memref<128xi32, #tpu.memory_space<vmem>>) semaphore(%arg8 : memref<!tpu.dma_semaphore, #tpu.memory_space<semaphore_mem>>)
    %dma_wait3A_109 = arith.constant 0 : i32
    %dma_wait3A_110 = arith.constant 5 : i32
    %dma_wait3A_111 = arith.constant 0 : i32
    %dma_wait3A_112 = tpu.memref_slice %arg5[%dma_wait3A_109, %dma_wait3A_110, %dma_wait3A_111] : memref<4x8x128xi32, #tpu.memory_space<vmem>> -> memref<1x1x128xi32, #tpu.memory_space<vmem>>
    %dma_wait3A_113 = tpu.memref_squeeze %dma_wait3A_112 : memref<1x1x128xi32, #tpu.memory_space<vmem>> -> memref<128xi32, #tpu.memory_space<vmem>>
    %dma_wait3A_114 = arith.constant 0 : i32
    %dma_wait3A_115 = arith.constant 0 : i32
    %dma_wait3A_116 = tpu.memref_slice %arg2[%dma_wait3A_114, %dma_wait3A_115] : memref<652800x128xf32, #tpu.memory_space<hbm>> -> memref<652800x128xf32, #tpu.memory_space<hbm>>
    tpu.wait_indirect_dma semaphore(%arg9 : memref<!tpu.dma_semaphore, #tpu.memory_space<semaphore_mem>>) src(%dma_wait3A_116 : memref<652800x128xf32, #tpu.memory_space<hbm>>) dst(%arg7 : memref<128x128xf32, #tpu.memory_space<vmem>>)
    %mul3A_117 = arith.constant 128 : i32
    %mul3A_118 = arith.muli %add3A, %mul3A_117 : i32
    %run_scoped3A_119 = arith.constant 5 : i32
    "tpu.region"() ({
      %run_scoped3A_492 = tpu.sem_alloc : memref<!tpu.dma_semaphore, #tpu.memory_space<semaphore_mem>>
      %dma_start3A_493 = arith.constant 0 : i32
      %dma_start3A_494 = tpu.memref_slice %arg4[%mul3A_118, %run_scoped3A_119, %dma_start3A_493] : memref<4096x26x128xf32, #tpu.memory_space<hbm>> -> memref<128x1x128xf32, #tpu.memory_space<hbm>>
      %dma_start3A_495 = tpu.memref_squeeze %dma_start3A_494 : memref<128x1x128xf32, #tpu.memory_space<hbm>> -> memref<128x128xf32, #tpu.memory_space<hbm>>
      %dma_start3A_496 = arith.constant 0 : i32
      %dma_start3A_497 = tpu.memref_slice %arg4[%mul3A_118, %run_scoped3A_119, %dma_start3A_496] : memref<4096x26x128xf32, #tpu.memory_space<hbm>> -> memref<128x1x128xf32, #tpu.memory_space<hbm>>
      %dma_start3A_498 = tpu.memref_squeeze %dma_start3A_497 : memref<128x1x128xf32, #tpu.memory_space<hbm>> -> memref<128x128xf32, #tpu.memory_space<hbm>>
      tpu.enqueue_dma source(%arg7 : memref<128x128xf32, #tpu.memory_space<vmem>>) target(%dma_start3A_498 : memref<128x128xf32, #tpu.memory_space<hbm>>) target_semaphore(%run_scoped3A_492 : memref<!tpu.dma_semaphore, #tpu.memory_space<semaphore_mem>>)
      %dma_wait3A_499 = arith.constant 0 : i32
      %dma_wait3A_500 = tpu.memref_slice %arg4[%mul3A_118, %run_scoped3A_119, %dma_wait3A_499] : memref<4096x26x128xf32, #tpu.memory_space<hbm>> -> memref<128x1x128xf32, #tpu.memory_space<hbm>>
      %dma_wait3A_501 = tpu.memref_squeeze %dma_wait3A_500 : memref<128x1x128xf32, #tpu.memory_space<hbm>> -> memref<128x128xf32, #tpu.memory_space<hbm>>
      %dma_wait3A_502 = arith.constant 0 : i32
      %dma_wait3A_503 = tpu.memref_slice %arg4[%mul3A_118, %run_scoped3A_119, %dma_wait3A_502] : memref<4096x26x128xf32, #tpu.memory_space<hbm>> -> memref<128x1x128xf32, #tpu.memory_space<hbm>>
      %dma_wait3A_504 = tpu.memref_squeeze %dma_wait3A_503 : memref<128x1x128xf32, #tpu.memory_space<hbm>> -> memref<128x128xf32, #tpu.memory_space<hbm>>
      tpu.wait_dma2 semaphore(%run_scoped3A_492 : memref<!tpu.dma_semaphore, #tpu.memory_space<semaphore_mem>>) src(%arg7 : memref<128x128xf32, #tpu.memory_space<vmem>>) dst(%dma_wait3A_504 : memref<128x128xf32, #tpu.memory_space<hbm>>)
      tpu.yield
    }) : () -> ()
    %dma_start3A_120 = arith.constant 0 : i32
    %dma_start3A_121 = arith.constant 7 : i32
    %dma_start3A_122 = arith.constant 0 : i32
    %dma_start3A_123 = tpu.memref_slice %arg5[%dma_start3A_120, %dma_start3A_121, %dma_start3A_122] : memref<4x8x128xi32, #tpu.memory_space<vmem>> -> memref<1x1x128xi32, #tpu.memory_space<vmem>>
    %dma_start3A_124 = tpu.memref_squeeze %dma_start3A_123 : memref<1x1x128xi32, #tpu.memory_space<vmem>> -> memref<128xi32, #tpu.memory_space<vmem>>
    %dma_start3A_125 = arith.constant 0 : i32
    %dma_start3A_126 = arith.constant 0 : i32
    %dma_start3A_127 = tpu.memref_slice %arg2[%dma_start3A_125, %dma_start3A_126] : memref<652800x128xf32, #tpu.memory_space<hbm>> -> memref<652800x128xf32, #tpu.memory_space<hbm>>
    tpu.enqueue_indirect_dma source(%dma_start3A_127 : memref<652800x128xf32, #tpu.memory_space<hbm>>) target(%arg7 : memref<128x128xf32, #tpu.memory_space<vmem>>) offsets(%dma_start3A_124 : memref<128xi32, #tpu.memory_space<vmem>>) semaphore(%arg9 : memref<!tpu.dma_semaphore, #tpu.memory_space<semaphore_mem>>)
    %dma_wait3A_128 = arith.constant 0 : i32
    %dma_wait3A_129 = arith.constant 6 : i32
    %dma_wait3A_130 = arith.constant 0 : i32
    %dma_wait3A_131 = tpu.memref_slice %arg5[%dma_wait3A_128, %dma_wait3A_129, %dma_wait3A_130] : memref<4x8x128xi32, #tpu.memory_space<vmem>> -> memref<1x1x128xi32, #tpu.memory_space<vmem>>
    %dma_wait3A_132 = tpu.memref_squeeze %dma_wait3A_131 : memref<1x1x128xi32, #tpu.memory_space<vmem>> -> memref<128xi32, #tpu.memory_space<vmem>>
    %dma_wait3A_133 = arith.constant 0 : i32
    %dma_wait3A_134 = arith.constant 0 : i32
    %dma_wait3A_135 = tpu.memref_slice %arg2[%dma_wait3A_133, %dma_wait3A_134] : memref<652800x128xf32, #tpu.memory_space<hbm>> -> memref<652800x128xf32, #tpu.memory_space<hbm>>
    tpu.wait_indirect_dma semaphore(%arg8 : memref<!tpu.dma_semaphore, #tpu.memory_space<semaphore_mem>>) src(%dma_wait3A_135 : memref<652800x128xf32, #tpu.memory_space<hbm>>) dst(%arg6 : memref<128x128xf32, #tpu.memory_space<vmem>>)
    %mul3A_136 = arith.constant 128 : i32
    %mul3A_137 = arith.muli %add3A, %mul3A_136 : i32
    %run_scoped3A_138 = arith.constant 6 : i32
    "tpu.region"() ({
      %run_scoped3A_492 = tpu.sem_alloc : memref<!tpu.dma_semaphore, #tpu.memory_space<semaphore_mem>>
      %dma_start3A_493 = arith.constant 0 : i32
      %dma_start3A_494 = tpu.memref_slice %arg4[%mul3A_137, %run_scoped3A_138, %dma_start3A_493] : memref<4096x26x128xf32, #tpu.memory_space<hbm>> -> memref<128x1x128xf32, #tpu.memory_space<hbm>>
      %dma_start3A_495 = tpu.memref_squeeze %dma_start3A_494 : memref<128x1x128xf32, #tpu.memory_space<hbm>> -> memref<128x128xf32, #tpu.memory_space<hbm>>
      %dma_start3A_496 = arith.constant 0 : i32
      %dma_start3A_497 = tpu.memref_slice %arg4[%mul3A_137, %run_scoped3A_138, %dma_start3A_496] : memref<4096x26x128xf32, #tpu.memory_space<hbm>> -> memref<128x1x128xf32, #tpu.memory_space<hbm>>
      %dma_start3A_498 = tpu.memref_squeeze %dma_start3A_497 : memref<128x1x128xf32, #tpu.memory_space<hbm>> -> memref<128x128xf32, #tpu.memory_space<hbm>>
      tpu.enqueue_dma source(%arg6 : memref<128x128xf32, #tpu.memory_space<vmem>>) target(%dma_start3A_498 : memref<128x128xf32, #tpu.memory_space<hbm>>) target_semaphore(%run_scoped3A_492 : memref<!tpu.dma_semaphore, #tpu.memory_space<semaphore_mem>>)
      %dma_wait3A_499 = arith.constant 0 : i32
      %dma_wait3A_500 = tpu.memref_slice %arg4[%mul3A_137, %run_scoped3A_138, %dma_wait3A_499] : memref<4096x26x128xf32, #tpu.memory_space<hbm>> -> memref<128x1x128xf32, #tpu.memory_space<hbm>>
      %dma_wait3A_501 = tpu.memref_squeeze %dma_wait3A_500 : memref<128x1x128xf32, #tpu.memory_space<hbm>> -> memref<128x128xf32, #tpu.memory_space<hbm>>
      %dma_wait3A_502 = arith.constant 0 : i32
      %dma_wait3A_503 = tpu.memref_slice %arg4[%mul3A_137, %run_scoped3A_138, %dma_wait3A_502] : memref<4096x26x128xf32, #tpu.memory_space<hbm>> -> memref<128x1x128xf32, #tpu.memory_space<hbm>>
      %dma_wait3A_504 = tpu.memref_squeeze %dma_wait3A_503 : memref<128x1x128xf32, #tpu.memory_space<hbm>> -> memref<128x128xf32, #tpu.memory_space<hbm>>
      tpu.wait_dma2 semaphore(%run_scoped3A_492 : memref<!tpu.dma_semaphore, #tpu.memory_space<semaphore_mem>>) src(%arg6 : memref<128x128xf32, #tpu.memory_space<vmem>>) dst(%dma_wait3A_504 : memref<128x128xf32, #tpu.memory_space<hbm>>)
      tpu.yield
    }) : () -> ()
    %dma_start3A_139 = arith.constant 1 : i32
    %dma_start3A_140 = arith.constant 0 : i32
    %dma_start3A_141 = arith.constant 0 : i32
    %dma_start3A_142 = tpu.memref_slice %arg5[%dma_start3A_139, %dma_start3A_140, %dma_start3A_141] : memref<4x8x128xi32, #tpu.memory_space<vmem>> -> memref<1x1x128xi32, #tpu.memory_space<vmem>>
    %dma_start3A_143 = tpu.memref_squeeze %dma_start3A_142 : memref<1x1x128xi32, #tpu.memory_space<vmem>> -> memref<128xi32, #tpu.memory_space<vmem>>
    %dma_start3A_144 = arith.constant 0 : i32
    %dma_start3A_145 = arith.constant 0 : i32
    %dma_start3A_146 = tpu.memref_slice %arg2[%dma_start3A_144, %dma_start3A_145] : memref<652800x128xf32, #tpu.memory_space<hbm>> -> memref<652800x128xf32, #tpu.memory_space<hbm>>
    tpu.enqueue_indirect_dma source(%dma_start3A_146 : memref<652800x128xf32, #tpu.memory_space<hbm>>) target(%arg6 : memref<128x128xf32, #tpu.memory_space<vmem>>) offsets(%dma_start3A_143 : memref<128xi32, #tpu.memory_space<vmem>>) semaphore(%arg8 : memref<!tpu.dma_semaphore, #tpu.memory_space<semaphore_mem>>)
    %dma_wait3A_147 = arith.constant 0 : i32
    %dma_wait3A_148 = arith.constant 7 : i32
    %dma_wait3A_149 = arith.constant 0 : i32
    %dma_wait3A_150 = tpu.memref_slice %arg5[%dma_wait3A_147, %dma_wait3A_148, %dma_wait3A_149] : memref<4x8x128xi32, #tpu.memory_space<vmem>> -> memref<1x1x128xi32, #tpu.memory_space<vmem>>
    %dma_wait3A_151 = tpu.memref_squeeze %dma_wait3A_150 : memref<1x1x128xi32, #tpu.memory_space<vmem>> -> memref<128xi32, #tpu.memory_space<vmem>>
    %dma_wait3A_152 = arith.constant 0 : i32
    %dma_wait3A_153 = arith.constant 0 : i32
    %dma_wait3A_154 = tpu.memref_slice %arg2[%dma_wait3A_152, %dma_wait3A_153] : memref<652800x128xf32, #tpu.memory_space<hbm>> -> memref<652800x128xf32, #tpu.memory_space<hbm>>
    tpu.wait_indirect_dma semaphore(%arg9 : memref<!tpu.dma_semaphore, #tpu.memory_space<semaphore_mem>>) src(%dma_wait3A_154 : memref<652800x128xf32, #tpu.memory_space<hbm>>) dst(%arg7 : memref<128x128xf32, #tpu.memory_space<vmem>>)
    %mul3A_155 = arith.constant 128 : i32
    %mul3A_156 = arith.muli %add3A, %mul3A_155 : i32
    %run_scoped3A_157 = arith.constant 7 : i32
    "tpu.region"() ({
      %run_scoped3A_492 = tpu.sem_alloc : memref<!tpu.dma_semaphore, #tpu.memory_space<semaphore_mem>>
      %dma_start3A_493 = arith.constant 0 : i32
      %dma_start3A_494 = tpu.memref_slice %arg4[%mul3A_156, %run_scoped3A_157, %dma_start3A_493] : memref<4096x26x128xf32, #tpu.memory_space<hbm>> -> memref<128x1x128xf32, #tpu.memory_space<hbm>>
      %dma_start3A_495 = tpu.memref_squeeze %dma_start3A_494 : memref<128x1x128xf32, #tpu.memory_space<hbm>> -> memref<128x128xf32, #tpu.memory_space<hbm>>
      %dma_start3A_496 = arith.constant 0 : i32
      %dma_start3A_497 = tpu.memref_slice %arg4[%mul3A_156, %run_scoped3A_157, %dma_start3A_496] : memref<4096x26x128xf32, #tpu.memory_space<hbm>> -> memref<128x1x128xf32, #tpu.memory_space<hbm>>
      %dma_start3A_498 = tpu.memref_squeeze %dma_start3A_497 : memref<128x1x128xf32, #tpu.memory_space<hbm>> -> memref<128x128xf32, #tpu.memory_space<hbm>>
      tpu.enqueue_dma source(%arg7 : memref<128x128xf32, #tpu.memory_space<vmem>>) target(%dma_start3A_498 : memref<128x128xf32, #tpu.memory_space<hbm>>) target_semaphore(%run_scoped3A_492 : memref<!tpu.dma_semaphore, #tpu.memory_space<semaphore_mem>>)
      %dma_wait3A_499 = arith.constant 0 : i32
      %dma_wait3A_500 = tpu.memref_slice %arg4[%mul3A_156, %run_scoped3A_157, %dma_wait3A_499] : memref<4096x26x128xf32, #tpu.memory_space<hbm>> -> memref<128x1x128xf32, #tpu.memory_space<hbm>>
      %dma_wait3A_501 = tpu.memref_squeeze %dma_wait3A_500 : memref<128x1x128xf32, #tpu.memory_space<hbm>> -> memref<128x128xf32, #tpu.memory_space<hbm>>
      %dma_wait3A_502 = arith.constant 0 : i32
      %dma_wait3A_503 = tpu.memref_slice %arg4[%mul3A_156, %run_scoped3A_157, %dma_wait3A_502] : memref<4096x26x128xf32, #tpu.memory_space<hbm>> -> memref<128x1x128xf32, #tpu.memory_space<hbm>>
      %dma_wait3A_504 = tpu.memref_squeeze %dma_wait3A_503 : memref<128x1x128xf32, #tpu.memory_space<hbm>> -> memref<128x128xf32, #tpu.memory_space<hbm>>
      tpu.wait_dma2 semaphore(%run_scoped3A_492 : memref<!tpu.dma_semaphore, #tpu.memory_space<semaphore_mem>>) src(%arg7 : memref<128x128xf32, #tpu.memory_space<vmem>>) dst(%dma_wait3A_504 : memref<128x128xf32, #tpu.memory_space<hbm>>)
      tpu.yield
    }) : () -> ()
    %dma_start3A_158 = arith.constant 1 : i32
    %dma_start3A_159 = arith.constant 1 : i32
    %dma_start3A_160 = arith.constant 0 : i32
    %dma_start3A_161 = tpu.memref_slice %arg5[%dma_start3A_158, %dma_start3A_159, %dma_start3A_160] : memref<4x8x128xi32, #tpu.memory_space<vmem>> -> memref<1x1x128xi32, #tpu.memory_space<vmem>>
    %dma_start3A_162 = tpu.memref_squeeze %dma_start3A_161 : memref<1x1x128xi32, #tpu.memory_space<vmem>> -> memref<128xi32, #tpu.memory_space<vmem>>
    %dma_start3A_163 = arith.constant 0 : i32
    %dma_start3A_164 = arith.constant 0 : i32
    %dma_start3A_165 = tpu.memref_slice %arg2[%dma_start3A_163, %dma_start3A_164] : memref<652800x128xf32, #tpu.memory_space<hbm>> -> memref<652800x128xf32, #tpu.memory_space<hbm>>
    tpu.enqueue_indirect_dma source(%dma_start3A_165 : memref<652800x128xf32, #tpu.memory_space<hbm>>) target(%arg7 : memref<128x128xf32, #tpu.memory_space<vmem>>) offsets(%dma_start3A_162 : memref<128xi32, #tpu.memory_space<vmem>>) semaphore(%arg9 : memref<!tpu.dma_semaphore, #tpu.memory_space<semaphore_mem>>)
    %dma_wait3A_166 = arith.constant 1 : i32
    %dma_wait3A_167 = arith.constant 0 : i32
    %dma_wait3A_168 = arith.constant 0 : i32
    %dma_wait3A_169 = tpu.memref_slice %arg5[%dma_wait3A_166, %dma_wait3A_167, %dma_wait3A_168] : memref<4x8x128xi32, #tpu.memory_space<vmem>> -> memref<1x1x128xi32, #tpu.memory_space<vmem>>
    %dma_wait3A_170 = tpu.memref_squeeze %dma_wait3A_169 : memref<1x1x128xi32, #tpu.memory_space<vmem>> -> memref<128xi32, #tpu.memory_space<vmem>>
    %dma_wait3A_171 = arith.constant 0 : i32
    %dma_wait3A_172 = arith.constant 0 : i32
    %dma_wait3A_173 = tpu.memref_slice %arg2[%dma_wait3A_171, %dma_wait3A_172] : memref<652800x128xf32, #tpu.memory_space<hbm>> -> memref<652800x128xf32, #tpu.memory_space<hbm>>
    tpu.wait_indirect_dma semaphore(%arg8 : memref<!tpu.dma_semaphore, #tpu.memory_space<semaphore_mem>>) src(%dma_wait3A_173 : memref<652800x128xf32, #tpu.memory_space<hbm>>) dst(%arg6 : memref<128x128xf32, #tpu.memory_space<vmem>>)
    %mul3A_174 = arith.constant 128 : i32
    %mul3A_175 = arith.muli %add3A, %mul3A_174 : i32
    %run_scoped3A_176 = arith.constant 8 : i32
    "tpu.region"() ({
      %run_scoped3A_492 = tpu.sem_alloc : memref<!tpu.dma_semaphore, #tpu.memory_space<semaphore_mem>>
      %dma_start3A_493 = arith.constant 0 : i32
      %dma_start3A_494 = tpu.memref_slice %arg4[%mul3A_175, %run_scoped3A_176, %dma_start3A_493] : memref<4096x26x128xf32, #tpu.memory_space<hbm>> -> memref<128x1x128xf32, #tpu.memory_space<hbm>>
      %dma_start3A_495 = tpu.memref_squeeze %dma_start3A_494 : memref<128x1x128xf32, #tpu.memory_space<hbm>> -> memref<128x128xf32, #tpu.memory_space<hbm>>
      %dma_start3A_496 = arith.constant 0 : i32
      %dma_start3A_497 = tpu.memref_slice %arg4[%mul3A_175, %run_scoped3A_176, %dma_start3A_496] : memref<4096x26x128xf32, #tpu.memory_space<hbm>> -> memref<128x1x128xf32, #tpu.memory_space<hbm>>
      %dma_start3A_498 = tpu.memref_squeeze %dma_start3A_497 : memref<128x1x128xf32, #tpu.memory_space<hbm>> -> memref<128x128xf32, #tpu.memory_space<hbm>>
      tpu.enqueue_dma source(%arg6 : memref<128x128xf32, #tpu.memory_space<vmem>>) target(%dma_start3A_498 : memref<128x128xf32, #tpu.memory_space<hbm>>) target_semaphore(%run_scoped3A_492 : memref<!tpu.dma_semaphore, #tpu.memory_space<semaphore_mem>>)
      %dma_wait3A_499 = arith.constant 0 : i32
      %dma_wait3A_500 = tpu.memref_slice %arg4[%mul3A_175, %run_scoped3A_176, %dma_wait3A_499] : memref<4096x26x128xf32, #tpu.memory_space<hbm>> -> memref<128x1x128xf32, #tpu.memory_space<hbm>>
      %dma_wait3A_501 = tpu.memref_squeeze %dma_wait3A_500 : memref<128x1x128xf32, #tpu.memory_space<hbm>> -> memref<128x128xf32, #tpu.memory_space<hbm>>
      %dma_wait3A_502 = arith.constant 0 : i32
      %dma_wait3A_503 = tpu.memref_slice %arg4[%mul3A_175, %run_scoped3A_176, %dma_wait3A_502] : memref<4096x26x128xf32, #tpu.memory_space<hbm>> -> memref<128x1x128xf32, #tpu.memory_space<hbm>>
      %dma_wait3A_504 = tpu.memref_squeeze %dma_wait3A_503 : memref<128x1x128xf32, #tpu.memory_space<hbm>> -> memref<128x128xf32, #tpu.memory_space<hbm>>
      tpu.wait_dma2 semaphore(%run_scoped3A_492 : memref<!tpu.dma_semaphore, #tpu.memory_space<semaphore_mem>>) src(%arg6 : memref<128x128xf32, #tpu.memory_space<vmem>>) dst(%dma_wait3A_504 : memref<128x128xf32, #tpu.memory_space<hbm>>)
      tpu.yield
    }) : () -> ()
    %dma_start3A_177 = arith.constant 1 : i32
    %dma_start3A_178 = arith.constant 2 : i32
    %dma_start3A_179 = arith.constant 0 : i32
    %dma_start3A_180 = tpu.memref_slice %arg5[%dma_start3A_177, %dma_start3A_178, %dma_start3A_179] : memref<4x8x128xi32, #tpu.memory_space<vmem>> -> memref<1x1x128xi32, #tpu.memory_space<vmem>>
    %dma_start3A_181 = tpu.memref_squeeze %dma_start3A_180 : memref<1x1x128xi32, #tpu.memory_space<vmem>> -> memref<128xi32, #tpu.memory_space<vmem>>
    %dma_start3A_182 = arith.constant 0 : i32
    %dma_start3A_183 = arith.constant 0 : i32
    %dma_start3A_184 = tpu.memref_slice %arg2[%dma_start3A_182, %dma_start3A_183] : memref<652800x128xf32, #tpu.memory_space<hbm>> -> memref<652800x128xf32, #tpu.memory_space<hbm>>
    tpu.enqueue_indirect_dma source(%dma_start3A_184 : memref<652800x128xf32, #tpu.memory_space<hbm>>) target(%arg6 : memref<128x128xf32, #tpu.memory_space<vmem>>) offsets(%dma_start3A_181 : memref<128xi32, #tpu.memory_space<vmem>>) semaphore(%arg8 : memref<!tpu.dma_semaphore, #tpu.memory_space<semaphore_mem>>)
    %dma_wait3A_185 = arith.constant 1 : i32
    %dma_wait3A_186 = arith.constant 1 : i32
    %dma_wait3A_187 = arith.constant 0 : i32
    %dma_wait3A_188 = tpu.memref_slice %arg5[%dma_wait3A_185, %dma_wait3A_186, %dma_wait3A_187] : memref<4x8x128xi32, #tpu.memory_space<vmem>> -> memref<1x1x128xi32, #tpu.memory_space<vmem>>
    %dma_wait3A_189 = tpu.memref_squeeze %dma_wait3A_188 : memref<1x1x128xi32, #tpu.memory_space<vmem>> -> memref<128xi32, #tpu.memory_space<vmem>>
    %dma_wait3A_190 = arith.constant 0 : i32
    %dma_wait3A_191 = arith.constant 0 : i32
    %dma_wait3A_192 = tpu.memref_slice %arg2[%dma_wait3A_190, %dma_wait3A_191] : memref<652800x128xf32, #tpu.memory_space<hbm>> -> memref<652800x128xf32, #tpu.memory_space<hbm>>
    tpu.wait_indirect_dma semaphore(%arg9 : memref<!tpu.dma_semaphore, #tpu.memory_space<semaphore_mem>>) src(%dma_wait3A_192 : memref<652800x128xf32, #tpu.memory_space<hbm>>) dst(%arg7 : memref<128x128xf32, #tpu.memory_space<vmem>>)
    %mul3A_193 = arith.constant 128 : i32
    %mul3A_194 = arith.muli %add3A, %mul3A_193 : i32
    %run_scoped3A_195 = arith.constant 9 : i32
    "tpu.region"() ({
      %run_scoped3A_492 = tpu.sem_alloc : memref<!tpu.dma_semaphore, #tpu.memory_space<semaphore_mem>>
      %dma_start3A_493 = arith.constant 0 : i32
      %dma_start3A_494 = tpu.memref_slice %arg4[%mul3A_194, %run_scoped3A_195, %dma_start3A_493] : memref<4096x26x128xf32, #tpu.memory_space<hbm>> -> memref<128x1x128xf32, #tpu.memory_space<hbm>>
      %dma_start3A_495 = tpu.memref_squeeze %dma_start3A_494 : memref<128x1x128xf32, #tpu.memory_space<hbm>> -> memref<128x128xf32, #tpu.memory_space<hbm>>
      %dma_start3A_496 = arith.constant 0 : i32
      %dma_start3A_497 = tpu.memref_slice %arg4[%mul3A_194, %run_scoped3A_195, %dma_start3A_496] : memref<4096x26x128xf32, #tpu.memory_space<hbm>> -> memref<128x1x128xf32, #tpu.memory_space<hbm>>
      %dma_start3A_498 = tpu.memref_squeeze %dma_start3A_497 : memref<128x1x128xf32, #tpu.memory_space<hbm>> -> memref<128x128xf32, #tpu.memory_space<hbm>>
      tpu.enqueue_dma source(%arg7 : memref<128x128xf32, #tpu.memory_space<vmem>>) target(%dma_start3A_498 : memref<128x128xf32, #tpu.memory_space<hbm>>) target_semaphore(%run_scoped3A_492 : memref<!tpu.dma_semaphore, #tpu.memory_space<semaphore_mem>>)
      %dma_wait3A_499 = arith.constant 0 : i32
      %dma_wait3A_500 = tpu.memref_slice %arg4[%mul3A_194, %run_scoped3A_195, %dma_wait3A_499] : memref<4096x26x128xf32, #tpu.memory_space<hbm>> -> memref<128x1x128xf32, #tpu.memory_space<hbm>>
      %dma_wait3A_501 = tpu.memref_squeeze %dma_wait3A_500 : memref<128x1x128xf32, #tpu.memory_space<hbm>> -> memref<128x128xf32, #tpu.memory_space<hbm>>
      %dma_wait3A_502 = arith.constant 0 : i32
      %dma_wait3A_503 = tpu.memref_slice %arg4[%mul3A_194, %run_scoped3A_195, %dma_wait3A_502] : memref<4096x26x128xf32, #tpu.memory_space<hbm>> -> memref<128x1x128xf32, #tpu.memory_space<hbm>>
      %dma_wait3A_504 = tpu.memref_squeeze %dma_wait3A_503 : memref<128x1x128xf32, #tpu.memory_space<hbm>> -> memref<128x128xf32, #tpu.memory_space<hbm>>
      tpu.wait_dma2 semaphore(%run_scoped3A_492 : memref<!tpu.dma_semaphore, #tpu.memory_space<semaphore_mem>>) src(%arg7 : memref<128x128xf32, #tpu.memory_space<vmem>>) dst(%dma_wait3A_504 : memref<128x128xf32, #tpu.memory_space<hbm>>)
      tpu.yield
    }) : () -> ()
    %dma_start3A_196 = arith.constant 1 : i32
    %dma_start3A_197 = arith.constant 3 : i32
    %dma_start3A_198 = arith.constant 0 : i32
    %dma_start3A_199 = tpu.memref_slice %arg5[%dma_start3A_196, %dma_start3A_197, %dma_start3A_198] : memref<4x8x128xi32, #tpu.memory_space<vmem>> -> memref<1x1x128xi32, #tpu.memory_space<vmem>>
    %dma_start3A_200 = tpu.memref_squeeze %dma_start3A_199 : memref<1x1x128xi32, #tpu.memory_space<vmem>> -> memref<128xi32, #tpu.memory_space<vmem>>
    %dma_start3A_201 = arith.constant 0 : i32
    %dma_start3A_202 = arith.constant 0 : i32
    %dma_start3A_203 = tpu.memref_slice %arg2[%dma_start3A_201, %dma_start3A_202] : memref<652800x128xf32, #tpu.memory_space<hbm>> -> memref<652800x128xf32, #tpu.memory_space<hbm>>
    tpu.enqueue_indirect_dma source(%dma_start3A_203 : memref<652800x128xf32, #tpu.memory_space<hbm>>) target(%arg7 : memref<128x128xf32, #tpu.memory_space<vmem>>) offsets(%dma_start3A_200 : memref<128xi32, #tpu.memory_space<vmem>>) semaphore(%arg9 : memref<!tpu.dma_semaphore, #tpu.memory_space<semaphore_mem>>)
    %dma_wait3A_204 = arith.constant 1 : i32
    %dma_wait3A_205 = arith.constant 2 : i32
    %dma_wait3A_206 = arith.constant 0 : i32
    %dma_wait3A_207 = tpu.memref_slice %arg5[%dma_wait3A_204, %dma_wait3A_205, %dma_wait3A_206] : memref<4x8x128xi32, #tpu.memory_space<vmem>> -> memref<1x1x128xi32, #tpu.memory_space<vmem>>
    %dma_wait3A_208 = tpu.memref_squeeze %dma_wait3A_207 : memref<1x1x128xi32, #tpu.memory_space<vmem>> -> memref<128xi32, #tpu.memory_space<vmem>>
    %dma_wait3A_209 = arith.constant 0 : i32
    %dma_wait3A_210 = arith.constant 0 : i32
    %dma_wait3A_211 = tpu.memref_slice %arg2[%dma_wait3A_209, %dma_wait3A_210] : memref<652800x128xf32, #tpu.memory_space<hbm>> -> memref<652800x128xf32, #tpu.memory_space<hbm>>
    tpu.wait_indirect_dma semaphore(%arg8 : memref<!tpu.dma_semaphore, #tpu.memory_space<semaphore_mem>>) src(%dma_wait3A_211 : memref<652800x128xf32, #tpu.memory_space<hbm>>) dst(%arg6 : memref<128x128xf32, #tpu.memory_space<vmem>>)
    %mul3A_212 = arith.constant 128 : i32
    %mul3A_213 = arith.muli %add3A, %mul3A_212 : i32
    %run_scoped3A_214 = arith.constant 10 : i32
    "tpu.region"() ({
      %run_scoped3A_492 = tpu.sem_alloc : memref<!tpu.dma_semaphore, #tpu.memory_space<semaphore_mem>>
      %dma_start3A_493 = arith.constant 0 : i32
      %dma_start3A_494 = tpu.memref_slice %arg4[%mul3A_213, %run_scoped3A_214, %dma_start3A_493] : memref<4096x26x128xf32, #tpu.memory_space<hbm>> -> memref<128x1x128xf32, #tpu.memory_space<hbm>>
      %dma_start3A_495 = tpu.memref_squeeze %dma_start3A_494 : memref<128x1x128xf32, #tpu.memory_space<hbm>> -> memref<128x128xf32, #tpu.memory_space<hbm>>
      %dma_start3A_496 = arith.constant 0 : i32
      %dma_start3A_497 = tpu.memref_slice %arg4[%mul3A_213, %run_scoped3A_214, %dma_start3A_496] : memref<4096x26x128xf32, #tpu.memory_space<hbm>> -> memref<128x1x128xf32, #tpu.memory_space<hbm>>
      %dma_start3A_498 = tpu.memref_squeeze %dma_start3A_497 : memref<128x1x128xf32, #tpu.memory_space<hbm>> -> memref<128x128xf32, #tpu.memory_space<hbm>>
      tpu.enqueue_dma source(%arg6 : memref<128x128xf32, #tpu.memory_space<vmem>>) target(%dma_start3A_498 : memref<128x128xf32, #tpu.memory_space<hbm>>) target_semaphore(%run_scoped3A_492 : memref<!tpu.dma_semaphore, #tpu.memory_space<semaphore_mem>>)
      %dma_wait3A_499 = arith.constant 0 : i32
      %dma_wait3A_500 = tpu.memref_slice %arg4[%mul3A_213, %run_scoped3A_214, %dma_wait3A_499] : memref<4096x26x128xf32, #tpu.memory_space<hbm>> -> memref<128x1x128xf32, #tpu.memory_space<hbm>>
      %dma_wait3A_501 = tpu.memref_squeeze %dma_wait3A_500 : memref<128x1x128xf32, #tpu.memory_space<hbm>> -> memref<128x128xf32, #tpu.memory_space<hbm>>
      %dma_wait3A_502 = arith.constant 0 : i32
      %dma_wait3A_503 = tpu.memref_slice %arg4[%mul3A_213, %run_scoped3A_214, %dma_wait3A_502] : memref<4096x26x128xf32, #tpu.memory_space<hbm>> -> memref<128x1x128xf32, #tpu.memory_space<hbm>>
      %dma_wait3A_504 = tpu.memref_squeeze %dma_wait3A_503 : memref<128x1x128xf32, #tpu.memory_space<hbm>> -> memref<128x128xf32, #tpu.memory_space<hbm>>
      tpu.wait_dma2 semaphore(%run_scoped3A_492 : memref<!tpu.dma_semaphore, #tpu.memory_space<semaphore_mem>>) src(%arg6 : memref<128x128xf32, #tpu.memory_space<vmem>>) dst(%dma_wait3A_504 : memref<128x128xf32, #tpu.memory_space<hbm>>)
      tpu.yield
    }) : () -> ()
    %dma_start3A_215 = arith.constant 1 : i32
    %dma_start3A_216 = arith.constant 4 : i32
    %dma_start3A_217 = arith.constant 0 : i32
    %dma_start3A_218 = tpu.memref_slice %arg5[%dma_start3A_215, %dma_start3A_216, %dma_start3A_217] : memref<4x8x128xi32, #tpu.memory_space<vmem>> -> memref<1x1x128xi32, #tpu.memory_space<vmem>>
    %dma_start3A_219 = tpu.memref_squeeze %dma_start3A_218 : memref<1x1x128xi32, #tpu.memory_space<vmem>> -> memref<128xi32, #tpu.memory_space<vmem>>
    %dma_start3A_220 = arith.constant 0 : i32
    %dma_start3A_221 = arith.constant 0 : i32
    %dma_start3A_222 = tpu.memref_slice %arg2[%dma_start3A_220, %dma_start3A_221] : memref<652800x128xf32, #tpu.memory_space<hbm>> -> memref<652800x128xf32, #tpu.memory_space<hbm>>
    tpu.enqueue_indirect_dma source(%dma_start3A_222 : memref<652800x128xf32, #tpu.memory_space<hbm>>) target(%arg6 : memref<128x128xf32, #tpu.memory_space<vmem>>) offsets(%dma_start3A_219 : memref<128xi32, #tpu.memory_space<vmem>>) semaphore(%arg8 : memref<!tpu.dma_semaphore, #tpu.memory_space<semaphore_mem>>)
    %dma_wait3A_223 = arith.constant 1 : i32
    %dma_wait3A_224 = arith.constant 3 : i32
    %dma_wait3A_225 = arith.constant 0 : i32
    %dma_wait3A_226 = tpu.memref_slice %arg5[%dma_wait3A_223, %dma_wait3A_224, %dma_wait3A_225] : memref<4x8x128xi32, #tpu.memory_space<vmem>> -> memref<1x1x128xi32, #tpu.memory_space<vmem>>
    %dma_wait3A_227 = tpu.memref_squeeze %dma_wait3A_226 : memref<1x1x128xi32, #tpu.memory_space<vmem>> -> memref<128xi32, #tpu.memory_space<vmem>>
    %dma_wait3A_228 = arith.constant 0 : i32
    %dma_wait3A_229 = arith.constant 0 : i32
    %dma_wait3A_230 = tpu.memref_slice %arg2[%dma_wait3A_228, %dma_wait3A_229] : memref<652800x128xf32, #tpu.memory_space<hbm>> -> memref<652800x128xf32, #tpu.memory_space<hbm>>
    tpu.wait_indirect_dma semaphore(%arg9 : memref<!tpu.dma_semaphore, #tpu.memory_space<semaphore_mem>>) src(%dma_wait3A_230 : memref<652800x128xf32, #tpu.memory_space<hbm>>) dst(%arg7 : memref<128x128xf32, #tpu.memory_space<vmem>>)
    %mul3A_231 = arith.constant 128 : i32
    %mul3A_232 = arith.muli %add3A, %mul3A_231 : i32
    %run_scoped3A_233 = arith.constant 11 : i32
    "tpu.region"() ({
      %run_scoped3A_492 = tpu.sem_alloc : memref<!tpu.dma_semaphore, #tpu.memory_space<semaphore_mem>>
      %dma_start3A_493 = arith.constant 0 : i32
      %dma_start3A_494 = tpu.memref_slice %arg4[%mul3A_232, %run_scoped3A_233, %dma_start3A_493] : memref<4096x26x128xf32, #tpu.memory_space<hbm>> -> memref<128x1x128xf32, #tpu.memory_space<hbm>>
      %dma_start3A_495 = tpu.memref_squeeze %dma_start3A_494 : memref<128x1x128xf32, #tpu.memory_space<hbm>> -> memref<128x128xf32, #tpu.memory_space<hbm>>
      %dma_start3A_496 = arith.constant 0 : i32
      %dma_start3A_497 = tpu.memref_slice %arg4[%mul3A_232, %run_scoped3A_233, %dma_start3A_496] : memref<4096x26x128xf32, #tpu.memory_space<hbm>> -> memref<128x1x128xf32, #tpu.memory_space<hbm>>
      %dma_start3A_498 = tpu.memref_squeeze %dma_start3A_497 : memref<128x1x128xf32, #tpu.memory_space<hbm>> -> memref<128x128xf32, #tpu.memory_space<hbm>>
      tpu.enqueue_dma source(%arg7 : memref<128x128xf32, #tpu.memory_space<vmem>>) target(%dma_start3A_498 : memref<128x128xf32, #tpu.memory_space<hbm>>) target_semaphore(%run_scoped3A_492 : memref<!tpu.dma_semaphore, #tpu.memory_space<semaphore_mem>>)
      %dma_wait3A_499 = arith.constant 0 : i32
      %dma_wait3A_500 = tpu.memref_slice %arg4[%mul3A_232, %run_scoped3A_233, %dma_wait3A_499] : memref<4096x26x128xf32, #tpu.memory_space<hbm>> -> memref<128x1x128xf32, #tpu.memory_space<hbm>>
      %dma_wait3A_501 = tpu.memref_squeeze %dma_wait3A_500 : memref<128x1x128xf32, #tpu.memory_space<hbm>> -> memref<128x128xf32, #tpu.memory_space<hbm>>
      %dma_wait3A_502 = arith.constant 0 : i32
      %dma_wait3A_503 = tpu.memref_slice %arg4[%mul3A_232, %run_scoped3A_233, %dma_wait3A_502] : memref<4096x26x128xf32, #tpu.memory_space<hbm>> -> memref<128x1x128xf32, #tpu.memory_space<hbm>>
      %dma_wait3A_504 = tpu.memref_squeeze %dma_wait3A_503 : memref<128x1x128xf32, #tpu.memory_space<hbm>> -> memref<128x128xf32, #tpu.memory_space<hbm>>
      tpu.wait_dma2 semaphore(%run_scoped3A_492 : memref<!tpu.dma_semaphore, #tpu.memory_space<semaphore_mem>>) src(%arg7 : memref<128x128xf32, #tpu.memory_space<vmem>>) dst(%dma_wait3A_504 : memref<128x128xf32, #tpu.memory_space<hbm>>)
      tpu.yield
    }) : () -> ()
    %dma_start3A_234 = arith.constant 1 : i32
    %dma_start3A_235 = arith.constant 5 : i32
    %dma_start3A_236 = arith.constant 0 : i32
    %dma_start3A_237 = tpu.memref_slice %arg5[%dma_start3A_234, %dma_start3A_235, %dma_start3A_236] : memref<4x8x128xi32, #tpu.memory_space<vmem>> -> memref<1x1x128xi32, #tpu.memory_space<vmem>>
    %dma_start3A_238 = tpu.memref_squeeze %dma_start3A_237 : memref<1x1x128xi32, #tpu.memory_space<vmem>> -> memref<128xi32, #tpu.memory_space<vmem>>
    %dma_start3A_239 = arith.constant 0 : i32
    %dma_start3A_240 = arith.constant 0 : i32
    %dma_start3A_241 = tpu.memref_slice %arg2[%dma_start3A_239, %dma_start3A_240] : memref<652800x128xf32, #tpu.memory_space<hbm>> -> memref<652800x128xf32, #tpu.memory_space<hbm>>
    tpu.enqueue_indirect_dma source(%dma_start3A_241 : memref<652800x128xf32, #tpu.memory_space<hbm>>) target(%arg7 : memref<128x128xf32, #tpu.memory_space<vmem>>) offsets(%dma_start3A_238 : memref<128xi32, #tpu.memory_space<vmem>>) semaphore(%arg9 : memref<!tpu.dma_semaphore, #tpu.memory_space<semaphore_mem>>)
    %dma_wait3A_242 = arith.constant 1 : i32
    %dma_wait3A_243 = arith.constant 4 : i32
    %dma_wait3A_244 = arith.constant 0 : i32
    %dma_wait3A_245 = tpu.memref_slice %arg5[%dma_wait3A_242, %dma_wait3A_243, %dma_wait3A_244] : memref<4x8x128xi32, #tpu.memory_space<vmem>> -> memref<1x1x128xi32, #tpu.memory_space<vmem>>
    %dma_wait3A_246 = tpu.memref_squeeze %dma_wait3A_245 : memref<1x1x128xi32, #tpu.memory_space<vmem>> -> memref<128xi32, #tpu.memory_space<vmem>>
    %dma_wait3A_247 = arith.constant 0 : i32
    %dma_wait3A_248 = arith.constant 0 : i32
    %dma_wait3A_249 = tpu.memref_slice %arg2[%dma_wait3A_247, %dma_wait3A_248] : memref<652800x128xf32, #tpu.memory_space<hbm>> -> memref<652800x128xf32, #tpu.memory_space<hbm>>
    tpu.wait_indirect_dma semaphore(%arg8 : memref<!tpu.dma_semaphore, #tpu.memory_space<semaphore_mem>>) src(%dma_wait3A_249 : memref<652800x128xf32, #tpu.memory_space<hbm>>) dst(%arg6 : memref<128x128xf32, #tpu.memory_space<vmem>>)
    %mul3A_250 = arith.constant 128 : i32
    %mul3A_251 = arith.muli %add3A, %mul3A_250 : i32
    %run_scoped3A_252 = arith.constant 12 : i32
    "tpu.region"() ({
      %run_scoped3A_492 = tpu.sem_alloc : memref<!tpu.dma_semaphore, #tpu.memory_space<semaphore_mem>>
      %dma_start3A_493 = arith.constant 0 : i32
      %dma_start3A_494 = tpu.memref_slice %arg4[%mul3A_251, %run_scoped3A_252, %dma_start3A_493] : memref<4096x26x128xf32, #tpu.memory_space<hbm>> -> memref<128x1x128xf32, #tpu.memory_space<hbm>>
      %dma_start3A_495 = tpu.memref_squeeze %dma_start3A_494 : memref<128x1x128xf32, #tpu.memory_space<hbm>> -> memref<128x128xf32, #tpu.memory_space<hbm>>
      %dma_start3A_496 = arith.constant 0 : i32
      %dma_start3A_497 = tpu.memref_slice %arg4[%mul3A_251, %run_scoped3A_252, %dma_start3A_496] : memref<4096x26x128xf32, #tpu.memory_space<hbm>> -> memref<128x1x128xf32, #tpu.memory_space<hbm>>
      %dma_start3A_498 = tpu.memref_squeeze %dma_start3A_497 : memref<128x1x128xf32, #tpu.memory_space<hbm>> -> memref<128x128xf32, #tpu.memory_space<hbm>>
      tpu.enqueue_dma source(%arg6 : memref<128x128xf32, #tpu.memory_space<vmem>>) target(%dma_start3A_498 : memref<128x128xf32, #tpu.memory_space<hbm>>) target_semaphore(%run_scoped3A_492 : memref<!tpu.dma_semaphore, #tpu.memory_space<semaphore_mem>>)
      %dma_wait3A_499 = arith.constant 0 : i32
      %dma_wait3A_500 = tpu.memref_slice %arg4[%mul3A_251, %run_scoped3A_252, %dma_wait3A_499] : memref<4096x26x128xf32, #tpu.memory_space<hbm>> -> memref<128x1x128xf32, #tpu.memory_space<hbm>>
      %dma_wait3A_501 = tpu.memref_squeeze %dma_wait3A_500 : memref<128x1x128xf32, #tpu.memory_space<hbm>> -> memref<128x128xf32, #tpu.memory_space<hbm>>
      %dma_wait3A_502 = arith.constant 0 : i32
      %dma_wait3A_503 = tpu.memref_slice %arg4[%mul3A_251, %run_scoped3A_252, %dma_wait3A_502] : memref<4096x26x128xf32, #tpu.memory_space<hbm>> -> memref<128x1x128xf32, #tpu.memory_space<hbm>>
      %dma_wait3A_504 = tpu.memref_squeeze %dma_wait3A_503 : memref<128x1x128xf32, #tpu.memory_space<hbm>> -> memref<128x128xf32, #tpu.memory_space<hbm>>
      tpu.wait_dma2 semaphore(%run_scoped3A_492 : memref<!tpu.dma_semaphore, #tpu.memory_space<semaphore_mem>>) src(%arg6 : memref<128x128xf32, #tpu.memory_space<vmem>>) dst(%dma_wait3A_504 : memref<128x128xf32, #tpu.memory_space<hbm>>)
      tpu.yield
    }) : () -> ()
    %dma_start3A_253 = arith.constant 1 : i32
    %dma_start3A_254 = arith.constant 6 : i32
    %dma_start3A_255 = arith.constant 0 : i32
    %dma_start3A_256 = tpu.memref_slice %arg5[%dma_start3A_253, %dma_start3A_254, %dma_start3A_255] : memref<4x8x128xi32, #tpu.memory_space<vmem>> -> memref<1x1x128xi32, #tpu.memory_space<vmem>>
    %dma_start3A_257 = tpu.memref_squeeze %dma_start3A_256 : memref<1x1x128xi32, #tpu.memory_space<vmem>> -> memref<128xi32, #tpu.memory_space<vmem>>
    %dma_start3A_258 = arith.constant 0 : i32
    %dma_start3A_259 = arith.constant 0 : i32
    %dma_start3A_260 = tpu.memref_slice %arg2[%dma_start3A_258, %dma_start3A_259] : memref<652800x128xf32, #tpu.memory_space<hbm>> -> memref<652800x128xf32, #tpu.memory_space<hbm>>
    tpu.enqueue_indirect_dma source(%dma_start3A_260 : memref<652800x128xf32, #tpu.memory_space<hbm>>) target(%arg6 : memref<128x128xf32, #tpu.memory_space<vmem>>) offsets(%dma_start3A_257 : memref<128xi32, #tpu.memory_space<vmem>>) semaphore(%arg8 : memref<!tpu.dma_semaphore, #tpu.memory_space<semaphore_mem>>)
    %dma_wait3A_261 = arith.constant 1 : i32
    %dma_wait3A_262 = arith.constant 5 : i32
    %dma_wait3A_263 = arith.constant 0 : i32
    %dma_wait3A_264 = tpu.memref_slice %arg5[%dma_wait3A_261, %dma_wait3A_262, %dma_wait3A_263] : memref<4x8x128xi32, #tpu.memory_space<vmem>> -> memref<1x1x128xi32, #tpu.memory_space<vmem>>
    %dma_wait3A_265 = tpu.memref_squeeze %dma_wait3A_264 : memref<1x1x128xi32, #tpu.memory_space<vmem>> -> memref<128xi32, #tpu.memory_space<vmem>>
    %dma_wait3A_266 = arith.constant 0 : i32
    %dma_wait3A_267 = arith.constant 0 : i32
    %dma_wait3A_268 = tpu.memref_slice %arg2[%dma_wait3A_266, %dma_wait3A_267] : memref<652800x128xf32, #tpu.memory_space<hbm>> -> memref<652800x128xf32, #tpu.memory_space<hbm>>
    tpu.wait_indirect_dma semaphore(%arg9 : memref<!tpu.dma_semaphore, #tpu.memory_space<semaphore_mem>>) src(%dma_wait3A_268 : memref<652800x128xf32, #tpu.memory_space<hbm>>) dst(%arg7 : memref<128x128xf32, #tpu.memory_space<vmem>>)
    %mul3A_269 = arith.constant 128 : i32
    %mul3A_270 = arith.muli %add3A, %mul3A_269 : i32
    %run_scoped3A_271 = arith.constant 13 : i32
    "tpu.region"() ({
      %run_scoped3A_492 = tpu.sem_alloc : memref<!tpu.dma_semaphore, #tpu.memory_space<semaphore_mem>>
      %dma_start3A_493 = arith.constant 0 : i32
      %dma_start3A_494 = tpu.memref_slice %arg4[%mul3A_270, %run_scoped3A_271, %dma_start3A_493] : memref<4096x26x128xf32, #tpu.memory_space<hbm>> -> memref<128x1x128xf32, #tpu.memory_space<hbm>>
      %dma_start3A_495 = tpu.memref_squeeze %dma_start3A_494 : memref<128x1x128xf32, #tpu.memory_space<hbm>> -> memref<128x128xf32, #tpu.memory_space<hbm>>
      %dma_start3A_496 = arith.constant 0 : i32
      %dma_start3A_497 = tpu.memref_slice %arg4[%mul3A_270, %run_scoped3A_271, %dma_start3A_496] : memref<4096x26x128xf32, #tpu.memory_space<hbm>> -> memref<128x1x128xf32, #tpu.memory_space<hbm>>
      %dma_start3A_498 = tpu.memref_squeeze %dma_start3A_497 : memref<128x1x128xf32, #tpu.memory_space<hbm>> -> memref<128x128xf32, #tpu.memory_space<hbm>>
      tpu.enqueue_dma source(%arg7 : memref<128x128xf32, #tpu.memory_space<vmem>>) target(%dma_start3A_498 : memref<128x128xf32, #tpu.memory_space<hbm>>) target_semaphore(%run_scoped3A_492 : memref<!tpu.dma_semaphore, #tpu.memory_space<semaphore_mem>>)
      %dma_wait3A_499 = arith.constant 0 : i32
      %dma_wait3A_500 = tpu.memref_slice %arg4[%mul3A_270, %run_scoped3A_271, %dma_wait3A_499] : memref<4096x26x128xf32, #tpu.memory_space<hbm>> -> memref<128x1x128xf32, #tpu.memory_space<hbm>>
      %dma_wait3A_501 = tpu.memref_squeeze %dma_wait3A_500 : memref<128x1x128xf32, #tpu.memory_space<hbm>> -> memref<128x128xf32, #tpu.memory_space<hbm>>
      %dma_wait3A_502 = arith.constant 0 : i32
      %dma_wait3A_503 = tpu.memref_slice %arg4[%mul3A_270, %run_scoped3A_271, %dma_wait3A_502] : memref<4096x26x128xf32, #tpu.memory_space<hbm>> -> memref<128x1x128xf32, #tpu.memory_space<hbm>>
      %dma_wait3A_504 = tpu.memref_squeeze %dma_wait3A_503 : memref<128x1x128xf32, #tpu.memory_space<hbm>> -> memref<128x128xf32, #tpu.memory_space<hbm>>
      tpu.wait_dma2 semaphore(%run_scoped3A_492 : memref<!tpu.dma_semaphore, #tpu.memory_space<semaphore_mem>>) src(%arg7 : memref<128x128xf32, #tpu.memory_space<vmem>>) dst(%dma_wait3A_504 : memref<128x128xf32, #tpu.memory_space<hbm>>)
      tpu.yield
    }) : () -> ()
    %dma_start3A_272 = arith.constant 1 : i32
    %dma_start3A_273 = arith.constant 7 : i32
    %dma_start3A_274 = arith.constant 0 : i32
    %dma_start3A_275 = tpu.memref_slice %arg5[%dma_start3A_272, %dma_start3A_273, %dma_start3A_274] : memref<4x8x128xi32, #tpu.memory_space<vmem>> -> memref<1x1x128xi32, #tpu.memory_space<vmem>>
    %dma_start3A_276 = tpu.memref_squeeze %dma_start3A_275 : memref<1x1x128xi32, #tpu.memory_space<vmem>> -> memref<128xi32, #tpu.memory_space<vmem>>
    %dma_start3A_277 = arith.constant 0 : i32
    %dma_start3A_278 = arith.constant 0 : i32
    %dma_start3A_279 = tpu.memref_slice %arg2[%dma_start3A_277, %dma_start3A_278] : memref<652800x128xf32, #tpu.memory_space<hbm>> -> memref<652800x128xf32, #tpu.memory_space<hbm>>
    tpu.enqueue_indirect_dma source(%dma_start3A_279 : memref<652800x128xf32, #tpu.memory_space<hbm>>) target(%arg7 : memref<128x128xf32, #tpu.memory_space<vmem>>) offsets(%dma_start3A_276 : memref<128xi32, #tpu.memory_space<vmem>>) semaphore(%arg9 : memref<!tpu.dma_semaphore, #tpu.memory_space<semaphore_mem>>)
    %dma_wait3A_280 = arith.constant 1 : i32
    %dma_wait3A_281 = arith.constant 6 : i32
    %dma_wait3A_282 = arith.constant 0 : i32
    %dma_wait3A_283 = tpu.memref_slice %arg5[%dma_wait3A_280, %dma_wait3A_281, %dma_wait3A_282] : memref<4x8x128xi32, #tpu.memory_space<vmem>> -> memref<1x1x128xi32, #tpu.memory_space<vmem>>
    %dma_wait3A_284 = tpu.memref_squeeze %dma_wait3A_283 : memref<1x1x128xi32, #tpu.memory_space<vmem>> -> memref<128xi32, #tpu.memory_space<vmem>>
    %dma_wait3A_285 = arith.constant 0 : i32
    %dma_wait3A_286 = arith.constant 0 : i32
    %dma_wait3A_287 = tpu.memref_slice %arg2[%dma_wait3A_285, %dma_wait3A_286] : memref<652800x128xf32, #tpu.memory_space<hbm>> -> memref<652800x128xf32, #tpu.memory_space<hbm>>
    tpu.wait_indirect_dma semaphore(%arg8 : memref<!tpu.dma_semaphore, #tpu.memory_space<semaphore_mem>>) src(%dma_wait3A_287 : memref<652800x128xf32, #tpu.memory_space<hbm>>) dst(%arg6 : memref<128x128xf32, #tpu.memory_space<vmem>>)
    %mul3A_288 = arith.constant 128 : i32
    %mul3A_289 = arith.muli %add3A, %mul3A_288 : i32
    %run_scoped3A_290 = arith.constant 14 : i32
    "tpu.region"() ({
      %run_scoped3A_492 = tpu.sem_alloc : memref<!tpu.dma_semaphore, #tpu.memory_space<semaphore_mem>>
      %dma_start3A_493 = arith.constant 0 : i32
      %dma_start3A_494 = tpu.memref_slice %arg4[%mul3A_289, %run_scoped3A_290, %dma_start3A_493] : memref<4096x26x128xf32, #tpu.memory_space<hbm>> -> memref<128x1x128xf32, #tpu.memory_space<hbm>>
      %dma_start3A_495 = tpu.memref_squeeze %dma_start3A_494 : memref<128x1x128xf32, #tpu.memory_space<hbm>> -> memref<128x128xf32, #tpu.memory_space<hbm>>
      %dma_start3A_496 = arith.constant 0 : i32
      %dma_start3A_497 = tpu.memref_slice %arg4[%mul3A_289, %run_scoped3A_290, %dma_start3A_496] : memref<4096x26x128xf32, #tpu.memory_space<hbm>> -> memref<128x1x128xf32, #tpu.memory_space<hbm>>
      %dma_start3A_498 = tpu.memref_squeeze %dma_start3A_497 : memref<128x1x128xf32, #tpu.memory_space<hbm>> -> memref<128x128xf32, #tpu.memory_space<hbm>>
      tpu.enqueue_dma source(%arg6 : memref<128x128xf32, #tpu.memory_space<vmem>>) target(%dma_start3A_498 : memref<128x128xf32, #tpu.memory_space<hbm>>) target_semaphore(%run_scoped3A_492 : memref<!tpu.dma_semaphore, #tpu.memory_space<semaphore_mem>>)
      %dma_wait3A_499 = arith.constant 0 : i32
      %dma_wait3A_500 = tpu.memref_slice %arg4[%mul3A_289, %run_scoped3A_290, %dma_wait3A_499] : memref<4096x26x128xf32, #tpu.memory_space<hbm>> -> memref<128x1x128xf32, #tpu.memory_space<hbm>>
      %dma_wait3A_501 = tpu.memref_squeeze %dma_wait3A_500 : memref<128x1x128xf32, #tpu.memory_space<hbm>> -> memref<128x128xf32, #tpu.memory_space<hbm>>
      %dma_wait3A_502 = arith.constant 0 : i32
      %dma_wait3A_503 = tpu.memref_slice %arg4[%mul3A_289, %run_scoped3A_290, %dma_wait3A_502] : memref<4096x26x128xf32, #tpu.memory_space<hbm>> -> memref<128x1x128xf32, #tpu.memory_space<hbm>>
      %dma_wait3A_504 = tpu.memref_squeeze %dma_wait3A_503 : memref<128x1x128xf32, #tpu.memory_space<hbm>> -> memref<128x128xf32, #tpu.memory_space<hbm>>
      tpu.wait_dma2 semaphore(%run_scoped3A_492 : memref<!tpu.dma_semaphore, #tpu.memory_space<semaphore_mem>>) src(%arg6 : memref<128x128xf32, #tpu.memory_space<vmem>>) dst(%dma_wait3A_504 : memref<128x128xf32, #tpu.memory_space<hbm>>)
      tpu.yield
    }) : () -> ()
    %dma_start3A_291 = arith.constant 2 : i32
    %dma_start3A_292 = arith.constant 0 : i32
    %dma_start3A_293 = arith.constant 0 : i32
    %dma_start3A_294 = tpu.memref_slice %arg5[%dma_start3A_291, %dma_start3A_292, %dma_start3A_293] : memref<4x8x128xi32, #tpu.memory_space<vmem>> -> memref<1x1x128xi32, #tpu.memory_space<vmem>>
    %dma_start3A_295 = tpu.memref_squeeze %dma_start3A_294 : memref<1x1x128xi32, #tpu.memory_space<vmem>> -> memref<128xi32, #tpu.memory_space<vmem>>
    %dma_start3A_296 = arith.constant 0 : i32
    %dma_start3A_297 = arith.constant 0 : i32
    %dma_start3A_298 = tpu.memref_slice %arg2[%dma_start3A_296, %dma_start3A_297] : memref<652800x128xf32, #tpu.memory_space<hbm>> -> memref<652800x128xf32, #tpu.memory_space<hbm>>
    tpu.enqueue_indirect_dma source(%dma_start3A_298 : memref<652800x128xf32, #tpu.memory_space<hbm>>) target(%arg6 : memref<128x128xf32, #tpu.memory_space<vmem>>) offsets(%dma_start3A_295 : memref<128xi32, #tpu.memory_space<vmem>>) semaphore(%arg8 : memref<!tpu.dma_semaphore, #tpu.memory_space<semaphore_mem>>)
    %dma_wait3A_299 = arith.constant 1 : i32
    %dma_wait3A_300 = arith.constant 7 : i32
    %dma_wait3A_301 = arith.constant 0 : i32
    %dma_wait3A_302 = tpu.memref_slice %arg5[%dma_wait3A_299, %dma_wait3A_300, %dma_wait3A_301] : memref<4x8x128xi32, #tpu.memory_space<vmem>> -> memref<1x1x128xi32, #tpu.memory_space<vmem>>
    %dma_wait3A_303 = tpu.memref_squeeze %dma_wait3A_302 : memref<1x1x128xi32, #tpu.memory_space<vmem>> -> memref<128xi32, #tpu.memory_space<vmem>>
    %dma_wait3A_304 = arith.constant 0 : i32
    %dma_wait3A_305 = arith.constant 0 : i32
    %dma_wait3A_306 = tpu.memref_slice %arg2[%dma_wait3A_304, %dma_wait3A_305] : memref<652800x128xf32, #tpu.memory_space<hbm>> -> memref<652800x128xf32, #tpu.memory_space<hbm>>
    tpu.wait_indirect_dma semaphore(%arg9 : memref<!tpu.dma_semaphore, #tpu.memory_space<semaphore_mem>>) src(%dma_wait3A_306 : memref<652800x128xf32, #tpu.memory_space<hbm>>) dst(%arg7 : memref<128x128xf32, #tpu.memory_space<vmem>>)
    %mul3A_307 = arith.constant 128 : i32
    %mul3A_308 = arith.muli %add3A, %mul3A_307 : i32
    %run_scoped3A_309 = arith.constant 15 : i32
    "tpu.region"() ({
      %run_scoped3A_492 = tpu.sem_alloc : memref<!tpu.dma_semaphore, #tpu.memory_space<semaphore_mem>>
      %dma_start3A_493 = arith.constant 0 : i32
      %dma_start3A_494 = tpu.memref_slice %arg4[%mul3A_308, %run_scoped3A_309, %dma_start3A_493] : memref<4096x26x128xf32, #tpu.memory_space<hbm>> -> memref<128x1x128xf32, #tpu.memory_space<hbm>>
      %dma_start3A_495 = tpu.memref_squeeze %dma_start3A_494 : memref<128x1x128xf32, #tpu.memory_space<hbm>> -> memref<128x128xf32, #tpu.memory_space<hbm>>
      %dma_start3A_496 = arith.constant 0 : i32
      %dma_start3A_497 = tpu.memref_slice %arg4[%mul3A_308, %run_scoped3A_309, %dma_start3A_496] : memref<4096x26x128xf32, #tpu.memory_space<hbm>> -> memref<128x1x128xf32, #tpu.memory_space<hbm>>
      %dma_start3A_498 = tpu.memref_squeeze %dma_start3A_497 : memref<128x1x128xf32, #tpu.memory_space<hbm>> -> memref<128x128xf32, #tpu.memory_space<hbm>>
      tpu.enqueue_dma source(%arg7 : memref<128x128xf32, #tpu.memory_space<vmem>>) target(%dma_start3A_498 : memref<128x128xf32, #tpu.memory_space<hbm>>) target_semaphore(%run_scoped3A_492 : memref<!tpu.dma_semaphore, #tpu.memory_space<semaphore_mem>>)
      %dma_wait3A_499 = arith.constant 0 : i32
      %dma_wait3A_500 = tpu.memref_slice %arg4[%mul3A_308, %run_scoped3A_309, %dma_wait3A_499] : memref<4096x26x128xf32, #tpu.memory_space<hbm>> -> memref<128x1x128xf32, #tpu.memory_space<hbm>>
      %dma_wait3A_501 = tpu.memref_squeeze %dma_wait3A_500 : memref<128x1x128xf32, #tpu.memory_space<hbm>> -> memref<128x128xf32, #tpu.memory_space<hbm>>
      %dma_wait3A_502 = arith.constant 0 : i32
      %dma_wait3A_503 = tpu.memref_slice %arg4[%mul3A_308, %run_scoped3A_309, %dma_wait3A_502] : memref<4096x26x128xf32, #tpu.memory_space<hbm>> -> memref<128x1x128xf32, #tpu.memory_space<hbm>>
      %dma_wait3A_504 = tpu.memref_squeeze %dma_wait3A_503 : memref<128x1x128xf32, #tpu.memory_space<hbm>> -> memref<128x128xf32, #tpu.memory_space<hbm>>
      tpu.wait_dma2 semaphore(%run_scoped3A_492 : memref<!tpu.dma_semaphore, #tpu.memory_space<semaphore_mem>>) src(%arg7 : memref<128x128xf32, #tpu.memory_space<vmem>>) dst(%dma_wait3A_504 : memref<128x128xf32, #tpu.memory_space<hbm>>)
      tpu.yield
    }) : () -> ()
    %dma_start3A_310 = arith.constant 2 : i32
    %dma_start3A_311 = arith.constant 1 : i32
    %dma_start3A_312 = arith.constant 0 : i32
    %dma_start3A_313 = tpu.memref_slice %arg5[%dma_start3A_310, %dma_start3A_311, %dma_start3A_312] : memref<4x8x128xi32, #tpu.memory_space<vmem>> -> memref<1x1x128xi32, #tpu.memory_space<vmem>>
    %dma_start3A_314 = tpu.memref_squeeze %dma_start3A_313 : memref<1x1x128xi32, #tpu.memory_space<vmem>> -> memref<128xi32, #tpu.memory_space<vmem>>
    %dma_start3A_315 = arith.constant 0 : i32
    %dma_start3A_316 = arith.constant 0 : i32
    %dma_start3A_317 = tpu.memref_slice %arg2[%dma_start3A_315, %dma_start3A_316] : memref<652800x128xf32, #tpu.memory_space<hbm>> -> memref<652800x128xf32, #tpu.memory_space<hbm>>
    tpu.enqueue_indirect_dma source(%dma_start3A_317 : memref<652800x128xf32, #tpu.memory_space<hbm>>) target(%arg7 : memref<128x128xf32, #tpu.memory_space<vmem>>) offsets(%dma_start3A_314 : memref<128xi32, #tpu.memory_space<vmem>>) semaphore(%arg9 : memref<!tpu.dma_semaphore, #tpu.memory_space<semaphore_mem>>)
    %dma_wait3A_318 = arith.constant 2 : i32
    %dma_wait3A_319 = arith.constant 0 : i32
    %dma_wait3A_320 = arith.constant 0 : i32
    %dma_wait3A_321 = tpu.memref_slice %arg5[%dma_wait3A_318, %dma_wait3A_319, %dma_wait3A_320] : memref<4x8x128xi32, #tpu.memory_space<vmem>> -> memref<1x1x128xi32, #tpu.memory_space<vmem>>
    %dma_wait3A_322 = tpu.memref_squeeze %dma_wait3A_321 : memref<1x1x128xi32, #tpu.memory_space<vmem>> -> memref<128xi32, #tpu.memory_space<vmem>>
    %dma_wait3A_323 = arith.constant 0 : i32
    %dma_wait3A_324 = arith.constant 0 : i32
    %dma_wait3A_325 = tpu.memref_slice %arg2[%dma_wait3A_323, %dma_wait3A_324] : memref<652800x128xf32, #tpu.memory_space<hbm>> -> memref<652800x128xf32, #tpu.memory_space<hbm>>
    tpu.wait_indirect_dma semaphore(%arg8 : memref<!tpu.dma_semaphore, #tpu.memory_space<semaphore_mem>>) src(%dma_wait3A_325 : memref<652800x128xf32, #tpu.memory_space<hbm>>) dst(%arg6 : memref<128x128xf32, #tpu.memory_space<vmem>>)
    %mul3A_326 = arith.constant 128 : i32
    %mul3A_327 = arith.muli %add3A, %mul3A_326 : i32
    %run_scoped3A_328 = arith.constant 16 : i32
    "tpu.region"() ({
      %run_scoped3A_492 = tpu.sem_alloc : memref<!tpu.dma_semaphore, #tpu.memory_space<semaphore_mem>>
      %dma_start3A_493 = arith.constant 0 : i32
      %dma_start3A_494 = tpu.memref_slice %arg4[%mul3A_327, %run_scoped3A_328, %dma_start3A_493] : memref<4096x26x128xf32, #tpu.memory_space<hbm>> -> memref<128x1x128xf32, #tpu.memory_space<hbm>>
      %dma_start3A_495 = tpu.memref_squeeze %dma_start3A_494 : memref<128x1x128xf32, #tpu.memory_space<hbm>> -> memref<128x128xf32, #tpu.memory_space<hbm>>
      %dma_start3A_496 = arith.constant 0 : i32
      %dma_start3A_497 = tpu.memref_slice %arg4[%mul3A_327, %run_scoped3A_328, %dma_start3A_496] : memref<4096x26x128xf32, #tpu.memory_space<hbm>> -> memref<128x1x128xf32, #tpu.memory_space<hbm>>
      %dma_start3A_498 = tpu.memref_squeeze %dma_start3A_497 : memref<128x1x128xf32, #tpu.memory_space<hbm>> -> memref<128x128xf32, #tpu.memory_space<hbm>>
      tpu.enqueue_dma source(%arg6 : memref<128x128xf32, #tpu.memory_space<vmem>>) target(%dma_start3A_498 : memref<128x128xf32, #tpu.memory_space<hbm>>) target_semaphore(%run_scoped3A_492 : memref<!tpu.dma_semaphore, #tpu.memory_space<semaphore_mem>>)
      %dma_wait3A_499 = arith.constant 0 : i32
      %dma_wait3A_500 = tpu.memref_slice %arg4[%mul3A_327, %run_scoped3A_328, %dma_wait3A_499] : memref<4096x26x128xf32, #tpu.memory_space<hbm>> -> memref<128x1x128xf32, #tpu.memory_space<hbm>>
      %dma_wait3A_501 = tpu.memref_squeeze %dma_wait3A_500 : memref<128x1x128xf32, #tpu.memory_space<hbm>> -> memref<128x128xf32, #tpu.memory_space<hbm>>
      %dma_wait3A_502 = arith.constant 0 : i32
      %dma_wait3A_503 = tpu.memref_slice %arg4[%mul3A_327, %run_scoped3A_328, %dma_wait3A_502] : memref<4096x26x128xf32, #tpu.memory_space<hbm>> -> memref<128x1x128xf32, #tpu.memory_space<hbm>>
      %dma_wait3A_504 = tpu.memref_squeeze %dma_wait3A_503 : memref<128x1x128xf32, #tpu.memory_space<hbm>> -> memref<128x128xf32, #tpu.memory_space<hbm>>
      tpu.wait_dma2 semaphore(%run_scoped3A_492 : memref<!tpu.dma_semaphore, #tpu.memory_space<semaphore_mem>>) src(%arg6 : memref<128x128xf32, #tpu.memory_space<vmem>>) dst(%dma_wait3A_504 : memref<128x128xf32, #tpu.memory_space<hbm>>)
      tpu.yield
    }) : () -> ()
    %dma_start3A_329 = arith.constant 2 : i32
    %dma_start3A_330 = arith.constant 2 : i32
    %dma_start3A_331 = arith.constant 0 : i32
    %dma_start3A_332 = tpu.memref_slice %arg5[%dma_start3A_329, %dma_start3A_330, %dma_start3A_331] : memref<4x8x128xi32, #tpu.memory_space<vmem>> -> memref<1x1x128xi32, #tpu.memory_space<vmem>>
    %dma_start3A_333 = tpu.memref_squeeze %dma_start3A_332 : memref<1x1x128xi32, #tpu.memory_space<vmem>> -> memref<128xi32, #tpu.memory_space<vmem>>
    %dma_start3A_334 = arith.constant 0 : i32
    %dma_start3A_335 = arith.constant 0 : i32
    %dma_start3A_336 = tpu.memref_slice %arg2[%dma_start3A_334, %dma_start3A_335] : memref<652800x128xf32, #tpu.memory_space<hbm>> -> memref<652800x128xf32, #tpu.memory_space<hbm>>
    tpu.enqueue_indirect_dma source(%dma_start3A_336 : memref<652800x128xf32, #tpu.memory_space<hbm>>) target(%arg6 : memref<128x128xf32, #tpu.memory_space<vmem>>) offsets(%dma_start3A_333 : memref<128xi32, #tpu.memory_space<vmem>>) semaphore(%arg8 : memref<!tpu.dma_semaphore, #tpu.memory_space<semaphore_mem>>)
    %dma_wait3A_337 = arith.constant 2 : i32
    %dma_wait3A_338 = arith.constant 1 : i32
    %dma_wait3A_339 = arith.constant 0 : i32
    %dma_wait3A_340 = tpu.memref_slice %arg5[%dma_wait3A_337, %dma_wait3A_338, %dma_wait3A_339] : memref<4x8x128xi32, #tpu.memory_space<vmem>> -> memref<1x1x128xi32, #tpu.memory_space<vmem>>
    %dma_wait3A_341 = tpu.memref_squeeze %dma_wait3A_340 : memref<1x1x128xi32, #tpu.memory_space<vmem>> -> memref<128xi32, #tpu.memory_space<vmem>>
    %dma_wait3A_342 = arith.constant 0 : i32
    %dma_wait3A_343 = arith.constant 0 : i32
    %dma_wait3A_344 = tpu.memref_slice %arg2[%dma_wait3A_342, %dma_wait3A_343] : memref<652800x128xf32, #tpu.memory_space<hbm>> -> memref<652800x128xf32, #tpu.memory_space<hbm>>
    tpu.wait_indirect_dma semaphore(%arg9 : memref<!tpu.dma_semaphore, #tpu.memory_space<semaphore_mem>>) src(%dma_wait3A_344 : memref<652800x128xf32, #tpu.memory_space<hbm>>) dst(%arg7 : memref<128x128xf32, #tpu.memory_space<vmem>>)
    %mul3A_345 = arith.constant 128 : i32
    %mul3A_346 = arith.muli %add3A, %mul3A_345 : i32
    %run_scoped3A_347 = arith.constant 17 : i32
    "tpu.region"() ({
      %run_scoped3A_492 = tpu.sem_alloc : memref<!tpu.dma_semaphore, #tpu.memory_space<semaphore_mem>>
      %dma_start3A_493 = arith.constant 0 : i32
      %dma_start3A_494 = tpu.memref_slice %arg4[%mul3A_346, %run_scoped3A_347, %dma_start3A_493] : memref<4096x26x128xf32, #tpu.memory_space<hbm>> -> memref<128x1x128xf32, #tpu.memory_space<hbm>>
      %dma_start3A_495 = tpu.memref_squeeze %dma_start3A_494 : memref<128x1x128xf32, #tpu.memory_space<hbm>> -> memref<128x128xf32, #tpu.memory_space<hbm>>
      %dma_start3A_496 = arith.constant 0 : i32
      %dma_start3A_497 = tpu.memref_slice %arg4[%mul3A_346, %run_scoped3A_347, %dma_start3A_496] : memref<4096x26x128xf32, #tpu.memory_space<hbm>> -> memref<128x1x128xf32, #tpu.memory_space<hbm>>
      %dma_start3A_498 = tpu.memref_squeeze %dma_start3A_497 : memref<128x1x128xf32, #tpu.memory_space<hbm>> -> memref<128x128xf32, #tpu.memory_space<hbm>>
      tpu.enqueue_dma source(%arg7 : memref<128x128xf32, #tpu.memory_space<vmem>>) target(%dma_start3A_498 : memref<128x128xf32, #tpu.memory_space<hbm>>) target_semaphore(%run_scoped3A_492 : memref<!tpu.dma_semaphore, #tpu.memory_space<semaphore_mem>>)
      %dma_wait3A_499 = arith.constant 0 : i32
      %dma_wait3A_500 = tpu.memref_slice %arg4[%mul3A_346, %run_scoped3A_347, %dma_wait3A_499] : memref<4096x26x128xf32, #tpu.memory_space<hbm>> -> memref<128x1x128xf32, #tpu.memory_space<hbm>>
      %dma_wait3A_501 = tpu.memref_squeeze %dma_wait3A_500 : memref<128x1x128xf32, #tpu.memory_space<hbm>> -> memref<128x128xf32, #tpu.memory_space<hbm>>
      %dma_wait3A_502 = arith.constant 0 : i32
      %dma_wait3A_503 = tpu.memref_slice %arg4[%mul3A_346, %run_scoped3A_347, %dma_wait3A_502] : memref<4096x26x128xf32, #tpu.memory_space<hbm>> -> memref<128x1x128xf32, #tpu.memory_space<hbm>>
      %dma_wait3A_504 = tpu.memref_squeeze %dma_wait3A_503 : memref<128x1x128xf32, #tpu.memory_space<hbm>> -> memref<128x128xf32, #tpu.memory_space<hbm>>
      tpu.wait_dma2 semaphore(%run_scoped3A_492 : memref<!tpu.dma_semaphore, #tpu.memory_space<semaphore_mem>>) src(%arg7 : memref<128x128xf32, #tpu.memory_space<vmem>>) dst(%dma_wait3A_504 : memref<128x128xf32, #tpu.memory_space<hbm>>)
      tpu.yield
    }) : () -> ()
    %dma_start3A_348 = arith.constant 2 : i32
    %dma_start3A_349 = arith.constant 3 : i32
    %dma_start3A_350 = arith.constant 0 : i32
    %dma_start3A_351 = tpu.memref_slice %arg5[%dma_start3A_348, %dma_start3A_349, %dma_start3A_350] : memref<4x8x128xi32, #tpu.memory_space<vmem>> -> memref<1x1x128xi32, #tpu.memory_space<vmem>>
    %dma_start3A_352 = tpu.memref_squeeze %dma_start3A_351 : memref<1x1x128xi32, #tpu.memory_space<vmem>> -> memref<128xi32, #tpu.memory_space<vmem>>
    %dma_start3A_353 = arith.constant 0 : i32
    %dma_start3A_354 = arith.constant 0 : i32
    %dma_start3A_355 = tpu.memref_slice %arg2[%dma_start3A_353, %dma_start3A_354] : memref<652800x128xf32, #tpu.memory_space<hbm>> -> memref<652800x128xf32, #tpu.memory_space<hbm>>
    tpu.enqueue_indirect_dma source(%dma_start3A_355 : memref<652800x128xf32, #tpu.memory_space<hbm>>) target(%arg7 : memref<128x128xf32, #tpu.memory_space<vmem>>) offsets(%dma_start3A_352 : memref<128xi32, #tpu.memory_space<vmem>>) semaphore(%arg9 : memref<!tpu.dma_semaphore, #tpu.memory_space<semaphore_mem>>)
    %dma_wait3A_356 = arith.constant 2 : i32
    %dma_wait3A_357 = arith.constant 2 : i32
    %dma_wait3A_358 = arith.constant 0 : i32
    %dma_wait3A_359 = tpu.memref_slice %arg5[%dma_wait3A_356, %dma_wait3A_357, %dma_wait3A_358] : memref<4x8x128xi32, #tpu.memory_space<vmem>> -> memref<1x1x128xi32, #tpu.memory_space<vmem>>
    %dma_wait3A_360 = tpu.memref_squeeze %dma_wait3A_359 : memref<1x1x128xi32, #tpu.memory_space<vmem>> -> memref<128xi32, #tpu.memory_space<vmem>>
    %dma_wait3A_361 = arith.constant 0 : i32
    %dma_wait3A_362 = arith.constant 0 : i32
    %dma_wait3A_363 = tpu.memref_slice %arg2[%dma_wait3A_361, %dma_wait3A_362] : memref<652800x128xf32, #tpu.memory_space<hbm>> -> memref<652800x128xf32, #tpu.memory_space<hbm>>
    tpu.wait_indirect_dma semaphore(%arg8 : memref<!tpu.dma_semaphore, #tpu.memory_space<semaphore_mem>>) src(%dma_wait3A_363 : memref<652800x128xf32, #tpu.memory_space<hbm>>) dst(%arg6 : memref<128x128xf32, #tpu.memory_space<vmem>>)
    %mul3A_364 = arith.constant 128 : i32
    %mul3A_365 = arith.muli %add3A, %mul3A_364 : i32
    %run_scoped3A_366 = arith.constant 18 : i32
    "tpu.region"() ({
      %run_scoped3A_492 = tpu.sem_alloc : memref<!tpu.dma_semaphore, #tpu.memory_space<semaphore_mem>>
      %dma_start3A_493 = arith.constant 0 : i32
      %dma_start3A_494 = tpu.memref_slice %arg4[%mul3A_365, %run_scoped3A_366, %dma_start3A_493] : memref<4096x26x128xf32, #tpu.memory_space<hbm>> -> memref<128x1x128xf32, #tpu.memory_space<hbm>>
      %dma_start3A_495 = tpu.memref_squeeze %dma_start3A_494 : memref<128x1x128xf32, #tpu.memory_space<hbm>> -> memref<128x128xf32, #tpu.memory_space<hbm>>
      %dma_start3A_496 = arith.constant 0 : i32
      %dma_start3A_497 = tpu.memref_slice %arg4[%mul3A_365, %run_scoped3A_366, %dma_start3A_496] : memref<4096x26x128xf32, #tpu.memory_space<hbm>> -> memref<128x1x128xf32, #tpu.memory_space<hbm>>
      %dma_start3A_498 = tpu.memref_squeeze %dma_start3A_497 : memref<128x1x128xf32, #tpu.memory_space<hbm>> -> memref<128x128xf32, #tpu.memory_space<hbm>>
      tpu.enqueue_dma source(%arg6 : memref<128x128xf32, #tpu.memory_space<vmem>>) target(%dma_start3A_498 : memref<128x128xf32, #tpu.memory_space<hbm>>) target_semaphore(%run_scoped3A_492 : memref<!tpu.dma_semaphore, #tpu.memory_space<semaphore_mem>>)
      %dma_wait3A_499 = arith.constant 0 : i32
      %dma_wait3A_500 = tpu.memref_slice %arg4[%mul3A_365, %run_scoped3A_366, %dma_wait3A_499] : memref<4096x26x128xf32, #tpu.memory_space<hbm>> -> memref<128x1x128xf32, #tpu.memory_space<hbm>>
      %dma_wait3A_501 = tpu.memref_squeeze %dma_wait3A_500 : memref<128x1x128xf32, #tpu.memory_space<hbm>> -> memref<128x128xf32, #tpu.memory_space<hbm>>
      %dma_wait3A_502 = arith.constant 0 : i32
      %dma_wait3A_503 = tpu.memref_slice %arg4[%mul3A_365, %run_scoped3A_366, %dma_wait3A_502] : memref<4096x26x128xf32, #tpu.memory_space<hbm>> -> memref<128x1x128xf32, #tpu.memory_space<hbm>>
      %dma_wait3A_504 = tpu.memref_squeeze %dma_wait3A_503 : memref<128x1x128xf32, #tpu.memory_space<hbm>> -> memref<128x128xf32, #tpu.memory_space<hbm>>
      tpu.wait_dma2 semaphore(%run_scoped3A_492 : memref<!tpu.dma_semaphore, #tpu.memory_space<semaphore_mem>>) src(%arg6 : memref<128x128xf32, #tpu.memory_space<vmem>>) dst(%dma_wait3A_504 : memref<128x128xf32, #tpu.memory_space<hbm>>)
      tpu.yield
    }) : () -> ()
    %dma_start3A_367 = arith.constant 2 : i32
    %dma_start3A_368 = arith.constant 4 : i32
    %dma_start3A_369 = arith.constant 0 : i32
    %dma_start3A_370 = tpu.memref_slice %arg5[%dma_start3A_367, %dma_start3A_368, %dma_start3A_369] : memref<4x8x128xi32, #tpu.memory_space<vmem>> -> memref<1x1x128xi32, #tpu.memory_space<vmem>>
    %dma_start3A_371 = tpu.memref_squeeze %dma_start3A_370 : memref<1x1x128xi32, #tpu.memory_space<vmem>> -> memref<128xi32, #tpu.memory_space<vmem>>
    %dma_start3A_372 = arith.constant 0 : i32
    %dma_start3A_373 = arith.constant 0 : i32
    %dma_start3A_374 = tpu.memref_slice %arg2[%dma_start3A_372, %dma_start3A_373] : memref<652800x128xf32, #tpu.memory_space<hbm>> -> memref<652800x128xf32, #tpu.memory_space<hbm>>
    tpu.enqueue_indirect_dma source(%dma_start3A_374 : memref<652800x128xf32, #tpu.memory_space<hbm>>) target(%arg6 : memref<128x128xf32, #tpu.memory_space<vmem>>) offsets(%dma_start3A_371 : memref<128xi32, #tpu.memory_space<vmem>>) semaphore(%arg8 : memref<!tpu.dma_semaphore, #tpu.memory_space<semaphore_mem>>)
    %dma_wait3A_375 = arith.constant 2 : i32
    %dma_wait3A_376 = arith.constant 3 : i32
    %dma_wait3A_377 = arith.constant 0 : i32
    %dma_wait3A_378 = tpu.memref_slice %arg5[%dma_wait3A_375, %dma_wait3A_376, %dma_wait3A_377] : memref<4x8x128xi32, #tpu.memory_space<vmem>> -> memref<1x1x128xi32, #tpu.memory_space<vmem>>
    %dma_wait3A_379 = tpu.memref_squeeze %dma_wait3A_378 : memref<1x1x128xi32, #tpu.memory_space<vmem>> -> memref<128xi32, #tpu.memory_space<vmem>>
    %dma_wait3A_380 = arith.constant 0 : i32
    %dma_wait3A_381 = arith.constant 0 : i32
    %dma_wait3A_382 = tpu.memref_slice %arg2[%dma_wait3A_380, %dma_wait3A_381] : memref<652800x128xf32, #tpu.memory_space<hbm>> -> memref<652800x128xf32, #tpu.memory_space<hbm>>
    tpu.wait_indirect_dma semaphore(%arg9 : memref<!tpu.dma_semaphore, #tpu.memory_space<semaphore_mem>>) src(%dma_wait3A_382 : memref<652800x128xf32, #tpu.memory_space<hbm>>) dst(%arg7 : memref<128x128xf32, #tpu.memory_space<vmem>>)
    %mul3A_383 = arith.constant 128 : i32
    %mul3A_384 = arith.muli %add3A, %mul3A_383 : i32
    %run_scoped3A_385 = arith.constant 19 : i32
    "tpu.region"() ({
      %run_scoped3A_492 = tpu.sem_alloc : memref<!tpu.dma_semaphore, #tpu.memory_space<semaphore_mem>>
      %dma_start3A_493 = arith.constant 0 : i32
      %dma_start3A_494 = tpu.memref_slice %arg4[%mul3A_384, %run_scoped3A_385, %dma_start3A_493] : memref<4096x26x128xf32, #tpu.memory_space<hbm>> -> memref<128x1x128xf32, #tpu.memory_space<hbm>>
      %dma_start3A_495 = tpu.memref_squeeze %dma_start3A_494 : memref<128x1x128xf32, #tpu.memory_space<hbm>> -> memref<128x128xf32, #tpu.memory_space<hbm>>
      %dma_start3A_496 = arith.constant 0 : i32
      %dma_start3A_497 = tpu.memref_slice %arg4[%mul3A_384, %run_scoped3A_385, %dma_start3A_496] : memref<4096x26x128xf32, #tpu.memory_space<hbm>> -> memref<128x1x128xf32, #tpu.memory_space<hbm>>
      %dma_start3A_498 = tpu.memref_squeeze %dma_start3A_497 : memref<128x1x128xf32, #tpu.memory_space<hbm>> -> memref<128x128xf32, #tpu.memory_space<hbm>>
      tpu.enqueue_dma source(%arg7 : memref<128x128xf32, #tpu.memory_space<vmem>>) target(%dma_start3A_498 : memref<128x128xf32, #tpu.memory_space<hbm>>) target_semaphore(%run_scoped3A_492 : memref<!tpu.dma_semaphore, #tpu.memory_space<semaphore_mem>>)
      %dma_wait3A_499 = arith.constant 0 : i32
      %dma_wait3A_500 = tpu.memref_slice %arg4[%mul3A_384, %run_scoped3A_385, %dma_wait3A_499] : memref<4096x26x128xf32, #tpu.memory_space<hbm>> -> memref<128x1x128xf32, #tpu.memory_space<hbm>>
      %dma_wait3A_501 = tpu.memref_squeeze %dma_wait3A_500 : memref<128x1x128xf32, #tpu.memory_space<hbm>> -> memref<128x128xf32, #tpu.memory_space<hbm>>
      %dma_wait3A_502 = arith.constant 0 : i32
      %dma_wait3A_503 = tpu.memref_slice %arg4[%mul3A_384, %run_scoped3A_385, %dma_wait3A_502] : memref<4096x26x128xf32, #tpu.memory_space<hbm>> -> memref<128x1x128xf32, #tpu.memory_space<hbm>>
      %dma_wait3A_504 = tpu.memref_squeeze %dma_wait3A_503 : memref<128x1x128xf32, #tpu.memory_space<hbm>> -> memref<128x128xf32, #tpu.memory_space<hbm>>
      tpu.wait_dma2 semaphore(%run_scoped3A_492 : memref<!tpu.dma_semaphore, #tpu.memory_space<semaphore_mem>>) src(%arg7 : memref<128x128xf32, #tpu.memory_space<vmem>>) dst(%dma_wait3A_504 : memref<128x128xf32, #tpu.memory_space<hbm>>)
      tpu.yield
    }) : () -> ()
    %dma_start3A_386 = arith.constant 2 : i32
    %dma_start3A_387 = arith.constant 5 : i32
    %dma_start3A_388 = arith.constant 0 : i32
    %dma_start3A_389 = tpu.memref_slice %arg5[%dma_start3A_386, %dma_start3A_387, %dma_start3A_388] : memref<4x8x128xi32, #tpu.memory_space<vmem>> -> memref<1x1x128xi32, #tpu.memory_space<vmem>>
    %dma_start3A_390 = tpu.memref_squeeze %dma_start3A_389 : memref<1x1x128xi32, #tpu.memory_space<vmem>> -> memref<128xi32, #tpu.memory_space<vmem>>
    %dma_start3A_391 = arith.constant 0 : i32
    %dma_start3A_392 = arith.constant 0 : i32
    %dma_start3A_393 = tpu.memref_slice %arg2[%dma_start3A_391, %dma_start3A_392] : memref<652800x128xf32, #tpu.memory_space<hbm>> -> memref<652800x128xf32, #tpu.memory_space<hbm>>
    tpu.enqueue_indirect_dma source(%dma_start3A_393 : memref<652800x128xf32, #tpu.memory_space<hbm>>) target(%arg7 : memref<128x128xf32, #tpu.memory_space<vmem>>) offsets(%dma_start3A_390 : memref<128xi32, #tpu.memory_space<vmem>>) semaphore(%arg9 : memref<!tpu.dma_semaphore, #tpu.memory_space<semaphore_mem>>)
    %dma_wait3A_394 = arith.constant 2 : i32
    %dma_wait3A_395 = arith.constant 4 : i32
    %dma_wait3A_396 = arith.constant 0 : i32
    %dma_wait3A_397 = tpu.memref_slice %arg5[%dma_wait3A_394, %dma_wait3A_395, %dma_wait3A_396] : memref<4x8x128xi32, #tpu.memory_space<vmem>> -> memref<1x1x128xi32, #tpu.memory_space<vmem>>
    %dma_wait3A_398 = tpu.memref_squeeze %dma_wait3A_397 : memref<1x1x128xi32, #tpu.memory_space<vmem>> -> memref<128xi32, #tpu.memory_space<vmem>>
    %dma_wait3A_399 = arith.constant 0 : i32
    %dma_wait3A_400 = arith.constant 0 : i32
    %dma_wait3A_401 = tpu.memref_slice %arg2[%dma_wait3A_399, %dma_wait3A_400] : memref<652800x128xf32, #tpu.memory_space<hbm>> -> memref<652800x128xf32, #tpu.memory_space<hbm>>
    tpu.wait_indirect_dma semaphore(%arg8 : memref<!tpu.dma_semaphore, #tpu.memory_space<semaphore_mem>>) src(%dma_wait3A_401 : memref<652800x128xf32, #tpu.memory_space<hbm>>) dst(%arg6 : memref<128x128xf32, #tpu.memory_space<vmem>>)
    %mul3A_402 = arith.constant 128 : i32
    %mul3A_403 = arith.muli %add3A, %mul3A_402 : i32
    %run_scoped3A_404 = arith.constant 20 : i32
    "tpu.region"() ({
      %run_scoped3A_492 = tpu.sem_alloc : memref<!tpu.dma_semaphore, #tpu.memory_space<semaphore_mem>>
      %dma_start3A_493 = arith.constant 0 : i32
      %dma_start3A_494 = tpu.memref_slice %arg4[%mul3A_403, %run_scoped3A_404, %dma_start3A_493] : memref<4096x26x128xf32, #tpu.memory_space<hbm>> -> memref<128x1x128xf32, #tpu.memory_space<hbm>>
      %dma_start3A_495 = tpu.memref_squeeze %dma_start3A_494 : memref<128x1x128xf32, #tpu.memory_space<hbm>> -> memref<128x128xf32, #tpu.memory_space<hbm>>
      %dma_start3A_496 = arith.constant 0 : i32
      %dma_start3A_497 = tpu.memref_slice %arg4[%mul3A_403, %run_scoped3A_404, %dma_start3A_496] : memref<4096x26x128xf32, #tpu.memory_space<hbm>> -> memref<128x1x128xf32, #tpu.memory_space<hbm>>
      %dma_start3A_498 = tpu.memref_squeeze %dma_start3A_497 : memref<128x1x128xf32, #tpu.memory_space<hbm>> -> memref<128x128xf32, #tpu.memory_space<hbm>>
      tpu.enqueue_dma source(%arg6 : memref<128x128xf32, #tpu.memory_space<vmem>>) target(%dma_start3A_498 : memref<128x128xf32, #tpu.memory_space<hbm>>) target_semaphore(%run_scoped3A_492 : memref<!tpu.dma_semaphore, #tpu.memory_space<semaphore_mem>>)
      %dma_wait3A_499 = arith.constant 0 : i32
      %dma_wait3A_500 = tpu.memref_slice %arg4[%mul3A_403, %run_scoped3A_404, %dma_wait3A_499] : memref<4096x26x128xf32, #tpu.memory_space<hbm>> -> memref<128x1x128xf32, #tpu.memory_space<hbm>>
      %dma_wait3A_501 = tpu.memref_squeeze %dma_wait3A_500 : memref<128x1x128xf32, #tpu.memory_space<hbm>> -> memref<128x128xf32, #tpu.memory_space<hbm>>
      %dma_wait3A_502 = arith.constant 0 : i32
      %dma_wait3A_503 = tpu.memref_slice %arg4[%mul3A_403, %run_scoped3A_404, %dma_wait3A_502] : memref<4096x26x128xf32, #tpu.memory_space<hbm>> -> memref<128x1x128xf32, #tpu.memory_space<hbm>>
      %dma_wait3A_504 = tpu.memref_squeeze %dma_wait3A_503 : memref<128x1x128xf32, #tpu.memory_space<hbm>> -> memref<128x128xf32, #tpu.memory_space<hbm>>
      tpu.wait_dma2 semaphore(%run_scoped3A_492 : memref<!tpu.dma_semaphore, #tpu.memory_space<semaphore_mem>>) src(%arg6 : memref<128x128xf32, #tpu.memory_space<vmem>>) dst(%dma_wait3A_504 : memref<128x128xf32, #tpu.memory_space<hbm>>)
      tpu.yield
    }) : () -> ()
    %dma_start3A_405 = arith.constant 2 : i32
    %dma_start3A_406 = arith.constant 6 : i32
    %dma_start3A_407 = arith.constant 0 : i32
    %dma_start3A_408 = tpu.memref_slice %arg5[%dma_start3A_405, %dma_start3A_406, %dma_start3A_407] : memref<4x8x128xi32, #tpu.memory_space<vmem>> -> memref<1x1x128xi32, #tpu.memory_space<vmem>>
    %dma_start3A_409 = tpu.memref_squeeze %dma_start3A_408 : memref<1x1x128xi32, #tpu.memory_space<vmem>> -> memref<128xi32, #tpu.memory_space<vmem>>
    %dma_start3A_410 = arith.constant 0 : i32
    %dma_start3A_411 = arith.constant 0 : i32
    %dma_start3A_412 = tpu.memref_slice %arg2[%dma_start3A_410, %dma_start3A_411] : memref<652800x128xf32, #tpu.memory_space<hbm>> -> memref<652800x128xf32, #tpu.memory_space<hbm>>
    tpu.enqueue_indirect_dma source(%dma_start3A_412 : memref<652800x128xf32, #tpu.memory_space<hbm>>) target(%arg6 : memref<128x128xf32, #tpu.memory_space<vmem>>) offsets(%dma_start3A_409 : memref<128xi32, #tpu.memory_space<vmem>>) semaphore(%arg8 : memref<!tpu.dma_semaphore, #tpu.memory_space<semaphore_mem>>)
    %dma_wait3A_413 = arith.constant 2 : i32
    %dma_wait3A_414 = arith.constant 5 : i32
    %dma_wait3A_415 = arith.constant 0 : i32
    %dma_wait3A_416 = tpu.memref_slice %arg5[%dma_wait3A_413, %dma_wait3A_414, %dma_wait3A_415] : memref<4x8x128xi32, #tpu.memory_space<vmem>> -> memref<1x1x128xi32, #tpu.memory_space<vmem>>
    %dma_wait3A_417 = tpu.memref_squeeze %dma_wait3A_416 : memref<1x1x128xi32, #tpu.memory_space<vmem>> -> memref<128xi32, #tpu.memory_space<vmem>>
    %dma_wait3A_418 = arith.constant 0 : i32
    %dma_wait3A_419 = arith.constant 0 : i32
    %dma_wait3A_420 = tpu.memref_slice %arg2[%dma_wait3A_418, %dma_wait3A_419] : memref<652800x128xf32, #tpu.memory_space<hbm>> -> memref<652800x128xf32, #tpu.memory_space<hbm>>
    tpu.wait_indirect_dma semaphore(%arg9 : memref<!tpu.dma_semaphore, #tpu.memory_space<semaphore_mem>>) src(%dma_wait3A_420 : memref<652800x128xf32, #tpu.memory_space<hbm>>) dst(%arg7 : memref<128x128xf32, #tpu.memory_space<vmem>>)
    %mul3A_421 = arith.constant 128 : i32
    %mul3A_422 = arith.muli %add3A, %mul3A_421 : i32
    %run_scoped3A_423 = arith.constant 21 : i32
    "tpu.region"() ({
      %run_scoped3A_492 = tpu.sem_alloc : memref<!tpu.dma_semaphore, #tpu.memory_space<semaphore_mem>>
      %dma_start3A_493 = arith.constant 0 : i32
      %dma_start3A_494 = tpu.memref_slice %arg4[%mul3A_422, %run_scoped3A_423, %dma_start3A_493] : memref<4096x26x128xf32, #tpu.memory_space<hbm>> -> memref<128x1x128xf32, #tpu.memory_space<hbm>>
      %dma_start3A_495 = tpu.memref_squeeze %dma_start3A_494 : memref<128x1x128xf32, #tpu.memory_space<hbm>> -> memref<128x128xf32, #tpu.memory_space<hbm>>
      %dma_start3A_496 = arith.constant 0 : i32
      %dma_start3A_497 = tpu.memref_slice %arg4[%mul3A_422, %run_scoped3A_423, %dma_start3A_496] : memref<4096x26x128xf32, #tpu.memory_space<hbm>> -> memref<128x1x128xf32, #tpu.memory_space<hbm>>
      %dma_start3A_498 = tpu.memref_squeeze %dma_start3A_497 : memref<128x1x128xf32, #tpu.memory_space<hbm>> -> memref<128x128xf32, #tpu.memory_space<hbm>>
      tpu.enqueue_dma source(%arg7 : memref<128x128xf32, #tpu.memory_space<vmem>>) target(%dma_start3A_498 : memref<128x128xf32, #tpu.memory_space<hbm>>) target_semaphore(%run_scoped3A_492 : memref<!tpu.dma_semaphore, #tpu.memory_space<semaphore_mem>>)
      %dma_wait3A_499 = arith.constant 0 : i32
      %dma_wait3A_500 = tpu.memref_slice %arg4[%mul3A_422, %run_scoped3A_423, %dma_wait3A_499] : memref<4096x26x128xf32, #tpu.memory_space<hbm>> -> memref<128x1x128xf32, #tpu.memory_space<hbm>>
      %dma_wait3A_501 = tpu.memref_squeeze %dma_wait3A_500 : memref<128x1x128xf32, #tpu.memory_space<hbm>> -> memref<128x128xf32, #tpu.memory_space<hbm>>
      %dma_wait3A_502 = arith.constant 0 : i32
      %dma_wait3A_503 = tpu.memref_slice %arg4[%mul3A_422, %run_scoped3A_423, %dma_wait3A_502] : memref<4096x26x128xf32, #tpu.memory_space<hbm>> -> memref<128x1x128xf32, #tpu.memory_space<hbm>>
      %dma_wait3A_504 = tpu.memref_squeeze %dma_wait3A_503 : memref<128x1x128xf32, #tpu.memory_space<hbm>> -> memref<128x128xf32, #tpu.memory_space<hbm>>
      tpu.wait_dma2 semaphore(%run_scoped3A_492 : memref<!tpu.dma_semaphore, #tpu.memory_space<semaphore_mem>>) src(%arg7 : memref<128x128xf32, #tpu.memory_space<vmem>>) dst(%dma_wait3A_504 : memref<128x128xf32, #tpu.memory_space<hbm>>)
      tpu.yield
    }) : () -> ()
    %dma_start3A_424 = arith.constant 2 : i32
    %dma_start3A_425 = arith.constant 7 : i32
    %dma_start3A_426 = arith.constant 0 : i32
    %dma_start3A_427 = tpu.memref_slice %arg5[%dma_start3A_424, %dma_start3A_425, %dma_start3A_426] : memref<4x8x128xi32, #tpu.memory_space<vmem>> -> memref<1x1x128xi32, #tpu.memory_space<vmem>>
    %dma_start3A_428 = tpu.memref_squeeze %dma_start3A_427 : memref<1x1x128xi32, #tpu.memory_space<vmem>> -> memref<128xi32, #tpu.memory_space<vmem>>
    %dma_start3A_429 = arith.constant 0 : i32
    %dma_start3A_430 = arith.constant 0 : i32
    %dma_start3A_431 = tpu.memref_slice %arg2[%dma_start3A_429, %dma_start3A_430] : memref<652800x128xf32, #tpu.memory_space<hbm>> -> memref<652800x128xf32, #tpu.memory_space<hbm>>
    tpu.enqueue_indirect_dma source(%dma_start3A_431 : memref<652800x128xf32, #tpu.memory_space<hbm>>) target(%arg7 : memref<128x128xf32, #tpu.memory_space<vmem>>) offsets(%dma_start3A_428 : memref<128xi32, #tpu.memory_space<vmem>>) semaphore(%arg9 : memref<!tpu.dma_semaphore, #tpu.memory_space<semaphore_mem>>)
    %dma_wait3A_432 = arith.constant 2 : i32
    %dma_wait3A_433 = arith.constant 6 : i32
    %dma_wait3A_434 = arith.constant 0 : i32
    %dma_wait3A_435 = tpu.memref_slice %arg5[%dma_wait3A_432, %dma_wait3A_433, %dma_wait3A_434] : memref<4x8x128xi32, #tpu.memory_space<vmem>> -> memref<1x1x128xi32, #tpu.memory_space<vmem>>
    %dma_wait3A_436 = tpu.memref_squeeze %dma_wait3A_435 : memref<1x1x128xi32, #tpu.memory_space<vmem>> -> memref<128xi32, #tpu.memory_space<vmem>>
    %dma_wait3A_437 = arith.constant 0 : i32
    %dma_wait3A_438 = arith.constant 0 : i32
    %dma_wait3A_439 = tpu.memref_slice %arg2[%dma_wait3A_437, %dma_wait3A_438] : memref<652800x128xf32, #tpu.memory_space<hbm>> -> memref<652800x128xf32, #tpu.memory_space<hbm>>
    tpu.wait_indirect_dma semaphore(%arg8 : memref<!tpu.dma_semaphore, #tpu.memory_space<semaphore_mem>>) src(%dma_wait3A_439 : memref<652800x128xf32, #tpu.memory_space<hbm>>) dst(%arg6 : memref<128x128xf32, #tpu.memory_space<vmem>>)
    %mul3A_440 = arith.constant 128 : i32
    %mul3A_441 = arith.muli %add3A, %mul3A_440 : i32
    %run_scoped3A_442 = arith.constant 22 : i32
    "tpu.region"() ({
      %run_scoped3A_492 = tpu.sem_alloc : memref<!tpu.dma_semaphore, #tpu.memory_space<semaphore_mem>>
      %dma_start3A_493 = arith.constant 0 : i32
      %dma_start3A_494 = tpu.memref_slice %arg4[%mul3A_441, %run_scoped3A_442, %dma_start3A_493] : memref<4096x26x128xf32, #tpu.memory_space<hbm>> -> memref<128x1x128xf32, #tpu.memory_space<hbm>>
      %dma_start3A_495 = tpu.memref_squeeze %dma_start3A_494 : memref<128x1x128xf32, #tpu.memory_space<hbm>> -> memref<128x128xf32, #tpu.memory_space<hbm>>
      %dma_start3A_496 = arith.constant 0 : i32
      %dma_start3A_497 = tpu.memref_slice %arg4[%mul3A_441, %run_scoped3A_442, %dma_start3A_496] : memref<4096x26x128xf32, #tpu.memory_space<hbm>> -> memref<128x1x128xf32, #tpu.memory_space<hbm>>
      %dma_start3A_498 = tpu.memref_squeeze %dma_start3A_497 : memref<128x1x128xf32, #tpu.memory_space<hbm>> -> memref<128x128xf32, #tpu.memory_space<hbm>>
      tpu.enqueue_dma source(%arg6 : memref<128x128xf32, #tpu.memory_space<vmem>>) target(%dma_start3A_498 : memref<128x128xf32, #tpu.memory_space<hbm>>) target_semaphore(%run_scoped3A_492 : memref<!tpu.dma_semaphore, #tpu.memory_space<semaphore_mem>>)
      %dma_wait3A_499 = arith.constant 0 : i32
      %dma_wait3A_500 = tpu.memref_slice %arg4[%mul3A_441, %run_scoped3A_442, %dma_wait3A_499] : memref<4096x26x128xf32, #tpu.memory_space<hbm>> -> memref<128x1x128xf32, #tpu.memory_space<hbm>>
      %dma_wait3A_501 = tpu.memref_squeeze %dma_wait3A_500 : memref<128x1x128xf32, #tpu.memory_space<hbm>> -> memref<128x128xf32, #tpu.memory_space<hbm>>
      %dma_wait3A_502 = arith.constant 0 : i32
      %dma_wait3A_503 = tpu.memref_slice %arg4[%mul3A_441, %run_scoped3A_442, %dma_wait3A_502] : memref<4096x26x128xf32, #tpu.memory_space<hbm>> -> memref<128x1x128xf32, #tpu.memory_space<hbm>>
      %dma_wait3A_504 = tpu.memref_squeeze %dma_wait3A_503 : memref<128x1x128xf32, #tpu.memory_space<hbm>> -> memref<128x128xf32, #tpu.memory_space<hbm>>
      tpu.wait_dma2 semaphore(%run_scoped3A_492 : memref<!tpu.dma_semaphore, #tpu.memory_space<semaphore_mem>>) src(%arg6 : memref<128x128xf32, #tpu.memory_space<vmem>>) dst(%dma_wait3A_504 : memref<128x128xf32, #tpu.memory_space<hbm>>)
      tpu.yield
    }) : () -> ()
    %dma_start3A_443 = arith.constant 3 : i32
    %dma_start3A_444 = arith.constant 0 : i32
    %dma_start3A_445 = arith.constant 0 : i32
    %dma_start3A_446 = tpu.memref_slice %arg5[%dma_start3A_443, %dma_start3A_444, %dma_start3A_445] : memref<4x8x128xi32, #tpu.memory_space<vmem>> -> memref<1x1x128xi32, #tpu.memory_space<vmem>>
    %dma_start3A_447 = tpu.memref_squeeze %dma_start3A_446 : memref<1x1x128xi32, #tpu.memory_space<vmem>> -> memref<128xi32, #tpu.memory_space<vmem>>
    %dma_start3A_448 = arith.constant 0 : i32
    %dma_start3A_449 = arith.constant 0 : i32
    %dma_start3A_450 = tpu.memref_slice %arg2[%dma_start3A_448, %dma_start3A_449] : memref<652800x128xf32, #tpu.memory_space<hbm>> -> memref<652800x128xf32, #tpu.memory_space<hbm>>
    tpu.enqueue_indirect_dma source(%dma_start3A_450 : memref<652800x128xf32, #tpu.memory_space<hbm>>) target(%arg6 : memref<128x128xf32, #tpu.memory_space<vmem>>) offsets(%dma_start3A_447 : memref<128xi32, #tpu.memory_space<vmem>>) semaphore(%arg8 : memref<!tpu.dma_semaphore, #tpu.memory_space<semaphore_mem>>)
    %dma_wait3A_451 = arith.constant 2 : i32
    %dma_wait3A_452 = arith.constant 7 : i32
    %dma_wait3A_453 = arith.constant 0 : i32
    %dma_wait3A_454 = tpu.memref_slice %arg5[%dma_wait3A_451, %dma_wait3A_452, %dma_wait3A_453] : memref<4x8x128xi32, #tpu.memory_space<vmem>> -> memref<1x1x128xi32, #tpu.memory_space<vmem>>
    %dma_wait3A_455 = tpu.memref_squeeze %dma_wait3A_454 : memref<1x1x128xi32, #tpu.memory_space<vmem>> -> memref<128xi32, #tpu.memory_space<vmem>>
    %dma_wait3A_456 = arith.constant 0 : i32
    %dma_wait3A_457 = arith.constant 0 : i32
    %dma_wait3A_458 = tpu.memref_slice %arg2[%dma_wait3A_456, %dma_wait3A_457] : memref<652800x128xf32, #tpu.memory_space<hbm>> -> memref<652800x128xf32, #tpu.memory_space<hbm>>
    tpu.wait_indirect_dma semaphore(%arg9 : memref<!tpu.dma_semaphore, #tpu.memory_space<semaphore_mem>>) src(%dma_wait3A_458 : memref<652800x128xf32, #tpu.memory_space<hbm>>) dst(%arg7 : memref<128x128xf32, #tpu.memory_space<vmem>>)
    %mul3A_459 = arith.constant 128 : i32
    %mul3A_460 = arith.muli %add3A, %mul3A_459 : i32
    %run_scoped3A_461 = arith.constant 23 : i32
    "tpu.region"() ({
      %run_scoped3A_492 = tpu.sem_alloc : memref<!tpu.dma_semaphore, #tpu.memory_space<semaphore_mem>>
      %dma_start3A_493 = arith.constant 0 : i32
      %dma_start3A_494 = tpu.memref_slice %arg4[%mul3A_460, %run_scoped3A_461, %dma_start3A_493] : memref<4096x26x128xf32, #tpu.memory_space<hbm>> -> memref<128x1x128xf32, #tpu.memory_space<hbm>>
      %dma_start3A_495 = tpu.memref_squeeze %dma_start3A_494 : memref<128x1x128xf32, #tpu.memory_space<hbm>> -> memref<128x128xf32, #tpu.memory_space<hbm>>
      %dma_start3A_496 = arith.constant 0 : i32
      %dma_start3A_497 = tpu.memref_slice %arg4[%mul3A_460, %run_scoped3A_461, %dma_start3A_496] : memref<4096x26x128xf32, #tpu.memory_space<hbm>> -> memref<128x1x128xf32, #tpu.memory_space<hbm>>
      %dma_start3A_498 = tpu.memref_squeeze %dma_start3A_497 : memref<128x1x128xf32, #tpu.memory_space<hbm>> -> memref<128x128xf32, #tpu.memory_space<hbm>>
      tpu.enqueue_dma source(%arg7 : memref<128x128xf32, #tpu.memory_space<vmem>>) target(%dma_start3A_498 : memref<128x128xf32, #tpu.memory_space<hbm>>) target_semaphore(%run_scoped3A_492 : memref<!tpu.dma_semaphore, #tpu.memory_space<semaphore_mem>>)
      %dma_wait3A_499 = arith.constant 0 : i32
      %dma_wait3A_500 = tpu.memref_slice %arg4[%mul3A_460, %run_scoped3A_461, %dma_wait3A_499] : memref<4096x26x128xf32, #tpu.memory_space<hbm>> -> memref<128x1x128xf32, #tpu.memory_space<hbm>>
      %dma_wait3A_501 = tpu.memref_squeeze %dma_wait3A_500 : memref<128x1x128xf32, #tpu.memory_space<hbm>> -> memref<128x128xf32, #tpu.memory_space<hbm>>
      %dma_wait3A_502 = arith.constant 0 : i32
      %dma_wait3A_503 = tpu.memref_slice %arg4[%mul3A_460, %run_scoped3A_461, %dma_wait3A_502] : memref<4096x26x128xf32, #tpu.memory_space<hbm>> -> memref<128x1x128xf32, #tpu.memory_space<hbm>>
      %dma_wait3A_504 = tpu.memref_squeeze %dma_wait3A_503 : memref<128x1x128xf32, #tpu.memory_space<hbm>> -> memref<128x128xf32, #tpu.memory_space<hbm>>
      tpu.wait_dma2 semaphore(%run_scoped3A_492 : memref<!tpu.dma_semaphore, #tpu.memory_space<semaphore_mem>>) src(%arg7 : memref<128x128xf32, #tpu.memory_space<vmem>>) dst(%dma_wait3A_504 : memref<128x128xf32, #tpu.memory_space<hbm>>)
      tpu.yield
    }) : () -> ()
    %dma_start3A_462 = arith.constant 3 : i32
    %dma_start3A_463 = arith.constant 1 : i32
    %dma_start3A_464 = arith.constant 0 : i32
    %dma_start3A_465 = tpu.memref_slice %arg5[%dma_start3A_462, %dma_start3A_463, %dma_start3A_464] : memref<4x8x128xi32, #tpu.memory_space<vmem>> -> memref<1x1x128xi32, #tpu.memory_space<vmem>>
    %dma_start3A_466 = tpu.memref_squeeze %dma_start3A_465 : memref<1x1x128xi32, #tpu.memory_space<vmem>> -> memref<128xi32, #tpu.memory_space<vmem>>
    %dma_start3A_467 = arith.constant 0 : i32
    %dma_start3A_468 = arith.constant 0 : i32
    %dma_start3A_469 = tpu.memref_slice %arg2[%dma_start3A_467, %dma_start3A_468] : memref<652800x128xf32, #tpu.memory_space<hbm>> -> memref<652800x128xf32, #tpu.memory_space<hbm>>
    tpu.enqueue_indirect_dma source(%dma_start3A_469 : memref<652800x128xf32, #tpu.memory_space<hbm>>) target(%arg7 : memref<128x128xf32, #tpu.memory_space<vmem>>) offsets(%dma_start3A_466 : memref<128xi32, #tpu.memory_space<vmem>>) semaphore(%arg9 : memref<!tpu.dma_semaphore, #tpu.memory_space<semaphore_mem>>)
    %dma_wait3A_470 = arith.constant 3 : i32
    %dma_wait3A_471 = arith.constant 0 : i32
    %dma_wait3A_472 = arith.constant 0 : i32
    %dma_wait3A_473 = tpu.memref_slice %arg5[%dma_wait3A_470, %dma_wait3A_471, %dma_wait3A_472] : memref<4x8x128xi32, #tpu.memory_space<vmem>> -> memref<1x1x128xi32, #tpu.memory_space<vmem>>
    %dma_wait3A_474 = tpu.memref_squeeze %dma_wait3A_473 : memref<1x1x128xi32, #tpu.memory_space<vmem>> -> memref<128xi32, #tpu.memory_space<vmem>>
    %dma_wait3A_475 = arith.constant 0 : i32
    %dma_wait3A_476 = arith.constant 0 : i32
    %dma_wait3A_477 = tpu.memref_slice %arg2[%dma_wait3A_475, %dma_wait3A_476] : memref<652800x128xf32, #tpu.memory_space<hbm>> -> memref<652800x128xf32, #tpu.memory_space<hbm>>
    tpu.wait_indirect_dma semaphore(%arg8 : memref<!tpu.dma_semaphore, #tpu.memory_space<semaphore_mem>>) src(%dma_wait3A_477 : memref<652800x128xf32, #tpu.memory_space<hbm>>) dst(%arg6 : memref<128x128xf32, #tpu.memory_space<vmem>>)
    %mul3A_478 = arith.constant 128 : i32
    %mul3A_479 = arith.muli %add3A, %mul3A_478 : i32
    %run_scoped3A_480 = arith.constant 24 : i32
    "tpu.region"() ({
      %run_scoped3A_492 = tpu.sem_alloc : memref<!tpu.dma_semaphore, #tpu.memory_space<semaphore_mem>>
      %dma_start3A_493 = arith.constant 0 : i32
      %dma_start3A_494 = tpu.memref_slice %arg4[%mul3A_479, %run_scoped3A_480, %dma_start3A_493] : memref<4096x26x128xf32, #tpu.memory_space<hbm>> -> memref<128x1x128xf32, #tpu.memory_space<hbm>>
      %dma_start3A_495 = tpu.memref_squeeze %dma_start3A_494 : memref<128x1x128xf32, #tpu.memory_space<hbm>> -> memref<128x128xf32, #tpu.memory_space<hbm>>
      %dma_start3A_496 = arith.constant 0 : i32
      %dma_start3A_497 = tpu.memref_slice %arg4[%mul3A_479, %run_scoped3A_480, %dma_start3A_496] : memref<4096x26x128xf32, #tpu.memory_space<hbm>> -> memref<128x1x128xf32, #tpu.memory_space<hbm>>
      %dma_start3A_498 = tpu.memref_squeeze %dma_start3A_497 : memref<128x1x128xf32, #tpu.memory_space<hbm>> -> memref<128x128xf32, #tpu.memory_space<hbm>>
      tpu.enqueue_dma source(%arg6 : memref<128x128xf32, #tpu.memory_space<vmem>>) target(%dma_start3A_498 : memref<128x128xf32, #tpu.memory_space<hbm>>) target_semaphore(%run_scoped3A_492 : memref<!tpu.dma_semaphore, #tpu.memory_space<semaphore_mem>>)
      %dma_wait3A_499 = arith.constant 0 : i32
      %dma_wait3A_500 = tpu.memref_slice %arg4[%mul3A_479, %run_scoped3A_480, %dma_wait3A_499] : memref<4096x26x128xf32, #tpu.memory_space<hbm>> -> memref<128x1x128xf32, #tpu.memory_space<hbm>>
      %dma_wait3A_501 = tpu.memref_squeeze %dma_wait3A_500 : memref<128x1x128xf32, #tpu.memory_space<hbm>> -> memref<128x128xf32, #tpu.memory_space<hbm>>
      %dma_wait3A_502 = arith.constant 0 : i32
      %dma_wait3A_503 = tpu.memref_slice %arg4[%mul3A_479, %run_scoped3A_480, %dma_wait3A_502] : memref<4096x26x128xf32, #tpu.memory_space<hbm>> -> memref<128x1x128xf32, #tpu.memory_space<hbm>>
      %dma_wait3A_504 = tpu.memref_squeeze %dma_wait3A_503 : memref<128x1x128xf32, #tpu.memory_space<hbm>> -> memref<128x128xf32, #tpu.memory_space<hbm>>
      tpu.wait_dma2 semaphore(%run_scoped3A_492 : memref<!tpu.dma_semaphore, #tpu.memory_space<semaphore_mem>>) src(%arg6 : memref<128x128xf32, #tpu.memory_space<vmem>>) dst(%dma_wait3A_504 : memref<128x128xf32, #tpu.memory_space<hbm>>)
      tpu.yield
    }) : () -> ()
    %dma_wait3A_481 = arith.constant 3 : i32
    %dma_wait3A_482 = arith.constant 1 : i32
    %dma_wait3A_483 = arith.constant 0 : i32
    %dma_wait3A_484 = tpu.memref_slice %arg5[%dma_wait3A_481, %dma_wait3A_482, %dma_wait3A_483] : memref<4x8x128xi32, #tpu.memory_space<vmem>> -> memref<1x1x128xi32, #tpu.memory_space<vmem>>
    %dma_wait3A_485 = tpu.memref_squeeze %dma_wait3A_484 : memref<1x1x128xi32, #tpu.memory_space<vmem>> -> memref<128xi32, #tpu.memory_space<vmem>>
    %dma_wait3A_486 = arith.constant 0 : i32
    %dma_wait3A_487 = arith.constant 0 : i32
    %dma_wait3A_488 = tpu.memref_slice %arg2[%dma_wait3A_486, %dma_wait3A_487] : memref<652800x128xf32, #tpu.memory_space<hbm>> -> memref<652800x128xf32, #tpu.memory_space<hbm>>
    tpu.wait_indirect_dma semaphore(%arg9 : memref<!tpu.dma_semaphore, #tpu.memory_space<semaphore_mem>>) src(%dma_wait3A_488 : memref<652800x128xf32, #tpu.memory_space<hbm>>) dst(%arg7 : memref<128x128xf32, #tpu.memory_space<vmem>>)
    %mul3A_489 = arith.constant 128 : i32
    %mul3A_490 = arith.muli %add3A, %mul3A_489 : i32
    %run_scoped3A_491 = arith.constant 25 : i32
    "tpu.region"() ({
      %run_scoped3A_492 = tpu.sem_alloc : memref<!tpu.dma_semaphore, #tpu.memory_space<semaphore_mem>>
      %dma_start3A_493 = arith.constant 0 : i32
      %dma_start3A_494 = tpu.memref_slice %arg4[%mul3A_490, %run_scoped3A_491, %dma_start3A_493] : memref<4096x26x128xf32, #tpu.memory_space<hbm>> -> memref<128x1x128xf32, #tpu.memory_space<hbm>>
      %dma_start3A_495 = tpu.memref_squeeze %dma_start3A_494 : memref<128x1x128xf32, #tpu.memory_space<hbm>> -> memref<128x128xf32, #tpu.memory_space<hbm>>
      %dma_start3A_496 = arith.constant 0 : i32
      %dma_start3A_497 = tpu.memref_slice %arg4[%mul3A_490, %run_scoped3A_491, %dma_start3A_496] : memref<4096x26x128xf32, #tpu.memory_space<hbm>> -> memref<128x1x128xf32, #tpu.memory_space<hbm>>
      %dma_start3A_498 = tpu.memref_squeeze %dma_start3A_497 : memref<128x1x128xf32, #tpu.memory_space<hbm>> -> memref<128x128xf32, #tpu.memory_space<hbm>>
      tpu.enqueue_dma source(%arg7 : memref<128x128xf32, #tpu.memory_space<vmem>>) target(%dma_start3A_498 : memref<128x128xf32, #tpu.memory_space<hbm>>) target_semaphore(%run_scoped3A_492 : memref<!tpu.dma_semaphore, #tpu.memory_space<semaphore_mem>>)
      %dma_wait3A_499 = arith.constant 0 : i32
      %dma_wait3A_500 = tpu.memref_slice %arg4[%mul3A_490, %run_scoped3A_491, %dma_wait3A_499] : memref<4096x26x128xf32, #tpu.memory_space<hbm>> -> memref<128x1x128xf32, #tpu.memory_space<hbm>>
      %dma_wait3A_501 = tpu.memref_squeeze %dma_wait3A_500 : memref<128x1x128xf32, #tpu.memory_space<hbm>> -> memref<128x128xf32, #tpu.memory_space<hbm>>
      %dma_wait3A_502 = arith.constant 0 : i32
      %dma_wait3A_503 = tpu.memref_slice %arg4[%mul3A_490, %run_scoped3A_491, %dma_wait3A_502] : memref<4096x26x128xf32, #tpu.memory_space<hbm>> -> memref<128x1x128xf32, #tpu.memory_space<hbm>>
      %dma_wait3A_504 = tpu.memref_squeeze %dma_wait3A_503 : memref<128x1x128xf32, #tpu.memory_space<hbm>> -> memref<128x128xf32, #tpu.memory_space<hbm>>
      tpu.wait_dma2 semaphore(%run_scoped3A_492 : memref<!tpu.dma_semaphore, #tpu.memory_space<semaphore_mem>>) src(%arg7 : memref<128x128xf32, #tpu.memory_space<vmem>>) dst(%dma_wait3A_504 : memref<128x128xf32, #tpu.memory_space<hbm>>)
      tpu.yield
    }) : () -> ()
    return
  }
}

module attributes {stable_mosaic.version = 14 : i64} {
  func.func @_repack_body(%arg0: i32, %arg1: memref<32x12800xf32, #tpu.memory_space<vmem>>, %arg2: memref<3200x128xf32, #tpu.memory_space<vmem>>) attributes {dimension_semantics = [#tpu.dimension_semantics<arbitrary>], iteration_bounds = array<i64: 204>, scalar_prefetch = 0 : i64, scratch_operands = 0 : i64, tpu.core_type = #tpu.core_type<tc>, window_params = [{transform_indices = @transform_0, window_bounds = array<i64: 32, 12800>}, {transform_indices = @transform_1, window_bounds = array<i64: 3200, 128>}]} {
    %get3A = arith.constant 0 : index
    %get3A_0 = arith.constant 0 : index
    %get3A_1 = vector.load %arg1[%get3A, %get3A_0] : memref<32x12800xf32, #tpu.memory_space<vmem>>, vector<32x3200xf32>
    %transpose3A = tpu.transpose %get3A_1, [1, 0] : vector<32x3200xf32> -> vector<3200x32xf32>
    %get3A_2 = arith.constant 0 : index
    %get3A_3 = arith.constant 3200 : index
    %get3A_4 = vector.load %arg1[%get3A_2, %get3A_3] : memref<32x12800xf32, #tpu.memory_space<vmem>>, vector<32x3200xf32>
    %transpose3A_5 = tpu.transpose %get3A_4, [1, 0] : vector<32x3200xf32> -> vector<3200x32xf32>
    %get3A_6 = arith.constant 0 : index
    %get3A_7 = arith.constant 6400 : index
    %get3A_8 = vector.load %arg1[%get3A_6, %get3A_7] : memref<32x12800xf32, #tpu.memory_space<vmem>>, vector<32x3200xf32>
    %transpose3A_9 = tpu.transpose %get3A_8, [1, 0] : vector<32x3200xf32> -> vector<3200x32xf32>
    %get3A_10 = arith.constant 0 : index
    %get3A_11 = arith.constant 9600 : index
    %get3A_12 = vector.load %arg1[%get3A_10, %get3A_11] : memref<32x12800xf32, #tpu.memory_space<vmem>>, vector<32x3200xf32>
    %transpose3A_13 = tpu.transpose %get3A_12, [1, 0] : vector<32x3200xf32> -> vector<3200x32xf32>
    %concatenate3A = tpu.concatenate %transpose3A, %transpose3A_5, %transpose3A_9, %transpose3A_13 in 1 : vector<3200x32xf32>, vector<3200x32xf32>, vector<3200x32xf32>, vector<3200x32xf32> -> vector<3200x128xf32>
    %swap3A = arith.constant 0 : index
    %swap3A_14 = arith.constant 0 : index
    %swap3A_15 = vector.load %arg2[%swap3A, %swap3A_14] : memref<3200x128xf32, #tpu.memory_space<vmem>>, vector<3200x128xf32>
    tpu.vector_store %arg2[%swap3A, %swap3A_14], %concatenate3A {strides = array<i32>} : memref<3200x128xf32, #tpu.memory_space<vmem>>, vector<3200x128xf32>,
    return
  }
  func.func @transform_0(%arg0: i32) -> (i32, i32) {
    %c0_i32 = arith.constant 0 : i32
    %c0_i32_0 = arith.constant 0 : i32
    return %c0_i32, %arg0 : i32, i32
  }
  func.func @transform_1(%arg0: i32) -> (i32, i32) {
    %c0_i32 = arith.constant 0 : i32
    %c0_i32_0 = arith.constant 0 : i32
    return %arg0, %c0_i32 : i32, i32
  }
}

module attributes {stable_mosaic.version = 14 : i64} {
  func.func @_tc_body(%arg0: i32, %arg1: memref<512x13xf32, #tpu.memory_space<vmem>>, %arg2: memref<512x26x128xf32, #tpu.memory_space<vmem>>, %arg3: memref<4x4x8x128xi32, #tpu.memory_space<vmem>>, %arg4: memref<13x512xf32, #tpu.memory_space<vmem>>, %arg5: memref<1x512xf32, #tpu.memory_space<vmem>>, %arg6: memref<512x256xf32, #tpu.memory_space<vmem>>, %arg7: memref<1x256xf32, #tpu.memory_space<vmem>>, %arg8: memref<256x32xf32, #tpu.memory_space<vmem>>, %arg9: memref<1x32xf32, #tpu.memory_space<vmem>>, %arg10: memref<32x512xf32, #tpu.memory_space<vmem>>, %arg11: memref<27x27x512xf32, #tpu.memory_space<vmem>>, %arg12: memref<1x512xf32, #tpu.memory_space<vmem>>, %arg13: memref<512x512xf32, #tpu.memory_space<vmem>>, %arg14: memref<1x512xf32, #tpu.memory_space<vmem>>, %arg15: memref<512x256xf32, #tpu.memory_space<vmem>>, %arg16: memref<1x256xf32, #tpu.memory_space<vmem>>, %arg17: memref<256x1xf32, #tpu.memory_space<vmem>>, %arg18: memref<1x1xf32, #tpu.memory_space<vmem>>, %arg19: memref<512x1xf32, #tpu.memory_space<vmem>>) attributes {dimension_semantics = [#tpu.dimension_semantics<arbitrary>], iteration_bounds = array<i64: 8>, scalar_prefetch = 0 : i64, scratch_operands = 0 : i64, tpu.core_type = #tpu.core_type<tc>, window_params = [{transform_indices = @transform_0, window_bounds = array<i64: 512, 13>}, {transform_indices = @transform_1, window_bounds = array<i64: 512, 26, 128>}, {transform_indices = @transform_2, window_bounds = array<i64: 4, 4, 8, 128>}, {pipeline_mode = #tpu.pipeline_mode<synchronous>, transform_indices = @transform_3, window_bounds = array<i64: 13, 512>}, {pipeline_mode = #tpu.pipeline_mode<synchronous>, transform_indices = @transform_4, window_bounds = array<i64: 1, 512>}, {pipeline_mode = #tpu.pipeline_mode<synchronous>, transform_indices = @transform_5, window_bounds = array<i64: 512, 256>}, {pipeline_mode = #tpu.pipeline_mode<synchronous>, transform_indices = @transform_6, window_bounds = array<i64: 1, 256>}, {pipeline_mode = #tpu.pipeline_mode<synchronous>, transform_indices = @transform_7, window_bounds = array<i64: 256, 32>}, {pipeline_mode = #tpu.pipeline_mode<synchronous>, transform_indices = @transform_8, window_bounds = array<i64: 1, 32>}, {pipeline_mode = #tpu.pipeline_mode<synchronous>, transform_indices = @transform_9, window_bounds = array<i64: 32, 512>}, {pipeline_mode = #tpu.pipeline_mode<synchronous>, transform_indices = @transform_10, window_bounds = array<i64: 27, 27, 512>}, {pipeline_mode = #tpu.pipeline_mode<synchronous>, transform_indices = @transform_11, window_bounds = array<i64: 1, 512>}, {pipeline_mode = #tpu.pipeline_mode<synchronous>, transform_indices = @transform_12, window_bounds = array<i64: 512, 512>}, {pipeline_mode = #tpu.pipeline_mode<synchronous>, transform_indices = @transform_13, window_bounds = array<i64: 1, 512>}, {pipeline_mode = #tpu.pipeline_mode<synchronous>, transform_indices = @transform_14, window_bounds = array<i64: 512, 256>}, {pipeline_mode = #tpu.pipeline_mode<synchronous>, transform_indices = @transform_15, window_bounds = array<i64: 1, 256>}, {pipeline_mode = #tpu.pipeline_mode<synchronous>, transform_indices = @transform_16, window_bounds = array<i64: 256, 1>}, {pipeline_mode = #tpu.pipeline_mode<synchronous>, transform_indices = @transform_17, window_bounds = array<i64: 1, 1>}, {transform_indices = @transform_18, window_bounds = array<i64: 512, 1>}]} {
    %get3A = arith.constant 0 : index
    %get3A_0 = arith.constant 0 : index
    %get3A_1 = vector.load %arg1[%get3A, %get3A_0] : memref<512x13xf32, #tpu.memory_space<vmem>>, vector<512x13xf32>
    %get3A_2 = arith.constant 0 : index
    %get3A_3 = arith.constant 0 : index
    %get3A_4 = vector.load %arg4[%get3A_2, %get3A_3] : memref<13x512xf32, #tpu.memory_space<vmem>>, vector<13x512xf32>
    %dot_general3A = arith.constant dense<0.000000e+00> : vector<512x512xf32>
    %dot_general3A_5 = tpu.matmul %get3A_1, %get3A_4, %dot_general3A {dimension_numbers = #tpu.dot_dimension_numbers<[1], [0], [0], [1], [0, 0, 1, 1], [], []>, transpose_lhs_hint = false} : vector<512x13xf32>, vector<13x512xf32>, vector<512x512xf32> -> vector<512x512xf32>
    %get3A_6 = arith.constant 0 : index
    %get3A_7 = arith.constant 0 : index
    %get3A_8 = vector.load %arg5[%get3A_6, %get3A_7] : memref<1x512xf32, #tpu.memory_space<vmem>>, vector<1x512xf32>
    %add3A = vector.broadcast %get3A_8 : vector<1x512xf32> to vector<512x512xf32>
    %add3A_9 = arith.addf %dot_general3A_5, %add3A : vector<512x512xf32>
    %max3A = arith.constant 0.000000e+00 : f32
    %max3A_10 = vector.broadcast %max3A : f32 to vector<512x512xf32>
    %max3A_11 = arith.maximumf %add3A_9, %max3A_10 : vector<512x512xf32>
    %get3A_12 = arith.constant 0 : index
    %get3A_13 = arith.constant 0 : index
    %get3A_14 = vector.load %arg6[%get3A_12, %get3A_13] : memref<512x256xf32, #tpu.memory_space<vmem>>, vector<512x256xf32>
    %dot_general3A_15 = arith.constant dense<0.000000e+00> : vector<512x256xf32>
    %dot_general3A_16 = tpu.matmul %max3A_11, %get3A_14, %dot_general3A_15 {dimension_numbers = #tpu.dot_dimension_numbers<[1], [0], [0], [1], [0, 0, 1, 1], [], []>, transpose_lhs_hint = false} : vector<512x512xf32>, vector<512x256xf32>, vector<512x256xf32> -> vector<512x256xf32>
    %get3A_17 = arith.constant 0 : index
    %get3A_18 = arith.constant 0 : index
    %get3A_19 = vector.load %arg7[%get3A_17, %get3A_18] : memref<1x256xf32, #tpu.memory_space<vmem>>, vector<1x256xf32>
    %add3A_20 = vector.broadcast %get3A_19 : vector<1x256xf32> to vector<512x256xf32>
    %add3A_21 = arith.addf %dot_general3A_16, %add3A_20 : vector<512x256xf32>
    %max3A_22 = arith.constant 0.000000e+00 : f32
    %max3A_23 = vector.broadcast %max3A_22 : f32 to vector<512x256xf32>
    %max3A_24 = arith.maximumf %add3A_21, %max3A_23 : vector<512x256xf32>
    %get3A_25 = arith.constant 0 : index
    %get3A_26 = arith.constant 0 : index
    %get3A_27 = vector.load %arg8[%get3A_25, %get3A_26] : memref<256x32xf32, #tpu.memory_space<vmem>>, vector<256x32xf32>
    %dot_general3A_28 = arith.constant dense<0.000000e+00> : vector<512x32xf32>
    %dot_general3A_29 = tpu.matmul %max3A_24, %get3A_27, %dot_general3A_28 {dimension_numbers = #tpu.dot_dimension_numbers<[1], [0], [0], [1], [0, 0, 1, 1], [], []>, transpose_lhs_hint = false} : vector<512x256xf32>, vector<256x32xf32>, vector<512x32xf32> -> vector<512x32xf32>
    %get3A_30 = arith.constant 0 : index
    %get3A_31 = arith.constant 0 : index
    %get3A_32 = vector.load %arg9[%get3A_30, %get3A_31] : memref<1x32xf32, #tpu.memory_space<vmem>>, vector<1x32xf32>
    %add3A_33 = vector.broadcast %get3A_32 : vector<1x32xf32> to vector<512x32xf32>
    %add3A_34 = arith.addf %dot_general3A_29, %add3A_33 : vector<512x32xf32>
    %max3A_35 = arith.constant 0.000000e+00 : f32
    %max3A_36 = vector.broadcast %max3A_35 : f32 to vector<512x32xf32>
    %max3A_37 = arith.maximumf %add3A_34, %max3A_36 : vector<512x32xf32>
    %get3A_38 = arith.constant 0 : index
    %get3A_39 = arith.constant 0 : index
    %get3A_40 = arith.constant 0 : index
    %get3A_41 = vector.load %arg2[%get3A_38, %get3A_39, %get3A_40] : memref<512x26x128xf32, #tpu.memory_space<vmem>>, vector<512x1x128xf32>
    %get3A_42 = vector.shape_cast %get3A_41 : vector<512x1x128xf32> to vector<512x128xf32>
    %get3A_43 = arith.constant 0 : index
    %get3A_44 = arith.constant 0 : index
    %get3A_45 = arith.constant 0 : index
    %get3A_46 = arith.constant 0 : index
    %get3A_47 = vector.load %arg3[%get3A_43, %get3A_44, %get3A_45, %get3A_46] : memref<4x4x8x128xi32, #tpu.memory_space<vmem>>, vector<1x1x1x128xi32>
    %get3A_48 = vector.shape_cast %get3A_47 : vector<1x1x1x128xi32> to vector<128xi32>
    %reshape3A = vector.shape_cast %get3A_48 : vector<128xi32> to vector<1x128xi32>
    %transpose3A = tpu.transpose %reshape3A, [1, 0] : vector<1x128xi32> -> vector<128x1xi32>
    %get3A_49 = arith.constant 0 : index
    %get3A_50 = arith.constant 1 : index
    %get3A_51 = arith.constant 0 : index
    %get3A_52 = arith.constant 0 : index
    %get3A_53 = vector.load %arg3[%get3A_49, %get3A_50, %get3A_51, %get3A_52] : memref<4x4x8x128xi32, #tpu.memory_space<vmem>>, vector<1x1x1x128xi32>
    %get3A_54 = vector.shape_cast %get3A_53 : vector<1x1x1x128xi32> to vector<128xi32>
    %reshape3A_55 = vector.shape_cast %get3A_54 : vector<128xi32> to vector<1x128xi32>
    %transpose3A_56 = tpu.transpose %reshape3A_55, [1, 0] : vector<1x128xi32> -> vector<128x1xi32>
    %get3A_57 = arith.constant 0 : index
    %get3A_58 = arith.constant 2 : index
    %get3A_59 = arith.constant 0 : index
    %get3A_60 = arith.constant 0 : index
    %get3A_61 = vector.load %arg3[%get3A_57, %get3A_58, %get3A_59, %get3A_60] : memref<4x4x8x128xi32, #tpu.memory_space<vmem>>, vector<1x1x1x128xi32>
    %get3A_62 = vector.shape_cast %get3A_61 : vector<1x1x1x128xi32> to vector<128xi32>
    %reshape3A_63 = vector.shape_cast %get3A_62 : vector<128xi32> to vector<1x128xi32>
    %transpose3A_64 = tpu.transpose %reshape3A_63, [1, 0] : vector<1x128xi32> -> vector<128x1xi32>
    %get3A_65 = arith.constant 0 : index
    %get3A_66 = arith.constant 3 : index
    %get3A_67 = arith.constant 0 : index
    %get3A_68 = arith.constant 0 : index
    %get3A_69 = vector.load %arg3[%get3A_65, %get3A_66, %get3A_67, %get3A_68] : memref<4x4x8x128xi32, #tpu.memory_space<vmem>>, vector<1x1x1x128xi32>
    %get3A_70 = vector.shape_cast %get3A_69 : vector<1x1x1x128xi32> to vector<128xi32>
    %reshape3A_71 = vector.shape_cast %get3A_70 : vector<128xi32> to vector<1x128xi32>
    %transpose3A_72 = tpu.transpose %reshape3A_71, [1, 0] : vector<1x128xi32> -> vector<128x1xi32>
    %concatenate3A = tpu.concatenate %transpose3A, %transpose3A_56, %transpose3A_64, %transpose3A_72 in 0 : vector<128x1xi32>, vector<128x1xi32>, vector<128x1xi32>, vector<128x1xi32> -> vector<512x1xi32>
    %eq3A = arith.constant 0 : i32
    %eq3A_73 = vector.broadcast %eq3A : i32 to vector<512x1xi32>
    %eq3A_74 = arith.cmpi eq, %concatenate3A, %eq3A_73 : vector<512x1xi32>
    %slice3A = vector.extract_strided_slice %get3A_42 {offsets = [0, 0], sizes = [512, 32], strides = [1, 1]} : vector<512x128xf32> to vector<512x32xf32>
    %eq3A_75 = arith.constant 1 : i32
    %eq3A_76 = vector.broadcast %eq3A_75 : i32 to vector<512x1xi32>
    %eq3A_77 = arith.cmpi eq, %concatenate3A, %eq3A_76 : vector<512x1xi32>
    %slice3A_78 = vector.extract_strided_slice %get3A_42 {offsets = [0, 32], sizes = [512, 32], strides = [1, 1]} : vector<512x128xf32> to vector<512x32xf32>
    %eq3A_79 = arith.constant 2 : i32
    %eq3A_80 = vector.broadcast %eq3A_79 : i32 to vector<512x1xi32>
    %eq3A_81 = arith.cmpi eq, %concatenate3A, %eq3A_80 : vector<512x1xi32>
    %slice3A_82 = vector.extract_strided_slice %get3A_42 {offsets = [0, 64], sizes = [512, 32], strides = [1, 1]} : vector<512x128xf32> to vector<512x32xf32>
    %slice3A_83 = vector.extract_strided_slice %get3A_42 {offsets = [0, 96], sizes = [512, 32], strides = [1, 1]} : vector<512x128xf32> to vector<512x32xf32>
    %broadcast_in_dim3A = vector.shape_cast %eq3A_81 : vector<512x1xi1> to vector<512x1xi1>
    %broadcast_in_dim3A_84 = vector.broadcast %broadcast_in_dim3A : vector<512x1xi1> to vector<512x32xi1>
    %select_n3A = arith.select %broadcast_in_dim3A_84, %slice3A_82, %slice3A_83 : vector<512x32xi1>, vector<512x32xf32>
    %broadcast_in_dim3A_85 = vector.shape_cast %eq3A_77 : vector<512x1xi1> to vector<512x1xi1>
    %broadcast_in_dim3A_86 = vector.broadcast %broadcast_in_dim3A_85 : vector<512x1xi1> to vector<512x32xi1>
    %select_n3A_87 = arith.select %broadcast_in_dim3A_86, %slice3A_78, %select_n3A : vector<512x32xi1>, vector<512x32xf32>
    %broadcast_in_dim3A_88 = vector.shape_cast %eq3A_74 : vector<512x1xi1> to vector<512x1xi1>
    %broadcast_in_dim3A_89 = vector.broadcast %broadcast_in_dim3A_88 : vector<512x1xi1> to vector<512x32xi1>
    %select_n3A_90 = arith.select %broadcast_in_dim3A_89, %slice3A, %select_n3A_87 : vector<512x32xi1>, vector<512x32xf32>
    %get3A_91 = arith.constant 0 : index
    %get3A_92 = arith.constant 1 : index
    %get3A_93 = arith.constant 0 : index
    %get3A_94 = vector.load %arg2[%get3A_91, %get3A_92, %get3A_93] : memref<512x26x128xf32, #tpu.memory_space<vmem>>, vector<512x1x128xf32>
    %get3A_95 = vector.shape_cast %get3A_94 : vector<512x1x128xf32> to vector<512x128xf32>
    %get3A_96 = arith.constant 0 : index
    %get3A_97 = arith.constant 0 : index
    %get3A_98 = arith.constant 1 : index
    %get3A_99 = arith.constant 0 : index
    %get3A_100 = vector.load %arg3[%get3A_96, %get3A_97, %get3A_98, %get3A_99] : memref<4x4x8x128xi32, #tpu.memory_space<vmem>>, vector<1x1x1x128xi32>
    %get3A_101 = vector.shape_cast %get3A_100 : vector<1x1x1x128xi32> to vector<128xi32>
    %reshape3A_102 = vector.shape_cast %get3A_101 : vector<128xi32> to vector<1x128xi32>
    %transpose3A_103 = tpu.transpose %reshape3A_102, [1, 0] : vector<1x128xi32> -> vector<128x1xi32>
    %get3A_104 = arith.constant 0 : index
    %get3A_105 = arith.constant 1 : index
    %get3A_106 = arith.constant 1 : index
    %get3A_107 = arith.constant 0 : index
    %get3A_108 = vector.load %arg3[%get3A_104, %get3A_105, %get3A_106, %get3A_107] : memref<4x4x8x128xi32, #tpu.memory_space<vmem>>, vector<1x1x1x128xi32>
    %get3A_109 = vector.shape_cast %get3A_108 : vector<1x1x1x128xi32> to vector<128xi32>
    %reshape3A_110 = vector.shape_cast %get3A_109 : vector<128xi32> to vector<1x128xi32>
    %transpose3A_111 = tpu.transpose %reshape3A_110, [1, 0] : vector<1x128xi32> -> vector<128x1xi32>
    %get3A_112 = arith.constant 0 : index
    %get3A_113 = arith.constant 2 : index
    %get3A_114 = arith.constant 1 : index
    %get3A_115 = arith.constant 0 : index
    %get3A_116 = vector.load %arg3[%get3A_112, %get3A_113, %get3A_114, %get3A_115] : memref<4x4x8x128xi32, #tpu.memory_space<vmem>>, vector<1x1x1x128xi32>
    %get3A_117 = vector.shape_cast %get3A_116 : vector<1x1x1x128xi32> to vector<128xi32>
    %reshape3A_118 = vector.shape_cast %get3A_117 : vector<128xi32> to vector<1x128xi32>
    %transpose3A_119 = tpu.transpose %reshape3A_118, [1, 0] : vector<1x128xi32> -> vector<128x1xi32>
    %get3A_120 = arith.constant 0 : index
    %get3A_121 = arith.constant 3 : index
    %get3A_122 = arith.constant 1 : index
    %get3A_123 = arith.constant 0 : index
    %get3A_124 = vector.load %arg3[%get3A_120, %get3A_121, %get3A_122, %get3A_123] : memref<4x4x8x128xi32, #tpu.memory_space<vmem>>, vector<1x1x1x128xi32>
    %get3A_125 = vector.shape_cast %get3A_124 : vector<1x1x1x128xi32> to vector<128xi32>
    %reshape3A_126 = vector.shape_cast %get3A_125 : vector<128xi32> to vector<1x128xi32>
    %transpose3A_127 = tpu.transpose %reshape3A_126, [1, 0] : vector<1x128xi32> -> vector<128x1xi32>
    %concatenate3A_128 = tpu.concatenate %transpose3A_103, %transpose3A_111, %transpose3A_119, %transpose3A_127 in 0 : vector<128x1xi32>, vector<128x1xi32>, vector<128x1xi32>, vector<128x1xi32> -> vector<512x1xi32>
    %eq3A_129 = arith.constant 0 : i32
    %eq3A_130 = vector.broadcast %eq3A_129 : i32 to vector<512x1xi32>
    %eq3A_131 = arith.cmpi eq, %concatenate3A_128, %eq3A_130 : vector<512x1xi32>
    %slice3A_132 = vector.extract_strided_slice %get3A_95 {offsets = [0, 0], sizes = [512, 32], strides = [1, 1]} : vector<512x128xf32> to vector<512x32xf32>
    %eq3A_133 = arith.constant 1 : i32
    %eq3A_134 = vector.broadcast %eq3A_133 : i32 to vector<512x1xi32>
    %eq3A_135 = arith.cmpi eq, %concatenate3A_128, %eq3A_134 : vector<512x1xi32>
    %slice3A_136 = vector.extract_strided_slice %get3A_95 {offsets = [0, 32], sizes = [512, 32], strides = [1, 1]} : vector<512x128xf32> to vector<512x32xf32>
    %eq3A_137 = arith.constant 2 : i32
    %eq3A_138 = vector.broadcast %eq3A_137 : i32 to vector<512x1xi32>
    %eq3A_139 = arith.cmpi eq, %concatenate3A_128, %eq3A_138 : vector<512x1xi32>
    %slice3A_140 = vector.extract_strided_slice %get3A_95 {offsets = [0, 64], sizes = [512, 32], strides = [1, 1]} : vector<512x128xf32> to vector<512x32xf32>
    %slice3A_141 = vector.extract_strided_slice %get3A_95 {offsets = [0, 96], sizes = [512, 32], strides = [1, 1]} : vector<512x128xf32> to vector<512x32xf32>
    %broadcast_in_dim3A_142 = vector.shape_cast %eq3A_139 : vector<512x1xi1> to vector<512x1xi1>
    %broadcast_in_dim3A_143 = vector.broadcast %broadcast_in_dim3A_142 : vector<512x1xi1> to vector<512x32xi1>
    %select_n3A_144 = arith.select %broadcast_in_dim3A_143, %slice3A_140, %slice3A_141 : vector<512x32xi1>, vector<512x32xf32>
    %broadcast_in_dim3A_145 = vector.shape_cast %eq3A_135 : vector<512x1xi1> to vector<512x1xi1>
    %broadcast_in_dim3A_146 = vector.broadcast %broadcast_in_dim3A_145 : vector<512x1xi1> to vector<512x32xi1>
    %select_n3A_147 = arith.select %broadcast_in_dim3A_146, %slice3A_136, %select_n3A_144 : vector<512x32xi1>, vector<512x32xf32>
    %broadcast_in_dim3A_148 = vector.shape_cast %eq3A_131 : vector<512x1xi1> to vector<512x1xi1>
    %broadcast_in_dim3A_149 = vector.broadcast %broadcast_in_dim3A_148 : vector<512x1xi1> to vector<512x32xi1>
    %select_n3A_150 = arith.select %broadcast_in_dim3A_149, %slice3A_132, %select_n3A_147 : vector<512x32xi1>, vector<512x32xf32>
    %get3A_151 = arith.constant 0 : index
    %get3A_152 = arith.constant 2 : index
    %get3A_153 = arith.constant 0 : index
    %get3A_154 = vector.load %arg2[%get3A_151, %get3A_152, %get3A_153] : memref<512x26x128xf32, #tpu.memory_space<vmem>>, vector<512x1x128xf32>
    %get3A_155 = vector.shape_cast %get3A_154 : vector<512x1x128xf32> to vector<512x128xf32>
    %get3A_156 = arith.constant 0 : index
    %get3A_157 = arith.constant 0 : index
    %get3A_158 = arith.constant 2 : index
    %get3A_159 = arith.constant 0 : index
    %get3A_160 = vector.load %arg3[%get3A_156, %get3A_157, %get3A_158, %get3A_159] : memref<4x4x8x128xi32, #tpu.memory_space<vmem>>, vector<1x1x1x128xi32>
    %get3A_161 = vector.shape_cast %get3A_160 : vector<1x1x1x128xi32> to vector<128xi32>
    %reshape3A_162 = vector.shape_cast %get3A_161 : vector<128xi32> to vector<1x128xi32>
    %transpose3A_163 = tpu.transpose %reshape3A_162, [1, 0] : vector<1x128xi32> -> vector<128x1xi32>
    %get3A_164 = arith.constant 0 : index
    %get3A_165 = arith.constant 1 : index
    %get3A_166 = arith.constant 2 : index
    %get3A_167 = arith.constant 0 : index
    %get3A_168 = vector.load %arg3[%get3A_164, %get3A_165, %get3A_166, %get3A_167] : memref<4x4x8x128xi32, #tpu.memory_space<vmem>>, vector<1x1x1x128xi32>
    %get3A_169 = vector.shape_cast %get3A_168 : vector<1x1x1x128xi32> to vector<128xi32>
    %reshape3A_170 = vector.shape_cast %get3A_169 : vector<128xi32> to vector<1x128xi32>
    %transpose3A_171 = tpu.transpose %reshape3A_170, [1, 0] : vector<1x128xi32> -> vector<128x1xi32>
    %get3A_172 = arith.constant 0 : index
    %get3A_173 = arith.constant 2 : index
    %get3A_174 = arith.constant 2 : index
    %get3A_175 = arith.constant 0 : index
    %get3A_176 = vector.load %arg3[%get3A_172, %get3A_173, %get3A_174, %get3A_175] : memref<4x4x8x128xi32, #tpu.memory_space<vmem>>, vector<1x1x1x128xi32>
    %get3A_177 = vector.shape_cast %get3A_176 : vector<1x1x1x128xi32> to vector<128xi32>
    %reshape3A_178 = vector.shape_cast %get3A_177 : vector<128xi32> to vector<1x128xi32>
    %transpose3A_179 = tpu.transpose %reshape3A_178, [1, 0] : vector<1x128xi32> -> vector<128x1xi32>
    %get3A_180 = arith.constant 0 : index
    %get3A_181 = arith.constant 3 : index
    %get3A_182 = arith.constant 2 : index
    %get3A_183 = arith.constant 0 : index
    %get3A_184 = vector.load %arg3[%get3A_180, %get3A_181, %get3A_182, %get3A_183] : memref<4x4x8x128xi32, #tpu.memory_space<vmem>>, vector<1x1x1x128xi32>
    %get3A_185 = vector.shape_cast %get3A_184 : vector<1x1x1x128xi32> to vector<128xi32>
    %reshape3A_186 = vector.shape_cast %get3A_185 : vector<128xi32> to vector<1x128xi32>
    %transpose3A_187 = tpu.transpose %reshape3A_186, [1, 0] : vector<1x128xi32> -> vector<128x1xi32>
    %concatenate3A_188 = tpu.concatenate %transpose3A_163, %transpose3A_171, %transpose3A_179, %transpose3A_187 in 0 : vector<128x1xi32>, vector<128x1xi32>, vector<128x1xi32>, vector<128x1xi32> -> vector<512x1xi32>
    %eq3A_189 = arith.constant 0 : i32
    %eq3A_190 = vector.broadcast %eq3A_189 : i32 to vector<512x1xi32>
    %eq3A_191 = arith.cmpi eq, %concatenate3A_188, %eq3A_190 : vector<512x1xi32>
    %slice3A_192 = vector.extract_strided_slice %get3A_155 {offsets = [0, 0], sizes = [512, 32], strides = [1, 1]} : vector<512x128xf32> to vector<512x32xf32>
    %eq3A_193 = arith.constant 1 : i32
    %eq3A_194 = vector.broadcast %eq3A_193 : i32 to vector<512x1xi32>
    %eq3A_195 = arith.cmpi eq, %concatenate3A_188, %eq3A_194 : vector<512x1xi32>
    %slice3A_196 = vector.extract_strided_slice %get3A_155 {offsets = [0, 32], sizes = [512, 32], strides = [1, 1]} : vector<512x128xf32> to vector<512x32xf32>
    %eq3A_197 = arith.constant 2 : i32
    %eq3A_198 = vector.broadcast %eq3A_197 : i32 to vector<512x1xi32>
    %eq3A_199 = arith.cmpi eq, %concatenate3A_188, %eq3A_198 : vector<512x1xi32>
    %slice3A_200 = vector.extract_strided_slice %get3A_155 {offsets = [0, 64], sizes = [512, 32], strides = [1, 1]} : vector<512x128xf32> to vector<512x32xf32>
    %slice3A_201 = vector.extract_strided_slice %get3A_155 {offsets = [0, 96], sizes = [512, 32], strides = [1, 1]} : vector<512x128xf32> to vector<512x32xf32>
    %broadcast_in_dim3A_202 = vector.shape_cast %eq3A_199 : vector<512x1xi1> to vector<512x1xi1>
    %broadcast_in_dim3A_203 = vector.broadcast %broadcast_in_dim3A_202 : vector<512x1xi1> to vector<512x32xi1>
    %select_n3A_204 = arith.select %broadcast_in_dim3A_203, %slice3A_200, %slice3A_201 : vector<512x32xi1>, vector<512x32xf32>
    %broadcast_in_dim3A_205 = vector.shape_cast %eq3A_195 : vector<512x1xi1> to vector<512x1xi1>
    %broadcast_in_dim3A_206 = vector.broadcast %broadcast_in_dim3A_205 : vector<512x1xi1> to vector<512x32xi1>
    %select_n3A_207 = arith.select %broadcast_in_dim3A_206, %slice3A_196, %select_n3A_204 : vector<512x32xi1>, vector<512x32xf32>
    %broadcast_in_dim3A_208 = vector.shape_cast %eq3A_191 : vector<512x1xi1> to vector<512x1xi1>
    %broadcast_in_dim3A_209 = vector.broadcast %broadcast_in_dim3A_208 : vector<512x1xi1> to vector<512x32xi1>
    %select_n3A_210 = arith.select %broadcast_in_dim3A_209, %slice3A_192, %select_n3A_207 : vector<512x32xi1>, vector<512x32xf32>
    %get3A_211 = arith.constant 0 : index
    %get3A_212 = arith.constant 3 : index
    %get3A_213 = arith.constant 0 : index
    %get3A_214 = vector.load %arg2[%get3A_211, %get3A_212, %get3A_213] : memref<512x26x128xf32, #tpu.memory_space<vmem>>, vector<512x1x128xf32>
    %get3A_215 = vector.shape_cast %get3A_214 : vector<512x1x128xf32> to vector<512x128xf32>
    %get3A_216 = arith.constant 0 : index
    %get3A_217 = arith.constant 0 : index
    %get3A_218 = arith.constant 3 : index
    %get3A_219 = arith.constant 0 : index
    %get3A_220 = vector.load %arg3[%get3A_216, %get3A_217, %get3A_218, %get3A_219] : memref<4x4x8x128xi32, #tpu.memory_space<vmem>>, vector<1x1x1x128xi32>
    %get3A_221 = vector.shape_cast %get3A_220 : vector<1x1x1x128xi32> to vector<128xi32>
    %reshape3A_222 = vector.shape_cast %get3A_221 : vector<128xi32> to vector<1x128xi32>
    %transpose3A_223 = tpu.transpose %reshape3A_222, [1, 0] : vector<1x128xi32> -> vector<128x1xi32>
    %get3A_224 = arith.constant 0 : index
    %get3A_225 = arith.constant 1 : index
    %get3A_226 = arith.constant 3 : index
    %get3A_227 = arith.constant 0 : index
    %get3A_228 = vector.load %arg3[%get3A_224, %get3A_225, %get3A_226, %get3A_227] : memref<4x4x8x128xi32, #tpu.memory_space<vmem>>, vector<1x1x1x128xi32>
    %get3A_229 = vector.shape_cast %get3A_228 : vector<1x1x1x128xi32> to vector<128xi32>
    %reshape3A_230 = vector.shape_cast %get3A_229 : vector<128xi32> to vector<1x128xi32>
    %transpose3A_231 = tpu.transpose %reshape3A_230, [1, 0] : vector<1x128xi32> -> vector<128x1xi32>
    %get3A_232 = arith.constant 0 : index
    %get3A_233 = arith.constant 2 : index
    %get3A_234 = arith.constant 3 : index
    %get3A_235 = arith.constant 0 : index
    %get3A_236 = vector.load %arg3[%get3A_232, %get3A_233, %get3A_234, %get3A_235] : memref<4x4x8x128xi32, #tpu.memory_space<vmem>>, vector<1x1x1x128xi32>
    %get3A_237 = vector.shape_cast %get3A_236 : vector<1x1x1x128xi32> to vector<128xi32>
    %reshape3A_238 = vector.shape_cast %get3A_237 : vector<128xi32> to vector<1x128xi32>
    %transpose3A_239 = tpu.transpose %reshape3A_238, [1, 0] : vector<1x128xi32> -> vector<128x1xi32>
    %get3A_240 = arith.constant 0 : index
    %get3A_241 = arith.constant 3 : index
    %get3A_242 = arith.constant 3 : index
    %get3A_243 = arith.constant 0 : index
    %get3A_244 = vector.load %arg3[%get3A_240, %get3A_241, %get3A_242, %get3A_243] : memref<4x4x8x128xi32, #tpu.memory_space<vmem>>, vector<1x1x1x128xi32>
    %get3A_245 = vector.shape_cast %get3A_244 : vector<1x1x1x128xi32> to vector<128xi32>
    %reshape3A_246 = vector.shape_cast %get3A_245 : vector<128xi32> to vector<1x128xi32>
    %transpose3A_247 = tpu.transpose %reshape3A_246, [1, 0] : vector<1x128xi32> -> vector<128x1xi32>
    %concatenate3A_248 = tpu.concatenate %transpose3A_223, %transpose3A_231, %transpose3A_239, %transpose3A_247 in 0 : vector<128x1xi32>, vector<128x1xi32>, vector<128x1xi32>, vector<128x1xi32> -> vector<512x1xi32>
    %eq3A_249 = arith.constant 0 : i32
    %eq3A_250 = vector.broadcast %eq3A_249 : i32 to vector<512x1xi32>
    %eq3A_251 = arith.cmpi eq, %concatenate3A_248, %eq3A_250 : vector<512x1xi32>
    %slice3A_252 = vector.extract_strided_slice %get3A_215 {offsets = [0, 0], sizes = [512, 32], strides = [1, 1]} : vector<512x128xf32> to vector<512x32xf32>
    %eq3A_253 = arith.constant 1 : i32
    %eq3A_254 = vector.broadcast %eq3A_253 : i32 to vector<512x1xi32>
    %eq3A_255 = arith.cmpi eq, %concatenate3A_248, %eq3A_254 : vector<512x1xi32>
    %slice3A_256 = vector.extract_strided_slice %get3A_215 {offsets = [0, 32], sizes = [512, 32], strides = [1, 1]} : vector<512x128xf32> to vector<512x32xf32>
    %eq3A_257 = arith.constant 2 : i32
    %eq3A_258 = vector.broadcast %eq3A_257 : i32 to vector<512x1xi32>
    %eq3A_259 = arith.cmpi eq, %concatenate3A_248, %eq3A_258 : vector<512x1xi32>
    %slice3A_260 = vector.extract_strided_slice %get3A_215 {offsets = [0, 64], sizes = [512, 32], strides = [1, 1]} : vector<512x128xf32> to vector<512x32xf32>
    %slice3A_261 = vector.extract_strided_slice %get3A_215 {offsets = [0, 96], sizes = [512, 32], strides = [1, 1]} : vector<512x128xf32> to vector<512x32xf32>
    %broadcast_in_dim3A_262 = vector.shape_cast %eq3A_259 : vector<512x1xi1> to vector<512x1xi1>
    %broadcast_in_dim3A_263 = vector.broadcast %broadcast_in_dim3A_262 : vector<512x1xi1> to vector<512x32xi1>
    %select_n3A_264 = arith.select %broadcast_in_dim3A_263, %slice3A_260, %slice3A_261 : vector<512x32xi1>, vector<512x32xf32>
    %broadcast_in_dim3A_265 = vector.shape_cast %eq3A_255 : vector<512x1xi1> to vector<512x1xi1>
    %broadcast_in_dim3A_266 = vector.broadcast %broadcast_in_dim3A_265 : vector<512x1xi1> to vector<512x32xi1>
    %select_n3A_267 = arith.select %broadcast_in_dim3A_266, %slice3A_256, %select_n3A_264 : vector<512x32xi1>, vector<512x32xf32>
    %broadcast_in_dim3A_268 = vector.shape_cast %eq3A_251 : vector<512x1xi1> to vector<512x1xi1>
    %broadcast_in_dim3A_269 = vector.broadcast %broadcast_in_dim3A_268 : vector<512x1xi1> to vector<512x32xi1>
    %select_n3A_270 = arith.select %broadcast_in_dim3A_269, %slice3A_252, %select_n3A_267 : vector<512x32xi1>, vector<512x32xf32>
    %get3A_271 = arith.constant 0 : index
    %get3A_272 = arith.constant 4 : index
    %get3A_273 = arith.constant 0 : index
    %get3A_274 = vector.load %arg2[%get3A_271, %get3A_272, %get3A_273] : memref<512x26x128xf32, #tpu.memory_space<vmem>>, vector<512x1x128xf32>
    %get3A_275 = vector.shape_cast %get3A_274 : vector<512x1x128xf32> to vector<512x128xf32>
    %get3A_276 = arith.constant 0 : index
    %get3A_277 = arith.constant 0 : index
    %get3A_278 = arith.constant 4 : index
    %get3A_279 = arith.constant 0 : index
    %get3A_280 = vector.load %arg3[%get3A_276, %get3A_277, %get3A_278, %get3A_279] : memref<4x4x8x128xi32, #tpu.memory_space<vmem>>, vector<1x1x1x128xi32>
    %get3A_281 = vector.shape_cast %get3A_280 : vector<1x1x1x128xi32> to vector<128xi32>
    %reshape3A_282 = vector.shape_cast %get3A_281 : vector<128xi32> to vector<1x128xi32>
    %transpose3A_283 = tpu.transpose %reshape3A_282, [1, 0] : vector<1x128xi32> -> vector<128x1xi32>
    %get3A_284 = arith.constant 0 : index
    %get3A_285 = arith.constant 1 : index
    %get3A_286 = arith.constant 4 : index
    %get3A_287 = arith.constant 0 : index
    %get3A_288 = vector.load %arg3[%get3A_284, %get3A_285, %get3A_286, %get3A_287] : memref<4x4x8x128xi32, #tpu.memory_space<vmem>>, vector<1x1x1x128xi32>
    %get3A_289 = vector.shape_cast %get3A_288 : vector<1x1x1x128xi32> to vector<128xi32>
    %reshape3A_290 = vector.shape_cast %get3A_289 : vector<128xi32> to vector<1x128xi32>
    %transpose3A_291 = tpu.transpose %reshape3A_290, [1, 0] : vector<1x128xi32> -> vector<128x1xi32>
    %get3A_292 = arith.constant 0 : index
    %get3A_293 = arith.constant 2 : index
    %get3A_294 = arith.constant 4 : index
    %get3A_295 = arith.constant 0 : index
    %get3A_296 = vector.load %arg3[%get3A_292, %get3A_293, %get3A_294, %get3A_295] : memref<4x4x8x128xi32, #tpu.memory_space<vmem>>, vector<1x1x1x128xi32>
    %get3A_297 = vector.shape_cast %get3A_296 : vector<1x1x1x128xi32> to vector<128xi32>
    %reshape3A_298 = vector.shape_cast %get3A_297 : vector<128xi32> to vector<1x128xi32>
    %transpose3A_299 = tpu.transpose %reshape3A_298, [1, 0] : vector<1x128xi32> -> vector<128x1xi32>
    %get3A_300 = arith.constant 0 : index
    %get3A_301 = arith.constant 3 : index
    %get3A_302 = arith.constant 4 : index
    %get3A_303 = arith.constant 0 : index
    %get3A_304 = vector.load %arg3[%get3A_300, %get3A_301, %get3A_302, %get3A_303] : memref<4x4x8x128xi32, #tpu.memory_space<vmem>>, vector<1x1x1x128xi32>
    %get3A_305 = vector.shape_cast %get3A_304 : vector<1x1x1x128xi32> to vector<128xi32>
    %reshape3A_306 = vector.shape_cast %get3A_305 : vector<128xi32> to vector<1x128xi32>
    %transpose3A_307 = tpu.transpose %reshape3A_306, [1, 0] : vector<1x128xi32> -> vector<128x1xi32>
    %concatenate3A_308 = tpu.concatenate %transpose3A_283, %transpose3A_291, %transpose3A_299, %transpose3A_307 in 0 : vector<128x1xi32>, vector<128x1xi32>, vector<128x1xi32>, vector<128x1xi32> -> vector<512x1xi32>
    %eq3A_309 = arith.constant 0 : i32
    %eq3A_310 = vector.broadcast %eq3A_309 : i32 to vector<512x1xi32>
    %eq3A_311 = arith.cmpi eq, %concatenate3A_308, %eq3A_310 : vector<512x1xi32>
    %slice3A_312 = vector.extract_strided_slice %get3A_275 {offsets = [0, 0], sizes = [512, 32], strides = [1, 1]} : vector<512x128xf32> to vector<512x32xf32>
    %eq3A_313 = arith.constant 1 : i32
    %eq3A_314 = vector.broadcast %eq3A_313 : i32 to vector<512x1xi32>
    %eq3A_315 = arith.cmpi eq, %concatenate3A_308, %eq3A_314 : vector<512x1xi32>
    %slice3A_316 = vector.extract_strided_slice %get3A_275 {offsets = [0, 32], sizes = [512, 32], strides = [1, 1]} : vector<512x128xf32> to vector<512x32xf32>
    %eq3A_317 = arith.constant 2 : i32
    %eq3A_318 = vector.broadcast %eq3A_317 : i32 to vector<512x1xi32>
    %eq3A_319 = arith.cmpi eq, %concatenate3A_308, %eq3A_318 : vector<512x1xi32>
    %slice3A_320 = vector.extract_strided_slice %get3A_275 {offsets = [0, 64], sizes = [512, 32], strides = [1, 1]} : vector<512x128xf32> to vector<512x32xf32>
    %slice3A_321 = vector.extract_strided_slice %get3A_275 {offsets = [0, 96], sizes = [512, 32], strides = [1, 1]} : vector<512x128xf32> to vector<512x32xf32>
    %broadcast_in_dim3A_322 = vector.shape_cast %eq3A_319 : vector<512x1xi1> to vector<512x1xi1>
    %broadcast_in_dim3A_323 = vector.broadcast %broadcast_in_dim3A_322 : vector<512x1xi1> to vector<512x32xi1>
    %select_n3A_324 = arith.select %broadcast_in_dim3A_323, %slice3A_320, %slice3A_321 : vector<512x32xi1>, vector<512x32xf32>
    %broadcast_in_dim3A_325 = vector.shape_cast %eq3A_315 : vector<512x1xi1> to vector<512x1xi1>
    %broadcast_in_dim3A_326 = vector.broadcast %broadcast_in_dim3A_325 : vector<512x1xi1> to vector<512x32xi1>
    %select_n3A_327 = arith.select %broadcast_in_dim3A_326, %slice3A_316, %select_n3A_324 : vector<512x32xi1>, vector<512x32xf32>
    %broadcast_in_dim3A_328 = vector.shape_cast %eq3A_311 : vector<512x1xi1> to vector<512x1xi1>
    %broadcast_in_dim3A_329 = vector.broadcast %broadcast_in_dim3A_328 : vector<512x1xi1> to vector<512x32xi1>
    %select_n3A_330 = arith.select %broadcast_in_dim3A_329, %slice3A_312, %select_n3A_327 : vector<512x32xi1>, vector<512x32xf32>
    %get3A_331 = arith.constant 0 : index
    %get3A_332 = arith.constant 5 : index
    %get3A_333 = arith.constant 0 : index
    %get3A_334 = vector.load %arg2[%get3A_331, %get3A_332, %get3A_333] : memref<512x26x128xf32, #tpu.memory_space<vmem>>, vector<512x1x128xf32>
    %get3A_335 = vector.shape_cast %get3A_334 : vector<512x1x128xf32> to vector<512x128xf32>
    %get3A_336 = arith.constant 0 : index
    %get3A_337 = arith.constant 0 : index
    %get3A_338 = arith.constant 5 : index
    %get3A_339 = arith.constant 0 : index
    %get3A_340 = vector.load %arg3[%get3A_336, %get3A_337, %get3A_338, %get3A_339] : memref<4x4x8x128xi32, #tpu.memory_space<vmem>>, vector<1x1x1x128xi32>
    %get3A_341 = vector.shape_cast %get3A_340 : vector<1x1x1x128xi32> to vector<128xi32>
    %reshape3A_342 = vector.shape_cast %get3A_341 : vector<128xi32> to vector<1x128xi32>
    %transpose3A_343 = tpu.transpose %reshape3A_342, [1, 0] : vector<1x128xi32> -> vector<128x1xi32>
    %get3A_344 = arith.constant 0 : index
    %get3A_345 = arith.constant 1 : index
    %get3A_346 = arith.constant 5 : index
    %get3A_347 = arith.constant 0 : index
    %get3A_348 = vector.load %arg3[%get3A_344, %get3A_345, %get3A_346, %get3A_347] : memref<4x4x8x128xi32, #tpu.memory_space<vmem>>, vector<1x1x1x128xi32>
    %get3A_349 = vector.shape_cast %get3A_348 : vector<1x1x1x128xi32> to vector<128xi32>
    %reshape3A_350 = vector.shape_cast %get3A_349 : vector<128xi32> to vector<1x128xi32>
    %transpose3A_351 = tpu.transpose %reshape3A_350, [1, 0] : vector<1x128xi32> -> vector<128x1xi32>
    %get3A_352 = arith.constant 0 : index
    %get3A_353 = arith.constant 2 : index
    %get3A_354 = arith.constant 5 : index
    %get3A_355 = arith.constant 0 : index
    %get3A_356 = vector.load %arg3[%get3A_352, %get3A_353, %get3A_354, %get3A_355] : memref<4x4x8x128xi32, #tpu.memory_space<vmem>>, vector<1x1x1x128xi32>
    %get3A_357 = vector.shape_cast %get3A_356 : vector<1x1x1x128xi32> to vector<128xi32>
    %reshape3A_358 = vector.shape_cast %get3A_357 : vector<128xi32> to vector<1x128xi32>
    %transpose3A_359 = tpu.transpose %reshape3A_358, [1, 0] : vector<1x128xi32> -> vector<128x1xi32>
    %get3A_360 = arith.constant 0 : index
    %get3A_361 = arith.constant 3 : index
    %get3A_362 = arith.constant 5 : index
    %get3A_363 = arith.constant 0 : index
    %get3A_364 = vector.load %arg3[%get3A_360, %get3A_361, %get3A_362, %get3A_363] : memref<4x4x8x128xi32, #tpu.memory_space<vmem>>, vector<1x1x1x128xi32>
    %get3A_365 = vector.shape_cast %get3A_364 : vector<1x1x1x128xi32> to vector<128xi32>
    %reshape3A_366 = vector.shape_cast %get3A_365 : vector<128xi32> to vector<1x128xi32>
    %transpose3A_367 = tpu.transpose %reshape3A_366, [1, 0] : vector<1x128xi32> -> vector<128x1xi32>
    %concatenate3A_368 = tpu.concatenate %transpose3A_343, %transpose3A_351, %transpose3A_359, %transpose3A_367 in 0 : vector<128x1xi32>, vector<128x1xi32>, vector<128x1xi32>, vector<128x1xi32> -> vector<512x1xi32>
    %eq3A_369 = arith.constant 0 : i32
    %eq3A_370 = vector.broadcast %eq3A_369 : i32 to vector<512x1xi32>
    %eq3A_371 = arith.cmpi eq, %concatenate3A_368, %eq3A_370 : vector<512x1xi32>
    %slice3A_372 = vector.extract_strided_slice %get3A_335 {offsets = [0, 0], sizes = [512, 32], strides = [1, 1]} : vector<512x128xf32> to vector<512x32xf32>
    %eq3A_373 = arith.constant 1 : i32
    %eq3A_374 = vector.broadcast %eq3A_373 : i32 to vector<512x1xi32>
    %eq3A_375 = arith.cmpi eq, %concatenate3A_368, %eq3A_374 : vector<512x1xi32>
    %slice3A_376 = vector.extract_strided_slice %get3A_335 {offsets = [0, 32], sizes = [512, 32], strides = [1, 1]} : vector<512x128xf32> to vector<512x32xf32>
    %eq3A_377 = arith.constant 2 : i32
    %eq3A_378 = vector.broadcast %eq3A_377 : i32 to vector<512x1xi32>
    %eq3A_379 = arith.cmpi eq, %concatenate3A_368, %eq3A_378 : vector<512x1xi32>
    %slice3A_380 = vector.extract_strided_slice %get3A_335 {offsets = [0, 64], sizes = [512, 32], strides = [1, 1]} : vector<512x128xf32> to vector<512x32xf32>
    %slice3A_381 = vector.extract_strided_slice %get3A_335 {offsets = [0, 96], sizes = [512, 32], strides = [1, 1]} : vector<512x128xf32> to vector<512x32xf32>
    %broadcast_in_dim3A_382 = vector.shape_cast %eq3A_379 : vector<512x1xi1> to vector<512x1xi1>
    %broadcast_in_dim3A_383 = vector.broadcast %broadcast_in_dim3A_382 : vector<512x1xi1> to vector<512x32xi1>
    %select_n3A_384 = arith.select %broadcast_in_dim3A_383, %slice3A_380, %slice3A_381 : vector<512x32xi1>, vector<512x32xf32>
    %broadcast_in_dim3A_385 = vector.shape_cast %eq3A_375 : vector<512x1xi1> to vector<512x1xi1>
    %broadcast_in_dim3A_386 = vector.broadcast %broadcast_in_dim3A_385 : vector<512x1xi1> to vector<512x32xi1>
    %select_n3A_387 = arith.select %broadcast_in_dim3A_386, %slice3A_376, %select_n3A_384 : vector<512x32xi1>, vector<512x32xf32>
    %broadcast_in_dim3A_388 = vector.shape_cast %eq3A_371 : vector<512x1xi1> to vector<512x1xi1>
    %broadcast_in_dim3A_389 = vector.broadcast %broadcast_in_dim3A_388 : vector<512x1xi1> to vector<512x32xi1>
    %select_n3A_390 = arith.select %broadcast_in_dim3A_389, %slice3A_372, %select_n3A_387 : vector<512x32xi1>, vector<512x32xf32>
    %get3A_391 = arith.constant 0 : index
    %get3A_392 = arith.constant 6 : index
    %get3A_393 = arith.constant 0 : index
    %get3A_394 = vector.load %arg2[%get3A_391, %get3A_392, %get3A_393] : memref<512x26x128xf32, #tpu.memory_space<vmem>>, vector<512x1x128xf32>
    %get3A_395 = vector.shape_cast %get3A_394 : vector<512x1x128xf32> to vector<512x128xf32>
    %get3A_396 = arith.constant 0 : index
    %get3A_397 = arith.constant 0 : index
    %get3A_398 = arith.constant 6 : index
    %get3A_399 = arith.constant 0 : index
    %get3A_400 = vector.load %arg3[%get3A_396, %get3A_397, %get3A_398, %get3A_399] : memref<4x4x8x128xi32, #tpu.memory_space<vmem>>, vector<1x1x1x128xi32>
    %get3A_401 = vector.shape_cast %get3A_400 : vector<1x1x1x128xi32> to vector<128xi32>
    %reshape3A_402 = vector.shape_cast %get3A_401 : vector<128xi32> to vector<1x128xi32>
    %transpose3A_403 = tpu.transpose %reshape3A_402, [1, 0] : vector<1x128xi32> -> vector<128x1xi32>
    %get3A_404 = arith.constant 0 : index
    %get3A_405 = arith.constant 1 : index
    %get3A_406 = arith.constant 6 : index
    %get3A_407 = arith.constant 0 : index
    %get3A_408 = vector.load %arg3[%get3A_404, %get3A_405, %get3A_406, %get3A_407] : memref<4x4x8x128xi32, #tpu.memory_space<vmem>>, vector<1x1x1x128xi32>
    %get3A_409 = vector.shape_cast %get3A_408 : vector<1x1x1x128xi32> to vector<128xi32>
    %reshape3A_410 = vector.shape_cast %get3A_409 : vector<128xi32> to vector<1x128xi32>
    %transpose3A_411 = tpu.transpose %reshape3A_410, [1, 0] : vector<1x128xi32> -> vector<128x1xi32>
    %get3A_412 = arith.constant 0 : index
    %get3A_413 = arith.constant 2 : index
    %get3A_414 = arith.constant 6 : index
    %get3A_415 = arith.constant 0 : index
    %get3A_416 = vector.load %arg3[%get3A_412, %get3A_413, %get3A_414, %get3A_415] : memref<4x4x8x128xi32, #tpu.memory_space<vmem>>, vector<1x1x1x128xi32>
    %get3A_417 = vector.shape_cast %get3A_416 : vector<1x1x1x128xi32> to vector<128xi32>
    %reshape3A_418 = vector.shape_cast %get3A_417 : vector<128xi32> to vector<1x128xi32>
    %transpose3A_419 = tpu.transpose %reshape3A_418, [1, 0] : vector<1x128xi32> -> vector<128x1xi32>
    %get3A_420 = arith.constant 0 : index
    %get3A_421 = arith.constant 3 : index
    %get3A_422 = arith.constant 6 : index
    %get3A_423 = arith.constant 0 : index
    %get3A_424 = vector.load %arg3[%get3A_420, %get3A_421, %get3A_422, %get3A_423] : memref<4x4x8x128xi32, #tpu.memory_space<vmem>>, vector<1x1x1x128xi32>
    %get3A_425 = vector.shape_cast %get3A_424 : vector<1x1x1x128xi32> to vector<128xi32>
    %reshape3A_426 = vector.shape_cast %get3A_425 : vector<128xi32> to vector<1x128xi32>
    %transpose3A_427 = tpu.transpose %reshape3A_426, [1, 0] : vector<1x128xi32> -> vector<128x1xi32>
    %concatenate3A_428 = tpu.concatenate %transpose3A_403, %transpose3A_411, %transpose3A_419, %transpose3A_427 in 0 : vector<128x1xi32>, vector<128x1xi32>, vector<128x1xi32>, vector<128x1xi32> -> vector<512x1xi32>
    %eq3A_429 = arith.constant 0 : i32
    %eq3A_430 = vector.broadcast %eq3A_429 : i32 to vector<512x1xi32>
    %eq3A_431 = arith.cmpi eq, %concatenate3A_428, %eq3A_430 : vector<512x1xi32>
    %slice3A_432 = vector.extract_strided_slice %get3A_395 {offsets = [0, 0], sizes = [512, 32], strides = [1, 1]} : vector<512x128xf32> to vector<512x32xf32>
    %eq3A_433 = arith.constant 1 : i32
    %eq3A_434 = vector.broadcast %eq3A_433 : i32 to vector<512x1xi32>
    %eq3A_435 = arith.cmpi eq, %concatenate3A_428, %eq3A_434 : vector<512x1xi32>
    %slice3A_436 = vector.extract_strided_slice %get3A_395 {offsets = [0, 32], sizes = [512, 32], strides = [1, 1]} : vector<512x128xf32> to vector<512x32xf32>
    %eq3A_437 = arith.constant 2 : i32
    %eq3A_438 = vector.broadcast %eq3A_437 : i32 to vector<512x1xi32>
    %eq3A_439 = arith.cmpi eq, %concatenate3A_428, %eq3A_438 : vector<512x1xi32>
    %slice3A_440 = vector.extract_strided_slice %get3A_395 {offsets = [0, 64], sizes = [512, 32], strides = [1, 1]} : vector<512x128xf32> to vector<512x32xf32>
    %slice3A_441 = vector.extract_strided_slice %get3A_395 {offsets = [0, 96], sizes = [512, 32], strides = [1, 1]} : vector<512x128xf32> to vector<512x32xf32>
    %broadcast_in_dim3A_442 = vector.shape_cast %eq3A_439 : vector<512x1xi1> to vector<512x1xi1>
    %broadcast_in_dim3A_443 = vector.broadcast %broadcast_in_dim3A_442 : vector<512x1xi1> to vector<512x32xi1>
    %select_n3A_444 = arith.select %broadcast_in_dim3A_443, %slice3A_440, %slice3A_441 : vector<512x32xi1>, vector<512x32xf32>
    %broadcast_in_dim3A_445 = vector.shape_cast %eq3A_435 : vector<512x1xi1> to vector<512x1xi1>
    %broadcast_in_dim3A_446 = vector.broadcast %broadcast_in_dim3A_445 : vector<512x1xi1> to vector<512x32xi1>
    %select_n3A_447 = arith.select %broadcast_in_dim3A_446, %slice3A_436, %select_n3A_444 : vector<512x32xi1>, vector<512x32xf32>
    %broadcast_in_dim3A_448 = vector.shape_cast %eq3A_431 : vector<512x1xi1> to vector<512x1xi1>
    %broadcast_in_dim3A_449 = vector.broadcast %broadcast_in_dim3A_448 : vector<512x1xi1> to vector<512x32xi1>
    %select_n3A_450 = arith.select %broadcast_in_dim3A_449, %slice3A_432, %select_n3A_447 : vector<512x32xi1>, vector<512x32xf32>
    %get3A_451 = arith.constant 0 : index
    %get3A_452 = arith.constant 7 : index
    %get3A_453 = arith.constant 0 : index
    %get3A_454 = vector.load %arg2[%get3A_451, %get3A_452, %get3A_453] : memref<512x26x128xf32, #tpu.memory_space<vmem>>, vector<512x1x128xf32>
    %get3A_455 = vector.shape_cast %get3A_454 : vector<512x1x128xf32> to vector<512x128xf32>
    %get3A_456 = arith.constant 0 : index
    %get3A_457 = arith.constant 0 : index
    %get3A_458 = arith.constant 7 : index
    %get3A_459 = arith.constant 0 : index
    %get3A_460 = vector.load %arg3[%get3A_456, %get3A_457, %get3A_458, %get3A_459] : memref<4x4x8x128xi32, #tpu.memory_space<vmem>>, vector<1x1x1x128xi32>
    %get3A_461 = vector.shape_cast %get3A_460 : vector<1x1x1x128xi32> to vector<128xi32>
    %reshape3A_462 = vector.shape_cast %get3A_461 : vector<128xi32> to vector<1x128xi32>
    %transpose3A_463 = tpu.transpose %reshape3A_462, [1, 0] : vector<1x128xi32> -> vector<128x1xi32>
    %get3A_464 = arith.constant 0 : index
    %get3A_465 = arith.constant 1 : index
    %get3A_466 = arith.constant 7 : index
    %get3A_467 = arith.constant 0 : index
    %get3A_468 = vector.load %arg3[%get3A_464, %get3A_465, %get3A_466, %get3A_467] : memref<4x4x8x128xi32, #tpu.memory_space<vmem>>, vector<1x1x1x128xi32>
    %get3A_469 = vector.shape_cast %get3A_468 : vector<1x1x1x128xi32> to vector<128xi32>
    %reshape3A_470 = vector.shape_cast %get3A_469 : vector<128xi32> to vector<1x128xi32>
    %transpose3A_471 = tpu.transpose %reshape3A_470, [1, 0] : vector<1x128xi32> -> vector<128x1xi32>
    %get3A_472 = arith.constant 0 : index
    %get3A_473 = arith.constant 2 : index
    %get3A_474 = arith.constant 7 : index
    %get3A_475 = arith.constant 0 : index
    %get3A_476 = vector.load %arg3[%get3A_472, %get3A_473, %get3A_474, %get3A_475] : memref<4x4x8x128xi32, #tpu.memory_space<vmem>>, vector<1x1x1x128xi32>
    %get3A_477 = vector.shape_cast %get3A_476 : vector<1x1x1x128xi32> to vector<128xi32>
    %reshape3A_478 = vector.shape_cast %get3A_477 : vector<128xi32> to vector<1x128xi32>
    %transpose3A_479 = tpu.transpose %reshape3A_478, [1, 0] : vector<1x128xi32> -> vector<128x1xi32>
    %get3A_480 = arith.constant 0 : index
    %get3A_481 = arith.constant 3 : index
    %get3A_482 = arith.constant 7 : index
    %get3A_483 = arith.constant 0 : index
    %get3A_484 = vector.load %arg3[%get3A_480, %get3A_481, %get3A_482, %get3A_483] : memref<4x4x8x128xi32, #tpu.memory_space<vmem>>, vector<1x1x1x128xi32>
    %get3A_485 = vector.shape_cast %get3A_484 : vector<1x1x1x128xi32> to vector<128xi32>
    %reshape3A_486 = vector.shape_cast %get3A_485 : vector<128xi32> to vector<1x128xi32>
    %transpose3A_487 = tpu.transpose %reshape3A_486, [1, 0] : vector<1x128xi32> -> vector<128x1xi32>
    %concatenate3A_488 = tpu.concatenate %transpose3A_463, %transpose3A_471, %transpose3A_479, %transpose3A_487 in 0 : vector<128x1xi32>, vector<128x1xi32>, vector<128x1xi32>, vector<128x1xi32> -> vector<512x1xi32>
    %eq3A_489 = arith.constant 0 : i32
    %eq3A_490 = vector.broadcast %eq3A_489 : i32 to vector<512x1xi32>
    %eq3A_491 = arith.cmpi eq, %concatenate3A_488, %eq3A_490 : vector<512x1xi32>
    %slice3A_492 = vector.extract_strided_slice %get3A_455 {offsets = [0, 0], sizes = [512, 32], strides = [1, 1]} : vector<512x128xf32> to vector<512x32xf32>
    %eq3A_493 = arith.constant 1 : i32
    %eq3A_494 = vector.broadcast %eq3A_493 : i32 to vector<512x1xi32>
    %eq3A_495 = arith.cmpi eq, %concatenate3A_488, %eq3A_494 : vector<512x1xi32>
    %slice3A_496 = vector.extract_strided_slice %get3A_455 {offsets = [0, 32], sizes = [512, 32], strides = [1, 1]} : vector<512x128xf32> to vector<512x32xf32>
    %eq3A_497 = arith.constant 2 : i32
    %eq3A_498 = vector.broadcast %eq3A_497 : i32 to vector<512x1xi32>
    %eq3A_499 = arith.cmpi eq, %concatenate3A_488, %eq3A_498 : vector<512x1xi32>
    %slice3A_500 = vector.extract_strided_slice %get3A_455 {offsets = [0, 64], sizes = [512, 32], strides = [1, 1]} : vector<512x128xf32> to vector<512x32xf32>
    %slice3A_501 = vector.extract_strided_slice %get3A_455 {offsets = [0, 96], sizes = [512, 32], strides = [1, 1]} : vector<512x128xf32> to vector<512x32xf32>
    %broadcast_in_dim3A_502 = vector.shape_cast %eq3A_499 : vector<512x1xi1> to vector<512x1xi1>
    %broadcast_in_dim3A_503 = vector.broadcast %broadcast_in_dim3A_502 : vector<512x1xi1> to vector<512x32xi1>
    %select_n3A_504 = arith.select %broadcast_in_dim3A_503, %slice3A_500, %slice3A_501 : vector<512x32xi1>, vector<512x32xf32>
    %broadcast_in_dim3A_505 = vector.shape_cast %eq3A_495 : vector<512x1xi1> to vector<512x1xi1>
    %broadcast_in_dim3A_506 = vector.broadcast %broadcast_in_dim3A_505 : vector<512x1xi1> to vector<512x32xi1>
    %select_n3A_507 = arith.select %broadcast_in_dim3A_506, %slice3A_496, %select_n3A_504 : vector<512x32xi1>, vector<512x32xf32>
    %broadcast_in_dim3A_508 = vector.shape_cast %eq3A_491 : vector<512x1xi1> to vector<512x1xi1>
    %broadcast_in_dim3A_509 = vector.broadcast %broadcast_in_dim3A_508 : vector<512x1xi1> to vector<512x32xi1>
    %select_n3A_510 = arith.select %broadcast_in_dim3A_509, %slice3A_492, %select_n3A_507 : vector<512x32xi1>, vector<512x32xf32>
    %get3A_511 = arith.constant 0 : index
    %get3A_512 = arith.constant 8 : index
    %get3A_513 = arith.constant 0 : index
    %get3A_514 = vector.load %arg2[%get3A_511, %get3A_512, %get3A_513] : memref<512x26x128xf32, #tpu.memory_space<vmem>>, vector<512x1x128xf32>
    %get3A_515 = vector.shape_cast %get3A_514 : vector<512x1x128xf32> to vector<512x128xf32>
    %get3A_516 = arith.constant 1 : index
    %get3A_517 = arith.constant 0 : index
    %get3A_518 = arith.constant 0 : index
    %get3A_519 = arith.constant 0 : index
    %get3A_520 = vector.load %arg3[%get3A_516, %get3A_517, %get3A_518, %get3A_519] : memref<4x4x8x128xi32, #tpu.memory_space<vmem>>, vector<1x1x1x128xi32>
    %get3A_521 = vector.shape_cast %get3A_520 : vector<1x1x1x128xi32> to vector<128xi32>
    %reshape3A_522 = vector.shape_cast %get3A_521 : vector<128xi32> to vector<1x128xi32>
    %transpose3A_523 = tpu.transpose %reshape3A_522, [1, 0] : vector<1x128xi32> -> vector<128x1xi32>
    %get3A_524 = arith.constant 1 : index
    %get3A_525 = arith.constant 1 : index
    %get3A_526 = arith.constant 0 : index
    %get3A_527 = arith.constant 0 : index
    %get3A_528 = vector.load %arg3[%get3A_524, %get3A_525, %get3A_526, %get3A_527] : memref<4x4x8x128xi32, #tpu.memory_space<vmem>>, vector<1x1x1x128xi32>
    %get3A_529 = vector.shape_cast %get3A_528 : vector<1x1x1x128xi32> to vector<128xi32>
    %reshape3A_530 = vector.shape_cast %get3A_529 : vector<128xi32> to vector<1x128xi32>
    %transpose3A_531 = tpu.transpose %reshape3A_530, [1, 0] : vector<1x128xi32> -> vector<128x1xi32>
    %get3A_532 = arith.constant 1 : index
    %get3A_533 = arith.constant 2 : index
    %get3A_534 = arith.constant 0 : index
    %get3A_535 = arith.constant 0 : index
    %get3A_536 = vector.load %arg3[%get3A_532, %get3A_533, %get3A_534, %get3A_535] : memref<4x4x8x128xi32, #tpu.memory_space<vmem>>, vector<1x1x1x128xi32>
    %get3A_537 = vector.shape_cast %get3A_536 : vector<1x1x1x128xi32> to vector<128xi32>
    %reshape3A_538 = vector.shape_cast %get3A_537 : vector<128xi32> to vector<1x128xi32>
    %transpose3A_539 = tpu.transpose %reshape3A_538, [1, 0] : vector<1x128xi32> -> vector<128x1xi32>
    %get3A_540 = arith.constant 1 : index
    %get3A_541 = arith.constant 3 : index
    %get3A_542 = arith.constant 0 : index
    %get3A_543 = arith.constant 0 : index
    %get3A_544 = vector.load %arg3[%get3A_540, %get3A_541, %get3A_542, %get3A_543] : memref<4x4x8x128xi32, #tpu.memory_space<vmem>>, vector<1x1x1x128xi32>
    %get3A_545 = vector.shape_cast %get3A_544 : vector<1x1x1x128xi32> to vector<128xi32>
    %reshape3A_546 = vector.shape_cast %get3A_545 : vector<128xi32> to vector<1x128xi32>
    %transpose3A_547 = tpu.transpose %reshape3A_546, [1, 0] : vector<1x128xi32> -> vector<128x1xi32>
    %concatenate3A_548 = tpu.concatenate %transpose3A_523, %transpose3A_531, %transpose3A_539, %transpose3A_547 in 0 : vector<128x1xi32>, vector<128x1xi32>, vector<128x1xi32>, vector<128x1xi32> -> vector<512x1xi32>
    %eq3A_549 = arith.constant 0 : i32
    %eq3A_550 = vector.broadcast %eq3A_549 : i32 to vector<512x1xi32>
    %eq3A_551 = arith.cmpi eq, %concatenate3A_548, %eq3A_550 : vector<512x1xi32>
    %slice3A_552 = vector.extract_strided_slice %get3A_515 {offsets = [0, 0], sizes = [512, 32], strides = [1, 1]} : vector<512x128xf32> to vector<512x32xf32>
    %eq3A_553 = arith.constant 1 : i32
    %eq3A_554 = vector.broadcast %eq3A_553 : i32 to vector<512x1xi32>
    %eq3A_555 = arith.cmpi eq, %concatenate3A_548, %eq3A_554 : vector<512x1xi32>
    %slice3A_556 = vector.extract_strided_slice %get3A_515 {offsets = [0, 32], sizes = [512, 32], strides = [1, 1]} : vector<512x128xf32> to vector<512x32xf32>
    %eq3A_557 = arith.constant 2 : i32
    %eq3A_558 = vector.broadcast %eq3A_557 : i32 to vector<512x1xi32>
    %eq3A_559 = arith.cmpi eq, %concatenate3A_548, %eq3A_558 : vector<512x1xi32>
    %slice3A_560 = vector.extract_strided_slice %get3A_515 {offsets = [0, 64], sizes = [512, 32], strides = [1, 1]} : vector<512x128xf32> to vector<512x32xf32>
    %slice3A_561 = vector.extract_strided_slice %get3A_515 {offsets = [0, 96], sizes = [512, 32], strides = [1, 1]} : vector<512x128xf32> to vector<512x32xf32>
    %broadcast_in_dim3A_562 = vector.shape_cast %eq3A_559 : vector<512x1xi1> to vector<512x1xi1>
    %broadcast_in_dim3A_563 = vector.broadcast %broadcast_in_dim3A_562 : vector<512x1xi1> to vector<512x32xi1>
    %select_n3A_564 = arith.select %broadcast_in_dim3A_563, %slice3A_560, %slice3A_561 : vector<512x32xi1>, vector<512x32xf32>
    %broadcast_in_dim3A_565 = vector.shape_cast %eq3A_555 : vector<512x1xi1> to vector<512x1xi1>
    %broadcast_in_dim3A_566 = vector.broadcast %broadcast_in_dim3A_565 : vector<512x1xi1> to vector<512x32xi1>
    %select_n3A_567 = arith.select %broadcast_in_dim3A_566, %slice3A_556, %select_n3A_564 : vector<512x32xi1>, vector<512x32xf32>
    %broadcast_in_dim3A_568 = vector.shape_cast %eq3A_551 : vector<512x1xi1> to vector<512x1xi1>
    %broadcast_in_dim3A_569 = vector.broadcast %broadcast_in_dim3A_568 : vector<512x1xi1> to vector<512x32xi1>
    %select_n3A_570 = arith.select %broadcast_in_dim3A_569, %slice3A_552, %select_n3A_567 : vector<512x32xi1>, vector<512x32xf32>
    %get3A_571 = arith.constant 0 : index
    %get3A_572 = arith.constant 9 : index
    %get3A_573 = arith.constant 0 : index
    %get3A_574 = vector.load %arg2[%get3A_571, %get3A_572, %get3A_573] : memref<512x26x128xf32, #tpu.memory_space<vmem>>, vector<512x1x128xf32>
    %get3A_575 = vector.shape_cast %get3A_574 : vector<512x1x128xf32> to vector<512x128xf32>
    %get3A_576 = arith.constant 1 : index
    %get3A_577 = arith.constant 0 : index
    %get3A_578 = arith.constant 1 : index
    %get3A_579 = arith.constant 0 : index
    %get3A_580 = vector.load %arg3[%get3A_576, %get3A_577, %get3A_578, %get3A_579] : memref<4x4x8x128xi32, #tpu.memory_space<vmem>>, vector<1x1x1x128xi32>
    %get3A_581 = vector.shape_cast %get3A_580 : vector<1x1x1x128xi32> to vector<128xi32>
    %reshape3A_582 = vector.shape_cast %get3A_581 : vector<128xi32> to vector<1x128xi32>
    %transpose3A_583 = tpu.transpose %reshape3A_582, [1, 0] : vector<1x128xi32> -> vector<128x1xi32>
    %get3A_584 = arith.constant 1 : index
    %get3A_585 = arith.constant 1 : index
    %get3A_586 = arith.constant 1 : index
    %get3A_587 = arith.constant 0 : index
    %get3A_588 = vector.load %arg3[%get3A_584, %get3A_585, %get3A_586, %get3A_587] : memref<4x4x8x128xi32, #tpu.memory_space<vmem>>, vector<1x1x1x128xi32>
    %get3A_589 = vector.shape_cast %get3A_588 : vector<1x1x1x128xi32> to vector<128xi32>
    %reshape3A_590 = vector.shape_cast %get3A_589 : vector<128xi32> to vector<1x128xi32>
    %transpose3A_591 = tpu.transpose %reshape3A_590, [1, 0] : vector<1x128xi32> -> vector<128x1xi32>
    %get3A_592 = arith.constant 1 : index
    %get3A_593 = arith.constant 2 : index
    %get3A_594 = arith.constant 1 : index
    %get3A_595 = arith.constant 0 : index
    %get3A_596 = vector.load %arg3[%get3A_592, %get3A_593, %get3A_594, %get3A_595] : memref<4x4x8x128xi32, #tpu.memory_space<vmem>>, vector<1x1x1x128xi32>
    %get3A_597 = vector.shape_cast %get3A_596 : vector<1x1x1x128xi32> to vector<128xi32>
    %reshape3A_598 = vector.shape_cast %get3A_597 : vector<128xi32> to vector<1x128xi32>
    %transpose3A_599 = tpu.transpose %reshape3A_598, [1, 0] : vector<1x128xi32> -> vector<128x1xi32>
    %get3A_600 = arith.constant 1 : index
    %get3A_601 = arith.constant 3 : index
    %get3A_602 = arith.constant 1 : index
    %get3A_603 = arith.constant 0 : index
    %get3A_604 = vector.load %arg3[%get3A_600, %get3A_601, %get3A_602, %get3A_603] : memref<4x4x8x128xi32, #tpu.memory_space<vmem>>, vector<1x1x1x128xi32>
    %get3A_605 = vector.shape_cast %get3A_604 : vector<1x1x1x128xi32> to vector<128xi32>
    %reshape3A_606 = vector.shape_cast %get3A_605 : vector<128xi32> to vector<1x128xi32>
    %transpose3A_607 = tpu.transpose %reshape3A_606, [1, 0] : vector<1x128xi32> -> vector<128x1xi32>
    %concatenate3A_608 = tpu.concatenate %transpose3A_583, %transpose3A_591, %transpose3A_599, %transpose3A_607 in 0 : vector<128x1xi32>, vector<128x1xi32>, vector<128x1xi32>, vector<128x1xi32> -> vector<512x1xi32>
    %eq3A_609 = arith.constant 0 : i32
    %eq3A_610 = vector.broadcast %eq3A_609 : i32 to vector<512x1xi32>
    %eq3A_611 = arith.cmpi eq, %concatenate3A_608, %eq3A_610 : vector<512x1xi32>
    %slice3A_612 = vector.extract_strided_slice %get3A_575 {offsets = [0, 0], sizes = [512, 32], strides = [1, 1]} : vector<512x128xf32> to vector<512x32xf32>
    %eq3A_613 = arith.constant 1 : i32
    %eq3A_614 = vector.broadcast %eq3A_613 : i32 to vector<512x1xi32>
    %eq3A_615 = arith.cmpi eq, %concatenate3A_608, %eq3A_614 : vector<512x1xi32>
    %slice3A_616 = vector.extract_strided_slice %get3A_575 {offsets = [0, 32], sizes = [512, 32], strides = [1, 1]} : vector<512x128xf32> to vector<512x32xf32>
    %eq3A_617 = arith.constant 2 : i32
    %eq3A_618 = vector.broadcast %eq3A_617 : i32 to vector<512x1xi32>
    %eq3A_619 = arith.cmpi eq, %concatenate3A_608, %eq3A_618 : vector<512x1xi32>
    %slice3A_620 = vector.extract_strided_slice %get3A_575 {offsets = [0, 64], sizes = [512, 32], strides = [1, 1]} : vector<512x128xf32> to vector<512x32xf32>
    %slice3A_621 = vector.extract_strided_slice %get3A_575 {offsets = [0, 96], sizes = [512, 32], strides = [1, 1]} : vector<512x128xf32> to vector<512x32xf32>
    %broadcast_in_dim3A_622 = vector.shape_cast %eq3A_619 : vector<512x1xi1> to vector<512x1xi1>
    %broadcast_in_dim3A_623 = vector.broadcast %broadcast_in_dim3A_622 : vector<512x1xi1> to vector<512x32xi1>
    %select_n3A_624 = arith.select %broadcast_in_dim3A_623, %slice3A_620, %slice3A_621 : vector<512x32xi1>, vector<512x32xf32>
    %broadcast_in_dim3A_625 = vector.shape_cast %eq3A_615 : vector<512x1xi1> to vector<512x1xi1>
    %broadcast_in_dim3A_626 = vector.broadcast %broadcast_in_dim3A_625 : vector<512x1xi1> to vector<512x32xi1>
    %select_n3A_627 = arith.select %broadcast_in_dim3A_626, %slice3A_616, %select_n3A_624 : vector<512x32xi1>, vector<512x32xf32>
    %broadcast_in_dim3A_628 = vector.shape_cast %eq3A_611 : vector<512x1xi1> to vector<512x1xi1>
    %broadcast_in_dim3A_629 = vector.broadcast %broadcast_in_dim3A_628 : vector<512x1xi1> to vector<512x32xi1>
    %select_n3A_630 = arith.select %broadcast_in_dim3A_629, %slice3A_612, %select_n3A_627 : vector<512x32xi1>, vector<512x32xf32>
    %get3A_631 = arith.constant 0 : index
    %get3A_632 = arith.constant 10 : index
    %get3A_633 = arith.constant 0 : index
    %get3A_634 = vector.load %arg2[%get3A_631, %get3A_632, %get3A_633] : memref<512x26x128xf32, #tpu.memory_space<vmem>>, vector<512x1x128xf32>
    %get3A_635 = vector.shape_cast %get3A_634 : vector<512x1x128xf32> to vector<512x128xf32>
    %get3A_636 = arith.constant 1 : index
    %get3A_637 = arith.constant 0 : index
    %get3A_638 = arith.constant 2 : index
    %get3A_639 = arith.constant 0 : index
    %get3A_640 = vector.load %arg3[%get3A_636, %get3A_637, %get3A_638, %get3A_639] : memref<4x4x8x128xi32, #tpu.memory_space<vmem>>, vector<1x1x1x128xi32>
    %get3A_641 = vector.shape_cast %get3A_640 : vector<1x1x1x128xi32> to vector<128xi32>
    %reshape3A_642 = vector.shape_cast %get3A_641 : vector<128xi32> to vector<1x128xi32>
    %transpose3A_643 = tpu.transpose %reshape3A_642, [1, 0] : vector<1x128xi32> -> vector<128x1xi32>
    %get3A_644 = arith.constant 1 : index
    %get3A_645 = arith.constant 1 : index
    %get3A_646 = arith.constant 2 : index
    %get3A_647 = arith.constant 0 : index
    %get3A_648 = vector.load %arg3[%get3A_644, %get3A_645, %get3A_646, %get3A_647] : memref<4x4x8x128xi32, #tpu.memory_space<vmem>>, vector<1x1x1x128xi32>
    %get3A_649 = vector.shape_cast %get3A_648 : vector<1x1x1x128xi32> to vector<128xi32>
    %reshape3A_650 = vector.shape_cast %get3A_649 : vector<128xi32> to vector<1x128xi32>
    %transpose3A_651 = tpu.transpose %reshape3A_650, [1, 0] : vector<1x128xi32> -> vector<128x1xi32>
    %get3A_652 = arith.constant 1 : index
    %get3A_653 = arith.constant 2 : index
    %get3A_654 = arith.constant 2 : index
    %get3A_655 = arith.constant 0 : index
    %get3A_656 = vector.load %arg3[%get3A_652, %get3A_653, %get3A_654, %get3A_655] : memref<4x4x8x128xi32, #tpu.memory_space<vmem>>, vector<1x1x1x128xi32>
    %get3A_657 = vector.shape_cast %get3A_656 : vector<1x1x1x128xi32> to vector<128xi32>
    %reshape3A_658 = vector.shape_cast %get3A_657 : vector<128xi32> to vector<1x128xi32>
    %transpose3A_659 = tpu.transpose %reshape3A_658, [1, 0] : vector<1x128xi32> -> vector<128x1xi32>
    %get3A_660 = arith.constant 1 : index
    %get3A_661 = arith.constant 3 : index
    %get3A_662 = arith.constant 2 : index
    %get3A_663 = arith.constant 0 : index
    %get3A_664 = vector.load %arg3[%get3A_660, %get3A_661, %get3A_662, %get3A_663] : memref<4x4x8x128xi32, #tpu.memory_space<vmem>>, vector<1x1x1x128xi32>
    %get3A_665 = vector.shape_cast %get3A_664 : vector<1x1x1x128xi32> to vector<128xi32>
    %reshape3A_666 = vector.shape_cast %get3A_665 : vector<128xi32> to vector<1x128xi32>
    %transpose3A_667 = tpu.transpose %reshape3A_666, [1, 0] : vector<1x128xi32> -> vector<128x1xi32>
    %concatenate3A_668 = tpu.concatenate %transpose3A_643, %transpose3A_651, %transpose3A_659, %transpose3A_667 in 0 : vector<128x1xi32>, vector<128x1xi32>, vector<128x1xi32>, vector<128x1xi32> -> vector<512x1xi32>
    %eq3A_669 = arith.constant 0 : i32
    %eq3A_670 = vector.broadcast %eq3A_669 : i32 to vector<512x1xi32>
    %eq3A_671 = arith.cmpi eq, %concatenate3A_668, %eq3A_670 : vector<512x1xi32>
    %slice3A_672 = vector.extract_strided_slice %get3A_635 {offsets = [0, 0], sizes = [512, 32], strides = [1, 1]} : vector<512x128xf32> to vector<512x32xf32>
    %eq3A_673 = arith.constant 1 : i32
    %eq3A_674 = vector.broadcast %eq3A_673 : i32 to vector<512x1xi32>
    %eq3A_675 = arith.cmpi eq, %concatenate3A_668, %eq3A_674 : vector<512x1xi32>
    %slice3A_676 = vector.extract_strided_slice %get3A_635 {offsets = [0, 32], sizes = [512, 32], strides = [1, 1]} : vector<512x128xf32> to vector<512x32xf32>
    %eq3A_677 = arith.constant 2 : i32
    %eq3A_678 = vector.broadcast %eq3A_677 : i32 to vector<512x1xi32>
    %eq3A_679 = arith.cmpi eq, %concatenate3A_668, %eq3A_678 : vector<512x1xi32>
    %slice3A_680 = vector.extract_strided_slice %get3A_635 {offsets = [0, 64], sizes = [512, 32], strides = [1, 1]} : vector<512x128xf32> to vector<512x32xf32>
    %slice3A_681 = vector.extract_strided_slice %get3A_635 {offsets = [0, 96], sizes = [512, 32], strides = [1, 1]} : vector<512x128xf32> to vector<512x32xf32>
    %broadcast_in_dim3A_682 = vector.shape_cast %eq3A_679 : vector<512x1xi1> to vector<512x1xi1>
    %broadcast_in_dim3A_683 = vector.broadcast %broadcast_in_dim3A_682 : vector<512x1xi1> to vector<512x32xi1>
    %select_n3A_684 = arith.select %broadcast_in_dim3A_683, %slice3A_680, %slice3A_681 : vector<512x32xi1>, vector<512x32xf32>
    %broadcast_in_dim3A_685 = vector.shape_cast %eq3A_675 : vector<512x1xi1> to vector<512x1xi1>
    %broadcast_in_dim3A_686 = vector.broadcast %broadcast_in_dim3A_685 : vector<512x1xi1> to vector<512x32xi1>
    %select_n3A_687 = arith.select %broadcast_in_dim3A_686, %slice3A_676, %select_n3A_684 : vector<512x32xi1>, vector<512x32xf32>
    %broadcast_in_dim3A_688 = vector.shape_cast %eq3A_671 : vector<512x1xi1> to vector<512x1xi1>
    %broadcast_in_dim3A_689 = vector.broadcast %broadcast_in_dim3A_688 : vector<512x1xi1> to vector<512x32xi1>
    %select_n3A_690 = arith.select %broadcast_in_dim3A_689, %slice3A_672, %select_n3A_687 : vector<512x32xi1>, vector<512x32xf32>
    %get3A_691 = arith.constant 0 : index
    %get3A_692 = arith.constant 11 : index
    %get3A_693 = arith.constant 0 : index
    %get3A_694 = vector.load %arg2[%get3A_691, %get3A_692, %get3A_693] : memref<512x26x128xf32, #tpu.memory_space<vmem>>, vector<512x1x128xf32>
    %get3A_695 = vector.shape_cast %get3A_694 : vector<512x1x128xf32> to vector<512x128xf32>
    %get3A_696 = arith.constant 1 : index
    %get3A_697 = arith.constant 0 : index
    %get3A_698 = arith.constant 3 : index
    %get3A_699 = arith.constant 0 : index
    %get3A_700 = vector.load %arg3[%get3A_696, %get3A_697, %get3A_698, %get3A_699] : memref<4x4x8x128xi32, #tpu.memory_space<vmem>>, vector<1x1x1x128xi32>
    %get3A_701 = vector.shape_cast %get3A_700 : vector<1x1x1x128xi32> to vector<128xi32>
    %reshape3A_702 = vector.shape_cast %get3A_701 : vector<128xi32> to vector<1x128xi32>
    %transpose3A_703 = tpu.transpose %reshape3A_702, [1, 0] : vector<1x128xi32> -> vector<128x1xi32>
    %get3A_704 = arith.constant 1 : index
    %get3A_705 = arith.constant 1 : index
    %get3A_706 = arith.constant 3 : index
    %get3A_707 = arith.constant 0 : index
    %get3A_708 = vector.load %arg3[%get3A_704, %get3A_705, %get3A_706, %get3A_707] : memref<4x4x8x128xi32, #tpu.memory_space<vmem>>, vector<1x1x1x128xi32>
    %get3A_709 = vector.shape_cast %get3A_708 : vector<1x1x1x128xi32> to vector<128xi32>
    %reshape3A_710 = vector.shape_cast %get3A_709 : vector<128xi32> to vector<1x128xi32>
    %transpose3A_711 = tpu.transpose %reshape3A_710, [1, 0] : vector<1x128xi32> -> vector<128x1xi32>
    %get3A_712 = arith.constant 1 : index
    %get3A_713 = arith.constant 2 : index
    %get3A_714 = arith.constant 3 : index
    %get3A_715 = arith.constant 0 : index
    %get3A_716 = vector.load %arg3[%get3A_712, %get3A_713, %get3A_714, %get3A_715] : memref<4x4x8x128xi32, #tpu.memory_space<vmem>>, vector<1x1x1x128xi32>
    %get3A_717 = vector.shape_cast %get3A_716 : vector<1x1x1x128xi32> to vector<128xi32>
    %reshape3A_718 = vector.shape_cast %get3A_717 : vector<128xi32> to vector<1x128xi32>
    %transpose3A_719 = tpu.transpose %reshape3A_718, [1, 0] : vector<1x128xi32> -> vector<128x1xi32>
    %get3A_720 = arith.constant 1 : index
    %get3A_721 = arith.constant 3 : index
    %get3A_722 = arith.constant 3 : index
    %get3A_723 = arith.constant 0 : index
    %get3A_724 = vector.load %arg3[%get3A_720, %get3A_721, %get3A_722, %get3A_723] : memref<4x4x8x128xi32, #tpu.memory_space<vmem>>, vector<1x1x1x128xi32>
    %get3A_725 = vector.shape_cast %get3A_724 : vector<1x1x1x128xi32> to vector<128xi32>
    %reshape3A_726 = vector.shape_cast %get3A_725 : vector<128xi32> to vector<1x128xi32>
    %transpose3A_727 = tpu.transpose %reshape3A_726, [1, 0] : vector<1x128xi32> -> vector<128x1xi32>
    %concatenate3A_728 = tpu.concatenate %transpose3A_703, %transpose3A_711, %transpose3A_719, %transpose3A_727 in 0 : vector<128x1xi32>, vector<128x1xi32>, vector<128x1xi32>, vector<128x1xi32> -> vector<512x1xi32>
    %eq3A_729 = arith.constant 0 : i32
    %eq3A_730 = vector.broadcast %eq3A_729 : i32 to vector<512x1xi32>
    %eq3A_731 = arith.cmpi eq, %concatenate3A_728, %eq3A_730 : vector<512x1xi32>
    %slice3A_732 = vector.extract_strided_slice %get3A_695 {offsets = [0, 0], sizes = [512, 32], strides = [1, 1]} : vector<512x128xf32> to vector<512x32xf32>
    %eq3A_733 = arith.constant 1 : i32
    %eq3A_734 = vector.broadcast %eq3A_733 : i32 to vector<512x1xi32>
    %eq3A_735 = arith.cmpi eq, %concatenate3A_728, %eq3A_734 : vector<512x1xi32>
    %slice3A_736 = vector.extract_strided_slice %get3A_695 {offsets = [0, 32], sizes = [512, 32], strides = [1, 1]} : vector<512x128xf32> to vector<512x32xf32>
    %eq3A_737 = arith.constant 2 : i32
    %eq3A_738 = vector.broadcast %eq3A_737 : i32 to vector<512x1xi32>
    %eq3A_739 = arith.cmpi eq, %concatenate3A_728, %eq3A_738 : vector<512x1xi32>
    %slice3A_740 = vector.extract_strided_slice %get3A_695 {offsets = [0, 64], sizes = [512, 32], strides = [1, 1]} : vector<512x128xf32> to vector<512x32xf32>
    %slice3A_741 = vector.extract_strided_slice %get3A_695 {offsets = [0, 96], sizes = [512, 32], strides = [1, 1]} : vector<512x128xf32> to vector<512x32xf32>
    %broadcast_in_dim3A_742 = vector.shape_cast %eq3A_739 : vector<512x1xi1> to vector<512x1xi1>
    %broadcast_in_dim3A_743 = vector.broadcast %broadcast_in_dim3A_742 : vector<512x1xi1> to vector<512x32xi1>
    %select_n3A_744 = arith.select %broadcast_in_dim3A_743, %slice3A_740, %slice3A_741 : vector<512x32xi1>, vector<512x32xf32>
    %broadcast_in_dim3A_745 = vector.shape_cast %eq3A_735 : vector<512x1xi1> to vector<512x1xi1>
    %broadcast_in_dim3A_746 = vector.broadcast %broadcast_in_dim3A_745 : vector<512x1xi1> to vector<512x32xi1>
    %select_n3A_747 = arith.select %broadcast_in_dim3A_746, %slice3A_736, %select_n3A_744 : vector<512x32xi1>, vector<512x32xf32>
    %broadcast_in_dim3A_748 = vector.shape_cast %eq3A_731 : vector<512x1xi1> to vector<512x1xi1>
    %broadcast_in_dim3A_749 = vector.broadcast %broadcast_in_dim3A_748 : vector<512x1xi1> to vector<512x32xi1>
    %select_n3A_750 = arith.select %broadcast_in_dim3A_749, %slice3A_732, %select_n3A_747 : vector<512x32xi1>, vector<512x32xf32>
    %get3A_751 = arith.constant 0 : index
    %get3A_752 = arith.constant 12 : index
    %get3A_753 = arith.constant 0 : index
    %get3A_754 = vector.load %arg2[%get3A_751, %get3A_752, %get3A_753] : memref<512x26x128xf32, #tpu.memory_space<vmem>>, vector<512x1x128xf32>
    %get3A_755 = vector.shape_cast %get3A_754 : vector<512x1x128xf32> to vector<512x128xf32>
    %get3A_756 = arith.constant 1 : index
    %get3A_757 = arith.constant 0 : index
    %get3A_758 = arith.constant 4 : index
    %get3A_759 = arith.constant 0 : index
    %get3A_760 = vector.load %arg3[%get3A_756, %get3A_757, %get3A_758, %get3A_759] : memref<4x4x8x128xi32, #tpu.memory_space<vmem>>, vector<1x1x1x128xi32>
    %get3A_761 = vector.shape_cast %get3A_760 : vector<1x1x1x128xi32> to vector<128xi32>
    %reshape3A_762 = vector.shape_cast %get3A_761 : vector<128xi32> to vector<1x128xi32>
    %transpose3A_763 = tpu.transpose %reshape3A_762, [1, 0] : vector<1x128xi32> -> vector<128x1xi32>
    %get3A_764 = arith.constant 1 : index
    %get3A_765 = arith.constant 1 : index
    %get3A_766 = arith.constant 4 : index
    %get3A_767 = arith.constant 0 : index
    %get3A_768 = vector.load %arg3[%get3A_764, %get3A_765, %get3A_766, %get3A_767] : memref<4x4x8x128xi32, #tpu.memory_space<vmem>>, vector<1x1x1x128xi32>
    %get3A_769 = vector.shape_cast %get3A_768 : vector<1x1x1x128xi32> to vector<128xi32>
    %reshape3A_770 = vector.shape_cast %get3A_769 : vector<128xi32> to vector<1x128xi32>
    %transpose3A_771 = tpu.transpose %reshape3A_770, [1, 0] : vector<1x128xi32> -> vector<128x1xi32>
    %get3A_772 = arith.constant 1 : index
    %get3A_773 = arith.constant 2 : index
    %get3A_774 = arith.constant 4 : index
    %get3A_775 = arith.constant 0 : index
    %get3A_776 = vector.load %arg3[%get3A_772, %get3A_773, %get3A_774, %get3A_775] : memref<4x4x8x128xi32, #tpu.memory_space<vmem>>, vector<1x1x1x128xi32>
    %get3A_777 = vector.shape_cast %get3A_776 : vector<1x1x1x128xi32> to vector<128xi32>
    %reshape3A_778 = vector.shape_cast %get3A_777 : vector<128xi32> to vector<1x128xi32>
    %transpose3A_779 = tpu.transpose %reshape3A_778, [1, 0] : vector<1x128xi32> -> vector<128x1xi32>
    %get3A_780 = arith.constant 1 : index
    %get3A_781 = arith.constant 3 : index
    %get3A_782 = arith.constant 4 : index
    %get3A_783 = arith.constant 0 : index
    %get3A_784 = vector.load %arg3[%get3A_780, %get3A_781, %get3A_782, %get3A_783] : memref<4x4x8x128xi32, #tpu.memory_space<vmem>>, vector<1x1x1x128xi32>
    %get3A_785 = vector.shape_cast %get3A_784 : vector<1x1x1x128xi32> to vector<128xi32>
    %reshape3A_786 = vector.shape_cast %get3A_785 : vector<128xi32> to vector<1x128xi32>
    %transpose3A_787 = tpu.transpose %reshape3A_786, [1, 0] : vector<1x128xi32> -> vector<128x1xi32>
    %concatenate3A_788 = tpu.concatenate %transpose3A_763, %transpose3A_771, %transpose3A_779, %transpose3A_787 in 0 : vector<128x1xi32>, vector<128x1xi32>, vector<128x1xi32>, vector<128x1xi32> -> vector<512x1xi32>
    %eq3A_789 = arith.constant 0 : i32
    %eq3A_790 = vector.broadcast %eq3A_789 : i32 to vector<512x1xi32>
    %eq3A_791 = arith.cmpi eq, %concatenate3A_788, %eq3A_790 : vector<512x1xi32>
    %slice3A_792 = vector.extract_strided_slice %get3A_755 {offsets = [0, 0], sizes = [512, 32], strides = [1, 1]} : vector<512x128xf32> to vector<512x32xf32>
    %eq3A_793 = arith.constant 1 : i32
    %eq3A_794 = vector.broadcast %eq3A_793 : i32 to vector<512x1xi32>
    %eq3A_795 = arith.cmpi eq, %concatenate3A_788, %eq3A_794 : vector<512x1xi32>
    %slice3A_796 = vector.extract_strided_slice %get3A_755 {offsets = [0, 32], sizes = [512, 32], strides = [1, 1]} : vector<512x128xf32> to vector<512x32xf32>
    %eq3A_797 = arith.constant 2 : i32
    %eq3A_798 = vector.broadcast %eq3A_797 : i32 to vector<512x1xi32>
    %eq3A_799 = arith.cmpi eq, %concatenate3A_788, %eq3A_798 : vector<512x1xi32>
    %slice3A_800 = vector.extract_strided_slice %get3A_755 {offsets = [0, 64], sizes = [512, 32], strides = [1, 1]} : vector<512x128xf32> to vector<512x32xf32>
    %slice3A_801 = vector.extract_strided_slice %get3A_755 {offsets = [0, 96], sizes = [512, 32], strides = [1, 1]} : vector<512x128xf32> to vector<512x32xf32>
    %broadcast_in_dim3A_802 = vector.shape_cast %eq3A_799 : vector<512x1xi1> to vector<512x1xi1>
    %broadcast_in_dim3A_803 = vector.broadcast %broadcast_in_dim3A_802 : vector<512x1xi1> to vector<512x32xi1>
    %select_n3A_804 = arith.select %broadcast_in_dim3A_803, %slice3A_800, %slice3A_801 : vector<512x32xi1>, vector<512x32xf32>
    %broadcast_in_dim3A_805 = vector.shape_cast %eq3A_795 : vector<512x1xi1> to vector<512x1xi1>
    %broadcast_in_dim3A_806 = vector.broadcast %broadcast_in_dim3A_805 : vector<512x1xi1> to vector<512x32xi1>
    %select_n3A_807 = arith.select %broadcast_in_dim3A_806, %slice3A_796, %select_n3A_804 : vector<512x32xi1>, vector<512x32xf32>
    %broadcast_in_dim3A_808 = vector.shape_cast %eq3A_791 : vector<512x1xi1> to vector<512x1xi1>
    %broadcast_in_dim3A_809 = vector.broadcast %broadcast_in_dim3A_808 : vector<512x1xi1> to vector<512x32xi1>
    %select_n3A_810 = arith.select %broadcast_in_dim3A_809, %slice3A_792, %select_n3A_807 : vector<512x32xi1>, vector<512x32xf32>
    %get3A_811 = arith.constant 0 : index
    %get3A_812 = arith.constant 13 : index
    %get3A_813 = arith.constant 0 : index
    %get3A_814 = vector.load %arg2[%get3A_811, %get3A_812, %get3A_813] : memref<512x26x128xf32, #tpu.memory_space<vmem>>, vector<512x1x128xf32>
    %get3A_815 = vector.shape_cast %get3A_814 : vector<512x1x128xf32> to vector<512x128xf32>
    %get3A_816 = arith.constant 1 : index
    %get3A_817 = arith.constant 0 : index
    %get3A_818 = arith.constant 5 : index
    %get3A_819 = arith.constant 0 : index
    %get3A_820 = vector.load %arg3[%get3A_816, %get3A_817, %get3A_818, %get3A_819] : memref<4x4x8x128xi32, #tpu.memory_space<vmem>>, vector<1x1x1x128xi32>
    %get3A_821 = vector.shape_cast %get3A_820 : vector<1x1x1x128xi32> to vector<128xi32>
    %reshape3A_822 = vector.shape_cast %get3A_821 : vector<128xi32> to vector<1x128xi32>
    %transpose3A_823 = tpu.transpose %reshape3A_822, [1, 0] : vector<1x128xi32> -> vector<128x1xi32>
    %get3A_824 = arith.constant 1 : index
    %get3A_825 = arith.constant 1 : index
    %get3A_826 = arith.constant 5 : index
    %get3A_827 = arith.constant 0 : index
    %get3A_828 = vector.load %arg3[%get3A_824, %get3A_825, %get3A_826, %get3A_827] : memref<4x4x8x128xi32, #tpu.memory_space<vmem>>, vector<1x1x1x128xi32>
    %get3A_829 = vector.shape_cast %get3A_828 : vector<1x1x1x128xi32> to vector<128xi32>
    %reshape3A_830 = vector.shape_cast %get3A_829 : vector<128xi32> to vector<1x128xi32>
    %transpose3A_831 = tpu.transpose %reshape3A_830, [1, 0] : vector<1x128xi32> -> vector<128x1xi32>
    %get3A_832 = arith.constant 1 : index
    %get3A_833 = arith.constant 2 : index
    %get3A_834 = arith.constant 5 : index
    %get3A_835 = arith.constant 0 : index
    %get3A_836 = vector.load %arg3[%get3A_832, %get3A_833, %get3A_834, %get3A_835] : memref<4x4x8x128xi32, #tpu.memory_space<vmem>>, vector<1x1x1x128xi32>
    %get3A_837 = vector.shape_cast %get3A_836 : vector<1x1x1x128xi32> to vector<128xi32>
    %reshape3A_838 = vector.shape_cast %get3A_837 : vector<128xi32> to vector<1x128xi32>
    %transpose3A_839 = tpu.transpose %reshape3A_838, [1, 0] : vector<1x128xi32> -> vector<128x1xi32>
    %get3A_840 = arith.constant 1 : index
    %get3A_841 = arith.constant 3 : index
    %get3A_842 = arith.constant 5 : index
    %get3A_843 = arith.constant 0 : index
    %get3A_844 = vector.load %arg3[%get3A_840, %get3A_841, %get3A_842, %get3A_843] : memref<4x4x8x128xi32, #tpu.memory_space<vmem>>, vector<1x1x1x128xi32>
    %get3A_845 = vector.shape_cast %get3A_844 : vector<1x1x1x128xi32> to vector<128xi32>
    %reshape3A_846 = vector.shape_cast %get3A_845 : vector<128xi32> to vector<1x128xi32>
    %transpose3A_847 = tpu.transpose %reshape3A_846, [1, 0] : vector<1x128xi32> -> vector<128x1xi32>
    %concatenate3A_848 = tpu.concatenate %transpose3A_823, %transpose3A_831, %transpose3A_839, %transpose3A_847 in 0 : vector<128x1xi32>, vector<128x1xi32>, vector<128x1xi32>, vector<128x1xi32> -> vector<512x1xi32>
    %eq3A_849 = arith.constant 0 : i32
    %eq3A_850 = vector.broadcast %eq3A_849 : i32 to vector<512x1xi32>
    %eq3A_851 = arith.cmpi eq, %concatenate3A_848, %eq3A_850 : vector<512x1xi32>
    %slice3A_852 = vector.extract_strided_slice %get3A_815 {offsets = [0, 0], sizes = [512, 32], strides = [1, 1]} : vector<512x128xf32> to vector<512x32xf32>
    %eq3A_853 = arith.constant 1 : i32
    %eq3A_854 = vector.broadcast %eq3A_853 : i32 to vector<512x1xi32>
    %eq3A_855 = arith.cmpi eq, %concatenate3A_848, %eq3A_854 : vector<512x1xi32>
    %slice3A_856 = vector.extract_strided_slice %get3A_815 {offsets = [0, 32], sizes = [512, 32], strides = [1, 1]} : vector<512x128xf32> to vector<512x32xf32>
    %eq3A_857 = arith.constant 2 : i32
    %eq3A_858 = vector.broadcast %eq3A_857 : i32 to vector<512x1xi32>
    %eq3A_859 = arith.cmpi eq, %concatenate3A_848, %eq3A_858 : vector<512x1xi32>
    %slice3A_860 = vector.extract_strided_slice %get3A_815 {offsets = [0, 64], sizes = [512, 32], strides = [1, 1]} : vector<512x128xf32> to vector<512x32xf32>
    %slice3A_861 = vector.extract_strided_slice %get3A_815 {offsets = [0, 96], sizes = [512, 32], strides = [1, 1]} : vector<512x128xf32> to vector<512x32xf32>
    %broadcast_in_dim3A_862 = vector.shape_cast %eq3A_859 : vector<512x1xi1> to vector<512x1xi1>
    %broadcast_in_dim3A_863 = vector.broadcast %broadcast_in_dim3A_862 : vector<512x1xi1> to vector<512x32xi1>
    %select_n3A_864 = arith.select %broadcast_in_dim3A_863, %slice3A_860, %slice3A_861 : vector<512x32xi1>, vector<512x32xf32>
    %broadcast_in_dim3A_865 = vector.shape_cast %eq3A_855 : vector<512x1xi1> to vector<512x1xi1>
    %broadcast_in_dim3A_866 = vector.broadcast %broadcast_in_dim3A_865 : vector<512x1xi1> to vector<512x32xi1>
    %select_n3A_867 = arith.select %broadcast_in_dim3A_866, %slice3A_856, %select_n3A_864 : vector<512x32xi1>, vector<512x32xf32>
    %broadcast_in_dim3A_868 = vector.shape_cast %eq3A_851 : vector<512x1xi1> to vector<512x1xi1>
    %broadcast_in_dim3A_869 = vector.broadcast %broadcast_in_dim3A_868 : vector<512x1xi1> to vector<512x32xi1>
    %select_n3A_870 = arith.select %broadcast_in_dim3A_869, %slice3A_852, %select_n3A_867 : vector<512x32xi1>, vector<512x32xf32>
    %get3A_871 = arith.constant 0 : index
    %get3A_872 = arith.constant 14 : index
    %get3A_873 = arith.constant 0 : index
    %get3A_874 = vector.load %arg2[%get3A_871, %get3A_872, %get3A_873] : memref<512x26x128xf32, #tpu.memory_space<vmem>>, vector<512x1x128xf32>
    %get3A_875 = vector.shape_cast %get3A_874 : vector<512x1x128xf32> to vector<512x128xf32>
    %get3A_876 = arith.constant 1 : index
    %get3A_877 = arith.constant 0 : index
    %get3A_878 = arith.constant 6 : index
    %get3A_879 = arith.constant 0 : index
    %get3A_880 = vector.load %arg3[%get3A_876, %get3A_877, %get3A_878, %get3A_879] : memref<4x4x8x128xi32, #tpu.memory_space<vmem>>, vector<1x1x1x128xi32>
    %get3A_881 = vector.shape_cast %get3A_880 : vector<1x1x1x128xi32> to vector<128xi32>
    %reshape3A_882 = vector.shape_cast %get3A_881 : vector<128xi32> to vector<1x128xi32>
    %transpose3A_883 = tpu.transpose %reshape3A_882, [1, 0] : vector<1x128xi32> -> vector<128x1xi32>
    %get3A_884 = arith.constant 1 : index
    %get3A_885 = arith.constant 1 : index
    %get3A_886 = arith.constant 6 : index
    %get3A_887 = arith.constant 0 : index
    %get3A_888 = vector.load %arg3[%get3A_884, %get3A_885, %get3A_886, %get3A_887] : memref<4x4x8x128xi32, #tpu.memory_space<vmem>>, vector<1x1x1x128xi32>
    %get3A_889 = vector.shape_cast %get3A_888 : vector<1x1x1x128xi32> to vector<128xi32>
    %reshape3A_890 = vector.shape_cast %get3A_889 : vector<128xi32> to vector<1x128xi32>
    %transpose3A_891 = tpu.transpose %reshape3A_890, [1, 0] : vector<1x128xi32> -> vector<128x1xi32>
    %get3A_892 = arith.constant 1 : index
    %get3A_893 = arith.constant 2 : index
    %get3A_894 = arith.constant 6 : index
    %get3A_895 = arith.constant 0 : index
    %get3A_896 = vector.load %arg3[%get3A_892, %get3A_893, %get3A_894, %get3A_895] : memref<4x4x8x128xi32, #tpu.memory_space<vmem>>, vector<1x1x1x128xi32>
    %get3A_897 = vector.shape_cast %get3A_896 : vector<1x1x1x128xi32> to vector<128xi32>
    %reshape3A_898 = vector.shape_cast %get3A_897 : vector<128xi32> to vector<1x128xi32>
    %transpose3A_899 = tpu.transpose %reshape3A_898, [1, 0] : vector<1x128xi32> -> vector<128x1xi32>
    %get3A_900 = arith.constant 1 : index
    %get3A_901 = arith.constant 3 : index
    %get3A_902 = arith.constant 6 : index
    %get3A_903 = arith.constant 0 : index
    %get3A_904 = vector.load %arg3[%get3A_900, %get3A_901, %get3A_902, %get3A_903] : memref<4x4x8x128xi32, #tpu.memory_space<vmem>>, vector<1x1x1x128xi32>
    %get3A_905 = vector.shape_cast %get3A_904 : vector<1x1x1x128xi32> to vector<128xi32>
    %reshape3A_906 = vector.shape_cast %get3A_905 : vector<128xi32> to vector<1x128xi32>
    %transpose3A_907 = tpu.transpose %reshape3A_906, [1, 0] : vector<1x128xi32> -> vector<128x1xi32>
    %concatenate3A_908 = tpu.concatenate %transpose3A_883, %transpose3A_891, %transpose3A_899, %transpose3A_907 in 0 : vector<128x1xi32>, vector<128x1xi32>, vector<128x1xi32>, vector<128x1xi32> -> vector<512x1xi32>
    %eq3A_909 = arith.constant 0 : i32
    %eq3A_910 = vector.broadcast %eq3A_909 : i32 to vector<512x1xi32>
    %eq3A_911 = arith.cmpi eq, %concatenate3A_908, %eq3A_910 : vector<512x1xi32>
    %slice3A_912 = vector.extract_strided_slice %get3A_875 {offsets = [0, 0], sizes = [512, 32], strides = [1, 1]} : vector<512x128xf32> to vector<512x32xf32>
    %eq3A_913 = arith.constant 1 : i32
    %eq3A_914 = vector.broadcast %eq3A_913 : i32 to vector<512x1xi32>
    %eq3A_915 = arith.cmpi eq, %concatenate3A_908, %eq3A_914 : vector<512x1xi32>
    %slice3A_916 = vector.extract_strided_slice %get3A_875 {offsets = [0, 32], sizes = [512, 32], strides = [1, 1]} : vector<512x128xf32> to vector<512x32xf32>
    %eq3A_917 = arith.constant 2 : i32
    %eq3A_918 = vector.broadcast %eq3A_917 : i32 to vector<512x1xi32>
    %eq3A_919 = arith.cmpi eq, %concatenate3A_908, %eq3A_918 : vector<512x1xi32>
    %slice3A_920 = vector.extract_strided_slice %get3A_875 {offsets = [0, 64], sizes = [512, 32], strides = [1, 1]} : vector<512x128xf32> to vector<512x32xf32>
    %slice3A_921 = vector.extract_strided_slice %get3A_875 {offsets = [0, 96], sizes = [512, 32], strides = [1, 1]} : vector<512x128xf32> to vector<512x32xf32>
    %broadcast_in_dim3A_922 = vector.shape_cast %eq3A_919 : vector<512x1xi1> to vector<512x1xi1>
    %broadcast_in_dim3A_923 = vector.broadcast %broadcast_in_dim3A_922 : vector<512x1xi1> to vector<512x32xi1>
    %select_n3A_924 = arith.select %broadcast_in_dim3A_923, %slice3A_920, %slice3A_921 : vector<512x32xi1>, vector<512x32xf32>
    %broadcast_in_dim3A_925 = vector.shape_cast %eq3A_915 : vector<512x1xi1> to vector<512x1xi1>
    %broadcast_in_dim3A_926 = vector.broadcast %broadcast_in_dim3A_925 : vector<512x1xi1> to vector<512x32xi1>
    %select_n3A_927 = arith.select %broadcast_in_dim3A_926, %slice3A_916, %select_n3A_924 : vector<512x32xi1>, vector<512x32xf32>
    %broadcast_in_dim3A_928 = vector.shape_cast %eq3A_911 : vector<512x1xi1> to vector<512x1xi1>
    %broadcast_in_dim3A_929 = vector.broadcast %broadcast_in_dim3A_928 : vector<512x1xi1> to vector<512x32xi1>
    %select_n3A_930 = arith.select %broadcast_in_dim3A_929, %slice3A_912, %select_n3A_927 : vector<512x32xi1>, vector<512x32xf32>
    %get3A_931 = arith.constant 0 : index
    %get3A_932 = arith.constant 15 : index
    %get3A_933 = arith.constant 0 : index
    %get3A_934 = vector.load %arg2[%get3A_931, %get3A_932, %get3A_933] : memref<512x26x128xf32, #tpu.memory_space<vmem>>, vector<512x1x128xf32>
    %get3A_935 = vector.shape_cast %get3A_934 : vector<512x1x128xf32> to vector<512x128xf32>
    %get3A_936 = arith.constant 1 : index
    %get3A_937 = arith.constant 0 : index
    %get3A_938 = arith.constant 7 : index
    %get3A_939 = arith.constant 0 : index
    %get3A_940 = vector.load %arg3[%get3A_936, %get3A_937, %get3A_938, %get3A_939] : memref<4x4x8x128xi32, #tpu.memory_space<vmem>>, vector<1x1x1x128xi32>
    %get3A_941 = vector.shape_cast %get3A_940 : vector<1x1x1x128xi32> to vector<128xi32>
    %reshape3A_942 = vector.shape_cast %get3A_941 : vector<128xi32> to vector<1x128xi32>
    %transpose3A_943 = tpu.transpose %reshape3A_942, [1, 0] : vector<1x128xi32> -> vector<128x1xi32>
    %get3A_944 = arith.constant 1 : index
    %get3A_945 = arith.constant 1 : index
    %get3A_946 = arith.constant 7 : index
    %get3A_947 = arith.constant 0 : index
    %get3A_948 = vector.load %arg3[%get3A_944, %get3A_945, %get3A_946, %get3A_947] : memref<4x4x8x128xi32, #tpu.memory_space<vmem>>, vector<1x1x1x128xi32>
    %get3A_949 = vector.shape_cast %get3A_948 : vector<1x1x1x128xi32> to vector<128xi32>
    %reshape3A_950 = vector.shape_cast %get3A_949 : vector<128xi32> to vector<1x128xi32>
    %transpose3A_951 = tpu.transpose %reshape3A_950, [1, 0] : vector<1x128xi32> -> vector<128x1xi32>
    %get3A_952 = arith.constant 1 : index
    %get3A_953 = arith.constant 2 : index
    %get3A_954 = arith.constant 7 : index
    %get3A_955 = arith.constant 0 : index
    %get3A_956 = vector.load %arg3[%get3A_952, %get3A_953, %get3A_954, %get3A_955] : memref<4x4x8x128xi32, #tpu.memory_space<vmem>>, vector<1x1x1x128xi32>
    %get3A_957 = vector.shape_cast %get3A_956 : vector<1x1x1x128xi32> to vector<128xi32>
    %reshape3A_958 = vector.shape_cast %get3A_957 : vector<128xi32> to vector<1x128xi32>
    %transpose3A_959 = tpu.transpose %reshape3A_958, [1, 0] : vector<1x128xi32> -> vector<128x1xi32>
    %get3A_960 = arith.constant 1 : index
    %get3A_961 = arith.constant 3 : index
    %get3A_962 = arith.constant 7 : index
    %get3A_963 = arith.constant 0 : index
    %get3A_964 = vector.load %arg3[%get3A_960, %get3A_961, %get3A_962, %get3A_963] : memref<4x4x8x128xi32, #tpu.memory_space<vmem>>, vector<1x1x1x128xi32>
    %get3A_965 = vector.shape_cast %get3A_964 : vector<1x1x1x128xi32> to vector<128xi32>
    %reshape3A_966 = vector.shape_cast %get3A_965 : vector<128xi32> to vector<1x128xi32>
    %transpose3A_967 = tpu.transpose %reshape3A_966, [1, 0] : vector<1x128xi32> -> vector<128x1xi32>
    %concatenate3A_968 = tpu.concatenate %transpose3A_943, %transpose3A_951, %transpose3A_959, %transpose3A_967 in 0 : vector<128x1xi32>, vector<128x1xi32>, vector<128x1xi32>, vector<128x1xi32> -> vector<512x1xi32>
    %eq3A_969 = arith.constant 0 : i32
    %eq3A_970 = vector.broadcast %eq3A_969 : i32 to vector<512x1xi32>
    %eq3A_971 = arith.cmpi eq, %concatenate3A_968, %eq3A_970 : vector<512x1xi32>
    %slice3A_972 = vector.extract_strided_slice %get3A_935 {offsets = [0, 0], sizes = [512, 32], strides = [1, 1]} : vector<512x128xf32> to vector<512x32xf32>
    %eq3A_973 = arith.constant 1 : i32
    %eq3A_974 = vector.broadcast %eq3A_973 : i32 to vector<512x1xi32>
    %eq3A_975 = arith.cmpi eq, %concatenate3A_968, %eq3A_974 : vector<512x1xi32>
    %slice3A_976 = vector.extract_strided_slice %get3A_935 {offsets = [0, 32], sizes = [512, 32], strides = [1, 1]} : vector<512x128xf32> to vector<512x32xf32>
    %eq3A_977 = arith.constant 2 : i32
    %eq3A_978 = vector.broadcast %eq3A_977 : i32 to vector<512x1xi32>
    %eq3A_979 = arith.cmpi eq, %concatenate3A_968, %eq3A_978 : vector<512x1xi32>
    %slice3A_980 = vector.extract_strided_slice %get3A_935 {offsets = [0, 64], sizes = [512, 32], strides = [1, 1]} : vector<512x128xf32> to vector<512x32xf32>
    %slice3A_981 = vector.extract_strided_slice %get3A_935 {offsets = [0, 96], sizes = [512, 32], strides = [1, 1]} : vector<512x128xf32> to vector<512x32xf32>
    %broadcast_in_dim3A_982 = vector.shape_cast %eq3A_979 : vector<512x1xi1> to vector<512x1xi1>
    %broadcast_in_dim3A_983 = vector.broadcast %broadcast_in_dim3A_982 : vector<512x1xi1> to vector<512x32xi1>
    %select_n3A_984 = arith.select %broadcast_in_dim3A_983, %slice3A_980, %slice3A_981 : vector<512x32xi1>, vector<512x32xf32>
    %broadcast_in_dim3A_985 = vector.shape_cast %eq3A_975 : vector<512x1xi1> to vector<512x1xi1>
    %broadcast_in_dim3A_986 = vector.broadcast %broadcast_in_dim3A_985 : vector<512x1xi1> to vector<512x32xi1>
    %select_n3A_987 = arith.select %broadcast_in_dim3A_986, %slice3A_976, %select_n3A_984 : vector<512x32xi1>, vector<512x32xf32>
    %broadcast_in_dim3A_988 = vector.shape_cast %eq3A_971 : vector<512x1xi1> to vector<512x1xi1>
    %broadcast_in_dim3A_989 = vector.broadcast %broadcast_in_dim3A_988 : vector<512x1xi1> to vector<512x32xi1>
    %select_n3A_990 = arith.select %broadcast_in_dim3A_989, %slice3A_972, %select_n3A_987 : vector<512x32xi1>, vector<512x32xf32>
    %get3A_991 = arith.constant 0 : index
    %get3A_992 = arith.constant 16 : index
    %get3A_993 = arith.constant 0 : index
    %get3A_994 = vector.load %arg2[%get3A_991, %get3A_992, %get3A_993] : memref<512x26x128xf32, #tpu.memory_space<vmem>>, vector<512x1x128xf32>
    %get3A_995 = vector.shape_cast %get3A_994 : vector<512x1x128xf32> to vector<512x128xf32>
    %get3A_996 = arith.constant 2 : index
    %get3A_997 = arith.constant 0 : index
    %get3A_998 = arith.constant 0 : index
    %get3A_999 = arith.constant 0 : index
    %get3A_1000 = vector.load %arg3[%get3A_996, %get3A_997, %get3A_998, %get3A_999] : memref<4x4x8x128xi32, #tpu.memory_space<vmem>>, vector<1x1x1x128xi32>
    %get3A_1001 = vector.shape_cast %get3A_1000 : vector<1x1x1x128xi32> to vector<128xi32>
    %reshape3A_1002 = vector.shape_cast %get3A_1001 : vector<128xi32> to vector<1x128xi32>
    %transpose3A_1003 = tpu.transpose %reshape3A_1002, [1, 0] : vector<1x128xi32> -> vector<128x1xi32>
    %get3A_1004 = arith.constant 2 : index
    %get3A_1005 = arith.constant 1 : index
    %get3A_1006 = arith.constant 0 : index
    %get3A_1007 = arith.constant 0 : index
    %get3A_1008 = vector.load %arg3[%get3A_1004, %get3A_1005, %get3A_1006, %get3A_1007] : memref<4x4x8x128xi32, #tpu.memory_space<vmem>>, vector<1x1x1x128xi32>
    %get3A_1009 = vector.shape_cast %get3A_1008 : vector<1x1x1x128xi32> to vector<128xi32>
    %reshape3A_1010 = vector.shape_cast %get3A_1009 : vector<128xi32> to vector<1x128xi32>
    %transpose3A_1011 = tpu.transpose %reshape3A_1010, [1, 0] : vector<1x128xi32> -> vector<128x1xi32>
    %get3A_1012 = arith.constant 2 : index
    %get3A_1013 = arith.constant 2 : index
    %get3A_1014 = arith.constant 0 : index
    %get3A_1015 = arith.constant 0 : index
    %get3A_1016 = vector.load %arg3[%get3A_1012, %get3A_1013, %get3A_1014, %get3A_1015] : memref<4x4x8x128xi32, #tpu.memory_space<vmem>>, vector<1x1x1x128xi32>
    %get3A_1017 = vector.shape_cast %get3A_1016 : vector<1x1x1x128xi32> to vector<128xi32>
    %reshape3A_1018 = vector.shape_cast %get3A_1017 : vector<128xi32> to vector<1x128xi32>
    %transpose3A_1019 = tpu.transpose %reshape3A_1018, [1, 0] : vector<1x128xi32> -> vector<128x1xi32>
    %get3A_1020 = arith.constant 2 : index
    %get3A_1021 = arith.constant 3 : index
    %get3A_1022 = arith.constant 0 : index
    %get3A_1023 = arith.constant 0 : index
    %get3A_1024 = vector.load %arg3[%get3A_1020, %get3A_1021, %get3A_1022, %get3A_1023] : memref<4x4x8x128xi32, #tpu.memory_space<vmem>>, vector<1x1x1x128xi32>
    %get3A_1025 = vector.shape_cast %get3A_1024 : vector<1x1x1x128xi32> to vector<128xi32>
    %reshape3A_1026 = vector.shape_cast %get3A_1025 : vector<128xi32> to vector<1x128xi32>
    %transpose3A_1027 = tpu.transpose %reshape3A_1026, [1, 0] : vector<1x128xi32> -> vector<128x1xi32>
    %concatenate3A_1028 = tpu.concatenate %transpose3A_1003, %transpose3A_1011, %transpose3A_1019, %transpose3A_1027 in 0 : vector<128x1xi32>, vector<128x1xi32>, vector<128x1xi32>, vector<128x1xi32> -> vector<512x1xi32>
    %eq3A_1029 = arith.constant 0 : i32
    %eq3A_1030 = vector.broadcast %eq3A_1029 : i32 to vector<512x1xi32>
    %eq3A_1031 = arith.cmpi eq, %concatenate3A_1028, %eq3A_1030 : vector<512x1xi32>
    %slice3A_1032 = vector.extract_strided_slice %get3A_995 {offsets = [0, 0], sizes = [512, 32], strides = [1, 1]} : vector<512x128xf32> to vector<512x32xf32>
    %eq3A_1033 = arith.constant 1 : i32
    %eq3A_1034 = vector.broadcast %eq3A_1033 : i32 to vector<512x1xi32>
    %eq3A_1035 = arith.cmpi eq, %concatenate3A_1028, %eq3A_1034 : vector<512x1xi32>
    %slice3A_1036 = vector.extract_strided_slice %get3A_995 {offsets = [0, 32], sizes = [512, 32], strides = [1, 1]} : vector<512x128xf32> to vector<512x32xf32>
    %eq3A_1037 = arith.constant 2 : i32
    %eq3A_1038 = vector.broadcast %eq3A_1037 : i32 to vector<512x1xi32>
    %eq3A_1039 = arith.cmpi eq, %concatenate3A_1028, %eq3A_1038 : vector<512x1xi32>
    %slice3A_1040 = vector.extract_strided_slice %get3A_995 {offsets = [0, 64], sizes = [512, 32], strides = [1, 1]} : vector<512x128xf32> to vector<512x32xf32>
    %slice3A_1041 = vector.extract_strided_slice %get3A_995 {offsets = [0, 96], sizes = [512, 32], strides = [1, 1]} : vector<512x128xf32> to vector<512x32xf32>
    %broadcast_in_dim3A_1042 = vector.shape_cast %eq3A_1039 : vector<512x1xi1> to vector<512x1xi1>
    %broadcast_in_dim3A_1043 = vector.broadcast %broadcast_in_dim3A_1042 : vector<512x1xi1> to vector<512x32xi1>
    %select_n3A_1044 = arith.select %broadcast_in_dim3A_1043, %slice3A_1040, %slice3A_1041 : vector<512x32xi1>, vector<512x32xf32>
    %broadcast_in_dim3A_1045 = vector.shape_cast %eq3A_1035 : vector<512x1xi1> to vector<512x1xi1>
    %broadcast_in_dim3A_1046 = vector.broadcast %broadcast_in_dim3A_1045 : vector<512x1xi1> to vector<512x32xi1>
    %select_n3A_1047 = arith.select %broadcast_in_dim3A_1046, %slice3A_1036, %select_n3A_1044 : vector<512x32xi1>, vector<512x32xf32>
    %broadcast_in_dim3A_1048 = vector.shape_cast %eq3A_1031 : vector<512x1xi1> to vector<512x1xi1>
    %broadcast_in_dim3A_1049 = vector.broadcast %broadcast_in_dim3A_1048 : vector<512x1xi1> to vector<512x32xi1>
    %select_n3A_1050 = arith.select %broadcast_in_dim3A_1049, %slice3A_1032, %select_n3A_1047 : vector<512x32xi1>, vector<512x32xf32>
    %get3A_1051 = arith.constant 0 : index
    %get3A_1052 = arith.constant 17 : index
    %get3A_1053 = arith.constant 0 : index
    %get3A_1054 = vector.load %arg2[%get3A_1051, %get3A_1052, %get3A_1053] : memref<512x26x128xf32, #tpu.memory_space<vmem>>, vector<512x1x128xf32>
    %get3A_1055 = vector.shape_cast %get3A_1054 : vector<512x1x128xf32> to vector<512x128xf32>
    %get3A_1056 = arith.constant 2 : index
    %get3A_1057 = arith.constant 0 : index
    %get3A_1058 = arith.constant 1 : index
    %get3A_1059 = arith.constant 0 : index
    %get3A_1060 = vector.load %arg3[%get3A_1056, %get3A_1057, %get3A_1058, %get3A_1059] : memref<4x4x8x128xi32, #tpu.memory_space<vmem>>, vector<1x1x1x128xi32>
    %get3A_1061 = vector.shape_cast %get3A_1060 : vector<1x1x1x128xi32> to vector<128xi32>
    %reshape3A_1062 = vector.shape_cast %get3A_1061 : vector<128xi32> to vector<1x128xi32>
    %transpose3A_1063 = tpu.transpose %reshape3A_1062, [1, 0] : vector<1x128xi32> -> vector<128x1xi32>
    %get3A_1064 = arith.constant 2 : index
    %get3A_1065 = arith.constant 1 : index
    %get3A_1066 = arith.constant 1 : index
    %get3A_1067 = arith.constant 0 : index
    %get3A_1068 = vector.load %arg3[%get3A_1064, %get3A_1065, %get3A_1066, %get3A_1067] : memref<4x4x8x128xi32, #tpu.memory_space<vmem>>, vector<1x1x1x128xi32>
    %get3A_1069 = vector.shape_cast %get3A_1068 : vector<1x1x1x128xi32> to vector<128xi32>
    %reshape3A_1070 = vector.shape_cast %get3A_1069 : vector<128xi32> to vector<1x128xi32>
    %transpose3A_1071 = tpu.transpose %reshape3A_1070, [1, 0] : vector<1x128xi32> -> vector<128x1xi32>
    %get3A_1072 = arith.constant 2 : index
    %get3A_1073 = arith.constant 2 : index
    %get3A_1074 = arith.constant 1 : index
    %get3A_1075 = arith.constant 0 : index
    %get3A_1076 = vector.load %arg3[%get3A_1072, %get3A_1073, %get3A_1074, %get3A_1075] : memref<4x4x8x128xi32, #tpu.memory_space<vmem>>, vector<1x1x1x128xi32>
    %get3A_1077 = vector.shape_cast %get3A_1076 : vector<1x1x1x128xi32> to vector<128xi32>
    %reshape3A_1078 = vector.shape_cast %get3A_1077 : vector<128xi32> to vector<1x128xi32>
    %transpose3A_1079 = tpu.transpose %reshape3A_1078, [1, 0] : vector<1x128xi32> -> vector<128x1xi32>
    %get3A_1080 = arith.constant 2 : index
    %get3A_1081 = arith.constant 3 : index
    %get3A_1082 = arith.constant 1 : index
    %get3A_1083 = arith.constant 0 : index
    %get3A_1084 = vector.load %arg3[%get3A_1080, %get3A_1081, %get3A_1082, %get3A_1083] : memref<4x4x8x128xi32, #tpu.memory_space<vmem>>, vector<1x1x1x128xi32>
    %get3A_1085 = vector.shape_cast %get3A_1084 : vector<1x1x1x128xi32> to vector<128xi32>
    %reshape3A_1086 = vector.shape_cast %get3A_1085 : vector<128xi32> to vector<1x128xi32>
    %transpose3A_1087 = tpu.transpose %reshape3A_1086, [1, 0] : vector<1x128xi32> -> vector<128x1xi32>
    %concatenate3A_1088 = tpu.concatenate %transpose3A_1063, %transpose3A_1071, %transpose3A_1079, %transpose3A_1087 in 0 : vector<128x1xi32>, vector<128x1xi32>, vector<128x1xi32>, vector<128x1xi32> -> vector<512x1xi32>
    %eq3A_1089 = arith.constant 0 : i32
    %eq3A_1090 = vector.broadcast %eq3A_1089 : i32 to vector<512x1xi32>
    %eq3A_1091 = arith.cmpi eq, %concatenate3A_1088, %eq3A_1090 : vector<512x1xi32>
    %slice3A_1092 = vector.extract_strided_slice %get3A_1055 {offsets = [0, 0], sizes = [512, 32], strides = [1, 1]} : vector<512x128xf32> to vector<512x32xf32>
    %eq3A_1093 = arith.constant 1 : i32
    %eq3A_1094 = vector.broadcast %eq3A_1093 : i32 to vector<512x1xi32>
    %eq3A_1095 = arith.cmpi eq, %concatenate3A_1088, %eq3A_1094 : vector<512x1xi32>
    %slice3A_1096 = vector.extract_strided_slice %get3A_1055 {offsets = [0, 32], sizes = [512, 32], strides = [1, 1]} : vector<512x128xf32> to vector<512x32xf32>
    %eq3A_1097 = arith.constant 2 : i32
    %eq3A_1098 = vector.broadcast %eq3A_1097 : i32 to vector<512x1xi32>
    %eq3A_1099 = arith.cmpi eq, %concatenate3A_1088, %eq3A_1098 : vector<512x1xi32>
    %slice3A_1100 = vector.extract_strided_slice %get3A_1055 {offsets = [0, 64], sizes = [512, 32], strides = [1, 1]} : vector<512x128xf32> to vector<512x32xf32>
    %slice3A_1101 = vector.extract_strided_slice %get3A_1055 {offsets = [0, 96], sizes = [512, 32], strides = [1, 1]} : vector<512x128xf32> to vector<512x32xf32>
    %broadcast_in_dim3A_1102 = vector.shape_cast %eq3A_1099 : vector<512x1xi1> to vector<512x1xi1>
    %broadcast_in_dim3A_1103 = vector.broadcast %broadcast_in_dim3A_1102 : vector<512x1xi1> to vector<512x32xi1>
    %select_n3A_1104 = arith.select %broadcast_in_dim3A_1103, %slice3A_1100, %slice3A_1101 : vector<512x32xi1>, vector<512x32xf32>
    %broadcast_in_dim3A_1105 = vector.shape_cast %eq3A_1095 : vector<512x1xi1> to vector<512x1xi1>
    %broadcast_in_dim3A_1106 = vector.broadcast %broadcast_in_dim3A_1105 : vector<512x1xi1> to vector<512x32xi1>
    %select_n3A_1107 = arith.select %broadcast_in_dim3A_1106, %slice3A_1096, %select_n3A_1104 : vector<512x32xi1>, vector<512x32xf32>
    %broadcast_in_dim3A_1108 = vector.shape_cast %eq3A_1091 : vector<512x1xi1> to vector<512x1xi1>
    %broadcast_in_dim3A_1109 = vector.broadcast %broadcast_in_dim3A_1108 : vector<512x1xi1> to vector<512x32xi1>
    %select_n3A_1110 = arith.select %broadcast_in_dim3A_1109, %slice3A_1092, %select_n3A_1107 : vector<512x32xi1>, vector<512x32xf32>
    %get3A_1111 = arith.constant 0 : index
    %get3A_1112 = arith.constant 18 : index
    %get3A_1113 = arith.constant 0 : index
    %get3A_1114 = vector.load %arg2[%get3A_1111, %get3A_1112, %get3A_1113] : memref<512x26x128xf32, #tpu.memory_space<vmem>>, vector<512x1x128xf32>
    %get3A_1115 = vector.shape_cast %get3A_1114 : vector<512x1x128xf32> to vector<512x128xf32>
    %get3A_1116 = arith.constant 2 : index
    %get3A_1117 = arith.constant 0 : index
    %get3A_1118 = arith.constant 2 : index
    %get3A_1119 = arith.constant 0 : index
    %get3A_1120 = vector.load %arg3[%get3A_1116, %get3A_1117, %get3A_1118, %get3A_1119] : memref<4x4x8x128xi32, #tpu.memory_space<vmem>>, vector<1x1x1x128xi32>
    %get3A_1121 = vector.shape_cast %get3A_1120 : vector<1x1x1x128xi32> to vector<128xi32>
    %reshape3A_1122 = vector.shape_cast %get3A_1121 : vector<128xi32> to vector<1x128xi32>
    %transpose3A_1123 = tpu.transpose %reshape3A_1122, [1, 0] : vector<1x128xi32> -> vector<128x1xi32>
    %get3A_1124 = arith.constant 2 : index
    %get3A_1125 = arith.constant 1 : index
    %get3A_1126 = arith.constant 2 : index
    %get3A_1127 = arith.constant 0 : index
    %get3A_1128 = vector.load %arg3[%get3A_1124, %get3A_1125, %get3A_1126, %get3A_1127] : memref<4x4x8x128xi32, #tpu.memory_space<vmem>>, vector<1x1x1x128xi32>
    %get3A_1129 = vector.shape_cast %get3A_1128 : vector<1x1x1x128xi32> to vector<128xi32>
    %reshape3A_1130 = vector.shape_cast %get3A_1129 : vector<128xi32> to vector<1x128xi32>
    %transpose3A_1131 = tpu.transpose %reshape3A_1130, [1, 0] : vector<1x128xi32> -> vector<128x1xi32>
    %get3A_1132 = arith.constant 2 : index
    %get3A_1133 = arith.constant 2 : index
    %get3A_1134 = arith.constant 2 : index
    %get3A_1135 = arith.constant 0 : index
    %get3A_1136 = vector.load %arg3[%get3A_1132, %get3A_1133, %get3A_1134, %get3A_1135] : memref<4x4x8x128xi32, #tpu.memory_space<vmem>>, vector<1x1x1x128xi32>
    %get3A_1137 = vector.shape_cast %get3A_1136 : vector<1x1x1x128xi32> to vector<128xi32>
    %reshape3A_1138 = vector.shape_cast %get3A_1137 : vector<128xi32> to vector<1x128xi32>
    %transpose3A_1139 = tpu.transpose %reshape3A_1138, [1, 0] : vector<1x128xi32> -> vector<128x1xi32>
    %get3A_1140 = arith.constant 2 : index
    %get3A_1141 = arith.constant 3 : index
    %get3A_1142 = arith.constant 2 : index
    %get3A_1143 = arith.constant 0 : index
    %get3A_1144 = vector.load %arg3[%get3A_1140, %get3A_1141, %get3A_1142, %get3A_1143] : memref<4x4x8x128xi32, #tpu.memory_space<vmem>>, vector<1x1x1x128xi32>
    %get3A_1145 = vector.shape_cast %get3A_1144 : vector<1x1x1x128xi32> to vector<128xi32>
    %reshape3A_1146 = vector.shape_cast %get3A_1145 : vector<128xi32> to vector<1x128xi32>
    %transpose3A_1147 = tpu.transpose %reshape3A_1146, [1, 0] : vector<1x128xi32> -> vector<128x1xi32>
    %concatenate3A_1148 = tpu.concatenate %transpose3A_1123, %transpose3A_1131, %transpose3A_1139, %transpose3A_1147 in 0 : vector<128x1xi32>, vector<128x1xi32>, vector<128x1xi32>, vector<128x1xi32> -> vector<512x1xi32>
    %eq3A_1149 = arith.constant 0 : i32
    %eq3A_1150 = vector.broadcast %eq3A_1149 : i32 to vector<512x1xi32>
    %eq3A_1151 = arith.cmpi eq, %concatenate3A_1148, %eq3A_1150 : vector<512x1xi32>
    %slice3A_1152 = vector.extract_strided_slice %get3A_1115 {offsets = [0, 0], sizes = [512, 32], strides = [1, 1]} : vector<512x128xf32> to vector<512x32xf32>
    %eq3A_1153 = arith.constant 1 : i32
    %eq3A_1154 = vector.broadcast %eq3A_1153 : i32 to vector<512x1xi32>
    %eq3A_1155 = arith.cmpi eq, %concatenate3A_1148, %eq3A_1154 : vector<512x1xi32>
    %slice3A_1156 = vector.extract_strided_slice %get3A_1115 {offsets = [0, 32], sizes = [512, 32], strides = [1, 1]} : vector<512x128xf32> to vector<512x32xf32>
    %eq3A_1157 = arith.constant 2 : i32
    %eq3A_1158 = vector.broadcast %eq3A_1157 : i32 to vector<512x1xi32>
    %eq3A_1159 = arith.cmpi eq, %concatenate3A_1148, %eq3A_1158 : vector<512x1xi32>
    %slice3A_1160 = vector.extract_strided_slice %get3A_1115 {offsets = [0, 64], sizes = [512, 32], strides = [1, 1]} : vector<512x128xf32> to vector<512x32xf32>
    %slice3A_1161 = vector.extract_strided_slice %get3A_1115 {offsets = [0, 96], sizes = [512, 32], strides = [1, 1]} : vector<512x128xf32> to vector<512x32xf32>
    %broadcast_in_dim3A_1162 = vector.shape_cast %eq3A_1159 : vector<512x1xi1> to vector<512x1xi1>
    %broadcast_in_dim3A_1163 = vector.broadcast %broadcast_in_dim3A_1162 : vector<512x1xi1> to vector<512x32xi1>
    %select_n3A_1164 = arith.select %broadcast_in_dim3A_1163, %slice3A_1160, %slice3A_1161 : vector<512x32xi1>, vector<512x32xf32>
    %broadcast_in_dim3A_1165 = vector.shape_cast %eq3A_1155 : vector<512x1xi1> to vector<512x1xi1>
    %broadcast_in_dim3A_1166 = vector.broadcast %broadcast_in_dim3A_1165 : vector<512x1xi1> to vector<512x32xi1>
    %select_n3A_1167 = arith.select %broadcast_in_dim3A_1166, %slice3A_1156, %select_n3A_1164 : vector<512x32xi1>, vector<512x32xf32>
    %broadcast_in_dim3A_1168 = vector.shape_cast %eq3A_1151 : vector<512x1xi1> to vector<512x1xi1>
    %broadcast_in_dim3A_1169 = vector.broadcast %broadcast_in_dim3A_1168 : vector<512x1xi1> to vector<512x32xi1>
    %select_n3A_1170 = arith.select %broadcast_in_dim3A_1169, %slice3A_1152, %select_n3A_1167 : vector<512x32xi1>, vector<512x32xf32>
    %get3A_1171 = arith.constant 0 : index
    %get3A_1172 = arith.constant 19 : index
    %get3A_1173 = arith.constant 0 : index
    %get3A_1174 = vector.load %arg2[%get3A_1171, %get3A_1172, %get3A_1173] : memref<512x26x128xf32, #tpu.memory_space<vmem>>, vector<512x1x128xf32>
    %get3A_1175 = vector.shape_cast %get3A_1174 : vector<512x1x128xf32> to vector<512x128xf32>
    %get3A_1176 = arith.constant 2 : index
    %get3A_1177 = arith.constant 0 : index
    %get3A_1178 = arith.constant 3 : index
    %get3A_1179 = arith.constant 0 : index
    %get3A_1180 = vector.load %arg3[%get3A_1176, %get3A_1177, %get3A_1178, %get3A_1179] : memref<4x4x8x128xi32, #tpu.memory_space<vmem>>, vector<1x1x1x128xi32>
    %get3A_1181 = vector.shape_cast %get3A_1180 : vector<1x1x1x128xi32> to vector<128xi32>
    %reshape3A_1182 = vector.shape_cast %get3A_1181 : vector<128xi32> to vector<1x128xi32>
    %transpose3A_1183 = tpu.transpose %reshape3A_1182, [1, 0] : vector<1x128xi32> -> vector<128x1xi32>
    %get3A_1184 = arith.constant 2 : index
    %get3A_1185 = arith.constant 1 : index
    %get3A_1186 = arith.constant 3 : index
    %get3A_1187 = arith.constant 0 : index
    %get3A_1188 = vector.load %arg3[%get3A_1184, %get3A_1185, %get3A_1186, %get3A_1187] : memref<4x4x8x128xi32, #tpu.memory_space<vmem>>, vector<1x1x1x128xi32>
    %get3A_1189 = vector.shape_cast %get3A_1188 : vector<1x1x1x128xi32> to vector<128xi32>
    %reshape3A_1190 = vector.shape_cast %get3A_1189 : vector<128xi32> to vector<1x128xi32>
    %transpose3A_1191 = tpu.transpose %reshape3A_1190, [1, 0] : vector<1x128xi32> -> vector<128x1xi32>
    %get3A_1192 = arith.constant 2 : index
    %get3A_1193 = arith.constant 2 : index
    %get3A_1194 = arith.constant 3 : index
    %get3A_1195 = arith.constant 0 : index
    %get3A_1196 = vector.load %arg3[%get3A_1192, %get3A_1193, %get3A_1194, %get3A_1195] : memref<4x4x8x128xi32, #tpu.memory_space<vmem>>, vector<1x1x1x128xi32>
    %get3A_1197 = vector.shape_cast %get3A_1196 : vector<1x1x1x128xi32> to vector<128xi32>
    %reshape3A_1198 = vector.shape_cast %get3A_1197 : vector<128xi32> to vector<1x128xi32>
    %transpose3A_1199 = tpu.transpose %reshape3A_1198, [1, 0] : vector<1x128xi32> -> vector<128x1xi32>
    %get3A_1200 = arith.constant 2 : index
    %get3A_1201 = arith.constant 3 : index
    %get3A_1202 = arith.constant 3 : index
    %get3A_1203 = arith.constant 0 : index
    %get3A_1204 = vector.load %arg3[%get3A_1200, %get3A_1201, %get3A_1202, %get3A_1203] : memref<4x4x8x128xi32, #tpu.memory_space<vmem>>, vector<1x1x1x128xi32>
    %get3A_1205 = vector.shape_cast %get3A_1204 : vector<1x1x1x128xi32> to vector<128xi32>
    %reshape3A_1206 = vector.shape_cast %get3A_1205 : vector<128xi32> to vector<1x128xi32>
    %transpose3A_1207 = tpu.transpose %reshape3A_1206, [1, 0] : vector<1x128xi32> -> vector<128x1xi32>
    %concatenate3A_1208 = tpu.concatenate %transpose3A_1183, %transpose3A_1191, %transpose3A_1199, %transpose3A_1207 in 0 : vector<128x1xi32>, vector<128x1xi32>, vector<128x1xi32>, vector<128x1xi32> -> vector<512x1xi32>
    %eq3A_1209 = arith.constant 0 : i32
    %eq3A_1210 = vector.broadcast %eq3A_1209 : i32 to vector<512x1xi32>
    %eq3A_1211 = arith.cmpi eq, %concatenate3A_1208, %eq3A_1210 : vector<512x1xi32>
    %slice3A_1212 = vector.extract_strided_slice %get3A_1175 {offsets = [0, 0], sizes = [512, 32], strides = [1, 1]} : vector<512x128xf32> to vector<512x32xf32>
    %eq3A_1213 = arith.constant 1 : i32
    %eq3A_1214 = vector.broadcast %eq3A_1213 : i32 to vector<512x1xi32>
    %eq3A_1215 = arith.cmpi eq, %concatenate3A_1208, %eq3A_1214 : vector<512x1xi32>
    %slice3A_1216 = vector.extract_strided_slice %get3A_1175 {offsets = [0, 32], sizes = [512, 32], strides = [1, 1]} : vector<512x128xf32> to vector<512x32xf32>
    %eq3A_1217 = arith.constant 2 : i32
    %eq3A_1218 = vector.broadcast %eq3A_1217 : i32 to vector<512x1xi32>
    %eq3A_1219 = arith.cmpi eq, %concatenate3A_1208, %eq3A_1218 : vector<512x1xi32>
    %slice3A_1220 = vector.extract_strided_slice %get3A_1175 {offsets = [0, 64], sizes = [512, 32], strides = [1, 1]} : vector<512x128xf32> to vector<512x32xf32>
    %slice3A_1221 = vector.extract_strided_slice %get3A_1175 {offsets = [0, 96], sizes = [512, 32], strides = [1, 1]} : vector<512x128xf32> to vector<512x32xf32>
    %broadcast_in_dim3A_1222 = vector.shape_cast %eq3A_1219 : vector<512x1xi1> to vector<512x1xi1>
    %broadcast_in_dim3A_1223 = vector.broadcast %broadcast_in_dim3A_1222 : vector<512x1xi1> to vector<512x32xi1>
    %select_n3A_1224 = arith.select %broadcast_in_dim3A_1223, %slice3A_1220, %slice3A_1221 : vector<512x32xi1>, vector<512x32xf32>
    %broadcast_in_dim3A_1225 = vector.shape_cast %eq3A_1215 : vector<512x1xi1> to vector<512x1xi1>
    %broadcast_in_dim3A_1226 = vector.broadcast %broadcast_in_dim3A_1225 : vector<512x1xi1> to vector<512x32xi1>
    %select_n3A_1227 = arith.select %broadcast_in_dim3A_1226, %slice3A_1216, %select_n3A_1224 : vector<512x32xi1>, vector<512x32xf32>
    %broadcast_in_dim3A_1228 = vector.shape_cast %eq3A_1211 : vector<512x1xi1> to vector<512x1xi1>
    %broadcast_in_dim3A_1229 = vector.broadcast %broadcast_in_dim3A_1228 : vector<512x1xi1> to vector<512x32xi1>
    %select_n3A_1230 = arith.select %broadcast_in_dim3A_1229, %slice3A_1212, %select_n3A_1227 : vector<512x32xi1>, vector<512x32xf32>
    %get3A_1231 = arith.constant 0 : index
    %get3A_1232 = arith.constant 20 : index
    %get3A_1233 = arith.constant 0 : index
    %get3A_1234 = vector.load %arg2[%get3A_1231, %get3A_1232, %get3A_1233] : memref<512x26x128xf32, #tpu.memory_space<vmem>>, vector<512x1x128xf32>
    %get3A_1235 = vector.shape_cast %get3A_1234 : vector<512x1x128xf32> to vector<512x128xf32>
    %get3A_1236 = arith.constant 2 : index
    %get3A_1237 = arith.constant 0 : index
    %get3A_1238 = arith.constant 4 : index
    %get3A_1239 = arith.constant 0 : index
    %get3A_1240 = vector.load %arg3[%get3A_1236, %get3A_1237, %get3A_1238, %get3A_1239] : memref<4x4x8x128xi32, #tpu.memory_space<vmem>>, vector<1x1x1x128xi32>
    %get3A_1241 = vector.shape_cast %get3A_1240 : vector<1x1x1x128xi32> to vector<128xi32>
    %reshape3A_1242 = vector.shape_cast %get3A_1241 : vector<128xi32> to vector<1x128xi32>
    %transpose3A_1243 = tpu.transpose %reshape3A_1242, [1, 0] : vector<1x128xi32> -> vector<128x1xi32>
    %get3A_1244 = arith.constant 2 : index
    %get3A_1245 = arith.constant 1 : index
    %get3A_1246 = arith.constant 4 : index
    %get3A_1247 = arith.constant 0 : index
    %get3A_1248 = vector.load %arg3[%get3A_1244, %get3A_1245, %get3A_1246, %get3A_1247] : memref<4x4x8x128xi32, #tpu.memory_space<vmem>>, vector<1x1x1x128xi32>
    %get3A_1249 = vector.shape_cast %get3A_1248 : vector<1x1x1x128xi32> to vector<128xi32>
    %reshape3A_1250 = vector.shape_cast %get3A_1249 : vector<128xi32> to vector<1x128xi32>
    %transpose3A_1251 = tpu.transpose %reshape3A_1250, [1, 0] : vector<1x128xi32> -> vector<128x1xi32>
    %get3A_1252 = arith.constant 2 : index
    %get3A_1253 = arith.constant 2 : index
    %get3A_1254 = arith.constant 4 : index
    %get3A_1255 = arith.constant 0 : index
    %get3A_1256 = vector.load %arg3[%get3A_1252, %get3A_1253, %get3A_1254, %get3A_1255] : memref<4x4x8x128xi32, #tpu.memory_space<vmem>>, vector<1x1x1x128xi32>
    %get3A_1257 = vector.shape_cast %get3A_1256 : vector<1x1x1x128xi32> to vector<128xi32>
    %reshape3A_1258 = vector.shape_cast %get3A_1257 : vector<128xi32> to vector<1x128xi32>
    %transpose3A_1259 = tpu.transpose %reshape3A_1258, [1, 0] : vector<1x128xi32> -> vector<128x1xi32>
    %get3A_1260 = arith.constant 2 : index
    %get3A_1261 = arith.constant 3 : index
    %get3A_1262 = arith.constant 4 : index
    %get3A_1263 = arith.constant 0 : index
    %get3A_1264 = vector.load %arg3[%get3A_1260, %get3A_1261, %get3A_1262, %get3A_1263] : memref<4x4x8x128xi32, #tpu.memory_space<vmem>>, vector<1x1x1x128xi32>
    %get3A_1265 = vector.shape_cast %get3A_1264 : vector<1x1x1x128xi32> to vector<128xi32>
    %reshape3A_1266 = vector.shape_cast %get3A_1265 : vector<128xi32> to vector<1x128xi32>
    %transpose3A_1267 = tpu.transpose %reshape3A_1266, [1, 0] : vector<1x128xi32> -> vector<128x1xi32>
    %concatenate3A_1268 = tpu.concatenate %transpose3A_1243, %transpose3A_1251, %transpose3A_1259, %transpose3A_1267 in 0 : vector<128x1xi32>, vector<128x1xi32>, vector<128x1xi32>, vector<128x1xi32> -> vector<512x1xi32>
    %eq3A_1269 = arith.constant 0 : i32
    %eq3A_1270 = vector.broadcast %eq3A_1269 : i32 to vector<512x1xi32>
    %eq3A_1271 = arith.cmpi eq, %concatenate3A_1268, %eq3A_1270 : vector<512x1xi32>
    %slice3A_1272 = vector.extract_strided_slice %get3A_1235 {offsets = [0, 0], sizes = [512, 32], strides = [1, 1]} : vector<512x128xf32> to vector<512x32xf32>
    %eq3A_1273 = arith.constant 1 : i32
    %eq3A_1274 = vector.broadcast %eq3A_1273 : i32 to vector<512x1xi32>
    %eq3A_1275 = arith.cmpi eq, %concatenate3A_1268, %eq3A_1274 : vector<512x1xi32>
    %slice3A_1276 = vector.extract_strided_slice %get3A_1235 {offsets = [0, 32], sizes = [512, 32], strides = [1, 1]} : vector<512x128xf32> to vector<512x32xf32>
    %eq3A_1277 = arith.constant 2 : i32
    %eq3A_1278 = vector.broadcast %eq3A_1277 : i32 to vector<512x1xi32>
    %eq3A_1279 = arith.cmpi eq, %concatenate3A_1268, %eq3A_1278 : vector<512x1xi32>
    %slice3A_1280 = vector.extract_strided_slice %get3A_1235 {offsets = [0, 64], sizes = [512, 32], strides = [1, 1]} : vector<512x128xf32> to vector<512x32xf32>
    %slice3A_1281 = vector.extract_strided_slice %get3A_1235 {offsets = [0, 96], sizes = [512, 32], strides = [1, 1]} : vector<512x128xf32> to vector<512x32xf32>
    %broadcast_in_dim3A_1282 = vector.shape_cast %eq3A_1279 : vector<512x1xi1> to vector<512x1xi1>
    %broadcast_in_dim3A_1283 = vector.broadcast %broadcast_in_dim3A_1282 : vector<512x1xi1> to vector<512x32xi1>
    %select_n3A_1284 = arith.select %broadcast_in_dim3A_1283, %slice3A_1280, %slice3A_1281 : vector<512x32xi1>, vector<512x32xf32>
    %broadcast_in_dim3A_1285 = vector.shape_cast %eq3A_1275 : vector<512x1xi1> to vector<512x1xi1>
    %broadcast_in_dim3A_1286 = vector.broadcast %broadcast_in_dim3A_1285 : vector<512x1xi1> to vector<512x32xi1>
    %select_n3A_1287 = arith.select %broadcast_in_dim3A_1286, %slice3A_1276, %select_n3A_1284 : vector<512x32xi1>, vector<512x32xf32>
    %broadcast_in_dim3A_1288 = vector.shape_cast %eq3A_1271 : vector<512x1xi1> to vector<512x1xi1>
    %broadcast_in_dim3A_1289 = vector.broadcast %broadcast_in_dim3A_1288 : vector<512x1xi1> to vector<512x32xi1>
    %select_n3A_1290 = arith.select %broadcast_in_dim3A_1289, %slice3A_1272, %select_n3A_1287 : vector<512x32xi1>, vector<512x32xf32>
    %get3A_1291 = arith.constant 0 : index
    %get3A_1292 = arith.constant 21 : index
    %get3A_1293 = arith.constant 0 : index
    %get3A_1294 = vector.load %arg2[%get3A_1291, %get3A_1292, %get3A_1293] : memref<512x26x128xf32, #tpu.memory_space<vmem>>, vector<512x1x128xf32>
    %get3A_1295 = vector.shape_cast %get3A_1294 : vector<512x1x128xf32> to vector<512x128xf32>
    %get3A_1296 = arith.constant 2 : index
    %get3A_1297 = arith.constant 0 : index
    %get3A_1298 = arith.constant 5 : index
    %get3A_1299 = arith.constant 0 : index
    %get3A_1300 = vector.load %arg3[%get3A_1296, %get3A_1297, %get3A_1298, %get3A_1299] : memref<4x4x8x128xi32, #tpu.memory_space<vmem>>, vector<1x1x1x128xi32>
    %get3A_1301 = vector.shape_cast %get3A_1300 : vector<1x1x1x128xi32> to vector<128xi32>
    %reshape3A_1302 = vector.shape_cast %get3A_1301 : vector<128xi32> to vector<1x128xi32>
    %transpose3A_1303 = tpu.transpose %reshape3A_1302, [1, 0] : vector<1x128xi32> -> vector<128x1xi32>
    %get3A_1304 = arith.constant 2 : index
    %get3A_1305 = arith.constant 1 : index
    %get3A_1306 = arith.constant 5 : index
    %get3A_1307 = arith.constant 0 : index
    %get3A_1308 = vector.load %arg3[%get3A_1304, %get3A_1305, %get3A_1306, %get3A_1307] : memref<4x4x8x128xi32, #tpu.memory_space<vmem>>, vector<1x1x1x128xi32>
    %get3A_1309 = vector.shape_cast %get3A_1308 : vector<1x1x1x128xi32> to vector<128xi32>
    %reshape3A_1310 = vector.shape_cast %get3A_1309 : vector<128xi32> to vector<1x128xi32>
    %transpose3A_1311 = tpu.transpose %reshape3A_1310, [1, 0] : vector<1x128xi32> -> vector<128x1xi32>
    %get3A_1312 = arith.constant 2 : index
    %get3A_1313 = arith.constant 2 : index
    %get3A_1314 = arith.constant 5 : index
    %get3A_1315 = arith.constant 0 : index
    %get3A_1316 = vector.load %arg3[%get3A_1312, %get3A_1313, %get3A_1314, %get3A_1315] : memref<4x4x8x128xi32, #tpu.memory_space<vmem>>, vector<1x1x1x128xi32>
    %get3A_1317 = vector.shape_cast %get3A_1316 : vector<1x1x1x128xi32> to vector<128xi32>
    %reshape3A_1318 = vector.shape_cast %get3A_1317 : vector<128xi32> to vector<1x128xi32>
    %transpose3A_1319 = tpu.transpose %reshape3A_1318, [1, 0] : vector<1x128xi32> -> vector<128x1xi32>
    %get3A_1320 = arith.constant 2 : index
    %get3A_1321 = arith.constant 3 : index
    %get3A_1322 = arith.constant 5 : index
    %get3A_1323 = arith.constant 0 : index
    %get3A_1324 = vector.load %arg3[%get3A_1320, %get3A_1321, %get3A_1322, %get3A_1323] : memref<4x4x8x128xi32, #tpu.memory_space<vmem>>, vector<1x1x1x128xi32>
    %get3A_1325 = vector.shape_cast %get3A_1324 : vector<1x1x1x128xi32> to vector<128xi32>
    %reshape3A_1326 = vector.shape_cast %get3A_1325 : vector<128xi32> to vector<1x128xi32>
    %transpose3A_1327 = tpu.transpose %reshape3A_1326, [1, 0] : vector<1x128xi32> -> vector<128x1xi32>
    %concatenate3A_1328 = tpu.concatenate %transpose3A_1303, %transpose3A_1311, %transpose3A_1319, %transpose3A_1327 in 0 : vector<128x1xi32>, vector<128x1xi32>, vector<128x1xi32>, vector<128x1xi32> -> vector<512x1xi32>
    %eq3A_1329 = arith.constant 0 : i32
    %eq3A_1330 = vector.broadcast %eq3A_1329 : i32 to vector<512x1xi32>
    %eq3A_1331 = arith.cmpi eq, %concatenate3A_1328, %eq3A_1330 : vector<512x1xi32>
    %slice3A_1332 = vector.extract_strided_slice %get3A_1295 {offsets = [0, 0], sizes = [512, 32], strides = [1, 1]} : vector<512x128xf32> to vector<512x32xf32>
    %eq3A_1333 = arith.constant 1 : i32
    %eq3A_1334 = vector.broadcast %eq3A_1333 : i32 to vector<512x1xi32>
    %eq3A_1335 = arith.cmpi eq, %concatenate3A_1328, %eq3A_1334 : vector<512x1xi32>
    %slice3A_1336 = vector.extract_strided_slice %get3A_1295 {offsets = [0, 32], sizes = [512, 32], strides = [1, 1]} : vector<512x128xf32> to vector<512x32xf32>
    %eq3A_1337 = arith.constant 2 : i32
    %eq3A_1338 = vector.broadcast %eq3A_1337 : i32 to vector<512x1xi32>
    %eq3A_1339 = arith.cmpi eq, %concatenate3A_1328, %eq3A_1338 : vector<512x1xi32>
    %slice3A_1340 = vector.extract_strided_slice %get3A_1295 {offsets = [0, 64], sizes = [512, 32], strides = [1, 1]} : vector<512x128xf32> to vector<512x32xf32>
    %slice3A_1341 = vector.extract_strided_slice %get3A_1295 {offsets = [0, 96], sizes = [512, 32], strides = [1, 1]} : vector<512x128xf32> to vector<512x32xf32>
    %broadcast_in_dim3A_1342 = vector.shape_cast %eq3A_1339 : vector<512x1xi1> to vector<512x1xi1>
    %broadcast_in_dim3A_1343 = vector.broadcast %broadcast_in_dim3A_1342 : vector<512x1xi1> to vector<512x32xi1>
    %select_n3A_1344 = arith.select %broadcast_in_dim3A_1343, %slice3A_1340, %slice3A_1341 : vector<512x32xi1>, vector<512x32xf32>
    %broadcast_in_dim3A_1345 = vector.shape_cast %eq3A_1335 : vector<512x1xi1> to vector<512x1xi1>
    %broadcast_in_dim3A_1346 = vector.broadcast %broadcast_in_dim3A_1345 : vector<512x1xi1> to vector<512x32xi1>
    %select_n3A_1347 = arith.select %broadcast_in_dim3A_1346, %slice3A_1336, %select_n3A_1344 : vector<512x32xi1>, vector<512x32xf32>
    %broadcast_in_dim3A_1348 = vector.shape_cast %eq3A_1331 : vector<512x1xi1> to vector<512x1xi1>
    %broadcast_in_dim3A_1349 = vector.broadcast %broadcast_in_dim3A_1348 : vector<512x1xi1> to vector<512x32xi1>
    %select_n3A_1350 = arith.select %broadcast_in_dim3A_1349, %slice3A_1332, %select_n3A_1347 : vector<512x32xi1>, vector<512x32xf32>
    %get3A_1351 = arith.constant 0 : index
    %get3A_1352 = arith.constant 22 : index
    %get3A_1353 = arith.constant 0 : index
    %get3A_1354 = vector.load %arg2[%get3A_1351, %get3A_1352, %get3A_1353] : memref<512x26x128xf32, #tpu.memory_space<vmem>>, vector<512x1x128xf32>
    %get3A_1355 = vector.shape_cast %get3A_1354 : vector<512x1x128xf32> to vector<512x128xf32>
    %get3A_1356 = arith.constant 2 : index
    %get3A_1357 = arith.constant 0 : index
    %get3A_1358 = arith.constant 6 : index
    %get3A_1359 = arith.constant 0 : index
    %get3A_1360 = vector.load %arg3[%get3A_1356, %get3A_1357, %get3A_1358, %get3A_1359] : memref<4x4x8x128xi32, #tpu.memory_space<vmem>>, vector<1x1x1x128xi32>
    %get3A_1361 = vector.shape_cast %get3A_1360 : vector<1x1x1x128xi32> to vector<128xi32>
    %reshape3A_1362 = vector.shape_cast %get3A_1361 : vector<128xi32> to vector<1x128xi32>
    %transpose3A_1363 = tpu.transpose %reshape3A_1362, [1, 0] : vector<1x128xi32> -> vector<128x1xi32>
    %get3A_1364 = arith.constant 2 : index
    %get3A_1365 = arith.constant 1 : index
    %get3A_1366 = arith.constant 6 : index
    %get3A_1367 = arith.constant 0 : index
    %get3A_1368 = vector.load %arg3[%get3A_1364, %get3A_1365, %get3A_1366, %get3A_1367] : memref<4x4x8x128xi32, #tpu.memory_space<vmem>>, vector<1x1x1x128xi32>
    %get3A_1369 = vector.shape_cast %get3A_1368 : vector<1x1x1x128xi32> to vector<128xi32>
    %reshape3A_1370 = vector.shape_cast %get3A_1369 : vector<128xi32> to vector<1x128xi32>
    %transpose3A_1371 = tpu.transpose %reshape3A_1370, [1, 0] : vector<1x128xi32> -> vector<128x1xi32>
    %get3A_1372 = arith.constant 2 : index
    %get3A_1373 = arith.constant 2 : index
    %get3A_1374 = arith.constant 6 : index
    %get3A_1375 = arith.constant 0 : index
    %get3A_1376 = vector.load %arg3[%get3A_1372, %get3A_1373, %get3A_1374, %get3A_1375] : memref<4x4x8x128xi32, #tpu.memory_space<vmem>>, vector<1x1x1x128xi32>
    %get3A_1377 = vector.shape_cast %get3A_1376 : vector<1x1x1x128xi32> to vector<128xi32>
    %reshape3A_1378 = vector.shape_cast %get3A_1377 : vector<128xi32> to vector<1x128xi32>
    %transpose3A_1379 = tpu.transpose %reshape3A_1378, [1, 0] : vector<1x128xi32> -> vector<128x1xi32>
    %get3A_1380 = arith.constant 2 : index
    %get3A_1381 = arith.constant 3 : index
    %get3A_1382 = arith.constant 6 : index
    %get3A_1383 = arith.constant 0 : index
    %get3A_1384 = vector.load %arg3[%get3A_1380, %get3A_1381, %get3A_1382, %get3A_1383] : memref<4x4x8x128xi32, #tpu.memory_space<vmem>>, vector<1x1x1x128xi32>
    %get3A_1385 = vector.shape_cast %get3A_1384 : vector<1x1x1x128xi32> to vector<128xi32>
    %reshape3A_1386 = vector.shape_cast %get3A_1385 : vector<128xi32> to vector<1x128xi32>
    %transpose3A_1387 = tpu.transpose %reshape3A_1386, [1, 0] : vector<1x128xi32> -> vector<128x1xi32>
    %concatenate3A_1388 = tpu.concatenate %transpose3A_1363, %transpose3A_1371, %transpose3A_1379, %transpose3A_1387 in 0 : vector<128x1xi32>, vector<128x1xi32>, vector<128x1xi32>, vector<128x1xi32> -> vector<512x1xi32>
    %eq3A_1389 = arith.constant 0 : i32
    %eq3A_1390 = vector.broadcast %eq3A_1389 : i32 to vector<512x1xi32>
    %eq3A_1391 = arith.cmpi eq, %concatenate3A_1388, %eq3A_1390 : vector<512x1xi32>
    %slice3A_1392 = vector.extract_strided_slice %get3A_1355 {offsets = [0, 0], sizes = [512, 32], strides = [1, 1]} : vector<512x128xf32> to vector<512x32xf32>
    %eq3A_1393 = arith.constant 1 : i32
    %eq3A_1394 = vector.broadcast %eq3A_1393 : i32 to vector<512x1xi32>
    %eq3A_1395 = arith.cmpi eq, %concatenate3A_1388, %eq3A_1394 : vector<512x1xi32>
    %slice3A_1396 = vector.extract_strided_slice %get3A_1355 {offsets = [0, 32], sizes = [512, 32], strides = [1, 1]} : vector<512x128xf32> to vector<512x32xf32>
    %eq3A_1397 = arith.constant 2 : i32
    %eq3A_1398 = vector.broadcast %eq3A_1397 : i32 to vector<512x1xi32>
    %eq3A_1399 = arith.cmpi eq, %concatenate3A_1388, %eq3A_1398 : vector<512x1xi32>
    %slice3A_1400 = vector.extract_strided_slice %get3A_1355 {offsets = [0, 64], sizes = [512, 32], strides = [1, 1]} : vector<512x128xf32> to vector<512x32xf32>
    %slice3A_1401 = vector.extract_strided_slice %get3A_1355 {offsets = [0, 96], sizes = [512, 32], strides = [1, 1]} : vector<512x128xf32> to vector<512x32xf32>
    %broadcast_in_dim3A_1402 = vector.shape_cast %eq3A_1399 : vector<512x1xi1> to vector<512x1xi1>
    %broadcast_in_dim3A_1403 = vector.broadcast %broadcast_in_dim3A_1402 : vector<512x1xi1> to vector<512x32xi1>
    %select_n3A_1404 = arith.select %broadcast_in_dim3A_1403, %slice3A_1400, %slice3A_1401 : vector<512x32xi1>, vector<512x32xf32>
    %broadcast_in_dim3A_1405 = vector.shape_cast %eq3A_1395 : vector<512x1xi1> to vector<512x1xi1>
    %broadcast_in_dim3A_1406 = vector.broadcast %broadcast_in_dim3A_1405 : vector<512x1xi1> to vector<512x32xi1>
    %select_n3A_1407 = arith.select %broadcast_in_dim3A_1406, %slice3A_1396, %select_n3A_1404 : vector<512x32xi1>, vector<512x32xf32>
    %broadcast_in_dim3A_1408 = vector.shape_cast %eq3A_1391 : vector<512x1xi1> to vector<512x1xi1>
    %broadcast_in_dim3A_1409 = vector.broadcast %broadcast_in_dim3A_1408 : vector<512x1xi1> to vector<512x32xi1>
    %select_n3A_1410 = arith.select %broadcast_in_dim3A_1409, %slice3A_1392, %select_n3A_1407 : vector<512x32xi1>, vector<512x32xf32>
    %get3A_1411 = arith.constant 0 : index
    %get3A_1412 = arith.constant 23 : index
    %get3A_1413 = arith.constant 0 : index
    %get3A_1414 = vector.load %arg2[%get3A_1411, %get3A_1412, %get3A_1413] : memref<512x26x128xf32, #tpu.memory_space<vmem>>, vector<512x1x128xf32>
    %get3A_1415 = vector.shape_cast %get3A_1414 : vector<512x1x128xf32> to vector<512x128xf32>
    %get3A_1416 = arith.constant 2 : index
    %get3A_1417 = arith.constant 0 : index
    %get3A_1418 = arith.constant 7 : index
    %get3A_1419 = arith.constant 0 : index
    %get3A_1420 = vector.load %arg3[%get3A_1416, %get3A_1417, %get3A_1418, %get3A_1419] : memref<4x4x8x128xi32, #tpu.memory_space<vmem>>, vector<1x1x1x128xi32>
    %get3A_1421 = vector.shape_cast %get3A_1420 : vector<1x1x1x128xi32> to vector<128xi32>
    %reshape3A_1422 = vector.shape_cast %get3A_1421 : vector<128xi32> to vector<1x128xi32>
    %transpose3A_1423 = tpu.transpose %reshape3A_1422, [1, 0] : vector<1x128xi32> -> vector<128x1xi32>
    %get3A_1424 = arith.constant 2 : index
    %get3A_1425 = arith.constant 1 : index
    %get3A_1426 = arith.constant 7 : index
    %get3A_1427 = arith.constant 0 : index
    %get3A_1428 = vector.load %arg3[%get3A_1424, %get3A_1425, %get3A_1426, %get3A_1427] : memref<4x4x8x128xi32, #tpu.memory_space<vmem>>, vector<1x1x1x128xi32>
    %get3A_1429 = vector.shape_cast %get3A_1428 : vector<1x1x1x128xi32> to vector<128xi32>
    %reshape3A_1430 = vector.shape_cast %get3A_1429 : vector<128xi32> to vector<1x128xi32>
    %transpose3A_1431 = tpu.transpose %reshape3A_1430, [1, 0] : vector<1x128xi32> -> vector<128x1xi32>
    %get3A_1432 = arith.constant 2 : index
    %get3A_1433 = arith.constant 2 : index
    %get3A_1434 = arith.constant 7 : index
    %get3A_1435 = arith.constant 0 : index
    %get3A_1436 = vector.load %arg3[%get3A_1432, %get3A_1433, %get3A_1434, %get3A_1435] : memref<4x4x8x128xi32, #tpu.memory_space<vmem>>, vector<1x1x1x128xi32>
    %get3A_1437 = vector.shape_cast %get3A_1436 : vector<1x1x1x128xi32> to vector<128xi32>
    %reshape3A_1438 = vector.shape_cast %get3A_1437 : vector<128xi32> to vector<1x128xi32>
    %transpose3A_1439 = tpu.transpose %reshape3A_1438, [1, 0] : vector<1x128xi32> -> vector<128x1xi32>
    %get3A_1440 = arith.constant 2 : index
    %get3A_1441 = arith.constant 3 : index
    %get3A_1442 = arith.constant 7 : index
    %get3A_1443 = arith.constant 0 : index
    %get3A_1444 = vector.load %arg3[%get3A_1440, %get3A_1441, %get3A_1442, %get3A_1443] : memref<4x4x8x128xi32, #tpu.memory_space<vmem>>, vector<1x1x1x128xi32>
    %get3A_1445 = vector.shape_cast %get3A_1444 : vector<1x1x1x128xi32> to vector<128xi32>
    %reshape3A_1446 = vector.shape_cast %get3A_1445 : vector<128xi32> to vector<1x128xi32>
    %transpose3A_1447 = tpu.transpose %reshape3A_1446, [1, 0] : vector<1x128xi32> -> vector<128x1xi32>
    %concatenate3A_1448 = tpu.concatenate %transpose3A_1423, %transpose3A_1431, %transpose3A_1439, %transpose3A_1447 in 0 : vector<128x1xi32>, vector<128x1xi32>, vector<128x1xi32>, vector<128x1xi32> -> vector<512x1xi32>
    %eq3A_1449 = arith.constant 0 : i32
    %eq3A_1450 = vector.broadcast %eq3A_1449 : i32 to vector<512x1xi32>
    %eq3A_1451 = arith.cmpi eq, %concatenate3A_1448, %eq3A_1450 : vector<512x1xi32>
    %slice3A_1452 = vector.extract_strided_slice %get3A_1415 {offsets = [0, 0], sizes = [512, 32], strides = [1, 1]} : vector<512x128xf32> to vector<512x32xf32>
    %eq3A_1453 = arith.constant 1 : i32
    %eq3A_1454 = vector.broadcast %eq3A_1453 : i32 to vector<512x1xi32>
    %eq3A_1455 = arith.cmpi eq, %concatenate3A_1448, %eq3A_1454 : vector<512x1xi32>
    %slice3A_1456 = vector.extract_strided_slice %get3A_1415 {offsets = [0, 32], sizes = [512, 32], strides = [1, 1]} : vector<512x128xf32> to vector<512x32xf32>
    %eq3A_1457 = arith.constant 2 : i32
    %eq3A_1458 = vector.broadcast %eq3A_1457 : i32 to vector<512x1xi32>
    %eq3A_1459 = arith.cmpi eq, %concatenate3A_1448, %eq3A_1458 : vector<512x1xi32>
    %slice3A_1460 = vector.extract_strided_slice %get3A_1415 {offsets = [0, 64], sizes = [512, 32], strides = [1, 1]} : vector<512x128xf32> to vector<512x32xf32>
    %slice3A_1461 = vector.extract_strided_slice %get3A_1415 {offsets = [0, 96], sizes = [512, 32], strides = [1, 1]} : vector<512x128xf32> to vector<512x32xf32>
    %broadcast_in_dim3A_1462 = vector.shape_cast %eq3A_1459 : vector<512x1xi1> to vector<512x1xi1>
    %broadcast_in_dim3A_1463 = vector.broadcast %broadcast_in_dim3A_1462 : vector<512x1xi1> to vector<512x32xi1>
    %select_n3A_1464 = arith.select %broadcast_in_dim3A_1463, %slice3A_1460, %slice3A_1461 : vector<512x32xi1>, vector<512x32xf32>
    %broadcast_in_dim3A_1465 = vector.shape_cast %eq3A_1455 : vector<512x1xi1> to vector<512x1xi1>
    %broadcast_in_dim3A_1466 = vector.broadcast %broadcast_in_dim3A_1465 : vector<512x1xi1> to vector<512x32xi1>
    %select_n3A_1467 = arith.select %broadcast_in_dim3A_1466, %slice3A_1456, %select_n3A_1464 : vector<512x32xi1>, vector<512x32xf32>
    %broadcast_in_dim3A_1468 = vector.shape_cast %eq3A_1451 : vector<512x1xi1> to vector<512x1xi1>
    %broadcast_in_dim3A_1469 = vector.broadcast %broadcast_in_dim3A_1468 : vector<512x1xi1> to vector<512x32xi1>
    %select_n3A_1470 = arith.select %broadcast_in_dim3A_1469, %slice3A_1452, %select_n3A_1467 : vector<512x32xi1>, vector<512x32xf32>
    %get3A_1471 = arith.constant 0 : index
    %get3A_1472 = arith.constant 24 : index
    %get3A_1473 = arith.constant 0 : index
    %get3A_1474 = vector.load %arg2[%get3A_1471, %get3A_1472, %get3A_1473] : memref<512x26x128xf32, #tpu.memory_space<vmem>>, vector<512x1x128xf32>
    %get3A_1475 = vector.shape_cast %get3A_1474 : vector<512x1x128xf32> to vector<512x128xf32>
    %get3A_1476 = arith.constant 3 : index
    %get3A_1477 = arith.constant 0 : index
    %get3A_1478 = arith.constant 0 : index
    %get3A_1479 = arith.constant 0 : index
    %get3A_1480 = vector.load %arg3[%get3A_1476, %get3A_1477, %get3A_1478, %get3A_1479] : memref<4x4x8x128xi32, #tpu.memory_space<vmem>>, vector<1x1x1x128xi32>
    %get3A_1481 = vector.shape_cast %get3A_1480 : vector<1x1x1x128xi32> to vector<128xi32>
    %reshape3A_1482 = vector.shape_cast %get3A_1481 : vector<128xi32> to vector<1x128xi32>
    %transpose3A_1483 = tpu.transpose %reshape3A_1482, [1, 0] : vector<1x128xi32> -> vector<128x1xi32>
    %get3A_1484 = arith.constant 3 : index
    %get3A_1485 = arith.constant 1 : index
    %get3A_1486 = arith.constant 0 : index
    %get3A_1487 = arith.constant 0 : index
    %get3A_1488 = vector.load %arg3[%get3A_1484, %get3A_1485, %get3A_1486, %get3A_1487] : memref<4x4x8x128xi32, #tpu.memory_space<vmem>>, vector<1x1x1x128xi32>
    %get3A_1489 = vector.shape_cast %get3A_1488 : vector<1x1x1x128xi32> to vector<128xi32>
    %reshape3A_1490 = vector.shape_cast %get3A_1489 : vector<128xi32> to vector<1x128xi32>
    %transpose3A_1491 = tpu.transpose %reshape3A_1490, [1, 0] : vector<1x128xi32> -> vector<128x1xi32>
    %get3A_1492 = arith.constant 3 : index
    %get3A_1493 = arith.constant 2 : index
    %get3A_1494 = arith.constant 0 : index
    %get3A_1495 = arith.constant 0 : index
    %get3A_1496 = vector.load %arg3[%get3A_1492, %get3A_1493, %get3A_1494, %get3A_1495] : memref<4x4x8x128xi32, #tpu.memory_space<vmem>>, vector<1x1x1x128xi32>
    %get3A_1497 = vector.shape_cast %get3A_1496 : vector<1x1x1x128xi32> to vector<128xi32>
    %reshape3A_1498 = vector.shape_cast %get3A_1497 : vector<128xi32> to vector<1x128xi32>
    %transpose3A_1499 = tpu.transpose %reshape3A_1498, [1, 0] : vector<1x128xi32> -> vector<128x1xi32>
    %get3A_1500 = arith.constant 3 : index
    %get3A_1501 = arith.constant 3 : index
    %get3A_1502 = arith.constant 0 : index
    %get3A_1503 = arith.constant 0 : index
    %get3A_1504 = vector.load %arg3[%get3A_1500, %get3A_1501, %get3A_1502, %get3A_1503] : memref<4x4x8x128xi32, #tpu.memory_space<vmem>>, vector<1x1x1x128xi32>
    %get3A_1505 = vector.shape_cast %get3A_1504 : vector<1x1x1x128xi32> to vector<128xi32>
    %reshape3A_1506 = vector.shape_cast %get3A_1505 : vector<128xi32> to vector<1x128xi32>
    %transpose3A_1507 = tpu.transpose %reshape3A_1506, [1, 0] : vector<1x128xi32> -> vector<128x1xi32>
    %concatenate3A_1508 = tpu.concatenate %transpose3A_1483, %transpose3A_1491, %transpose3A_1499, %transpose3A_1507 in 0 : vector<128x1xi32>, vector<128x1xi32>, vector<128x1xi32>, vector<128x1xi32> -> vector<512x1xi32>
    %eq3A_1509 = arith.constant 0 : i32
    %eq3A_1510 = vector.broadcast %eq3A_1509 : i32 to vector<512x1xi32>
    %eq3A_1511 = arith.cmpi eq, %concatenate3A_1508, %eq3A_1510 : vector<512x1xi32>
    %slice3A_1512 = vector.extract_strided_slice %get3A_1475 {offsets = [0, 0], sizes = [512, 32], strides = [1, 1]} : vector<512x128xf32> to vector<512x32xf32>
    %eq3A_1513 = arith.constant 1 : i32
    %eq3A_1514 = vector.broadcast %eq3A_1513 : i32 to vector<512x1xi32>
    %eq3A_1515 = arith.cmpi eq, %concatenate3A_1508, %eq3A_1514 : vector<512x1xi32>
    %slice3A_1516 = vector.extract_strided_slice %get3A_1475 {offsets = [0, 32], sizes = [512, 32], strides = [1, 1]} : vector<512x128xf32> to vector<512x32xf32>
    %eq3A_1517 = arith.constant 2 : i32
    %eq3A_1518 = vector.broadcast %eq3A_1517 : i32 to vector<512x1xi32>
    %eq3A_1519 = arith.cmpi eq, %concatenate3A_1508, %eq3A_1518 : vector<512x1xi32>
    %slice3A_1520 = vector.extract_strided_slice %get3A_1475 {offsets = [0, 64], sizes = [512, 32], strides = [1, 1]} : vector<512x128xf32> to vector<512x32xf32>
    %slice3A_1521 = vector.extract_strided_slice %get3A_1475 {offsets = [0, 96], sizes = [512, 32], strides = [1, 1]} : vector<512x128xf32> to vector<512x32xf32>
    %broadcast_in_dim3A_1522 = vector.shape_cast %eq3A_1519 : vector<512x1xi1> to vector<512x1xi1>
    %broadcast_in_dim3A_1523 = vector.broadcast %broadcast_in_dim3A_1522 : vector<512x1xi1> to vector<512x32xi1>
    %select_n3A_1524 = arith.select %broadcast_in_dim3A_1523, %slice3A_1520, %slice3A_1521 : vector<512x32xi1>, vector<512x32xf32>
    %broadcast_in_dim3A_1525 = vector.shape_cast %eq3A_1515 : vector<512x1xi1> to vector<512x1xi1>
    %broadcast_in_dim3A_1526 = vector.broadcast %broadcast_in_dim3A_1525 : vector<512x1xi1> to vector<512x32xi1>
    %select_n3A_1527 = arith.select %broadcast_in_dim3A_1526, %slice3A_1516, %select_n3A_1524 : vector<512x32xi1>, vector<512x32xf32>
    %broadcast_in_dim3A_1528 = vector.shape_cast %eq3A_1511 : vector<512x1xi1> to vector<512x1xi1>
    %broadcast_in_dim3A_1529 = vector.broadcast %broadcast_in_dim3A_1528 : vector<512x1xi1> to vector<512x32xi1>
    %select_n3A_1530 = arith.select %broadcast_in_dim3A_1529, %slice3A_1512, %select_n3A_1527 : vector<512x32xi1>, vector<512x32xf32>
    %get3A_1531 = arith.constant 0 : index
    %get3A_1532 = arith.constant 25 : index
    %get3A_1533 = arith.constant 0 : index
    %get3A_1534 = vector.load %arg2[%get3A_1531, %get3A_1532, %get3A_1533] : memref<512x26x128xf32, #tpu.memory_space<vmem>>, vector<512x1x128xf32>
    %get3A_1535 = vector.shape_cast %get3A_1534 : vector<512x1x128xf32> to vector<512x128xf32>
    %get3A_1536 = arith.constant 3 : index
    %get3A_1537 = arith.constant 0 : index
    %get3A_1538 = arith.constant 1 : index
    %get3A_1539 = arith.constant 0 : index
    %get3A_1540 = vector.load %arg3[%get3A_1536, %get3A_1537, %get3A_1538, %get3A_1539] : memref<4x4x8x128xi32, #tpu.memory_space<vmem>>, vector<1x1x1x128xi32>
    %get3A_1541 = vector.shape_cast %get3A_1540 : vector<1x1x1x128xi32> to vector<128xi32>
    %reshape3A_1542 = vector.shape_cast %get3A_1541 : vector<128xi32> to vector<1x128xi32>
    %transpose3A_1543 = tpu.transpose %reshape3A_1542, [1, 0] : vector<1x128xi32> -> vector<128x1xi32>
    %get3A_1544 = arith.constant 3 : index
    %get3A_1545 = arith.constant 1 : index
    %get3A_1546 = arith.constant 1 : index
    %get3A_1547 = arith.constant 0 : index
    %get3A_1548 = vector.load %arg3[%get3A_1544, %get3A_1545, %get3A_1546, %get3A_1547] : memref<4x4x8x128xi32, #tpu.memory_space<vmem>>, vector<1x1x1x128xi32>
    %get3A_1549 = vector.shape_cast %get3A_1548 : vector<1x1x1x128xi32> to vector<128xi32>
    %reshape3A_1550 = vector.shape_cast %get3A_1549 : vector<128xi32> to vector<1x128xi32>
    %transpose3A_1551 = tpu.transpose %reshape3A_1550, [1, 0] : vector<1x128xi32> -> vector<128x1xi32>
    %get3A_1552 = arith.constant 3 : index
    %get3A_1553 = arith.constant 2 : index
    %get3A_1554 = arith.constant 1 : index
    %get3A_1555 = arith.constant 0 : index
    %get3A_1556 = vector.load %arg3[%get3A_1552, %get3A_1553, %get3A_1554, %get3A_1555] : memref<4x4x8x128xi32, #tpu.memory_space<vmem>>, vector<1x1x1x128xi32>
    %get3A_1557 = vector.shape_cast %get3A_1556 : vector<1x1x1x128xi32> to vector<128xi32>
    %reshape3A_1558 = vector.shape_cast %get3A_1557 : vector<128xi32> to vector<1x128xi32>
    %transpose3A_1559 = tpu.transpose %reshape3A_1558, [1, 0] : vector<1x128xi32> -> vector<128x1xi32>
    %get3A_1560 = arith.constant 3 : index
    %get3A_1561 = arith.constant 3 : index
    %get3A_1562 = arith.constant 1 : index
    %get3A_1563 = arith.constant 0 : index
    %get3A_1564 = vector.load %arg3[%get3A_1560, %get3A_1561, %get3A_1562, %get3A_1563] : memref<4x4x8x128xi32, #tpu.memory_space<vmem>>, vector<1x1x1x128xi32>
    %get3A_1565 = vector.shape_cast %get3A_1564 : vector<1x1x1x128xi32> to vector<128xi32>
    %reshape3A_1566 = vector.shape_cast %get3A_1565 : vector<128xi32> to vector<1x128xi32>
    %transpose3A_1567 = tpu.transpose %reshape3A_1566, [1, 0] : vector<1x128xi32> -> vector<128x1xi32>
    %concatenate3A_1568 = tpu.concatenate %transpose3A_1543, %transpose3A_1551, %transpose3A_1559, %transpose3A_1567 in 0 : vector<128x1xi32>, vector<128x1xi32>, vector<128x1xi32>, vector<128x1xi32> -> vector<512x1xi32>
    %eq3A_1569 = arith.constant 0 : i32
    %eq3A_1570 = vector.broadcast %eq3A_1569 : i32 to vector<512x1xi32>
    %eq3A_1571 = arith.cmpi eq, %concatenate3A_1568, %eq3A_1570 : vector<512x1xi32>
    %slice3A_1572 = vector.extract_strided_slice %get3A_1535 {offsets = [0, 0], sizes = [512, 32], strides = [1, 1]} : vector<512x128xf32> to vector<512x32xf32>
    %eq3A_1573 = arith.constant 1 : i32
    %eq3A_1574 = vector.broadcast %eq3A_1573 : i32 to vector<512x1xi32>
    %eq3A_1575 = arith.cmpi eq, %concatenate3A_1568, %eq3A_1574 : vector<512x1xi32>
    %slice3A_1576 = vector.extract_strided_slice %get3A_1535 {offsets = [0, 32], sizes = [512, 32], strides = [1, 1]} : vector<512x128xf32> to vector<512x32xf32>
    %eq3A_1577 = arith.constant 2 : i32
    %eq3A_1578 = vector.broadcast %eq3A_1577 : i32 to vector<512x1xi32>
    %eq3A_1579 = arith.cmpi eq, %concatenate3A_1568, %eq3A_1578 : vector<512x1xi32>
    %slice3A_1580 = vector.extract_strided_slice %get3A_1535 {offsets = [0, 64], sizes = [512, 32], strides = [1, 1]} : vector<512x128xf32> to vector<512x32xf32>
    %slice3A_1581 = vector.extract_strided_slice %get3A_1535 {offsets = [0, 96], sizes = [512, 32], strides = [1, 1]} : vector<512x128xf32> to vector<512x32xf32>
    %broadcast_in_dim3A_1582 = vector.shape_cast %eq3A_1579 : vector<512x1xi1> to vector<512x1xi1>
    %broadcast_in_dim3A_1583 = vector.broadcast %broadcast_in_dim3A_1582 : vector<512x1xi1> to vector<512x32xi1>
    %select_n3A_1584 = arith.select %broadcast_in_dim3A_1583, %slice3A_1580, %slice3A_1581 : vector<512x32xi1>, vector<512x32xf32>
    %broadcast_in_dim3A_1585 = vector.shape_cast %eq3A_1575 : vector<512x1xi1> to vector<512x1xi1>
    %broadcast_in_dim3A_1586 = vector.broadcast %broadcast_in_dim3A_1585 : vector<512x1xi1> to vector<512x32xi1>
    %select_n3A_1587 = arith.select %broadcast_in_dim3A_1586, %slice3A_1576, %select_n3A_1584 : vector<512x32xi1>, vector<512x32xf32>
    %broadcast_in_dim3A_1588 = vector.shape_cast %eq3A_1571 : vector<512x1xi1> to vector<512x1xi1>
    %broadcast_in_dim3A_1589 = vector.broadcast %broadcast_in_dim3A_1588 : vector<512x1xi1> to vector<512x32xi1>
    %select_n3A_1590 = arith.select %broadcast_in_dim3A_1589, %slice3A_1572, %select_n3A_1587 : vector<512x32xi1>, vector<512x32xf32>
    %concatenate3A_1591 = tpu.concatenate %max3A_37, %select_n3A_90, %select_n3A_150, %select_n3A_210, %select_n3A_270, %select_n3A_330, %select_n3A_390, %select_n3A_450, %select_n3A_510, %select_n3A_570, %select_n3A_630, %select_n3A_690, %select_n3A_750, %select_n3A_810, %select_n3A_870, %select_n3A_930, %select_n3A_990, %select_n3A_1050, %select_n3A_1110, %select_n3A_1170, %select_n3A_1230, %select_n3A_1290, %select_n3A_1350, %select_n3A_1410, %select_n3A_1470, %select_n3A_1530, %select_n3A_1590 in 1 : vector<512x32xf32>, vector<512x32xf32>, vector<512x32xf32>, vector<512x32xf32>, vector<512x32xf32>, vector<512x32xf32>, vector<512x32xf32>, vector<512x32xf32>, vector<512x32xf32>, vector<512x32xf32>, vector<512x32xf32>, vector<512x32xf32>, vector<512x32xf32>, vector<512x32xf32>, vector<512x32xf32>, vector<512x32xf32>, vector<512x32xf32>, vector<512x32xf32>, vector<512x32xf32>, vector<512x32xf32>, vector<512x32xf32>, vector<512x32xf32>, vector<512x32xf32>, vector<512x32xf32>, vector<512x32xf32>, vector<512x32xf32>, vector<512x32xf32> -> vector<512x864xf32>
    %iota3A = tpu.iota {dimensions = array<i32: 1>} : vector<32x864xi32>
    %iota3A_1592 = tpu.iota {dimensions = array<i32: 0>} : vector<32x864xi32>
    %jit3A = arith.constant 32 : i32
    %eq3A_1593 = arith.constant 0 : i32
    %eq3A_1594 = arith.cmpi eq, %jit3A, %eq3A_1593 : i32
    %jit3A_1595 = arith.constant 1 : i32
    %select_n3A_1596 = arith.select %eq3A_1594, %jit3A_1595, %jit3A : i32
    %rem3A = vector.broadcast %select_n3A_1596 : i32 to vector<32x864xi32>
    %rem3A_1597 = arith.remsi %iota3A, %rem3A : vector<32x864xi32>
    %ne3A = arith.constant 0 : i32
    %ne3A_1598 = vector.broadcast %ne3A : i32 to vector<32x864xi32>
    %ne3A_1599 = arith.cmpi ne, %rem3A_1597, %ne3A_1598 : vector<32x864xi32>
    %lt3A = arith.constant 0 : i32
    %lt3A_1600 = vector.broadcast %lt3A : i32 to vector<32x864xi32>
    %lt3A_1601 = arith.cmpi slt, %rem3A_1597, %lt3A_1600 : vector<32x864xi32>
    %lt3A_1602 = arith.constant 0 : i32
    %lt3A_1603 = arith.cmpi slt, %select_n3A_1596, %lt3A_1602 : i32
    %ne3A_1604 = vector.broadcast %lt3A_1603 : i1 to vector<32x864xi1>
    %ne3A_1605 = vector.broadcast %ne3A_1604 : vector<32x864xi1> to vector<32x864xi1>
    %ne3A_1606 = arith.xori %lt3A_1601, %ne3A_1605 : vector<32x864xi1>
    %and3A = arith.andi %ne3A_1606, %ne3A_1599 : vector<32x864xi1>
    %add3A_1607 = vector.broadcast %select_n3A_1596 : i32 to vector<32x864xi32>
    %add3A_1608 = arith.addi %rem3A_1597, %add3A_1607 : vector<32x864xi32>
    %select_n3A_1609 = arith.select %and3A, %add3A_1608, %rem3A_1597 : vector<32x864xi1>, vector<32x864xi32>
    %eq3A_1610 = arith.cmpi eq, %select_n3A_1609, %iota3A_1592 : vector<32x864xi32>
    %convert_element_type3A = arith.extui %eq3A_1610 : vector<32x864xi1> to vector<32x864xi32>
    %convert_element_type3A_1611 = arith.sitofp %convert_element_type3A : vector<32x864xi32> to vector<32x864xf32>
    %iota3A_1612 = tpu.iota {dimensions = array<i32: 0>} : vector<864x27xi32>
    %iota3A_1613 = tpu.iota {dimensions = array<i32: 1>} : vector<864x27xi32>
    %jit3A_1614 = arith.constant 32 : i32
    %div3A = vector.broadcast %jit3A_1614 : i32 to vector<864x27xi32>
    %div3A_1615 = arith.divsi %iota3A_1612, %div3A : vector<864x27xi32>
    %sign3A = arith.constant 0 : i32
    %sign3A_1616 = vector.broadcast %sign3A : i32 to vector<864x27xi32>
    %sign3A_1617 = arith.cmpi sgt, %iota3A_1612, %sign3A_1616 : vector<864x27xi32>
    %sign3A_1618 = arith.extui %sign3A_1617 : vector<864x27xi1> to vector<864x27xi32>
    %sign3A_1619 = arith.constant 0 : i32
    %sign3A_1620 = vector.broadcast %sign3A_1619 : i32 to vector<864x27xi32>
    %sign3A_1621 = arith.cmpi slt, %iota3A_1612, %sign3A_1620 : vector<864x27xi32>
    %sign3A_1622 = arith.extui %sign3A_1621 : vector<864x27xi1> to vector<864x27xi32>
    %sign3A_1623 = arith.subi %sign3A_1618, %sign3A_1622 : vector<864x27xi32>
    %sign3A_1624 = arith.constant 0 : i32
    %sign3A_1625 = arith.cmpi sgt, %jit3A_1614, %sign3A_1624 : i32
    %sign3A_1626 = arith.extui %sign3A_1625 : i1 to i32
    %sign3A_1627 = arith.constant 0 : i32
    %sign3A_1628 = arith.cmpi slt, %jit3A_1614, %sign3A_1627 : i32
    %sign3A_1629 = arith.extui %sign3A_1628 : i1 to i32
    %sign3A_1630 = arith.subi %sign3A_1626, %sign3A_1629 : i32
    %ne3A_1631 = vector.broadcast %sign3A_1630 : i32 to vector<864x27xi32>
    %ne3A_1632 = arith.cmpi ne, %sign3A_1623, %ne3A_1631 : vector<864x27xi32>
    %rem3A_1633 = vector.broadcast %jit3A_1614 : i32 to vector<864x27xi32>
    %rem3A_1634 = arith.remsi %iota3A_1612, %rem3A_1633 : vector<864x27xi32>
    %ne3A_1635 = arith.constant 0 : i32
    %ne3A_1636 = vector.broadcast %ne3A_1635 : i32 to vector<864x27xi32>
    %ne3A_1637 = arith.cmpi ne, %rem3A_1634, %ne3A_1636 : vector<864x27xi32>
    %and3A_1638 = arith.andi %ne3A_1632, %ne3A_1637 : vector<864x27xi1>
    %sub3A = arith.constant 1 : i32
    %sub3A_1639 = vector.broadcast %sub3A : i32 to vector<864x27xi32>
    %sub3A_1640 = arith.subi %div3A_1615, %sub3A_1639 : vector<864x27xi32>
    %select_n3A_1641 = arith.select %and3A_1638, %sub3A_1640, %div3A_1615 : vector<864x27xi1>, vector<864x27xi32>
    %eq3A_1642 = arith.cmpi eq, %select_n3A_1641, %iota3A_1613 : vector<864x27xi32>
    %convert_element_type3A_1643 = arith.extui %eq3A_1642 : vector<864x27xi1> to vector<864x27xi32>
    %convert_element_type3A_1644 = arith.sitofp %convert_element_type3A_1643 : vector<864x27xi32> to vector<864x27xf32>
    %get3A_1645 = arith.constant 0 : index
    %get3A_1646 = arith.constant 0 : index
    %get3A_1647 = vector.load %arg10[%get3A_1645, %get3A_1646] : memref<32x512xf32, #tpu.memory_space<vmem>>, vector<32x512xf32>
    %dot_general3A_1648 = arith.constant dense<0.000000e+00> : vector<512x512xf32>
    %dot_general3A_1649 = tpu.matmul %max3A_37, %get3A_1647, %dot_general3A_1648 {dimension_numbers = #tpu.dot_dimension_numbers<[1], [0], [0], [1], [0, 0, 1, 1], [], []>, transpose_lhs_hint = false} : vector<512x32xf32>, vector<32x512xf32>, vector<512x512xf32> -> vector<512x512xf32>
    %get3A_1650 = arith.constant 0 : index
    %get3A_1651 = arith.constant 0 : index
    %get3A_1652 = vector.load %arg12[%get3A_1650, %get3A_1651] : memref<1x512xf32, #tpu.memory_space<vmem>>, vector<1x512xf32>
    %add3A_1653 = vector.broadcast %get3A_1652 : vector<1x512xf32> to vector<512x512xf32>
    %add3A_1654 = arith.addf %dot_general3A_1649, %add3A_1653 : vector<512x512xf32>
    %slice3A_1655 = vector.extract_strided_slice %concatenate3A_1591 {offsets = [0, 0], sizes = [512, 32], strides = [1, 1]} : vector<512x864xf32> to vector<512x32xf32>
    %dot_general3A_1656 = arith.constant dense<0.000000e+00> : vector<512x864xf32>
    %dot_general3A_1657 = tpu.matmul %slice3A_1655, %convert_element_type3A_1611, %dot_general3A_1656 {dimension_numbers = #tpu.dot_dimension_numbers<[1], [0], [0], [1], [0, 0, 1, 1], [], []>, transpose_lhs_hint = false} : vector<512x32xf32>, vector<32x864xf32>, vector<512x864xf32> -> vector<512x864xf32>
    %mul3A = arith.mulf %concatenate3A_1591, %dot_general3A_1657 : vector<512x864xf32>
    %dot_general3A_1658 = arith.constant dense<0.000000e+00> : vector<512x27xf32>
    %dot_general3A_1659 = tpu.matmul %mul3A, %convert_element_type3A_1644, %dot_general3A_1658 {dimension_numbers = #tpu.dot_dimension_numbers<[1], [0], [0], [1], [0, 0, 1, 1], [], []>, transpose_lhs_hint = false} : vector<512x864xf32>, vector<864x27xf32>, vector<512x27xf32> -> vector<512x27xf32>
    %get3A_1660 = arith.constant 0 : index
    %get3A_1661 = arith.constant 0 : index
    %get3A_1662 = arith.constant 0 : index
    %get3A_1663 = vector.load %arg11[%get3A_1660, %get3A_1661, %get3A_1662] : memref<27x27x512xf32, #tpu.memory_space<vmem>>, vector<1x27x512xf32>
    %get3A_1664 = vector.shape_cast %get3A_1663 : vector<1x27x512xf32> to vector<27x512xf32>
    %dot_general3A_1665 = arith.constant dense<0.000000e+00> : vector<512x512xf32>
    %dot_general3A_1666 = tpu.matmul %dot_general3A_1659, %get3A_1664, %dot_general3A_1665 {dimension_numbers = #tpu.dot_dimension_numbers<[1], [0], [0], [1], [0, 0, 1, 1], [], []>, transpose_lhs_hint = false} : vector<512x27xf32>, vector<27x512xf32>, vector<512x512xf32> -> vector<512x512xf32>
    %add3A_1667 = arith.addf %add3A_1654, %dot_general3A_1666 : vector<512x512xf32>
    %slice3A_1668 = vector.extract_strided_slice %concatenate3A_1591 {offsets = [0, 32], sizes = [512, 32], strides = [1, 1]} : vector<512x864xf32> to vector<512x32xf32>
    %dot_general3A_1669 = arith.constant dense<0.000000e+00> : vector<512x864xf32>
    %dot_general3A_1670 = tpu.matmul %slice3A_1668, %convert_element_type3A_1611, %dot_general3A_1669 {dimension_numbers = #tpu.dot_dimension_numbers<[1], [0], [0], [1], [0, 0, 1, 1], [], []>, transpose_lhs_hint = false} : vector<512x32xf32>, vector<32x864xf32>, vector<512x864xf32> -> vector<512x864xf32>
    %mul3A_1671 = arith.mulf %concatenate3A_1591, %dot_general3A_1670 : vector<512x864xf32>
    %dot_general3A_1672 = arith.constant dense<0.000000e+00> : vector<512x27xf32>
    %dot_general3A_1673 = tpu.matmul %mul3A_1671, %convert_element_type3A_1644, %dot_general3A_1672 {dimension_numbers = #tpu.dot_dimension_numbers<[1], [0], [0], [1], [0, 0, 1, 1], [], []>, transpose_lhs_hint = false} : vector<512x864xf32>, vector<864x27xf32>, vector<512x27xf32> -> vector<512x27xf32>
    %get3A_1674 = arith.constant 1 : index
    %get3A_1675 = arith.constant 0 : index
    %get3A_1676 = arith.constant 0 : index
    %get3A_1677 = vector.load %arg11[%get3A_1674, %get3A_1675, %get3A_1676] : memref<27x27x512xf32, #tpu.memory_space<vmem>>, vector<1x27x512xf32>
    %get3A_1678 = vector.shape_cast %get3A_1677 : vector<1x27x512xf32> to vector<27x512xf32>
    %dot_general3A_1679 = arith.constant dense<0.000000e+00> : vector<512x512xf32>
    %dot_general3A_1680 = tpu.matmul %dot_general3A_1673, %get3A_1678, %dot_general3A_1679 {dimension_numbers = #tpu.dot_dimension_numbers<[1], [0], [0], [1], [0, 0, 1, 1], [], []>, transpose_lhs_hint = false} : vector<512x27xf32>, vector<27x512xf32>, vector<512x512xf32> -> vector<512x512xf32>
    %add3A_1681 = arith.addf %add3A_1667, %dot_general3A_1680 : vector<512x512xf32>
    %slice3A_1682 = vector.extract_strided_slice %concatenate3A_1591 {offsets = [0, 64], sizes = [512, 32], strides = [1, 1]} : vector<512x864xf32> to vector<512x32xf32>
    %dot_general3A_1683 = arith.constant dense<0.000000e+00> : vector<512x864xf32>
    %dot_general3A_1684 = tpu.matmul %slice3A_1682, %convert_element_type3A_1611, %dot_general3A_1683 {dimension_numbers = #tpu.dot_dimension_numbers<[1], [0], [0], [1], [0, 0, 1, 1], [], []>, transpose_lhs_hint = false} : vector<512x32xf32>, vector<32x864xf32>, vector<512x864xf32> -> vector<512x864xf32>
    %mul3A_1685 = arith.mulf %concatenate3A_1591, %dot_general3A_1684 : vector<512x864xf32>
    %dot_general3A_1686 = arith.constant dense<0.000000e+00> : vector<512x27xf32>
    %dot_general3A_1687 = tpu.matmul %mul3A_1685, %convert_element_type3A_1644, %dot_general3A_1686 {dimension_numbers = #tpu.dot_dimension_numbers<[1], [0], [0], [1], [0, 0, 1, 1], [], []>, transpose_lhs_hint = false} : vector<512x864xf32>, vector<864x27xf32>, vector<512x27xf32> -> vector<512x27xf32>
    %get3A_1688 = arith.constant 2 : index
    %get3A_1689 = arith.constant 0 : index
    %get3A_1690 = arith.constant 0 : index
    %get3A_1691 = vector.load %arg11[%get3A_1688, %get3A_1689, %get3A_1690] : memref<27x27x512xf32, #tpu.memory_space<vmem>>, vector<1x27x512xf32>
    %get3A_1692 = vector.shape_cast %get3A_1691 : vector<1x27x512xf32> to vector<27x512xf32>
    %dot_general3A_1693 = arith.constant dense<0.000000e+00> : vector<512x512xf32>
    %dot_general3A_1694 = tpu.matmul %dot_general3A_1687, %get3A_1692, %dot_general3A_1693 {dimension_numbers = #tpu.dot_dimension_numbers<[1], [0], [0], [1], [0, 0, 1, 1], [], []>, transpose_lhs_hint = false} : vector<512x27xf32>, vector<27x512xf32>, vector<512x512xf32> -> vector<512x512xf32>
    %add3A_1695 = arith.addf %add3A_1681, %dot_general3A_1694 : vector<512x512xf32>
    %slice3A_1696 = vector.extract_strided_slice %concatenate3A_1591 {offsets = [0, 96], sizes = [512, 32], strides = [1, 1]} : vector<512x864xf32> to vector<512x32xf32>
    %dot_general3A_1697 = arith.constant dense<0.000000e+00> : vector<512x864xf32>
    %dot_general3A_1698 = tpu.matmul %slice3A_1696, %convert_element_type3A_1611, %dot_general3A_1697 {dimension_numbers = #tpu.dot_dimension_numbers<[1], [0], [0], [1], [0, 0, 1, 1], [], []>, transpose_lhs_hint = false} : vector<512x32xf32>, vector<32x864xf32>, vector<512x864xf32> -> vector<512x864xf32>
    %mul3A_1699 = arith.mulf %concatenate3A_1591, %dot_general3A_1698 : vector<512x864xf32>
    %dot_general3A_1700 = arith.constant dense<0.000000e+00> : vector<512x27xf32>
    %dot_general3A_1701 = tpu.matmul %mul3A_1699, %convert_element_type3A_1644, %dot_general3A_1700 {dimension_numbers = #tpu.dot_dimension_numbers<[1], [0], [0], [1], [0, 0, 1, 1], [], []>, transpose_lhs_hint = false} : vector<512x864xf32>, vector<864x27xf32>, vector<512x27xf32> -> vector<512x27xf32>
    %get3A_1702 = arith.constant 3 : index
    %get3A_1703 = arith.constant 0 : index
    %get3A_1704 = arith.constant 0 : index
    %get3A_1705 = vector.load %arg11[%get3A_1702, %get3A_1703, %get3A_1704] : memref<27x27x512xf32, #tpu.memory_space<vmem>>, vector<1x27x512xf32>
    %get3A_1706 = vector.shape_cast %get3A_1705 : vector<1x27x512xf32> to vector<27x512xf32>
    %dot_general3A_1707 = arith.constant dense<0.000000e+00> : vector<512x512xf32>
    %dot_general3A_1708 = tpu.matmul %dot_general3A_1701, %get3A_1706, %dot_general3A_1707 {dimension_numbers = #tpu.dot_dimension_numbers<[1], [0], [0], [1], [0, 0, 1, 1], [], []>, transpose_lhs_hint = false} : vector<512x27xf32>, vector<27x512xf32>, vector<512x512xf32> -> vector<512x512xf32>
    %add3A_1709 = arith.addf %add3A_1695, %dot_general3A_1708 : vector<512x512xf32>
    %slice3A_1710 = vector.extract_strided_slice %concatenate3A_1591 {offsets = [0, 128], sizes = [512, 32], strides = [1, 1]} : vector<512x864xf32> to vector<512x32xf32>
    %dot_general3A_1711 = arith.constant dense<0.000000e+00> : vector<512x864xf32>
    %dot_general3A_1712 = tpu.matmul %slice3A_1710, %convert_element_type3A_1611, %dot_general3A_1711 {dimension_numbers = #tpu.dot_dimension_numbers<[1], [0], [0], [1], [0, 0, 1, 1], [], []>, transpose_lhs_hint = false} : vector<512x32xf32>, vector<32x864xf32>, vector<512x864xf32> -> vector<512x864xf32>
    %mul3A_1713 = arith.mulf %concatenate3A_1591, %dot_general3A_1712 : vector<512x864xf32>
    %dot_general3A_1714 = arith.constant dense<0.000000e+00> : vector<512x27xf32>
    %dot_general3A_1715 = tpu.matmul %mul3A_1713, %convert_element_type3A_1644, %dot_general3A_1714 {dimension_numbers = #tpu.dot_dimension_numbers<[1], [0], [0], [1], [0, 0, 1, 1], [], []>, transpose_lhs_hint = false} : vector<512x864xf32>, vector<864x27xf32>, vector<512x27xf32> -> vector<512x27xf32>
    %get3A_1716 = arith.constant 4 : index
    %get3A_1717 = arith.constant 0 : index
    %get3A_1718 = arith.constant 0 : index
    %get3A_1719 = vector.load %arg11[%get3A_1716, %get3A_1717, %get3A_1718] : memref<27x27x512xf32, #tpu.memory_space<vmem>>, vector<1x27x512xf32>
    %get3A_1720 = vector.shape_cast %get3A_1719 : vector<1x27x512xf32> to vector<27x512xf32>
    %dot_general3A_1721 = arith.constant dense<0.000000e+00> : vector<512x512xf32>
    %dot_general3A_1722 = tpu.matmul %dot_general3A_1715, %get3A_1720, %dot_general3A_1721 {dimension_numbers = #tpu.dot_dimension_numbers<[1], [0], [0], [1], [0, 0, 1, 1], [], []>, transpose_lhs_hint = false} : vector<512x27xf32>, vector<27x512xf32>, vector<512x512xf32> -> vector<512x512xf32>
    %add3A_1723 = arith.addf %add3A_1709, %dot_general3A_1722 : vector<512x512xf32>
    %slice3A_1724 = vector.extract_strided_slice %concatenate3A_1591 {offsets = [0, 160], sizes = [512, 32], strides = [1, 1]} : vector<512x864xf32> to vector<512x32xf32>
    %dot_general3A_1725 = arith.constant dense<0.000000e+00> : vector<512x864xf32>
    %dot_general3A_1726 = tpu.matmul %slice3A_1724, %convert_element_type3A_1611, %dot_general3A_1725 {dimension_numbers = #tpu.dot_dimension_numbers<[1], [0], [0], [1], [0, 0, 1, 1], [], []>, transpose_lhs_hint = false} : vector<512x32xf32>, vector<32x864xf32>, vector<512x864xf32> -> vector<512x864xf32>
    %mul3A_1727 = arith.mulf %concatenate3A_1591, %dot_general3A_1726 : vector<512x864xf32>
    %dot_general3A_1728 = arith.constant dense<0.000000e+00> : vector<512x27xf32>
    %dot_general3A_1729 = tpu.matmul %mul3A_1727, %convert_element_type3A_1644, %dot_general3A_1728 {dimension_numbers = #tpu.dot_dimension_numbers<[1], [0], [0], [1], [0, 0, 1, 1], [], []>, transpose_lhs_hint = false} : vector<512x864xf32>, vector<864x27xf32>, vector<512x27xf32> -> vector<512x27xf32>
    %get3A_1730 = arith.constant 5 : index
    %get3A_1731 = arith.constant 0 : index
    %get3A_1732 = arith.constant 0 : index
    %get3A_1733 = vector.load %arg11[%get3A_1730, %get3A_1731, %get3A_1732] : memref<27x27x512xf32, #tpu.memory_space<vmem>>, vector<1x27x512xf32>
    %get3A_1734 = vector.shape_cast %get3A_1733 : vector<1x27x512xf32> to vector<27x512xf32>
    %dot_general3A_1735 = arith.constant dense<0.000000e+00> : vector<512x512xf32>
    %dot_general3A_1736 = tpu.matmul %dot_general3A_1729, %get3A_1734, %dot_general3A_1735 {dimension_numbers = #tpu.dot_dimension_numbers<[1], [0], [0], [1], [0, 0, 1, 1], [], []>, transpose_lhs_hint = false} : vector<512x27xf32>, vector<27x512xf32>, vector<512x512xf32> -> vector<512x512xf32>
    %add3A_1737 = arith.addf %add3A_1723, %dot_general3A_1736 : vector<512x512xf32>
    %slice3A_1738 = vector.extract_strided_slice %concatenate3A_1591 {offsets = [0, 192], sizes = [512, 32], strides = [1, 1]} : vector<512x864xf32> to vector<512x32xf32>
    %dot_general3A_1739 = arith.constant dense<0.000000e+00> : vector<512x864xf32>
    %dot_general3A_1740 = tpu.matmul %slice3A_1738, %convert_element_type3A_1611, %dot_general3A_1739 {dimension_numbers = #tpu.dot_dimension_numbers<[1], [0], [0], [1], [0, 0, 1, 1], [], []>, transpose_lhs_hint = false} : vector<512x32xf32>, vector<32x864xf32>, vector<512x864xf32> -> vector<512x864xf32>
    %mul3A_1741 = arith.mulf %concatenate3A_1591, %dot_general3A_1740 : vector<512x864xf32>
    %dot_general3A_1742 = arith.constant dense<0.000000e+00> : vector<512x27xf32>
    %dot_general3A_1743 = tpu.matmul %mul3A_1741, %convert_element_type3A_1644, %dot_general3A_1742 {dimension_numbers = #tpu.dot_dimension_numbers<[1], [0], [0], [1], [0, 0, 1, 1], [], []>, transpose_lhs_hint = false} : vector<512x864xf32>, vector<864x27xf32>, vector<512x27xf32> -> vector<512x27xf32>
    %get3A_1744 = arith.constant 6 : index
    %get3A_1745 = arith.constant 0 : index
    %get3A_1746 = arith.constant 0 : index
    %get3A_1747 = vector.load %arg11[%get3A_1744, %get3A_1745, %get3A_1746] : memref<27x27x512xf32, #tpu.memory_space<vmem>>, vector<1x27x512xf32>
    %get3A_1748 = vector.shape_cast %get3A_1747 : vector<1x27x512xf32> to vector<27x512xf32>
    %dot_general3A_1749 = arith.constant dense<0.000000e+00> : vector<512x512xf32>
    %dot_general3A_1750 = tpu.matmul %dot_general3A_1743, %get3A_1748, %dot_general3A_1749 {dimension_numbers = #tpu.dot_dimension_numbers<[1], [0], [0], [1], [0, 0, 1, 1], [], []>, transpose_lhs_hint = false} : vector<512x27xf32>, vector<27x512xf32>, vector<512x512xf32> -> vector<512x512xf32>
    %add3A_1751 = arith.addf %add3A_1737, %dot_general3A_1750 : vector<512x512xf32>
    %slice3A_1752 = vector.extract_strided_slice %concatenate3A_1591 {offsets = [0, 224], sizes = [512, 32], strides = [1, 1]} : vector<512x864xf32> to vector<512x32xf32>
    %dot_general3A_1753 = arith.constant dense<0.000000e+00> : vector<512x864xf32>
    %dot_general3A_1754 = tpu.matmul %slice3A_1752, %convert_element_type3A_1611, %dot_general3A_1753 {dimension_numbers = #tpu.dot_dimension_numbers<[1], [0], [0], [1], [0, 0, 1, 1], [], []>, transpose_lhs_hint = false} : vector<512x32xf32>, vector<32x864xf32>, vector<512x864xf32> -> vector<512x864xf32>
    %mul3A_1755 = arith.mulf %concatenate3A_1591, %dot_general3A_1754 : vector<512x864xf32>
    %dot_general3A_1756 = arith.constant dense<0.000000e+00> : vector<512x27xf32>
    %dot_general3A_1757 = tpu.matmul %mul3A_1755, %convert_element_type3A_1644, %dot_general3A_1756 {dimension_numbers = #tpu.dot_dimension_numbers<[1], [0], [0], [1], [0, 0, 1, 1], [], []>, transpose_lhs_hint = false} : vector<512x864xf32>, vector<864x27xf32>, vector<512x27xf32> -> vector<512x27xf32>
    %get3A_1758 = arith.constant 7 : index
    %get3A_1759 = arith.constant 0 : index
    %get3A_1760 = arith.constant 0 : index
    %get3A_1761 = vector.load %arg11[%get3A_1758, %get3A_1759, %get3A_1760] : memref<27x27x512xf32, #tpu.memory_space<vmem>>, vector<1x27x512xf32>
    %get3A_1762 = vector.shape_cast %get3A_1761 : vector<1x27x512xf32> to vector<27x512xf32>
    %dot_general3A_1763 = arith.constant dense<0.000000e+00> : vector<512x512xf32>
    %dot_general3A_1764 = tpu.matmul %dot_general3A_1757, %get3A_1762, %dot_general3A_1763 {dimension_numbers = #tpu.dot_dimension_numbers<[1], [0], [0], [1], [0, 0, 1, 1], [], []>, transpose_lhs_hint = false} : vector<512x27xf32>, vector<27x512xf32>, vector<512x512xf32> -> vector<512x512xf32>
    %add3A_1765 = arith.addf %add3A_1751, %dot_general3A_1764 : vector<512x512xf32>
    %slice3A_1766 = vector.extract_strided_slice %concatenate3A_1591 {offsets = [0, 256], sizes = [512, 32], strides = [1, 1]} : vector<512x864xf32> to vector<512x32xf32>
    %dot_general3A_1767 = arith.constant dense<0.000000e+00> : vector<512x864xf32>
    %dot_general3A_1768 = tpu.matmul %slice3A_1766, %convert_element_type3A_1611, %dot_general3A_1767 {dimension_numbers = #tpu.dot_dimension_numbers<[1], [0], [0], [1], [0, 0, 1, 1], [], []>, transpose_lhs_hint = false} : vector<512x32xf32>, vector<32x864xf32>, vector<512x864xf32> -> vector<512x864xf32>
    %mul3A_1769 = arith.mulf %concatenate3A_1591, %dot_general3A_1768 : vector<512x864xf32>
    %dot_general3A_1770 = arith.constant dense<0.000000e+00> : vector<512x27xf32>
    %dot_general3A_1771 = tpu.matmul %mul3A_1769, %convert_element_type3A_1644, %dot_general3A_1770 {dimension_numbers = #tpu.dot_dimension_numbers<[1], [0], [0], [1], [0, 0, 1, 1], [], []>, transpose_lhs_hint = false} : vector<512x864xf32>, vector<864x27xf32>, vector<512x27xf32> -> vector<512x27xf32>
    %get3A_1772 = arith.constant 8 : index
    %get3A_1773 = arith.constant 0 : index
    %get3A_1774 = arith.constant 0 : index
    %get3A_1775 = vector.load %arg11[%get3A_1772, %get3A_1773, %get3A_1774] : memref<27x27x512xf32, #tpu.memory_space<vmem>>, vector<1x27x512xf32>
    %get3A_1776 = vector.shape_cast %get3A_1775 : vector<1x27x512xf32> to vector<27x512xf32>
    %dot_general3A_1777 = arith.constant dense<0.000000e+00> : vector<512x512xf32>
    %dot_general3A_1778 = tpu.matmul %dot_general3A_1771, %get3A_1776, %dot_general3A_1777 {dimension_numbers = #tpu.dot_dimension_numbers<[1], [0], [0], [1], [0, 0, 1, 1], [], []>, transpose_lhs_hint = false} : vector<512x27xf32>, vector<27x512xf32>, vector<512x512xf32> -> vector<512x512xf32>
    %add3A_1779 = arith.addf %add3A_1765, %dot_general3A_1778 : vector<512x512xf32>
    %slice3A_1780 = vector.extract_strided_slice %concatenate3A_1591 {offsets = [0, 288], sizes = [512, 32], strides = [1, 1]} : vector<512x864xf32> to vector<512x32xf32>
    %dot_general3A_1781 = arith.constant dense<0.000000e+00> : vector<512x864xf32>
    %dot_general3A_1782 = tpu.matmul %slice3A_1780, %convert_element_type3A_1611, %dot_general3A_1781 {dimension_numbers = #tpu.dot_dimension_numbers<[1], [0], [0], [1], [0, 0, 1, 1], [], []>, transpose_lhs_hint = false} : vector<512x32xf32>, vector<32x864xf32>, vector<512x864xf32> -> vector<512x864xf32>
    %mul3A_1783 = arith.mulf %concatenate3A_1591, %dot_general3A_1782 : vector<512x864xf32>
    %dot_general3A_1784 = arith.constant dense<0.000000e+00> : vector<512x27xf32>
    %dot_general3A_1785 = tpu.matmul %mul3A_1783, %convert_element_type3A_1644, %dot_general3A_1784 {dimension_numbers = #tpu.dot_dimension_numbers<[1], [0], [0], [1], [0, 0, 1, 1], [], []>, transpose_lhs_hint = false} : vector<512x864xf32>, vector<864x27xf32>, vector<512x27xf32> -> vector<512x27xf32>
    %get3A_1786 = arith.constant 9 : index
    %get3A_1787 = arith.constant 0 : index
    %get3A_1788 = arith.constant 0 : index
    %get3A_1789 = vector.load %arg11[%get3A_1786, %get3A_1787, %get3A_1788] : memref<27x27x512xf32, #tpu.memory_space<vmem>>, vector<1x27x512xf32>
    %get3A_1790 = vector.shape_cast %get3A_1789 : vector<1x27x512xf32> to vector<27x512xf32>
    %dot_general3A_1791 = arith.constant dense<0.000000e+00> : vector<512x512xf32>
    %dot_general3A_1792 = tpu.matmul %dot_general3A_1785, %get3A_1790, %dot_general3A_1791 {dimension_numbers = #tpu.dot_dimension_numbers<[1], [0], [0], [1], [0, 0, 1, 1], [], []>, transpose_lhs_hint = false} : vector<512x27xf32>, vector<27x512xf32>, vector<512x512xf32> -> vector<512x512xf32>
    %add3A_1793 = arith.addf %add3A_1779, %dot_general3A_1792 : vector<512x512xf32>
    %slice3A_1794 = vector.extract_strided_slice %concatenate3A_1591 {offsets = [0, 320], sizes = [512, 32], strides = [1, 1]} : vector<512x864xf32> to vector<512x32xf32>
    %dot_general3A_1795 = arith.constant dense<0.000000e+00> : vector<512x864xf32>
    %dot_general3A_1796 = tpu.matmul %slice3A_1794, %convert_element_type3A_1611, %dot_general3A_1795 {dimension_numbers = #tpu.dot_dimension_numbers<[1], [0], [0], [1], [0, 0, 1, 1], [], []>, transpose_lhs_hint = false} : vector<512x32xf32>, vector<32x864xf32>, vector<512x864xf32> -> vector<512x864xf32>
    %mul3A_1797 = arith.mulf %concatenate3A_1591, %dot_general3A_1796 : vector<512x864xf32>
    %dot_general3A_1798 = arith.constant dense<0.000000e+00> : vector<512x27xf32>
    %dot_general3A_1799 = tpu.matmul %mul3A_1797, %convert_element_type3A_1644, %dot_general3A_1798 {dimension_numbers = #tpu.dot_dimension_numbers<[1], [0], [0], [1], [0, 0, 1, 1], [], []>, transpose_lhs_hint = false} : vector<512x864xf32>, vector<864x27xf32>, vector<512x27xf32> -> vector<512x27xf32>
    %get3A_1800 = arith.constant 10 : index
    %get3A_1801 = arith.constant 0 : index
    %get3A_1802 = arith.constant 0 : index
    %get3A_1803 = vector.load %arg11[%get3A_1800, %get3A_1801, %get3A_1802] : memref<27x27x512xf32, #tpu.memory_space<vmem>>, vector<1x27x512xf32>
    %get3A_1804 = vector.shape_cast %get3A_1803 : vector<1x27x512xf32> to vector<27x512xf32>
    %dot_general3A_1805 = arith.constant dense<0.000000e+00> : vector<512x512xf32>
    %dot_general3A_1806 = tpu.matmul %dot_general3A_1799, %get3A_1804, %dot_general3A_1805 {dimension_numbers = #tpu.dot_dimension_numbers<[1], [0], [0], [1], [0, 0, 1, 1], [], []>, transpose_lhs_hint = false} : vector<512x27xf32>, vector<27x512xf32>, vector<512x512xf32> -> vector<512x512xf32>
    %add3A_1807 = arith.addf %add3A_1793, %dot_general3A_1806 : vector<512x512xf32>
    %slice3A_1808 = vector.extract_strided_slice %concatenate3A_1591 {offsets = [0, 352], sizes = [512, 32], strides = [1, 1]} : vector<512x864xf32> to vector<512x32xf32>
    %dot_general3A_1809 = arith.constant dense<0.000000e+00> : vector<512x864xf32>
    %dot_general3A_1810 = tpu.matmul %slice3A_1808, %convert_element_type3A_1611, %dot_general3A_1809 {dimension_numbers = #tpu.dot_dimension_numbers<[1], [0], [0], [1], [0, 0, 1, 1], [], []>, transpose_lhs_hint = false} : vector<512x32xf32>, vector<32x864xf32>, vector<512x864xf32> -> vector<512x864xf32>
    %mul3A_1811 = arith.mulf %concatenate3A_1591, %dot_general3A_1810 : vector<512x864xf32>
    %dot_general3A_1812 = arith.constant dense<0.000000e+00> : vector<512x27xf32>
    %dot_general3A_1813 = tpu.matmul %mul3A_1811, %convert_element_type3A_1644, %dot_general3A_1812 {dimension_numbers = #tpu.dot_dimension_numbers<[1], [0], [0], [1], [0, 0, 1, 1], [], []>, transpose_lhs_hint = false} : vector<512x864xf32>, vector<864x27xf32>, vector<512x27xf32> -> vector<512x27xf32>
    %get3A_1814 = arith.constant 11 : index
    %get3A_1815 = arith.constant 0 : index
    %get3A_1816 = arith.constant 0 : index
    %get3A_1817 = vector.load %arg11[%get3A_1814, %get3A_1815, %get3A_1816] : memref<27x27x512xf32, #tpu.memory_space<vmem>>, vector<1x27x512xf32>
    %get3A_1818 = vector.shape_cast %get3A_1817 : vector<1x27x512xf32> to vector<27x512xf32>
    %dot_general3A_1819 = arith.constant dense<0.000000e+00> : vector<512x512xf32>
    %dot_general3A_1820 = tpu.matmul %dot_general3A_1813, %get3A_1818, %dot_general3A_1819 {dimension_numbers = #tpu.dot_dimension_numbers<[1], [0], [0], [1], [0, 0, 1, 1], [], []>, transpose_lhs_hint = false} : vector<512x27xf32>, vector<27x512xf32>, vector<512x512xf32> -> vector<512x512xf32>
    %add3A_1821 = arith.addf %add3A_1807, %dot_general3A_1820 : vector<512x512xf32>
    %slice3A_1822 = vector.extract_strided_slice %concatenate3A_1591 {offsets = [0, 384], sizes = [512, 32], strides = [1, 1]} : vector<512x864xf32> to vector<512x32xf32>
    %dot_general3A_1823 = arith.constant dense<0.000000e+00> : vector<512x864xf32>
    %dot_general3A_1824 = tpu.matmul %slice3A_1822, %convert_element_type3A_1611, %dot_general3A_1823 {dimension_numbers = #tpu.dot_dimension_numbers<[1], [0], [0], [1], [0, 0, 1, 1], [], []>, transpose_lhs_hint = false} : vector<512x32xf32>, vector<32x864xf32>, vector<512x864xf32> -> vector<512x864xf32>
    %mul3A_1825 = arith.mulf %concatenate3A_1591, %dot_general3A_1824 : vector<512x864xf32>
    %dot_general3A_1826 = arith.constant dense<0.000000e+00> : vector<512x27xf32>
    %dot_general3A_1827 = tpu.matmul %mul3A_1825, %convert_element_type3A_1644, %dot_general3A_1826 {dimension_numbers = #tpu.dot_dimension_numbers<[1], [0], [0], [1], [0, 0, 1, 1], [], []>, transpose_lhs_hint = false} : vector<512x864xf32>, vector<864x27xf32>, vector<512x27xf32> -> vector<512x27xf32>
    %get3A_1828 = arith.constant 12 : index
    %get3A_1829 = arith.constant 0 : index
    %get3A_1830 = arith.constant 0 : index
    %get3A_1831 = vector.load %arg11[%get3A_1828, %get3A_1829, %get3A_1830] : memref<27x27x512xf32, #tpu.memory_space<vmem>>, vector<1x27x512xf32>
    %get3A_1832 = vector.shape_cast %get3A_1831 : vector<1x27x512xf32> to vector<27x512xf32>
    %dot_general3A_1833 = arith.constant dense<0.000000e+00> : vector<512x512xf32>
    %dot_general3A_1834 = tpu.matmul %dot_general3A_1827, %get3A_1832, %dot_general3A_1833 {dimension_numbers = #tpu.dot_dimension_numbers<[1], [0], [0], [1], [0, 0, 1, 1], [], []>, transpose_lhs_hint = false} : vector<512x27xf32>, vector<27x512xf32>, vector<512x512xf32> -> vector<512x512xf32>
    %add3A_1835 = arith.addf %add3A_1821, %dot_general3A_1834 : vector<512x512xf32>
    %slice3A_1836 = vector.extract_strided_slice %concatenate3A_1591 {offsets = [0, 416], sizes = [512, 32], strides = [1, 1]} : vector<512x864xf32> to vector<512x32xf32>
    %dot_general3A_1837 = arith.constant dense<0.000000e+00> : vector<512x864xf32>
    %dot_general3A_1838 = tpu.matmul %slice3A_1836, %convert_element_type3A_1611, %dot_general3A_1837 {dimension_numbers = #tpu.dot_dimension_numbers<[1], [0], [0], [1], [0, 0, 1, 1], [], []>, transpose_lhs_hint = false} : vector<512x32xf32>, vector<32x864xf32>, vector<512x864xf32> -> vector<512x864xf32>
    %mul3A_1839 = arith.mulf %concatenate3A_1591, %dot_general3A_1838 : vector<512x864xf32>
    %dot_general3A_1840 = arith.constant dense<0.000000e+00> : vector<512x27xf32>
    %dot_general3A_1841 = tpu.matmul %mul3A_1839, %convert_element_type3A_1644, %dot_general3A_1840 {dimension_numbers = #tpu.dot_dimension_numbers<[1], [0], [0], [1], [0, 0, 1, 1], [], []>, transpose_lhs_hint = false} : vector<512x864xf32>, vector<864x27xf32>, vector<512x27xf32> -> vector<512x27xf32>
    %get3A_1842 = arith.constant 13 : index
    %get3A_1843 = arith.constant 0 : index
    %get3A_1844 = arith.constant 0 : index
    %get3A_1845 = vector.load %arg11[%get3A_1842, %get3A_1843, %get3A_1844] : memref<27x27x512xf32, #tpu.memory_space<vmem>>, vector<1x27x512xf32>
    %get3A_1846 = vector.shape_cast %get3A_1845 : vector<1x27x512xf32> to vector<27x512xf32>
    %dot_general3A_1847 = arith.constant dense<0.000000e+00> : vector<512x512xf32>
    %dot_general3A_1848 = tpu.matmul %dot_general3A_1841, %get3A_1846, %dot_general3A_1847 {dimension_numbers = #tpu.dot_dimension_numbers<[1], [0], [0], [1], [0, 0, 1, 1], [], []>, transpose_lhs_hint = false} : vector<512x27xf32>, vector<27x512xf32>, vector<512x512xf32> -> vector<512x512xf32>
    %add3A_1849 = arith.addf %add3A_1835, %dot_general3A_1848 : vector<512x512xf32>
    %slice3A_1850 = vector.extract_strided_slice %concatenate3A_1591 {offsets = [0, 448], sizes = [512, 32], strides = [1, 1]} : vector<512x864xf32> to vector<512x32xf32>
    %dot_general3A_1851 = arith.constant dense<0.000000e+00> : vector<512x864xf32>
    %dot_general3A_1852 = tpu.matmul %slice3A_1850, %convert_element_type3A_1611, %dot_general3A_1851 {dimension_numbers = #tpu.dot_dimension_numbers<[1], [0], [0], [1], [0, 0, 1, 1], [], []>, transpose_lhs_hint = false} : vector<512x32xf32>, vector<32x864xf32>, vector<512x864xf32> -> vector<512x864xf32>
    %mul3A_1853 = arith.mulf %concatenate3A_1591, %dot_general3A_1852 : vector<512x864xf32>
    %dot_general3A_1854 = arith.constant dense<0.000000e+00> : vector<512x27xf32>
    %dot_general3A_1855 = tpu.matmul %mul3A_1853, %convert_element_type3A_1644, %dot_general3A_1854 {dimension_numbers = #tpu.dot_dimension_numbers<[1], [0], [0], [1], [0, 0, 1, 1], [], []>, transpose_lhs_hint = false} : vector<512x864xf32>, vector<864x27xf32>, vector<512x27xf32> -> vector<512x27xf32>
    %get3A_1856 = arith.constant 14 : index
    %get3A_1857 = arith.constant 0 : index
    %get3A_1858 = arith.constant 0 : index
    %get3A_1859 = vector.load %arg11[%get3A_1856, %get3A_1857, %get3A_1858] : memref<27x27x512xf32, #tpu.memory_space<vmem>>, vector<1x27x512xf32>
    %get3A_1860 = vector.shape_cast %get3A_1859 : vector<1x27x512xf32> to vector<27x512xf32>
    %dot_general3A_1861 = arith.constant dense<0.000000e+00> : vector<512x512xf32>
    %dot_general3A_1862 = tpu.matmul %dot_general3A_1855, %get3A_1860, %dot_general3A_1861 {dimension_numbers = #tpu.dot_dimension_numbers<[1], [0], [0], [1], [0, 0, 1, 1], [], []>, transpose_lhs_hint = false} : vector<512x27xf32>, vector<27x512xf32>, vector<512x512xf32> -> vector<512x512xf32>
    %add3A_1863 = arith.addf %add3A_1849, %dot_general3A_1862 : vector<512x512xf32>
    %slice3A_1864 = vector.extract_strided_slice %concatenate3A_1591 {offsets = [0, 480], sizes = [512, 32], strides = [1, 1]} : vector<512x864xf32> to vector<512x32xf32>
    %dot_general3A_1865 = arith.constant dense<0.000000e+00> : vector<512x864xf32>
    %dot_general3A_1866 = tpu.matmul %slice3A_1864, %convert_element_type3A_1611, %dot_general3A_1865 {dimension_numbers = #tpu.dot_dimension_numbers<[1], [0], [0], [1], [0, 0, 1, 1], [], []>, transpose_lhs_hint = false} : vector<512x32xf32>, vector<32x864xf32>, vector<512x864xf32> -> vector<512x864xf32>
    %mul3A_1867 = arith.mulf %concatenate3A_1591, %dot_general3A_1866 : vector<512x864xf32>
    %dot_general3A_1868 = arith.constant dense<0.000000e+00> : vector<512x27xf32>
    %dot_general3A_1869 = tpu.matmul %mul3A_1867, %convert_element_type3A_1644, %dot_general3A_1868 {dimension_numbers = #tpu.dot_dimension_numbers<[1], [0], [0], [1], [0, 0, 1, 1], [], []>, transpose_lhs_hint = false} : vector<512x864xf32>, vector<864x27xf32>, vector<512x27xf32> -> vector<512x27xf32>
    %get3A_1870 = arith.constant 15 : index
    %get3A_1871 = arith.constant 0 : index
    %get3A_1872 = arith.constant 0 : index
    %get3A_1873 = vector.load %arg11[%get3A_1870, %get3A_1871, %get3A_1872] : memref<27x27x512xf32, #tpu.memory_space<vmem>>, vector<1x27x512xf32>
    %get3A_1874 = vector.shape_cast %get3A_1873 : vector<1x27x512xf32> to vector<27x512xf32>
    %dot_general3A_1875 = arith.constant dense<0.000000e+00> : vector<512x512xf32>
    %dot_general3A_1876 = tpu.matmul %dot_general3A_1869, %get3A_1874, %dot_general3A_1875 {dimension_numbers = #tpu.dot_dimension_numbers<[1], [0], [0], [1], [0, 0, 1, 1], [], []>, transpose_lhs_hint = false} : vector<512x27xf32>, vector<27x512xf32>, vector<512x512xf32> -> vector<512x512xf32>
    %add3A_1877 = arith.addf %add3A_1863, %dot_general3A_1876 : vector<512x512xf32>
    %slice3A_1878 = vector.extract_strided_slice %concatenate3A_1591 {offsets = [0, 512], sizes = [512, 32], strides = [1, 1]} : vector<512x864xf32> to vector<512x32xf32>
    %dot_general3A_1879 = arith.constant dense<0.000000e+00> : vector<512x864xf32>
    %dot_general3A_1880 = tpu.matmul %slice3A_1878, %convert_element_type3A_1611, %dot_general3A_1879 {dimension_numbers = #tpu.dot_dimension_numbers<[1], [0], [0], [1], [0, 0, 1, 1], [], []>, transpose_lhs_hint = false} : vector<512x32xf32>, vector<32x864xf32>, vector<512x864xf32> -> vector<512x864xf32>
    %mul3A_1881 = arith.mulf %concatenate3A_1591, %dot_general3A_1880 : vector<512x864xf32>
    %dot_general3A_1882 = arith.constant dense<0.000000e+00> : vector<512x27xf32>
    %dot_general3A_1883 = tpu.matmul %mul3A_1881, %convert_element_type3A_1644, %dot_general3A_1882 {dimension_numbers = #tpu.dot_dimension_numbers<[1], [0], [0], [1], [0, 0, 1, 1], [], []>, transpose_lhs_hint = false} : vector<512x864xf32>, vector<864x27xf32>, vector<512x27xf32> -> vector<512x27xf32>
    %get3A_1884 = arith.constant 16 : index
    %get3A_1885 = arith.constant 0 : index
    %get3A_1886 = arith.constant 0 : index
    %get3A_1887 = vector.load %arg11[%get3A_1884, %get3A_1885, %get3A_1886] : memref<27x27x512xf32, #tpu.memory_space<vmem>>, vector<1x27x512xf32>
    %get3A_1888 = vector.shape_cast %get3A_1887 : vector<1x27x512xf32> to vector<27x512xf32>
    %dot_general3A_1889 = arith.constant dense<0.000000e+00> : vector<512x512xf32>
    %dot_general3A_1890 = tpu.matmul %dot_general3A_1883, %get3A_1888, %dot_general3A_1889 {dimension_numbers = #tpu.dot_dimension_numbers<[1], [0], [0], [1], [0, 0, 1, 1], [], []>, transpose_lhs_hint = false} : vector<512x27xf32>, vector<27x512xf32>, vector<512x512xf32> -> vector<512x512xf32>
    %add3A_1891 = arith.addf %add3A_1877, %dot_general3A_1890 : vector<512x512xf32>
    %slice3A_1892 = vector.extract_strided_slice %concatenate3A_1591 {offsets = [0, 544], sizes = [512, 32], strides = [1, 1]} : vector<512x864xf32> to vector<512x32xf32>
    %dot_general3A_1893 = arith.constant dense<0.000000e+00> : vector<512x864xf32>
    %dot_general3A_1894 = tpu.matmul %slice3A_1892, %convert_element_type3A_1611, %dot_general3A_1893 {dimension_numbers = #tpu.dot_dimension_numbers<[1], [0], [0], [1], [0, 0, 1, 1], [], []>, transpose_lhs_hint = false} : vector<512x32xf32>, vector<32x864xf32>, vector<512x864xf32> -> vector<512x864xf32>
    %mul3A_1895 = arith.mulf %concatenate3A_1591, %dot_general3A_1894 : vector<512x864xf32>
    %dot_general3A_1896 = arith.constant dense<0.000000e+00> : vector<512x27xf32>
    %dot_general3A_1897 = tpu.matmul %mul3A_1895, %convert_element_type3A_1644, %dot_general3A_1896 {dimension_numbers = #tpu.dot_dimension_numbers<[1], [0], [0], [1], [0, 0, 1, 1], [], []>, transpose_lhs_hint = false} : vector<512x864xf32>, vector<864x27xf32>, vector<512x27xf32> -> vector<512x27xf32>
    %get3A_1898 = arith.constant 17 : index
    %get3A_1899 = arith.constant 0 : index
    %get3A_1900 = arith.constant 0 : index
    %get3A_1901 = vector.load %arg11[%get3A_1898, %get3A_1899, %get3A_1900] : memref<27x27x512xf32, #tpu.memory_space<vmem>>, vector<1x27x512xf32>
    %get3A_1902 = vector.shape_cast %get3A_1901 : vector<1x27x512xf32> to vector<27x512xf32>
    %dot_general3A_1903 = arith.constant dense<0.000000e+00> : vector<512x512xf32>
    %dot_general3A_1904 = tpu.matmul %dot_general3A_1897, %get3A_1902, %dot_general3A_1903 {dimension_numbers = #tpu.dot_dimension_numbers<[1], [0], [0], [1], [0, 0, 1, 1], [], []>, transpose_lhs_hint = false} : vector<512x27xf32>, vector<27x512xf32>, vector<512x512xf32> -> vector<512x512xf32>
    %add3A_1905 = arith.addf %add3A_1891, %dot_general3A_1904 : vector<512x512xf32>
    %slice3A_1906 = vector.extract_strided_slice %concatenate3A_1591 {offsets = [0, 576], sizes = [512, 32], strides = [1, 1]} : vector<512x864xf32> to vector<512x32xf32>
    %dot_general3A_1907 = arith.constant dense<0.000000e+00> : vector<512x864xf32>
    %dot_general3A_1908 = tpu.matmul %slice3A_1906, %convert_element_type3A_1611, %dot_general3A_1907 {dimension_numbers = #tpu.dot_dimension_numbers<[1], [0], [0], [1], [0, 0, 1, 1], [], []>, transpose_lhs_hint = false} : vector<512x32xf32>, vector<32x864xf32>, vector<512x864xf32> -> vector<512x864xf32>
    %mul3A_1909 = arith.mulf %concatenate3A_1591, %dot_general3A_1908 : vector<512x864xf32>
    %dot_general3A_1910 = arith.constant dense<0.000000e+00> : vector<512x27xf32>
    %dot_general3A_1911 = tpu.matmul %mul3A_1909, %convert_element_type3A_1644, %dot_general3A_1910 {dimension_numbers = #tpu.dot_dimension_numbers<[1], [0], [0], [1], [0, 0, 1, 1], [], []>, transpose_lhs_hint = false} : vector<512x864xf32>, vector<864x27xf32>, vector<512x27xf32> -> vector<512x27xf32>
    %get3A_1912 = arith.constant 18 : index
    %get3A_1913 = arith.constant 0 : index
    %get3A_1914 = arith.constant 0 : index
    %get3A_1915 = vector.load %arg11[%get3A_1912, %get3A_1913, %get3A_1914] : memref<27x27x512xf32, #tpu.memory_space<vmem>>, vector<1x27x512xf32>
    %get3A_1916 = vector.shape_cast %get3A_1915 : vector<1x27x512xf32> to vector<27x512xf32>
    %dot_general3A_1917 = arith.constant dense<0.000000e+00> : vector<512x512xf32>
    %dot_general3A_1918 = tpu.matmul %dot_general3A_1911, %get3A_1916, %dot_general3A_1917 {dimension_numbers = #tpu.dot_dimension_numbers<[1], [0], [0], [1], [0, 0, 1, 1], [], []>, transpose_lhs_hint = false} : vector<512x27xf32>, vector<27x512xf32>, vector<512x512xf32> -> vector<512x512xf32>
    %add3A_1919 = arith.addf %add3A_1905, %dot_general3A_1918 : vector<512x512xf32>
    %slice3A_1920 = vector.extract_strided_slice %concatenate3A_1591 {offsets = [0, 608], sizes = [512, 32], strides = [1, 1]} : vector<512x864xf32> to vector<512x32xf32>
    %dot_general3A_1921 = arith.constant dense<0.000000e+00> : vector<512x864xf32>
    %dot_general3A_1922 = tpu.matmul %slice3A_1920, %convert_element_type3A_1611, %dot_general3A_1921 {dimension_numbers = #tpu.dot_dimension_numbers<[1], [0], [0], [1], [0, 0, 1, 1], [], []>, transpose_lhs_hint = false} : vector<512x32xf32>, vector<32x864xf32>, vector<512x864xf32> -> vector<512x864xf32>
    %mul3A_1923 = arith.mulf %concatenate3A_1591, %dot_general3A_1922 : vector<512x864xf32>
    %dot_general3A_1924 = arith.constant dense<0.000000e+00> : vector<512x27xf32>
    %dot_general3A_1925 = tpu.matmul %mul3A_1923, %convert_element_type3A_1644, %dot_general3A_1924 {dimension_numbers = #tpu.dot_dimension_numbers<[1], [0], [0], [1], [0, 0, 1, 1], [], []>, transpose_lhs_hint = false} : vector<512x864xf32>, vector<864x27xf32>, vector<512x27xf32> -> vector<512x27xf32>
    %get3A_1926 = arith.constant 19 : index
    %get3A_1927 = arith.constant 0 : index
    %get3A_1928 = arith.constant 0 : index
    %get3A_1929 = vector.load %arg11[%get3A_1926, %get3A_1927, %get3A_1928] : memref<27x27x512xf32, #tpu.memory_space<vmem>>, vector<1x27x512xf32>
    %get3A_1930 = vector.shape_cast %get3A_1929 : vector<1x27x512xf32> to vector<27x512xf32>
    %dot_general3A_1931 = arith.constant dense<0.000000e+00> : vector<512x512xf32>
    %dot_general3A_1932 = tpu.matmul %dot_general3A_1925, %get3A_1930, %dot_general3A_1931 {dimension_numbers = #tpu.dot_dimension_numbers<[1], [0], [0], [1], [0, 0, 1, 1], [], []>, transpose_lhs_hint = false} : vector<512x27xf32>, vector<27x512xf32>, vector<512x512xf32> -> vector<512x512xf32>
    %add3A_1933 = arith.addf %add3A_1919, %dot_general3A_1932 : vector<512x512xf32>
    %slice3A_1934 = vector.extract_strided_slice %concatenate3A_1591 {offsets = [0, 640], sizes = [512, 32], strides = [1, 1]} : vector<512x864xf32> to vector<512x32xf32>
    %dot_general3A_1935 = arith.constant dense<0.000000e+00> : vector<512x864xf32>
    %dot_general3A_1936 = tpu.matmul %slice3A_1934, %convert_element_type3A_1611, %dot_general3A_1935 {dimension_numbers = #tpu.dot_dimension_numbers<[1], [0], [0], [1], [0, 0, 1, 1], [], []>, transpose_lhs_hint = false} : vector<512x32xf32>, vector<32x864xf32>, vector<512x864xf32> -> vector<512x864xf32>
    %mul3A_1937 = arith.mulf %concatenate3A_1591, %dot_general3A_1936 : vector<512x864xf32>
    %dot_general3A_1938 = arith.constant dense<0.000000e+00> : vector<512x27xf32>
    %dot_general3A_1939 = tpu.matmul %mul3A_1937, %convert_element_type3A_1644, %dot_general3A_1938 {dimension_numbers = #tpu.dot_dimension_numbers<[1], [0], [0], [1], [0, 0, 1, 1], [], []>, transpose_lhs_hint = false} : vector<512x864xf32>, vector<864x27xf32>, vector<512x27xf32> -> vector<512x27xf32>
    %get3A_1940 = arith.constant 20 : index
    %get3A_1941 = arith.constant 0 : index
    %get3A_1942 = arith.constant 0 : index
    %get3A_1943 = vector.load %arg11[%get3A_1940, %get3A_1941, %get3A_1942] : memref<27x27x512xf32, #tpu.memory_space<vmem>>, vector<1x27x512xf32>
    %get3A_1944 = vector.shape_cast %get3A_1943 : vector<1x27x512xf32> to vector<27x512xf32>
    %dot_general3A_1945 = arith.constant dense<0.000000e+00> : vector<512x512xf32>
    %dot_general3A_1946 = tpu.matmul %dot_general3A_1939, %get3A_1944, %dot_general3A_1945 {dimension_numbers = #tpu.dot_dimension_numbers<[1], [0], [0], [1], [0, 0, 1, 1], [], []>, transpose_lhs_hint = false} : vector<512x27xf32>, vector<27x512xf32>, vector<512x512xf32> -> vector<512x512xf32>
    %add3A_1947 = arith.addf %add3A_1933, %dot_general3A_1946 : vector<512x512xf32>
    %slice3A_1948 = vector.extract_strided_slice %concatenate3A_1591 {offsets = [0, 672], sizes = [512, 32], strides = [1, 1]} : vector<512x864xf32> to vector<512x32xf32>
    %dot_general3A_1949 = arith.constant dense<0.000000e+00> : vector<512x864xf32>
    %dot_general3A_1950 = tpu.matmul %slice3A_1948, %convert_element_type3A_1611, %dot_general3A_1949 {dimension_numbers = #tpu.dot_dimension_numbers<[1], [0], [0], [1], [0, 0, 1, 1], [], []>, transpose_lhs_hint = false} : vector<512x32xf32>, vector<32x864xf32>, vector<512x864xf32> -> vector<512x864xf32>
    %mul3A_1951 = arith.mulf %concatenate3A_1591, %dot_general3A_1950 : vector<512x864xf32>
    %dot_general3A_1952 = arith.constant dense<0.000000e+00> : vector<512x27xf32>
    %dot_general3A_1953 = tpu.matmul %mul3A_1951, %convert_element_type3A_1644, %dot_general3A_1952 {dimension_numbers = #tpu.dot_dimension_numbers<[1], [0], [0], [1], [0, 0, 1, 1], [], []>, transpose_lhs_hint = false} : vector<512x864xf32>, vector<864x27xf32>, vector<512x27xf32> -> vector<512x27xf32>
    %get3A_1954 = arith.constant 21 : index
    %get3A_1955 = arith.constant 0 : index
    %get3A_1956 = arith.constant 0 : index
    %get3A_1957 = vector.load %arg11[%get3A_1954, %get3A_1955, %get3A_1956] : memref<27x27x512xf32, #tpu.memory_space<vmem>>, vector<1x27x512xf32>
    %get3A_1958 = vector.shape_cast %get3A_1957 : vector<1x27x512xf32> to vector<27x512xf32>
    %dot_general3A_1959 = arith.constant dense<0.000000e+00> : vector<512x512xf32>
    %dot_general3A_1960 = tpu.matmul %dot_general3A_1953, %get3A_1958, %dot_general3A_1959 {dimension_numbers = #tpu.dot_dimension_numbers<[1], [0], [0], [1], [0, 0, 1, 1], [], []>, transpose_lhs_hint = false} : vector<512x27xf32>, vector<27x512xf32>, vector<512x512xf32> -> vector<512x512xf32>
    %add3A_1961 = arith.addf %add3A_1947, %dot_general3A_1960 : vector<512x512xf32>
    %slice3A_1962 = vector.extract_strided_slice %concatenate3A_1591 {offsets = [0, 704], sizes = [512, 32], strides = [1, 1]} : vector<512x864xf32> to vector<512x32xf32>
    %dot_general3A_1963 = arith.constant dense<0.000000e+00> : vector<512x864xf32>
    %dot_general3A_1964 = tpu.matmul %slice3A_1962, %convert_element_type3A_1611, %dot_general3A_1963 {dimension_numbers = #tpu.dot_dimension_numbers<[1], [0], [0], [1], [0, 0, 1, 1], [], []>, transpose_lhs_hint = false} : vector<512x32xf32>, vector<32x864xf32>, vector<512x864xf32> -> vector<512x864xf32>
    %mul3A_1965 = arith.mulf %concatenate3A_1591, %dot_general3A_1964 : vector<512x864xf32>
    %dot_general3A_1966 = arith.constant dense<0.000000e+00> : vector<512x27xf32>
    %dot_general3A_1967 = tpu.matmul %mul3A_1965, %convert_element_type3A_1644, %dot_general3A_1966 {dimension_numbers = #tpu.dot_dimension_numbers<[1], [0], [0], [1], [0, 0, 1, 1], [], []>, transpose_lhs_hint = false} : vector<512x864xf32>, vector<864x27xf32>, vector<512x27xf32> -> vector<512x27xf32>
    %get3A_1968 = arith.constant 22 : index
    %get3A_1969 = arith.constant 0 : index
    %get3A_1970 = arith.constant 0 : index
    %get3A_1971 = vector.load %arg11[%get3A_1968, %get3A_1969, %get3A_1970] : memref<27x27x512xf32, #tpu.memory_space<vmem>>, vector<1x27x512xf32>
    %get3A_1972 = vector.shape_cast %get3A_1971 : vector<1x27x512xf32> to vector<27x512xf32>
    %dot_general3A_1973 = arith.constant dense<0.000000e+00> : vector<512x512xf32>
    %dot_general3A_1974 = tpu.matmul %dot_general3A_1967, %get3A_1972, %dot_general3A_1973 {dimension_numbers = #tpu.dot_dimension_numbers<[1], [0], [0], [1], [0, 0, 1, 1], [], []>, transpose_lhs_hint = false} : vector<512x27xf32>, vector<27x512xf32>, vector<512x512xf32> -> vector<512x512xf32>
    %add3A_1975 = arith.addf %add3A_1961, %dot_general3A_1974 : vector<512x512xf32>
    %slice3A_1976 = vector.extract_strided_slice %concatenate3A_1591 {offsets = [0, 736], sizes = [512, 32], strides = [1, 1]} : vector<512x864xf32> to vector<512x32xf32>
    %dot_general3A_1977 = arith.constant dense<0.000000e+00> : vector<512x864xf32>
    %dot_general3A_1978 = tpu.matmul %slice3A_1976, %convert_element_type3A_1611, %dot_general3A_1977 {dimension_numbers = #tpu.dot_dimension_numbers<[1], [0], [0], [1], [0, 0, 1, 1], [], []>, transpose_lhs_hint = false} : vector<512x32xf32>, vector<32x864xf32>, vector<512x864xf32> -> vector<512x864xf32>
    %mul3A_1979 = arith.mulf %concatenate3A_1591, %dot_general3A_1978 : vector<512x864xf32>
    %dot_general3A_1980 = arith.constant dense<0.000000e+00> : vector<512x27xf32>
    %dot_general3A_1981 = tpu.matmul %mul3A_1979, %convert_element_type3A_1644, %dot_general3A_1980 {dimension_numbers = #tpu.dot_dimension_numbers<[1], [0], [0], [1], [0, 0, 1, 1], [], []>, transpose_lhs_hint = false} : vector<512x864xf32>, vector<864x27xf32>, vector<512x27xf32> -> vector<512x27xf32>
    %get3A_1982 = arith.constant 23 : index
    %get3A_1983 = arith.constant 0 : index
    %get3A_1984 = arith.constant 0 : index
    %get3A_1985 = vector.load %arg11[%get3A_1982, %get3A_1983, %get3A_1984] : memref<27x27x512xf32, #tpu.memory_space<vmem>>, vector<1x27x512xf32>
    %get3A_1986 = vector.shape_cast %get3A_1985 : vector<1x27x512xf32> to vector<27x512xf32>
    %dot_general3A_1987 = arith.constant dense<0.000000e+00> : vector<512x512xf32>
    %dot_general3A_1988 = tpu.matmul %dot_general3A_1981, %get3A_1986, %dot_general3A_1987 {dimension_numbers = #tpu.dot_dimension_numbers<[1], [0], [0], [1], [0, 0, 1, 1], [], []>, transpose_lhs_hint = false} : vector<512x27xf32>, vector<27x512xf32>, vector<512x512xf32> -> vector<512x512xf32>
    %add3A_1989 = arith.addf %add3A_1975, %dot_general3A_1988 : vector<512x512xf32>
    %slice3A_1990 = vector.extract_strided_slice %concatenate3A_1591 {offsets = [0, 768], sizes = [512, 32], strides = [1, 1]} : vector<512x864xf32> to vector<512x32xf32>
    %dot_general3A_1991 = arith.constant dense<0.000000e+00> : vector<512x864xf32>
    %dot_general3A_1992 = tpu.matmul %slice3A_1990, %convert_element_type3A_1611, %dot_general3A_1991 {dimension_numbers = #tpu.dot_dimension_numbers<[1], [0], [0], [1], [0, 0, 1, 1], [], []>, transpose_lhs_hint = false} : vector<512x32xf32>, vector<32x864xf32>, vector<512x864xf32> -> vector<512x864xf32>
    %mul3A_1993 = arith.mulf %concatenate3A_1591, %dot_general3A_1992 : vector<512x864xf32>
    %dot_general3A_1994 = arith.constant dense<0.000000e+00> : vector<512x27xf32>
    %dot_general3A_1995 = tpu.matmul %mul3A_1993, %convert_element_type3A_1644, %dot_general3A_1994 {dimension_numbers = #tpu.dot_dimension_numbers<[1], [0], [0], [1], [0, 0, 1, 1], [], []>, transpose_lhs_hint = false} : vector<512x864xf32>, vector<864x27xf32>, vector<512x27xf32> -> vector<512x27xf32>
    %get3A_1996 = arith.constant 24 : index
    %get3A_1997 = arith.constant 0 : index
    %get3A_1998 = arith.constant 0 : index
    %get3A_1999 = vector.load %arg11[%get3A_1996, %get3A_1997, %get3A_1998] : memref<27x27x512xf32, #tpu.memory_space<vmem>>, vector<1x27x512xf32>
    %get3A_2000 = vector.shape_cast %get3A_1999 : vector<1x27x512xf32> to vector<27x512xf32>
    %dot_general3A_2001 = arith.constant dense<0.000000e+00> : vector<512x512xf32>
    %dot_general3A_2002 = tpu.matmul %dot_general3A_1995, %get3A_2000, %dot_general3A_2001 {dimension_numbers = #tpu.dot_dimension_numbers<[1], [0], [0], [1], [0, 0, 1, 1], [], []>, transpose_lhs_hint = false} : vector<512x27xf32>, vector<27x512xf32>, vector<512x512xf32> -> vector<512x512xf32>
    %add3A_2003 = arith.addf %add3A_1989, %dot_general3A_2002 : vector<512x512xf32>
    %slice3A_2004 = vector.extract_strided_slice %concatenate3A_1591 {offsets = [0, 800], sizes = [512, 32], strides = [1, 1]} : vector<512x864xf32> to vector<512x32xf32>
    %dot_general3A_2005 = arith.constant dense<0.000000e+00> : vector<512x864xf32>
    %dot_general3A_2006 = tpu.matmul %slice3A_2004, %convert_element_type3A_1611, %dot_general3A_2005 {dimension_numbers = #tpu.dot_dimension_numbers<[1], [0], [0], [1], [0, 0, 1, 1], [], []>, transpose_lhs_hint = false} : vector<512x32xf32>, vector<32x864xf32>, vector<512x864xf32> -> vector<512x864xf32>
    %mul3A_2007 = arith.mulf %concatenate3A_1591, %dot_general3A_2006 : vector<512x864xf32>
    %dot_general3A_2008 = arith.constant dense<0.000000e+00> : vector<512x27xf32>
    %dot_general3A_2009 = tpu.matmul %mul3A_2007, %convert_element_type3A_1644, %dot_general3A_2008 {dimension_numbers = #tpu.dot_dimension_numbers<[1], [0], [0], [1], [0, 0, 1, 1], [], []>, transpose_lhs_hint = false} : vector<512x864xf32>, vector<864x27xf32>, vector<512x27xf32> -> vector<512x27xf32>
    %get3A_2010 = arith.constant 25 : index
    %get3A_2011 = arith.constant 0 : index
    %get3A_2012 = arith.constant 0 : index
    %get3A_2013 = vector.load %arg11[%get3A_2010, %get3A_2011, %get3A_2012] : memref<27x27x512xf32, #tpu.memory_space<vmem>>, vector<1x27x512xf32>
    %get3A_2014 = vector.shape_cast %get3A_2013 : vector<1x27x512xf32> to vector<27x512xf32>
    %dot_general3A_2015 = arith.constant dense<0.000000e+00> : vector<512x512xf32>
    %dot_general3A_2016 = tpu.matmul %dot_general3A_2009, %get3A_2014, %dot_general3A_2015 {dimension_numbers = #tpu.dot_dimension_numbers<[1], [0], [0], [1], [0, 0, 1, 1], [], []>, transpose_lhs_hint = false} : vector<512x27xf32>, vector<27x512xf32>, vector<512x512xf32> -> vector<512x512xf32>
    %add3A_2017 = arith.addf %add3A_2003, %dot_general3A_2016 : vector<512x512xf32>
    %slice3A_2018 = vector.extract_strided_slice %concatenate3A_1591 {offsets = [0, 832], sizes = [512, 32], strides = [1, 1]} : vector<512x864xf32> to vector<512x32xf32>
    %dot_general3A_2019 = arith.constant dense<0.000000e+00> : vector<512x864xf32>
    %dot_general3A_2020 = tpu.matmul %slice3A_2018, %convert_element_type3A_1611, %dot_general3A_2019 {dimension_numbers = #tpu.dot_dimension_numbers<[1], [0], [0], [1], [0, 0, 1, 1], [], []>, transpose_lhs_hint = false} : vector<512x32xf32>, vector<32x864xf32>, vector<512x864xf32> -> vector<512x864xf32>
    %mul3A_2021 = arith.mulf %concatenate3A_1591, %dot_general3A_2020 : vector<512x864xf32>
    %dot_general3A_2022 = arith.constant dense<0.000000e+00> : vector<512x27xf32>
    %dot_general3A_2023 = tpu.matmul %mul3A_2021, %convert_element_type3A_1644, %dot_general3A_2022 {dimension_numbers = #tpu.dot_dimension_numbers<[1], [0], [0], [1], [0, 0, 1, 1], [], []>, transpose_lhs_hint = false} : vector<512x864xf32>, vector<864x27xf32>, vector<512x27xf32> -> vector<512x27xf32>
    %get3A_2024 = arith.constant 26 : index
    %get3A_2025 = arith.constant 0 : index
    %get3A_2026 = arith.constant 0 : index
    %get3A_2027 = vector.load %arg11[%get3A_2024, %get3A_2025, %get3A_2026] : memref<27x27x512xf32, #tpu.memory_space<vmem>>, vector<1x27x512xf32>
    %get3A_2028 = vector.shape_cast %get3A_2027 : vector<1x27x512xf32> to vector<27x512xf32>
    %dot_general3A_2029 = arith.constant dense<0.000000e+00> : vector<512x512xf32>
    %dot_general3A_2030 = tpu.matmul %dot_general3A_2023, %get3A_2028, %dot_general3A_2029 {dimension_numbers = #tpu.dot_dimension_numbers<[1], [0], [0], [1], [0, 0, 1, 1], [], []>, transpose_lhs_hint = false} : vector<512x27xf32>, vector<27x512xf32>, vector<512x512xf32> -> vector<512x512xf32>
    %add3A_2031 = arith.addf %add3A_2017, %dot_general3A_2030 : vector<512x512xf32>
    %max3A_2032 = arith.constant 0.000000e+00 : f32
    %max3A_2033 = vector.broadcast %max3A_2032 : f32 to vector<512x512xf32>
    %max3A_2034 = arith.maximumf %add3A_2031, %max3A_2033 : vector<512x512xf32>
    %get3A_2035 = arith.constant 0 : index
    %get3A_2036 = arith.constant 0 : index
    %get3A_2037 = vector.load %arg13[%get3A_2035, %get3A_2036] : memref<512x512xf32, #tpu.memory_space<vmem>>, vector<512x512xf32>
    %dot_general3A_2038 = arith.constant dense<0.000000e+00> : vector<512x512xf32>
    %dot_general3A_2039 = tpu.matmul %max3A_2034, %get3A_2037, %dot_general3A_2038 {dimension_numbers = #tpu.dot_dimension_numbers<[1], [0], [0], [1], [0, 0, 1, 1], [], []>, transpose_lhs_hint = false} : vector<512x512xf32>, vector<512x512xf32>, vector<512x512xf32> -> vector<512x512xf32>
    %get3A_2040 = arith.constant 0 : index
    %get3A_2041 = arith.constant 0 : index
    %get3A_2042 = vector.load %arg14[%get3A_2040, %get3A_2041] : memref<1x512xf32, #tpu.memory_space<vmem>>, vector<1x512xf32>
    %add3A_2043 = vector.broadcast %get3A_2042 : vector<1x512xf32> to vector<512x512xf32>
    %add3A_2044 = arith.addf %dot_general3A_2039, %add3A_2043 : vector<512x512xf32>
    %max3A_2045 = arith.constant 0.000000e+00 : f32
    %max3A_2046 = vector.broadcast %max3A_2045 : f32 to vector<512x512xf32>
    %max3A_2047 = arith.maximumf %add3A_2044, %max3A_2046 : vector<512x512xf32>
    %get3A_2048 = arith.constant 0 : index
    %get3A_2049 = arith.constant 0 : index
    %get3A_2050 = vector.load %arg15[%get3A_2048, %get3A_2049] : memref<512x256xf32, #tpu.memory_space<vmem>>, vector<512x256xf32>
    %dot_general3A_2051 = arith.constant dense<0.000000e+00> : vector<512x256xf32>
    %dot_general3A_2052 = tpu.matmul %max3A_2047, %get3A_2050, %dot_general3A_2051 {dimension_numbers = #tpu.dot_dimension_numbers<[1], [0], [0], [1], [0, 0, 1, 1], [], []>, transpose_lhs_hint = false} : vector<512x512xf32>, vector<512x256xf32>, vector<512x256xf32> -> vector<512x256xf32>
    %get3A_2053 = arith.constant 0 : index
    %get3A_2054 = arith.constant 0 : index
    %get3A_2055 = vector.load %arg16[%get3A_2053, %get3A_2054] : memref<1x256xf32, #tpu.memory_space<vmem>>, vector<1x256xf32>
    %add3A_2056 = vector.broadcast %get3A_2055 : vector<1x256xf32> to vector<512x256xf32>
    %add3A_2057 = arith.addf %dot_general3A_2052, %add3A_2056 : vector<512x256xf32>
    %max3A_2058 = arith.constant 0.000000e+00 : f32
    %max3A_2059 = vector.broadcast %max3A_2058 : f32 to vector<512x256xf32>
    %max3A_2060 = arith.maximumf %add3A_2057, %max3A_2059 : vector<512x256xf32>
    %get3A_2061 = arith.constant 0 : index
    %get3A_2062 = arith.constant 0 : index
    %get3A_2063 = vector.load %arg17[%get3A_2061, %get3A_2062] : memref<256x1xf32, #tpu.memory_space<vmem>>, vector<256x1xf32>
    %dot_general3A_2064 = arith.constant dense<0.000000e+00> : vector<512x1xf32>
    %dot_general3A_2065 = tpu.matmul %max3A_2060, %get3A_2063, %dot_general3A_2064 {dimension_numbers = #tpu.dot_dimension_numbers<[1], [0], [0], [1], [0, 0, 1, 1], [], []>, transpose_lhs_hint = false} : vector<512x256xf32>, vector<256x1xf32>, vector<512x1xf32> -> vector<512x1xf32>
    %get3A_2066 = arith.constant 0 : index
    %get3A_2067 = arith.constant 0 : index
    %get3A_2068 = vector.load %arg18[%get3A_2066, %get3A_2067] : memref<1x1xf32, #tpu.memory_space<vmem>>, vector<1x1xf32>
    %add3A_2069 = vector.broadcast %get3A_2068 : vector<1x1xf32> to vector<512x1xf32>
    %add3A_2070 = arith.addf %dot_general3A_2065, %add3A_2069 : vector<512x1xf32>
    %swap3A = arith.constant 0 : index
    %swap3A_2071 = arith.constant 0 : index
    %swap3A_2072 = vector.load %arg19[%swap3A, %swap3A_2071] : memref<512x1xf32, #tpu.memory_space<vmem>>, vector<512x1xf32>
    tpu.vector_store %arg19[%swap3A, %swap3A_2071], %add3A_2070 {strides = array<i32>} : memref<512x1xf32, #tpu.memory_space<vmem>>, vector<512x1xf32>,
    return
  }
  func.func @transform_0(%arg0: i32) -> (i32, i32) {
    %c0_i32 = arith.constant 0 : i32
    %c0_i32_0 = arith.constant 0 : i32
    return %arg0, %c0_i32 : i32, i32
  }
  func.func @transform_1(%arg0: i32) -> (i32, i32, i32) {
    %c0_i32 = arith.constant 0 : i32
    %c0_i32_0 = arith.constant 0 : i32
    %c0_i32_1 = arith.constant 0 : i32
    return %arg0, %c0_i32, %c0_i32_0 : i32, i32, i32
  }
  func.func @transform_2(%arg0: i32) -> (i32, i32, i32, i32) {
    %c0_i32 = arith.constant 0 : i32
    %c0_i32_0 = arith.constant 0 : i32
    %c0_i32_1 = arith.constant 0 : i32
    %c0_i32_2 = arith.constant 0 : i32
    return %c0_i32, %arg0, %c0_i32_0, %c0_i32_1 : i32, i32, i32, i32
  }
  func.func @transform_3(%arg0: i32) -> (i32, i32) {
    %c0_i32 = arith.constant 0 : i32
    %c0_i32_0 = arith.constant 0 : i32
    %c0_i32_1 = arith.constant 0 : i32
    return %c0_i32, %c0_i32_0 : i32, i32
  }
  func.func @transform_4(%arg0: i32) -> (i32, i32) {
    %c0_i32 = arith.constant 0 : i32
    %c0_i32_0 = arith.constant 0 : i32
    %c0_i32_1 = arith.constant 0 : i32
    return %c0_i32, %c0_i32_0 : i32, i32
  }
  func.func @transform_5(%arg0: i32) -> (i32, i32) {
    %c0_i32 = arith.constant 0 : i32
    %c0_i32_0 = arith.constant 0 : i32
    %c0_i32_1 = arith.constant 0 : i32
    return %c0_i32, %c0_i32_0 : i32, i32
  }
  func.func @transform_6(%arg0: i32) -> (i32, i32) {
    %c0_i32 = arith.constant 0 : i32
    %c0_i32_0 = arith.constant 0 : i32
    %c0_i32_1 = arith.constant 0 : i32
    return %c0_i32, %c0_i32_0 : i32, i32
  }
  func.func @transform_7(%arg0: i32) -> (i32, i32) {
    %c0_i32 = arith.constant 0 : i32
    %c0_i32_0 = arith.constant 0 : i32
    %c0_i32_1 = arith.constant 0 : i32
    return %c0_i32, %c0_i32_0 : i32, i32
  }
  func.func @transform_8(%arg0: i32) -> (i32, i32) {
    %c0_i32 = arith.constant 0 : i32
    %c0_i32_0 = arith.constant 0 : i32
    %c0_i32_1 = arith.constant 0 : i32
    return %c0_i32, %c0_i32_0 : i32, i32
  }
  func.func @transform_9(%arg0: i32) -> (i32, i32) {
    %c0_i32 = arith.constant 0 : i32
    %c0_i32_0 = arith.constant 0 : i32
    %c0_i32_1 = arith.constant 0 : i32
    return %c0_i32, %c0_i32_0 : i32, i32
  }
  func.func @transform_10(%arg0: i32) -> (i32, i32, i32) {
    %c0_i32 = arith.constant 0 : i32
    %c0_i32_0 = arith.constant 0 : i32
    %c0_i32_1 = arith.constant 0 : i32
    %c0_i32_2 = arith.constant 0 : i32
    return %c0_i32, %c0_i32_0, %c0_i32_1 : i32, i32, i32
  }
  func.func @transform_11(%arg0: i32) -> (i32, i32) {
    %c0_i32 = arith.constant 0 : i32
    %c0_i32_0 = arith.constant 0 : i32
    %c0_i32_1 = arith.constant 0 : i32
    return %c0_i32, %c0_i32_0 : i32, i32
  }
  func.func @transform_12(%arg0: i32) -> (i32, i32) {
    %c0_i32 = arith.constant 0 : i32
    %c0_i32_0 = arith.constant 0 : i32
    %c0_i32_1 = arith.constant 0 : i32
    return %c0_i32, %c0_i32_0 : i32, i32
  }
  func.func @transform_13(%arg0: i32) -> (i32, i32) {
    %c0_i32 = arith.constant 0 : i32
    %c0_i32_0 = arith.constant 0 : i32
    %c0_i32_1 = arith.constant 0 : i32
    return %c0_i32, %c0_i32_0 : i32, i32
  }
  func.func @transform_14(%arg0: i32) -> (i32, i32) {
    %c0_i32 = arith.constant 0 : i32
    %c0_i32_0 = arith.constant 0 : i32
    %c0_i32_1 = arith.constant 0 : i32
    return %c0_i32, %c0_i32_0 : i32, i32
  }
  func.func @transform_15(%arg0: i32) -> (i32, i32) {
    %c0_i32 = arith.constant 0 : i32
    %c0_i32_0 = arith.constant 0 : i32
    %c0_i32_1 = arith.constant 0 : i32
    return %c0_i32, %c0_i32_0 : i32, i32
  }
  func.func @transform_16(%arg0: i32) -> (i32, i32) {
    %c0_i32 = arith.constant 0 : i32
    %c0_i32_0 = arith.constant 0 : i32
    %c0_i32_1 = arith.constant 0 : i32
    return %c0_i32, %c0_i32_0 : i32, i32
  }
  func.func @transform_17(%arg0: i32) -> (i32, i32) {
    %c0_i32 = arith.constant 0 : i32
    %c0_i32_0 = arith.constant 0 : i32
    %c0_i32_1 = arith.constant 0 : i32
    return %c0_i32, %c0_i32_0 : i32, i32
  }
  func.func @transform_18(%arg0: i32) -> (i32, i32) {
    %c0_i32 = arith.constant 0 : i32
    %c0_i32_0 = arith.constant 0 : i32
    return %arg0, %c0_i32 : i32, i32
  }
}

</mosaic_0001>

<sc_bundles>
// kernel: kernel.5.cloned.1.call-start
scs
__scs_entry_jumppad:
0x0: {  	(pc) =	sbr.rel $0x88, $3  }
0x1: {  	(tag) =	ssettag $0x0;
	lr =	simm.s32 $0x1  }
0x2: {  	[smem:$0x3F90] =	sst lr;
	_ =	strace $0xD0000000  }
0x3: {  	_ = 	snop  }
0x4: {  	_ = 	snop  }
0x5: {  	_ = 	snop  }
0x6: {  	_ = 	snop  }
0x7: {  	_ = 	snop  }
__scs_overlays_trampoline_lowered:
0x8: {  	[smem:$0x3F9F] =	sst s0  }
0x9: {  	[smem:$0x3FA0] =	sst s1  }
0xa: {  	[smem:$0x3FA1] =	sst s2  }
0xb: {  	[smem:$0x3FA2] =	sst s3  }
0xc: {  	[smem:$0x3FA3] =	sst s4  }
0xd: {  	[smem:$0x3FA4] =	sst s5  }
0xe: {  	[smem:$0x3FA5] =	sst s6  }
0xf: {  	[smem:$0x3FA6] =	sst s7  }
0x10: {  	[smem:$0x3FA7] =	sst s8  }
0x11: {  	[smem:$0x3FA8] =	sst s9;
	s0 =	simm.s32 @!p0 $0x0  }
0x12: {  	s1 =	sld [smem:$0x3F8E];
	s0 =	simm.s32 @p0 $0x1  }
0x13: {  	[smem:$0x3FA9] =	sst s0;
	s0 =	simm.s32 @!p1 $0x0  }
0x14: {  	s2 =	sld [smem:$0x3F8D];
	s0 =	simm.s32 @p1 $0x1  }
0x15: {  	[smem:$0x3FAA] =	sst s0;
	s0 =	simm.s32 @!p2 $0x0  }
0x16: {  	s3 =	sld [smem:$0x3FDB];
	s0 =	simm.s32 @p2 $0x1  }
0x17: {  	s4 =	simm.s32 $0x1BF5;
	[smem:$0x3FAC] =	sst s0  }
0x18: {  	s0 =	sld [smem:$0x3F8F];
	_ =	swait.ge [sflag:s4], $0x0  }
0x19: {  	s7 =	sld [smem:$0x3F90]  }
0x1a: {  	s8 =	sadd.s32 $0xFFFFE003, lr  }
0x1b: {  	s9 =	sadd.s32 $0xFFFFFEF7, lr;
	s5 =	simm.s32 $0xFFFFFFFF;
	p2 =	slt.u32 s8, $0xFFFFF086  }
0x1c: {  	p1 =	slt.u32 s9, $0xF7A;
	s5 =	simm.s32 @!p2 $0x0  }
0x1d: {  	s5 =	simm.s32 @p1 $0x1;
	p0 =	seq.s32 s7, s2  }
0x1e: {  	s7 =	smul.u32 @!p0 $0xF7A, s2;
	p2 =	seq.s32 @!p0 s5, $0x0  }
0x1f: {  	s9 =	smul.u32 $0xF7A, s1;
	s8 =	simm.s32 @!p0 $0x1BF5;
	p2 =	por !p2, p0  }
0x20: {  	[sflag:s8] =	ssyncset.s32 @!p0 $0xFFFFF086;
	s6 =	sadd.s32 @!p0 s3, s7;
	s7 =	simm.s32 @!p0 $0x108  }
0x21: {  	s3 =	sadd.s32 s3, s9;
	s6 =	sadd.s32 @!p0 $0x88, s6;
	s7 =	simm.s32 @p2 $0x1082  }
0x22: {  	[simem:s7], [sflag:s8] =	dma.local @!p0 [hbm:s6], $0xF7A  }
0x23: {  	s9 =	sor.u32 $0xD0000000, s2;
	s6 =	simm.s32 $0x108;
	_ =	swait.ge @!p0 [sflag:s8], $0x0  }
0x24: {  	s3 =	sadd.s32 $0x88, s3;
	s6 =	simm.s32 @!p1 $0x1082;
	[sflag:s4] =	ssyncset.s32 $0xFFFFF086  }
0x25: {  	[simem:s6], [sflag:s4] =	dma.local [hbm:s3], $0xF7A  }
0x26: {  	[smem:$0x3F90] =	sst s1;
	(tag) =	ssettag s2;
	_ =	strace s9  }
0x27: {  	s1 =	sld [smem:$0x3FA0]  }
0x28: {  	s2 =	sld [smem:$0x3FA1]  }
0x29: {  	s4 =	sld [smem:$0x3FA3]  }
0x2a: {  	p0 =	seq.s32 s5, $0x0;
	s5 =	sld [smem:$0x3FA4]  }
0x2b: {  	s6 =	sld [smem:$0x3FA5]  }
0x2c: {  	s7 =	sld [smem:$0x3FA6]  }
0x2d: {  	s3 =	simm.s32 $0x108;
	s8 =	sld [smem:$0x3FA7]  }
0x2e: {  	s3 =	simm.s32 @!p0 $0x1082;
	s9 =	sld [smem:$0x3FA8]  }
0x2f: {  	lr =	sadd.s32 s0, s3;
	s0 =	sld [smem:$0x3F9F]  }
0x30: {  	s3 =	sld [smem:$0x3FA2]  }
0x31: {  	[smem:$0x3FAB] =	sst s10  }
0x32: {  	s10 =	sld [smem:$0x3FA9];
	_ =	sdelay $0x3  }
0x33: {  	p0 =	seq.s32 s10, $0x1;
	s10 =	sld [smem:$0x3FAB];
	_ =	sdelay $0x3  }
0x34: {  	[smem:$0x3FAB] =	sst s10  }
0x35: {  	s10 =	sld [smem:$0x3FAA];
	_ =	sdelay $0x3  }
0x36: {  	p1 =	seq.s32 s10, $0x1;
	s10 =	sld [smem:$0x3FAB];
	_ =	sdelay $0x3  }
0x37: {  	[smem:$0x3FAB] =	sst s10  }
0x38: {  	s10 =	sld [smem:$0x3FAC]  }
0x39: {  	_ = 	snop;
	(pc) =	sbr.ind lr, $3  }
0x3a: {  	_ = 	snop  }
0x3b: {  	_ = 	snop  }
0x3c: {  	p2 =	seq.s32 s10, $0x1;
	s10 =	sld [smem:$0x3FAB]  }
0x3d: {  	_ =	shalt  }
0x3e: {  	_ =	shalt  }
0x3f: {  	_ =	shalt  }
0x40: {  	_ =	shalt  }
0x41: {  	_ =	shalt  }
0x42: {  	_ =	shalt  }
0x43: {  	_ =	shalt  }
0x44: {  	_ =	shalt  }
0x45: {  	_ =	shalt  }
0x46: {  	_ =	shalt  }
0x47: {  	_ =	shalt  }
0x48: {  	_ =	shalt  }
0x49: {  	_ =	shalt  }
0x4a: {  	_ =	shalt  }
0x4b: {  	_ =	shalt  }
0x4c: {  	_ =	shalt  }
0x4d: {  	_ =	shalt  }
0x4e: {  	_ =	shalt  }
0x4f: {  	_ =	shalt  }
0x50: {  	_ =	shalt  }
0x51: {  	_ =	shalt  }
0x52: {  	_ =	shalt  }
0x53: {  	_ =	shalt  }
0x54: {  	_ =	shalt  }
0x55: {  	_ =	shalt  }
0x56: {  	_ =	shalt  }
0x57: {  	_ =	shalt  }
0x58: {  	_ =	shalt  }
0x59: {  	_ =	shalt  }
0x5a: {  	_ =	shalt  }
0x5b: {  	_ =	shalt  }
0x5c: {  	_ =	shalt  }
0x5d: {  	_ =	shalt  }
0x5e: {  	_ =	shalt  }
0x5f: {  	_ =	shalt  }
0x60: {  	_ =	shalt  }
0x61: {  	_ =	shalt  }
0x62: {  	_ =	shalt  }
0x63: {  	_ =	shalt  }
0x64: {  	_ =	shalt  }
0x65: {  	_ =	shalt  }
0x66: {  	_ =	shalt  }
0x67: {  	_ =	shalt  }
0x68: {  	_ =	shalt  }
0x69: {  	_ =	shalt  }
0x6a: {  	_ =	shalt  }
0x6b: {  	_ =	shalt  }
0x6c: {  	_ =	shalt  }
0x6d: {  	_ =	shalt  }
0x6e: {  	_ =	shalt  }
0x6f: {  	_ =	shalt  }
0x70: {  	_ =	shalt  }
0x71: {  	_ =	shalt  }
0x72: {  	_ =	shalt  }
0x73: {  	_ =	shalt  }
0x74: {  	_ =	shalt  }
0x75: {  	_ =	shalt  }
0x76: {  	_ =	shalt  }
0x77: {  	_ =	shalt  }
0x78: {  	_ =	shalt  }
0x79: {  	_ =	shalt  }
0x7a: {  	_ =	shalt  }
0x7b: {  	_ =	shalt  }
0x7c: {  	_ =	shalt  }
0x7d: {  	_ =	shalt  }
0x7e: {  	_ =	shalt  }
0x7f: {  	_ =	shalt  }
0x80: {  	_ =	shalt  }
0x81: {  	_ =	shalt  }
0x82: {  	_ =	shalt  }
0x83: {  	_ =	shalt  }
0x84: {  	_ =	shalt  }
0x85: {  	_ =	shalt  }
0x86: {  	_ =	shalt  }
0x87: {  	_ =	shalt  }
.Lfunc_end0:
.L_simem_size_0:
called_computation_lowered:
.L_overlay_start_0:
0x88: {  	s2 =	sld [smem:$0x3FD9]  }
0x89: {  	s3 =	sld [smem:$0x3FFE];
	_ =	sdelay $0x1  }
0x8a: {  	s1 =	srdreg.scid  }
0x8b: {  	s0 =	sand.u32 $0x1, s1  }
0x8c: {  	s16 =	sshll.u32 s0, $0xA;
	s2 =	sadd.s32 s3, s2  }
0x8d: {  	s2 =	sadd.s32 s2, s16  }
0x8e: {  	[smem:$0x3FB7] =	sst s2  }
0x8f: {  	_ = 	snop  }
0x90: {  	(tm) =	ssettm $0x1  }
0x91: {  	s17 =	sld [smem:$0x3FFB];
	_ =	sdelay $0x3  }
0x92: {  	_ =	strace s17  }
0x93: {  	s2 =	sld [smem:$0x3FFC];
	_ =	sdelay $0x3  }
0x94: {  	_ =	strace s2  }
0x95: {  	s2 =	sld [smem:$0x3FFD];
	_ =	sdelay $0x3  }
0x96: {  	_ =	strace s2  }
0x97: {  	_ =	strace $0x8FFFFFFF  }
0x98: {  	s18 =	sld [smem:$0x3FDB];
	_ =	sdelay $0x1  }
0x99: {  	s19 =	simm.s32 $_scs_section_size  }
0x9a: {  	s4 =	simm.s32 $_size__tile_overlayer_lowered;
	s5 =	simm.s32 $_tile_overlayer_lowered  }
0x9b: {  	s22 =	simm.s32 $0x1BFF;
	s21 =	sshll.u32 s5, $0x1;
	s2 =	sadd.s32 s19, s18  }
0x9c: {  	s6 =	simm.s32 $0x0;
	s20 =	sshll.u32 s4, $0x1;
	s4 =	sadd.s32 s21, s2  }
0x9d: {  	[timem:s6], [sflag:s22] =	dma.local [hbm:s4], s20  }
0x9e: {  	_ =	swait.ge [sflag:s22], s20  }
0x9f: {  	s3 =	ssub.s32 $0x0, s20;
	[sflag:s22] =	ssyncset.done $0x0  }
0xa0: {  	[sflag:s22] =	ssyncadd.s32 s3;
	_ =	sdelay $0x1  }
0xa1: {  	s23 =	simm.s32 $0x1B8B  }
0xa2: {  	_ =	swait.ge [sflag:s23], $0x1  }
0xa3: {  	[sflag:s23] =	ssyncset.done $0x0  }
0xa4: {  	s25 =	simm.s32 $0x1B8E;
	s24 =	sld [smem:$0x3FFE];
	[sflag:s23] =	ssyncadd.s32 $0xFFFFFFFF  }
0xa5: {  	s26 =	simm.s32 $execute0_lowered;
	[smem:$0x3FD2] =	sst s25  }
0xa6: {  	s4 =	sshll.u32 s26, $0x1;
	_ =	strace $0x80000046;
	[dreg:$0x1] =	wrdreg $0xFFFFFFFF  }
0xa7: {  	s28 =	simm.s32 $_size_execute0_lowered;
	s2 =	sadd.s32 s2, s4;
	[dreg:$0x0] =	wrdreg $0x0  }
0xa8: {  	s4 =	sshll.u32 s28, $0x1;
	[dreg:$0x2] =	wrdreg s2  }
0xa9: {  	[dreg:$0x3] =	wrdreg s4  }
0xaa: {  	[dreg:$0x4] =	wrdreg $0xC0  }
0xab: {  	_ =	task [dreg:s6], $0x5FFFF  }
0xac: {  	[dreg:$0x1] =	wrdreg $0xFFFFFFFF  }
0xad: {  	[dreg:$0x0] =	wrdreg $0x60  }
0xae: {  	[dreg:$0x2] =	wrdreg s24  }
0xaf: {  	[dreg:$0x3] =	wrdreg $0x9  }
0xb0: {  	_ =	task.clear_ibuf [dreg:s6], $0x4FFFF;
	_ =	strace $0x90000046  }
0xb1: {  	s29 =	simm.s32 $0x9;
	_ =	strace $0x80000048  }
0xb2: {  	_ =	swait.ge [sflag:s29], $0x1  }
0xb3: {  	[sflag:s29] =	ssyncadd.s32 $0xFFFFFFFF  }
0xb4: {  	_ =	strace $0x90000048  }
0xb5: {  	_ =	sfence  }
0xb6: {  	s30 =	sld [smem:$0x0];
	_ =	sdelay $0x2  }
0xb7: {  	s31 =	sshll.u32 s1, $0xD;
	s1 =	sshrl.u32 s1, $0x2  }
0xb8: {  	s3 =	sand.u32 $0x4000, s31;
	s1 =	sadd.s32 s1, s30  }
0xb9: {  	s0 =	sor.u32 s3, s0;
	s1 =	sshll.u32 s1, $0x11  }
0xba: {  	s0 =	sor.u32 s1, s0  }
0xbb: {  	s0 =	sadd.s32 $0x8F2B, s0  }
0xbc: {  	[sflag:s0] =	ssyncadd.remote.s32 $0x1  }
0xbd: {  	_ =	sfence.sel $0xFFFF  }
0xbe: {  	[dreg:$0x0] =	wrdreg $0xFFFFFFFF;
	(pc) =	sbr.abs _section_cstart, $3  }
0xbf: {  	[dreg:$0x1] =	wrdreg $0xFFFFFFFF  }
0xc0: {  	_ =	task.clear_ibuf [dreg:s6], $0x2FFFF;
	_ =	strace $0x9FFFFFFF  }
0xc1: {  	(tm) =	ssettm $0x7FFFFFFF  }
tec
execute0_lowered:
.L_overlay_start_1:
0x0: {  	(tag) =	ssettag $0x1  }
0x1: {  	s0 =	srdreg.scid;
	s10 =	stileid.u32  }
0x2: {  	s0 =	sand.u32 $0x1, s0;
	s2 =	sshll.u32 s10, $0x1  }
0x3: {  	s2 =	sor.u32 s0, s2  }
0x4: {  	s1 =	rddreg [dreg:$0x0];
	s3 =	sshll.u32 s2, $0x7;
	s2 =	smul.u32 $0xD000, s2  }
0x5: {  	s26 =	simm.s32 $0x0;
	s3 =	sadd.s32 s3, s1  }
0x6: {  	[smem:$0x7FF] =	sst s26;
	s2 =	sadd.s32 s2, s1;
	s3 =	sadd.s32 $0x9FCA00, s3  }
0x7: {  	_ =	strace $0x80000047;
	[dreg:$0x2] =	wrdreg s3;
	s16 =	sadd.s32 $0xA00A00, s2  }
0x8: {  	s17 =	sadd.s32 $0xA00A10, s2;
	[dreg:$0x3] =	wrdreg s16  }
0x9: {  	s18 =	sadd.s32 $0xA00A20, s2;
	[dreg:$0x4] =	wrdreg s17  }
0xa: {  	s19 =	sadd.s32 $0xA00A30, s2;
	[dreg:$0x5] =	wrdreg s18  }
0xb: {  	s20 =	sadd.s32 $0xA00A40, s2;
	[dreg:$0x6] =	wrdreg s19  }
0xc: {  	s21 =	sadd.s32 $0xA00A50, s2;
	[dreg:$0x7] =	wrdreg s20  }
0xd: {  	s22 =	sadd.s32 $0xA00A60, s2;
	[dreg:$0x8] =	wrdreg s21  }
0xe: {  	s23 =	sadd.s32 $0xA00A70, s2;
	[dreg:$0x9] =	wrdreg s22  }
0xf: {  	s24 =	sadd.s32 $0xA00A80, s2;
	[dreg:$0xa] =	wrdreg s23  }
0x10: {  	s25 =	sadd.s32 $0xA00A90, s2;
	[dreg:$0xb] =	wrdreg s24  }
0x11: {  	s4 =	sadd.s32 $0xA00AA0, s2;
	[dreg:$0xc] =	wrdreg s25  }
0x12: {  	s5 =	sadd.s32 $0xA00AB0, s2;
	[dreg:$0xd] =	wrdreg s4  }
0x13: {  	s31 =	simm.s32 $0x380;
	s6 =	sadd.s32 $0xA00AC0, s2;
	[dreg:$0xe] =	wrdreg s5  }
0x14: {  	s30 =	simm.s32 $0x480;
	s7 =	sadd.s32 $0xA00AD0, s2;
	[dreg:$0xf] =	wrdreg s6  }
0x15: {  	s29 =	simm.s32 $0x500;
	s8 =	sadd.s32 $0xA00AE0, s2;
	[dreg:$0x10] =	wrdreg s7  }
0x16: {  	s28 =	simm.s32 $0x580;
	s9 =	sadd.s32 $0xA00AF0, s2;
	[dreg:$0x11] =	wrdreg s8  }
0x17: {  	p0 =	por $0x0, $0x0;
	s11 =	sadd.s32 $0xA00B00, s2;
	[dreg:$0x12] =	wrdreg s9  }
0x18: {  	s0 =	ssub.s32 $0x2, s0;
	s12 =	sadd.s32 $0xA00B10, s2;
	[dreg:$0x13] =	wrdreg s11  }
0x19: {  	s13 =	sadd.s32 $0xA00B20, s2;
	s14 =	sadd.s32 $0xA00B30, s2;
	[dreg:$0x14] =	wrdreg s12  }
0x1a: {  	s15 =	sadd.s32 $0xA00B40, s2;
	s3 =	simm.s32 $0x80;
	[dreg:$0x15] =	wrdreg s13  }
0x1b: {  	[dreg:$0x16] =	wrdreg s14;
	s16 =	sadd.s32 $0xA00B50, s2;
	s17 =	sadd.s32 $0xA00B60, s2  }
0x1c: {  	[dreg:$0x17] =	wrdreg s15;
	s18 =	sadd.s32 $0xA00B70, s2;
	s19 =	sadd.s32 $0xA00B80, s2  }
0x1d: {  	s4 =	sshrl.u32 s0, $0x1;
	s2 =	sadd.s32 $0xA00B90, s2;
	s5 =	sadd.s32 $0x2A00, s1  }
0x1e: {  	s25 =	simm.s32 $0x400;
	s20 =	simm.s32 $0x8000;
	s7 =	simm.s32 $0x1000  }
0x1f: {  	s21 =	simm.s32 $0x100;
	s9 =	simm.s32 $0x1;
	[dreg:$0x18] =	wrdreg s16  }
0x20: {  	s22 =	simm.s32 $0x180;
	s6 =	simm.s32 $0xD00;
	[dreg:$0x19] =	wrdreg s17  }
0x21: {  	s23 =	simm.s32 $0x200;
	s8 =	simm.s32 $0x2;
	[dreg:$0x1a] =	wrdreg s18  }
0x22: {  	s24 =	simm.s32 $0x280;
	s15 =	simm.s32 $0xA80;
	[dreg:$0x1b] =	wrdreg s19  }
0x23: {  	s14 =	simm.s32 $0xB00;
	s13 =	simm.s32 $0xB80;
	[dreg:$0x1c] =	wrdreg s2  }
0x24: {  	s12 =	simm.s32 $0xC00;
	s0 =	ssub.s32 s0, s4;
	[dreg:$0x1d] =	wrdreg s20  }
0x25: {  	s11 =	simm.s32 $0xC80;
	[dreg:$0x1e] =	wrdreg s21;
	s0 =	smax.u32 s0, $0x1  }
0x26: {  	s2 =	simm.s32 $0x3;
	[dreg:$0x1f] =	wrdreg s22;
	p1 =	sne.s32 s0, $0x1  }
.Ltmp0:
0x27: {  	s4 =	simm.s32 $0x5000;
	[smem:$0x7FC] =	sst s23;
	(pc) =	sbr.rel @!p1 .LBB2_1-.Ltmp0, $4  }
0x28: {  	[smem:$0x7FD] =	sst s24;
	s24 =	simm.s32 $0x600;
	s23 =	simm.s32 $0x680  }
0x29: {  	s22 =	simm.s32 $0x700;
	s21 =	simm.s32 $0x780;
	s20 =	simm.s32 $0x800  }
0x2a: {  	s19 =	simm.s32 $0x880;
	s18 =	simm.s32 $0x900;
	s17 =	simm.s32 $0x980  }
0x2b: {  	s16 =	simm.s32 $0xA00;
	s1 =	sadd.s32 $0xFFFFFFFF, s0;
	s0 =	rddreg [dreg:$0x2]  }
0x2c: {  	s10 =	smov.u32 s1;
	s1 =	rddreg [dreg:$0x1d]  }
0x2d: {  	[tilespmem:s26], [sflag:$0x3] =	stream.strided.gather [hbm4b:s0+s25], $0x1000, s1, s25, $0x38;
	[tilespmem:$0x9000] =	vst v63  }
0x2e: {  	_ =	swait.ge [sflag:s2], $0x1000  }
0x2f: {  	[sflag:s2] =	ssyncset.done $0x0  }
0x30: {  	[sflag:s2] =	ssyncadd.s32 $0xFFFFF000  }
0x31: {  	[tilespmem:s7], [sflag:$0x1] =	stream.indirect.gather [hbm4b:s5+s3], $0x80, s26, s3, $0xb8;
	[tilespmem:$0x9000] =	vst v63  }
0x32: {  	_ = 	snop  }
0x33: {  	[tilespmem:s4], [sflag:$0x2] =	stream.indirect.gather [hbm4b:s5+s3], $0x80, s3, s3, $0xb8;
	[tilespmem:$0x9000] =	vst v63  }
0x34: {  	_ =	swait.ge [sflag:s9], $0x4000  }
0x35: {  	[sflag:s9] =	ssyncset.done $0x0  }
0x36: {  	s1 =	rddreg [dreg:$0x3];
	[sflag:s9] =	ssyncadd.s32 $0xFFFFC000  }
0x37: {  	[hbm4b:s1+s3] =	stream.strided.scatter [tilespmem:s7], [sflag:$0x3], $0x4000, s6, s3, $0x38;
	[tilespmem:$0x9000] =	vst v63  }
0x38: {  	_ =	swait.ge [sflag:s2], $0x4000  }
0x39: {  	[sflag:s2] =	ssyncset.done $0x0  }
0x3a: {  	s1 =	rddreg [dreg:$0x1e];
	[sflag:s2] =	ssyncadd.s32 $0xFFFFC000  }
0x3b: {  	[tilespmem:s7], [sflag:$0x1] =	stream.indirect.gather [hbm4b:s5+s3], $0x80, s1, s3, $0xb8;
	[tilespmem:$0x9000] =	vst v63  }
0x3c: {  	_ =	swait.ge [sflag:s8], $0x4000  }
0x3d: {  	[sflag:s8] =	ssyncset.done $0x0  }
0x3e: {  	s1 =	rddreg [dreg:$0x4];
	[sflag:s8] =	ssyncadd.s32 $0xFFFFC000  }
0x3f: {  	[hbm4b:s1+s3] =	stream.strided.scatter [tilespmem:s4], [sflag:$0x3], $0x4000, s6, s3, $0x38;
	[tilespmem:$0x9000] =	vst v63  }
0x40: {  	_ =	swait.ge [sflag:s2], $0x4000  }
0x41: {  	[sflag:s2] =	ssyncset.done $0x0  }
0x42: {  	s1 =	rddreg [dreg:$0x1f];
	[sflag:s2] =	ssyncadd.s32 $0xFFFFC000  }
0x43: {  	[tilespmem:s4], [sflag:$0x2] =	stream.indirect.gather [hbm4b:s5+s3], $0x80, s1, s3, $0xb8;
	[tilespmem:$0x9000] =	vst v63  }
0x44: {  	_ =	swait.ge [sflag:s9], $0x4000  }
0x45: {  	[sflag:s9] =	ssyncset.done $0x0  }
0x46: {  	s1 =	rddreg [dreg:$0x5];
	[sflag:s9] =	ssyncadd.s32 $0xFFFFC000  }
0x47: {  	[hbm4b:s1+s3] =	stream.strided.scatter [tilespmem:s7], [sflag:$0x3], $0x4000, s6, s3, $0x38;
	[tilespmem:$0x9000] =	vst v63  }
0x48: {  	_ =	swait.ge [sflag:s2], $0x4000  }
0x49: {  	s1 =	sld [smem:$0x7FC]  }
0x4a: {  	[sflag:s2] =	ssyncset.done $0x0  }
0x4b: {  	[sflag:s2] =	ssyncadd.s32 $0xFFFFC000  }
0x4c: {  	[tilespmem:s7], [sflag:$0x1] =	stream.indirect.gather [hbm4b:s5+s3], $0x80, s1, s3, $0xb8;
	[tilespmem:$0x9000] =	vst v63  }
0x4d: {  	_ =	swait.ge [sflag:s8], $0x4000  }
0x4e: {  	[sflag:s8] =	ssyncset.done $0x0  }
0x4f: {  	s1 =	rddreg [dreg:$0x6];
	[sflag:s8] =	ssyncadd.s32 $0xFFFFC000  }
0x50: {  	[hbm4b:s1+s3] =	stream.strided.scatter [tilespmem:s4], [sflag:$0x3], $0x4000, s6, s3, $0x38;
	[tilespmem:$0x9000] =	vst v63  }
0x51: {  	_ =	swait.ge [sflag:s2], $0x4000  }
0x52: {  	s1 =	sld [smem:$0x7FD]  }
0x53: {  	[sflag:s2] =	ssyncset.done $0x0  }
0x54: {  	[sflag:s2] =	ssyncadd.s32 $0xFFFFC000  }
0x55: {  	[tilespmem:s4], [sflag:$0x2] =	stream.indirect.gather [hbm4b:s5+s3], $0x80, s1, s3, $0xb8;
	[tilespmem:$0x9000] =	vst v63  }
0x56: {  	_ =	swait.ge [sflag:s9], $0x4000  }
0x57: {  	[sflag:s9] =	ssyncset.done $0x0  }
0x58: {  	s1 =	rddreg [dreg:$0x7];
	[sflag:s9] =	ssyncadd.s32 $0xFFFFC000  }
0x59: {  	[hbm4b:s1+s3] =	stream.strided.scatter [tilespmem:s7], [sflag:$0x3], $0x4000, s6, s3, $0x38;
	[tilespmem:$0x9000] =	vst v63  }
0x5a: {  	_ =	swait.ge [sflag:s2], $0x4000  }
0x5b: {  	[sflag:s2] =	ssyncset.done $0x0  }
0x5c: {  	s1 =	simm.s32 $0x300;
	[sflag:s2] =	ssyncadd.s32 $0xFFFFC000  }
0x5d: {  	[tilespmem:s7], [sflag:$0x1] =	stream.indirect.gather [hbm4b:s5+s3], $0x80, s1, s3, $0xb8;
	[tilespmem:$0x9000] =	vst v63  }
0x5e: {  	_ =	swait.ge [sflag:s8], $0x4000  }
0x5f: {  	[sflag:s8] =	ssyncset.done $0x0  }
0x60: {  	s1 =	rddreg [dreg:$0x8];
	[sflag:s8] =	ssyncadd.s32 $0xFFFFC000  }
0x61: {  	[hbm4b:s1+s3] =	stream.strided.scatter [tilespmem:s4], [sflag:$0x3], $0x4000, s6, s3, $0x38;
	[tilespmem:$0x9000] =	vst v63  }
0x62: {  	_ =	swait.ge [sflag:s2], $0x4000  }
0x63: {  	[sflag:s2] =	ssyncset.done $0x0  }
0x64: {  	[sflag:s2] =	ssyncadd.s32 $0xFFFFC000  }
0x65: {  	[tilespmem:s4], [sflag:$0x2] =	stream.indirect.gather [hbm4b:s5+s3], $0x80, s31, s3, $0xb8;
	[tilespmem:$0x9000] =	vst v63  }
0x66: {  	_ =	swait.ge [sflag:s9], $0x4000  }
0x67: {  	[sflag:s9] =	ssyncset.done $0x0  }
0x68: {  	s1 =	rddreg [dreg:$0x9];
	[sflag:s9] =	ssyncadd.s32 $0xFFFFC000  }
0x69: {  	[hbm4b:s1+s3] =	stream.strided.scatter [tilespmem:s7], [sflag:$0x3], $0x4000, s6, s3, $0x38;
	[tilespmem:$0x9000] =	vst v63  }
0x6a: {  	_ =	swait.ge [sflag:s2], $0x4000  }
0x6b: {  	[sflag:s2] =	ssyncset.done $0x0  }
0x6c: {  	[sflag:s2] =	ssyncadd.s32 $0xFFFFC000  }
0x6d: {  	[tilespmem:s7], [sflag:$0x1] =	stream.indirect.gather [hbm4b:s5+s3], $0x80, s25, s3, $0xb8;
	[tilespmem:$0x9000] =	vst v63  }
0x6e: {  	_ =	swait.ge [sflag:s8], $0x4000  }
0x6f: {  	[sflag:s8] =	ssyncset.done $0x0  }
0x70: {  	s1 =	rddreg [dreg:$0xa];
	[sflag:s8] =	ssyncadd.s32 $0xFFFFC000  }
0x71: {  	[hbm4b:s1+s3] =	stream.strided.scatter [tilespmem:s4], [sflag:$0x3], $0x4000, s6, s3, $0x38;
	[tilespmem:$0x9000] =	vst v63  }
0x72: {  	_ =	swait.ge [sflag:s2], $0x4000  }
0x73: {  	[sflag:s2] =	ssyncset.done $0x0  }
0x74: {  	[sflag:s2] =	ssyncadd.s32 $0xFFFFC000  }
0x75: {  	[tilespmem:s4], [sflag:$0x2] =	stream.indirect.gather [hbm4b:s5+s3], $0x80, s30, s3, $0xb8;
	[tilespmem:$0x9000] =	vst v63  }
0x76: {  	_ =	swait.ge [sflag:s9], $0x4000  }
0x77: {  	[sflag:s9] =	ssyncset.done $0x0  }
0x78: {  	s1 =	rddreg [dreg:$0xb];
	[sflag:s9] =	ssyncadd.s32 $0xFFFFC000  }
0x79: {  	[hbm4b:s1+s3] =	stream.strided.scatter [tilespmem:s7], [sflag:$0x3], $0x4000, s6, s3, $0x38;
	[tilespmem:$0x9000] =	vst v63  }
0x7a: {  	_ =	swait.ge [sflag:s2], $0x4000  }
0x7b: {  	[sflag:s2] =	ssyncset.done $0x0  }
0x7c: {  	[sflag:s2] =	ssyncadd.s32 $0xFFFFC000  }
0x7d: {  	[tilespmem:s7], [sflag:$0x1] =	stream.indirect.gather [hbm4b:s5+s3], $0x80, s29, s3, $0xb8;
	[tilespmem:$0x9000] =	vst v63  }
0x7e: {  	_ =	swait.ge [sflag:s8], $0x4000  }
0x7f: {  	[sflag:s8] =	ssyncset.done $0x0  }
0x80: {  	s1 =	rddreg [dreg:$0xc];
	[sflag:s8] =	ssyncadd.s32 $0xFFFFC000  }
0x81: {  	[hbm4b:s1+s3] =	stream.strided.scatter [tilespmem:s4], [sflag:$0x3], $0x4000, s6, s3, $0x38;
	[tilespmem:$0x9000] =	vst v63  }
0x82: {  	_ =	swait.ge [sflag:s2], $0x4000  }
0x83: {  	[sflag:s2] =	ssyncset.done $0x0  }
0x84: {  	[sflag:s2] =	ssyncadd.s32 $0xFFFFC000  }
0x85: {  	[tilespmem:s4], [sflag:$0x2] =	stream.indirect.gather [hbm4b:s5+s3], $0x80, s28, s3, $0xb8;
	[tilespmem:$0x9000] =	vst v63  }
0x86: {  	_ =	swait.ge [sflag:s9], $0x4000  }
0x87: {  	[sflag:s9] =	ssyncset.done $0x0  }
0x88: {  	s1 =	rddreg [dreg:$0xd];
	[sflag:s9] =	ssyncadd.s32 $0xFFFFC000  }
0x89: {  	[hbm4b:s1+s3] =	stream.strided.scatter [tilespmem:s7], [sflag:$0x3], $0x4000, s6, s3, $0x38;
	[tilespmem:$0x9000] =	vst v63  }
0x8a: {  	_ =	swait.ge [sflag:s2], $0x4000  }
0x8b: {  	[sflag:s2] =	ssyncset.done $0x0  }
0x8c: {  	[sflag:s2] =	ssyncadd.s32 $0xFFFFC000  }
0x8d: {  	[tilespmem:s7], [sflag:$0x1] =	stream.indirect.gather [hbm4b:s5+s3], $0x80, s24, s3, $0xb8;
	[tilespmem:$0x9000] =	vst v63  }
0x8e: {  	_ =	swait.ge [sflag:s8], $0x4000  }
0x8f: {  	[sflag:s8] =	ssyncset.done $0x0  }
0x90: {  	s1 =	rddreg [dreg:$0xe];
	[sflag:s8] =	ssyncadd.s32 $0xFFFFC000  }
0x91: {  	[hbm4b:s1+s3] =	stream.strided.scatter [tilespmem:s4], [sflag:$0x3], $0x4000, s6, s3, $0x38;
	[tilespmem:$0x9000] =	vst v63  }
0x92: {  	_ =	swait.ge [sflag:s2], $0x4000  }
0x93: {  	[sflag:s2] =	ssyncset.done $0x0  }
0x94: {  	[sflag:s2] =	ssyncadd.s32 $0xFFFFC000  }
0x95: {  	[tilespmem:s4], [sflag:$0x2] =	stream.indirect.gather [hbm4b:s5+s3], $0x80, s23, s3, $0xb8;
	[tilespmem:$0x9000] =	vst v63  }
0x96: {  	_ =	swait.ge [sflag:s9], $0x4000  }
0x97: {  	[sflag:s9] =	ssyncset.done $0x0  }
0x98: {  	s1 =	rddreg [dreg:$0xf];
	[sflag:s9] =	ssyncadd.s32 $0xFFFFC000  }
0x99: {  	[hbm4b:s1+s3] =	stream.strided.scatter [tilespmem:s7], [sflag:$0x3], $0x4000, s6, s3, $0x38;
	[tilespmem:$0x9000] =	vst v63  }
0x9a: {  	_ =	swait.ge [sflag:s2], $0x4000  }
0x9b: {  	[sflag:s2] =	ssyncset.done $0x0  }
0x9c: {  	[sflag:s2] =	ssyncadd.s32 $0xFFFFC000  }
0x9d: {  	[tilespmem:s7], [sflag:$0x1] =	stream.indirect.gather [hbm4b:s5+s3], $0x80, s22, s3, $0xb8;
	[tilespmem:$0x9000] =	vst v63  }
0x9e: {  	_ =	swait.ge [sflag:s8], $0x4000  }
0x9f: {  	[sflag:s8] =	ssyncset.done $0x0  }
0xa0: {  	s1 =	rddreg [dreg:$0x10];
	[sflag:s8] =	ssyncadd.s32 $0xFFFFC000  }
0xa1: {  	[hbm4b:s1+s3] =	stream.strided.scatter [tilespmem:s4], [sflag:$0x3], $0x4000, s6, s3, $0x38;
	[tilespmem:$0x9000] =	vst v63  }
0xa2: {  	_ =	swait.ge [sflag:s2], $0x4000  }
0xa3: {  	[sflag:s2] =	ssyncset.done $0x0  }
0xa4: {  	[sflag:s2] =	ssyncadd.s32 $0xFFFFC000  }
0xa5: {  	[tilespmem:s4], [sflag:$0x2] =	stream.indirect.gather [hbm4b:s5+s3], $0x80, s21, s3, $0xb8;
	[tilespmem:$0x9000] =	vst v63  }
0xa6: {  	_ =	swait.ge [sflag:s9], $0x4000  }
0xa7: {  	[sflag:s9] =	ssyncset.done $0x0  }
0xa8: {  	s1 =	rddreg [dreg:$0x11];
	[sflag:s9] =	ssyncadd.s32 $0xFFFFC000  }
0xa9: {  	[hbm4b:s1+s3] =	stream.strided.scatter [tilespmem:s7], [sflag:$0x3], $0x4000, s6, s3, $0x38;
	[tilespmem:$0x9000] =	vst v63  }
0xaa: {  	_ =	swait.ge [sflag:s2], $0x4000  }
0xab: {  	[sflag:s2] =	ssyncset.done $0x0  }
0xac: {  	[sflag:s2] =	ssyncadd.s32 $0xFFFFC000  }
0xad: {  	[tilespmem:s7], [sflag:$0x1] =	stream.indirect.gather [hbm4b:s5+s3], $0x80, s20, s3, $0xb8;
	[tilespmem:$0x9000] =	vst v63  }
0xae: {  	_ =	swait.ge [sflag:s8], $0x4000  }
0xaf: {  	[sflag:s8] =	ssyncset.done $0x0  }
0xb0: {  	s1 =	rddreg [dreg:$0x12];
	[sflag:s8] =	ssyncadd.s32 $0xFFFFC000  }
0xb1: {  	[hbm4b:s1+s3] =	stream.strided.scatter [tilespmem:s4], [sflag:$0x3], $0x4000, s6, s3, $0x38;
	[tilespmem:$0x9000] =	vst v63  }
0xb2: {  	_ =	swait.ge [sflag:s2], $0x4000  }
0xb3: {  	[sflag:s2] =	ssyncset.done $0x0  }
0xb4: {  	[sflag:s2] =	ssyncadd.s32 $0xFFFFC000  }
0xb5: {  	[tilespmem:s4], [sflag:$0x2] =	stream.indirect.gather [hbm4b:s5+s3], $0x80, s19, s3, $0xb8;
	[tilespmem:$0x9000] =	vst v63  }
0xb6: {  	_ =	swait.ge [sflag:s9], $0x4000  }
0xb7: {  	[sflag:s9] =	ssyncset.done $0x0  }
0xb8: {  	s1 =	rddreg [dreg:$0x13];
	[sflag:s9] =	ssyncadd.s32 $0xFFFFC000  }
0xb9: {  	[hbm4b:s1+s3] =	stream.strided.scatter [tilespmem:s7], [sflag:$0x3], $0x4000, s6, s3, $0x38;
	[tilespmem:$0x9000] =	vst v63  }
0xba: {  	_ =	swait.ge [sflag:s2], $0x4000  }
0xbb: {  	[sflag:s2] =	ssyncset.done $0x0  }
0xbc: {  	[sflag:s2] =	ssyncadd.s32 $0xFFFFC000  }
0xbd: {  	[tilespmem:s7], [sflag:$0x1] =	stream.indirect.gather [hbm4b:s5+s3], $0x80, s18, s3, $0xb8;
	[tilespmem:$0x9000] =	vst v63  }
0xbe: {  	_ =	swait.ge [sflag:s8], $0x4000  }
0xbf: {  	[sflag:s8] =	ssyncset.done $0x0  }
0xc0: {  	s1 =	rddreg [dreg:$0x14];
	[sflag:s8] =	ssyncadd.s32 $0xFFFFC000  }
0xc1: {  	[hbm4b:s1+s3] =	stream.strided.scatter [tilespmem:s4], [sflag:$0x3], $0x4000, s6, s3, $0x38;
	[tilespmem:$0x9000] =	vst v63  }
0xc2: {  	_ =	swait.ge [sflag:s2], $0x4000  }
0xc3: {  	[sflag:s2] =	ssyncset.done $0x0  }
0xc4: {  	[sflag:s2] =	ssyncadd.s32 $0xFFFFC000  }
0xc5: {  	[tilespmem:s4], [sflag:$0x2] =	stream.indirect.gather [hbm4b:s5+s3], $0x80, s17, s3, $0xb8;
	[tilespmem:$0x9000] =	vst v63  }
0xc6: {  	_ =	swait.ge [sflag:s9], $0x4000  }
0xc7: {  	[sflag:s9] =	ssyncset.done $0x0  }
0xc8: {  	s1 =	rddreg [dreg:$0x15];
	[sflag:s9] =	ssyncadd.s32 $0xFFFFC000  }
0xc9: {  	[hbm4b:s1+s3] =	stream.strided.scatter [tilespmem:s7], [sflag:$0x3], $0x4000, s6, s3, $0x38;
	[tilespmem:$0x9000] =	vst v63  }
0xca: {  	_ =	swait.ge [sflag:s2], $0x4000  }
0xcb: {  	[sflag:s2] =	ssyncset.done $0x0  }
0xcc: {  	[sflag:s2] =	ssyncadd.s32 $0xFFFFC000  }
0xcd: {  	[tilespmem:s7], [sflag:$0x1] =	stream.indirect.gather [hbm4b:s5+s3], $0x80, s16, s3, $0xb8;
	[tilespmem:$0x9000] =	vst v63  }
0xce: {  	_ =	swait.ge [sflag:s8], $0x4000  }
0xcf: {  	[sflag:s8] =	ssyncset.done $0x0  }
0xd0: {  	s1 =	rddreg [dreg:$0x16];
	[sflag:s8] =	ssyncadd.s32 $0xFFFFC000  }
0xd1: {  	[hbm4b:s1+s3] =	stream.strided.scatter [tilespmem:s4], [sflag:$0x3], $0x4000, s6, s3, $0x38;
	[tilespmem:$0x9000] =	vst v63  }
0xd2: {  	_ =	swait.ge [sflag:s2], $0x4000  }
0xd3: {  	[sflag:s2] =	ssyncset.done $0x0  }
0xd4: {  	[sflag:s2] =	ssyncadd.s32 $0xFFFFC000  }
0xd5: {  	[tilespmem:s4], [sflag:$0x2] =	stream.indirect.gather [hbm4b:s5+s3], $0x80, s15, s3, $0xb8;
	[tilespmem:$0x9000] =	vst v63  }
0xd6: {  	_ =	swait.ge [sflag:s9], $0x4000  }
0xd7: {  	[sflag:s9] =	ssyncset.done $0x0  }
0xd8: {  	s1 =	rddreg [dreg:$0x17];
	[sflag:s9] =	ssyncadd.s32 $0xFFFFC000  }
0xd9: {  	[hbm4b:s1+s3] =	stream.strided.scatter [tilespmem:s7], [sflag:$0x3], $0x4000, s6, s3, $0x38;
	[tilespmem:$0x9000] =	vst v63  }
0xda: {  	_ =	swait.ge [sflag:s2], $0x4000  }
0xdb: {  	[sflag:s2] =	ssyncset.done $0x0  }
0xdc: {  	[sflag:s2] =	ssyncadd.s32 $0xFFFFC000  }
0xdd: {  	[tilespmem:s7], [sflag:$0x1] =	stream.indirect.gather [hbm4b:s5+s3], $0x80, s14, s3, $0xb8;
	[tilespmem:$0x9000] =	vst v63  }
0xde: {  	_ =	swait.ge [sflag:s8], $0x4000  }
0xdf: {  	[sflag:s8] =	ssyncset.done $0x0  }
0xe0: {  	s1 =	rddreg [dreg:$0x18];
	[sflag:s8] =	ssyncadd.s32 $0xFFFFC000  }
0xe1: {  	[hbm4b:s1+s3] =	stream.strided.scatter [tilespmem:s4], [sflag:$0x3], $0x4000, s6, s3, $0x38;
	[tilespmem:$0x9000] =	vst v63  }
0xe2: {  	_ =	swait.ge [sflag:s2], $0x4000  }
0xe3: {  	[sflag:s2] =	ssyncset.done $0x0  }
0xe4: {  	[sflag:s2] =	ssyncadd.s32 $0xFFFFC000  }
0xe5: {  	[tilespmem:s4], [sflag:$0x2] =	stream.indirect.gather [hbm4b:s5+s3], $0x80, s13, s3, $0xb8;
	[tilespmem:$0x9000] =	vst v63  }
0xe6: {  	_ =	swait.ge [sflag:s9], $0x4000  }
0xe7: {  	[sflag:s9] =	ssyncset.done $0x0  }
0xe8: {  	s1 =	rddreg [dreg:$0x19];
	[sflag:s9] =	ssyncadd.s32 $0xFFFFC000  }
0xe9: {  	[hbm4b:s1+s3] =	stream.strided.scatter [tilespmem:s7], [sflag:$0x3], $0x4000, s6, s3, $0x38;
	[tilespmem:$0x9000] =	vst v63  }
0xea: {  	_ =	swait.ge [sflag:s2], $0x4000  }
0xeb: {  	[sflag:s2] =	ssyncset.done $0x0  }
0xec: {  	[sflag:s2] =	ssyncadd.s32 $0xFFFFC000  }
0xed: {  	[tilespmem:s7], [sflag:$0x1] =	stream.indirect.gather [hbm4b:s5+s3], $0x80, s12, s3, $0xb8;
	[tilespmem:$0x9000] =	vst v63  }
0xee: {  	_ =	swait.ge [sflag:s8], $0x4000  }
0xef: {  	[sflag:s8] =	ssyncset.done $0x0  }
0xf0: {  	s1 =	rddreg [dreg:$0x1a];
	[sflag:s8] =	ssyncadd.s32 $0xFFFFC000  }
0xf1: {  	[hbm4b:s1+s3] =	stream.strided.scatter [tilespmem:s4], [sflag:$0x3], $0x4000, s6, s3, $0x38;
	[tilespmem:$0x9000] =	vst v63  }
0xf2: {  	_ =	swait.ge [sflag:s2], $0x4000  }
0xf3: {  	[sflag:s2] =	ssyncset.done $0x0  }
0xf4: {  	[sflag:s2] =	ssyncadd.s32 $0xFFFFC000  }
0xf5: {  	[tilespmem:s4], [sflag:$0x2] =	stream.indirect.gather [hbm4b:s5+s3], $0x80, s11, s3, $0xb8;
	[tilespmem:$0x9000] =	vst v63  }
0xf6: {  	_ =	swait.ge [sflag:s9], $0x4000  }
0xf7: {  	[sflag:s9] =	ssyncset.done $0x0  }
0xf8: {  	s1 =	rddreg [dreg:$0x1b];
	[sflag:s9] =	ssyncadd.s32 $0xFFFFC000  }
0xf9: {  	[hbm4b:s1+s3] =	stream.strided.scatter [tilespmem:s7], [sflag:$0x3], $0x4000, s6, s3, $0x38;
	[tilespmem:$0x9000] =	vst v63  }
0xfa: {  	_ =	swait.ge [sflag:s2], $0x4000  }
0xfb: {  	[sflag:s2] =	ssyncset.done $0x0  }
0xfc: {  	[sflag:s2] =	ssyncadd.s32 $0xFFFFC000  }
0xfd: {  	p1 =	sne.s32 s10, $0x1;
	_ =	swait.ge [sflag:s8], $0x4000  }
.Ltmp1:
0xfe: {  	[sflag:s8] =	ssyncset.done $0x0;
	(pc) =	sbr.rel @!p1 .LBB2_3-.Ltmp1, $4  }
0xff: {  	s1 =	rddreg [dreg:$0x1c];
	[sflag:s8] =	ssyncadd.s32 $0xFFFFC000  }
0x100: {  	[hbm4b:s1+s3] =	stream.strided.scatter [tilespmem:s4], [sflag:$0x3], $0x4000, s6, s3, $0x38;
	[tilespmem:$0x9000] =	vst v63  }
0x101: {  	p0 =	por $0x1, $0x1;
	_ =	swait.ge [sflag:s2], $0x4000  }
0x102: {  	s1 =	sadd.s32 $0xFFFFFFFF, s10;
	s0 =	rddreg [dreg:$0x2];
	[sflag:s2] =	ssyncset.done $0x0  }
.LBB2_4:
0x103: {  	s10 =	rddreg [dreg:$0x1d];
	[sflag:s2] =	ssyncadd.s32 $0xFFFFC000  }
0x104: {  	[tilespmem:s26], [sflag:$0x3] =	stream.strided.gather [hbm4b:s0+s25], $0x1000, s10, s25, $0x38;
	[tilespmem:$0x9000] =	vst v63  }
0x105: {  	_ =	swait.ge [sflag:s2], $0x1000  }
0x106: {  	[sflag:s2] =	ssyncset.done $0x0  }
0x107: {  	[sflag:s2] =	ssyncadd.s32 $0xFFFFF000  }
0x108: {  	[tilespmem:s7], [sflag:$0x1] =	stream.indirect.gather [hbm4b:s5+s3], $0x80, s26, s3, $0xb8;
	[tilespmem:$0x9000] =	vst v63  }
0x109: {  	_ = 	snop  }
0x10a: {  	[tilespmem:s4], [sflag:$0x2] =	stream.indirect.gather [hbm4b:s5+s3], $0x80, s3, s3, $0xb8;
	[tilespmem:$0x9000] =	vst v63  }
0x10b: {  	_ =	swait.ge [sflag:s9], $0x4000  }
0x10c: {  	[sflag:s9] =	ssyncset.done $0x0  }
0x10d: {  	s10 =	rddreg [dreg:$0x3];
	[sflag:s9] =	ssyncadd.s32 $0xFFFFC000  }
0x10e: {  	[hbm4b:s10+s3] =	stream.strided.scatter [tilespmem:s7], [sflag:$0x3], $0x4000, s6, s3, $0x38;
	[tilespmem:$0x9000] =	vst v63  }
0x10f: {  	_ =	swait.ge [sflag:s2], $0x4000  }
0x110: {  	[sflag:s2] =	ssyncset.done $0x0  }
0x111: {  	s10 =	rddreg [dreg:$0x1e];
	[sflag:s2] =	ssyncadd.s32 $0xFFFFC000  }
0x112: {  	[tilespmem:s7], [sflag:$0x1] =	stream.indirect.gather [hbm4b:s5+s3], $0x80, s10, s3, $0xb8;
	[tilespmem:$0x9000] =	vst v63  }
0x113: {  	_ =	swait.ge [sflag:s8], $0x4000  }
0x114: {  	[sflag:s8] =	ssyncset.done $0x0  }
0x115: {  	s10 =	rddreg [dreg:$0x4];
	[sflag:s8] =	ssyncadd.s32 $0xFFFFC000  }
0x116: {  	[hbm4b:s10+s3] =	stream.strided.scatter [tilespmem:s4], [sflag:$0x3], $0x4000, s6, s3, $0x38;
	[tilespmem:$0x9000] =	vst v63  }
0x117: {  	_ =	swait.ge [sflag:s2], $0x4000  }
0x118: {  	[sflag:s2] =	ssyncset.done $0x0  }
0x119: {  	s10 =	rddreg [dreg:$0x1f];
	[sflag:s2] =	ssyncadd.s32 $0xFFFFC000  }
0x11a: {  	[tilespmem:s4], [sflag:$0x2] =	stream.indirect.gather [hbm4b:s5+s3], $0x80, s10, s3, $0xb8;
	[tilespmem:$0x9000] =	vst v63  }
0x11b: {  	_ =	swait.ge [sflag:s9], $0x4000  }
0x11c: {  	[sflag:s9] =	ssyncset.done $0x0  }
0x11d: {  	s10 =	rddreg [dreg:$0x5];
	[sflag:s9] =	ssyncadd.s32 $0xFFFFC000  }
0x11e: {  	[hbm4b:s10+s3] =	stream.strided.scatter [tilespmem:s7], [sflag:$0x3], $0x4000, s6, s3, $0x38;
	[tilespmem:$0x9000] =	vst v63  }
0x11f: {  	_ =	swait.ge [sflag:s2], $0x4000  }
0x120: {  	s10 =	sld [smem:$0x7FC]  }
0x121: {  	[sflag:s2] =	ssyncset.done $0x0  }
0x122: {  	[sflag:s2] =	ssyncadd.s32 $0xFFFFC000  }
0x123: {  	[tilespmem:s7], [sflag:$0x1] =	stream.indirect.gather [hbm4b:s5+s3], $0x80, s10, s3, $0xb8;
	[tilespmem:$0x9000] =	vst v63  }
0x124: {  	_ =	swait.ge [sflag:s8], $0x4000  }
0x125: {  	[sflag:s8] =	ssyncset.done $0x0  }
0x126: {  	s10 =	rddreg [dreg:$0x6];
	[sflag:s8] =	ssyncadd.s32 $0xFFFFC000  }
0x127: {  	[hbm4b:s10+s3] =	stream.strided.scatter [tilespmem:s4], [sflag:$0x3], $0x4000, s6, s3, $0x38;
	[tilespmem:$0x9000] =	vst v63  }
0x128: {  	_ =	swait.ge [sflag:s2], $0x4000  }
0x129: {  	s10 =	sld [smem:$0x7FD]  }
0x12a: {  	[sflag:s2] =	ssyncset.done $0x0  }
0x12b: {  	[sflag:s2] =	ssyncadd.s32 $0xFFFFC000  }
0x12c: {  	[tilespmem:s4], [sflag:$0x2] =	stream.indirect.gather [hbm4b:s5+s3], $0x80, s10, s3, $0xb8;
	[tilespmem:$0x9000] =	vst v63  }
0x12d: {  	_ =	swait.ge [sflag:s9], $0x4000  }
0x12e: {  	[sflag:s9] =	ssyncset.done $0x0  }
0x12f: {  	s10 =	rddreg [dreg:$0x7];
	[sflag:s9] =	ssyncadd.s32 $0xFFFFC000  }
0x130: {  	[hbm4b:s10+s3] =	stream.strided.scatter [tilespmem:s7], [sflag:$0x3], $0x4000, s6, s3, $0x38;
	[tilespmem:$0x9000] =	vst v63  }
0x131: {  	_ =	swait.ge [sflag:s2], $0x4000  }
0x132: {  	[sflag:s2] =	ssyncset.done $0x0  }
0x133: {  	s10 =	simm.s32 $0x300;
	[sflag:s2] =	ssyncadd.s32 $0xFFFFC000  }
0x134: {  	[tilespmem:s7], [sflag:$0x1] =	stream.indirect.gather [hbm4b:s5+s3], $0x80, s10, s3, $0xb8;
	[tilespmem:$0x9000] =	vst v63  }
0x135: {  	_ =	swait.ge [sflag:s8], $0x4000  }
0x136: {  	[sflag:s8] =	ssyncset.done $0x0  }
0x137: {  	s10 =	rddreg [dreg:$0x8];
	[sflag:s8] =	ssyncadd.s32 $0xFFFFC000  }
0x138: {  	[hbm4b:s10+s3] =	stream.strided.scatter [tilespmem:s4], [sflag:$0x3], $0x4000, s6, s3, $0x38;
	[tilespmem:$0x9000] =	vst v63  }
0x139: {  	_ =	swait.ge [sflag:s2], $0x4000  }
0x13a: {  	[sflag:s2] =	ssyncset.done $0x0  }
0x13b: {  	[sflag:s2] =	ssyncadd.s32 $0xFFFFC000  }
0x13c: {  	[tilespmem:s4], [sflag:$0x2] =	stream.indirect.gather [hbm4b:s5+s3], $0x80, s31, s3, $0xb8;
	[tilespmem:$0x9000] =	vst v63  }
0x13d: {  	_ =	swait.ge [sflag:s9], $0x4000  }
0x13e: {  	[sflag:s9] =	ssyncset.done $0x0  }
0x13f: {  	s10 =	rddreg [dreg:$0x9];
	[sflag:s9] =	ssyncadd.s32 $0xFFFFC000  }
0x140: {  	[hbm4b:s10+s3] =	stream.strided.scatter [tilespmem:s7], [sflag:$0x3], $0x4000, s6, s3, $0x38;
	[tilespmem:$0x9000] =	vst v63  }
0x141: {  	_ =	swait.ge [sflag:s2], $0x4000  }
0x142: {  	[sflag:s2] =	ssyncset.done $0x0  }
0x143: {  	[sflag:s2] =	ssyncadd.s32 $0xFFFFC000  }
0x144: {  	[tilespmem:s7], [sflag:$0x1] =	stream.indirect.gather [hbm4b:s5+s3], $0x80, s25, s3, $0xb8;
	[tilespmem:$0x9000] =	vst v63  }
0x145: {  	_ =	swait.ge [sflag:s8], $0x4000  }
0x146: {  	[sflag:s8] =	ssyncset.done $0x0  }
0x147: {  	s10 =	rddreg [dreg:$0xa];
	[sflag:s8] =	ssyncadd.s32 $0xFFFFC000  }
0x148: {  	[hbm4b:s10+s3] =	stream.strided.scatter [tilespmem:s4], [sflag:$0x3], $0x4000, s6, s3, $0x38;
	[tilespmem:$0x9000] =	vst v63  }
0x149: {  	_ =	swait.ge [sflag:s2], $0x4000  }
0x14a: {  	[sflag:s2] =	ssyncset.done $0x0  }
0x14b: {  	[sflag:s2] =	ssyncadd.s32 $0xFFFFC000  }
0x14c: {  	[tilespmem:s4], [sflag:$0x2] =	stream.indirect.gather [hbm4b:s5+s3], $0x80, s30, s3, $0xb8;
	[tilespmem:$0x9000] =	vst v63  }
0x14d: {  	_ =	swait.ge [sflag:s9], $0x4000  }
0x14e: {  	[sflag:s9] =	ssyncset.done $0x0  }
0x14f: {  	s10 =	rddreg [dreg:$0xb];
	[sflag:s9] =	ssyncadd.s32 $0xFFFFC000  }
0x150: {  	[hbm4b:s10+s3] =	stream.strided.scatter [tilespmem:s7], [sflag:$0x3], $0x4000, s6, s3, $0x38;
	[tilespmem:$0x9000] =	vst v63  }
0x151: {  	_ =	swait.ge [sflag:s2], $0x4000  }
0x152: {  	[sflag:s2] =	ssyncset.done $0x0  }
0x153: {  	[sflag:s2] =	ssyncadd.s32 $0xFFFFC000  }
0x154: {  	[tilespmem:s7], [sflag:$0x1] =	stream.indirect.gather [hbm4b:s5+s3], $0x80, s29, s3, $0xb8;
	[tilespmem:$0x9000] =	vst v63  }
0x155: {  	_ =	swait.ge [sflag:s8], $0x4000  }
0x156: {  	[sflag:s8] =	ssyncset.done $0x0  }
0x157: {  	s10 =	rddreg [dreg:$0xc];
	[sflag:s8] =	ssyncadd.s32 $0xFFFFC000  }
0x158: {  	[hbm4b:s10+s3] =	stream.strided.scatter [tilespmem:s4], [sflag:$0x3], $0x4000, s6, s3, $0x38;
	[tilespmem:$0x9000] =	vst v63  }
0x159: {  	_ =	swait.ge [sflag:s2], $0x4000  }
0x15a: {  	[sflag:s2] =	ssyncset.done $0x0  }
0x15b: {  	[sflag:s2] =	ssyncadd.s32 $0xFFFFC000  }
0x15c: {  	[tilespmem:s4], [sflag:$0x2] =	stream.indirect.gather [hbm4b:s5+s3], $0x80, s28, s3, $0xb8;
	[tilespmem:$0x9000] =	vst v63  }
0x15d: {  	_ =	swait.ge [sflag:s9], $0x4000  }
0x15e: {  	[sflag:s9] =	ssyncset.done $0x0  }
0x15f: {  	s10 =	rddreg [dreg:$0xd];
	[sflag:s9] =	ssyncadd.s32 $0xFFFFC000  }
0x160: {  	[hbm4b:s10+s3] =	stream.strided.scatter [tilespmem:s7], [sflag:$0x3], $0x4000, s6, s3, $0x38;
	[tilespmem:$0x9000] =	vst v63  }
0x161: {  	_ =	swait.ge [sflag:s2], $0x4000  }
0x162: {  	[sflag:s2] =	ssyncset.done $0x0  }
0x163: {  	[sflag:s2] =	ssyncadd.s32 $0xFFFFC000  }
0x164: {  	[tilespmem:s7], [sflag:$0x1] =	stream.indirect.gather [hbm4b:s5+s3], $0x80, s24, s3, $0xb8;
	[tilespmem:$0x9000] =	vst v63  }
0x165: {  	_ =	swait.ge [sflag:s8], $0x4000  }
0x166: {  	[sflag:s8] =	ssyncset.done $0x0  }
0x167: {  	s10 =	rddreg [dreg:$0xe];
	[sflag:s8] =	ssyncadd.s32 $0xFFFFC000  }
0x168: {  	[hbm4b:s10+s3] =	stream.strided.scatter [tilespmem:s4], [sflag:$0x3], $0x4000, s6, s3, $0x38;
	[tilespmem:$0x9000] =	vst v63  }
0x169: {  	_ =	swait.ge [sflag:s2], $0x4000  }
0x16a: {  	[sflag:s2] =	ssyncset.done $0x0  }
0x16b: {  	[sflag:s2] =	ssyncadd.s32 $0xFFFFC000  }
0x16c: {  	[tilespmem:s4], [sflag:$0x2] =	stream.indirect.gather [hbm4b:s5+s3], $0x80, s23, s3, $0xb8;
	[tilespmem:$0x9000] =	vst v63  }
0x16d: {  	_ =	swait.ge [sflag:s9], $0x4000  }
0x16e: {  	[sflag:s9] =	ssyncset.done $0x0  }
0x16f: {  	s10 =	rddreg [dreg:$0xf];
	[sflag:s9] =	ssyncadd.s32 $0xFFFFC000  }
0x170: {  	[hbm4b:s10+s3] =	stream.strided.scatter [tilespmem:s7], [sflag:$0x3], $0x4000, s6, s3, $0x38;
	[tilespmem:$0x9000] =	vst v63  }
0x171: {  	_ =	swait.ge [sflag:s2], $0x4000  }
0x172: {  	[sflag:s2] =	ssyncset.done $0x0  }
0x173: {  	[sflag:s2] =	ssyncadd.s32 $0xFFFFC000  }
0x174: {  	[tilespmem:s7], [sflag:$0x1] =	stream.indirect.gather [hbm4b:s5+s3], $0x80, s22, s3, $0xb8;
	[tilespmem:$0x9000] =	vst v63  }
0x175: {  	_ =	swait.ge [sflag:s8], $0x4000  }
0x176: {  	[sflag:s8] =	ssyncset.done $0x0  }
0x177: {  	s10 =	rddreg [dreg:$0x10];
	[sflag:s8] =	ssyncadd.s32 $0xFFFFC000  }
0x178: {  	[hbm4b:s10+s3] =	stream.strided.scatter [tilespmem:s4], [sflag:$0x3], $0x4000, s6, s3, $0x38;
	[tilespmem:$0x9000] =	vst v63  }
0x179: {  	_ =	swait.ge [sflag:s2], $0x4000  }
0x17a: {  	[sflag:s2] =	ssyncset.done $0x0  }
0x17b: {  	[sflag:s2] =	ssyncadd.s32 $0xFFFFC000  }
0x17c: {  	[tilespmem:s4], [sflag:$0x2] =	stream.indirect.gather [hbm4b:s5+s3], $0x80, s21, s3, $0xb8;
	[tilespmem:$0x9000] =	vst v63  }
0x17d: {  	_ =	swait.ge [sflag:s9], $0x4000  }
0x17e: {  	[sflag:s9] =	ssyncset.done $0x0  }
0x17f: {  	s10 =	rddreg [dreg:$0x11];
	[sflag:s9] =	ssyncadd.s32 $0xFFFFC000  }
0x180: {  	[hbm4b:s10+s3] =	stream.strided.scatter [tilespmem:s7], [sflag:$0x3], $0x4000, s6, s3, $0x38;
	[tilespmem:$0x9000] =	vst v63  }
0x181: {  	_ =	swait.ge [sflag:s2], $0x4000  }
0x182: {  	[sflag:s2] =	ssyncset.done $0x0  }
0x183: {  	[sflag:s2] =	ssyncadd.s32 $0xFFFFC000  }
0x184: {  	[tilespmem:s7], [sflag:$0x1] =	stream.indirect.gather [hbm4b:s5+s3], $0x80, s20, s3, $0xb8;
	[tilespmem:$0x9000] =	vst v63  }
0x185: {  	_ =	swait.ge [sflag:s8], $0x4000  }
0x186: {  	[sflag:s8] =	ssyncset.done $0x0  }
0x187: {  	s10 =	rddreg [dreg:$0x12];
	[sflag:s8] =	ssyncadd.s32 $0xFFFFC000  }
0x188: {  	[hbm4b:s10+s3] =	stream.strided.scatter [tilespmem:s4], [sflag:$0x3], $0x4000, s6, s3, $0x38;
	[tilespmem:$0x9000] =	vst v63  }
0x189: {  	_ =	swait.ge [sflag:s2], $0x4000  }
0x18a: {  	[sflag:s2] =	ssyncset.done $0x0  }
0x18b: {  	[sflag:s2] =	ssyncadd.s32 $0xFFFFC000  }
0x18c: {  	[tilespmem:s4], [sflag:$0x2] =	stream.indirect.gather [hbm4b:s5+s3], $0x80, s19, s3, $0xb8;
	[tilespmem:$0x9000] =	vst v63  }
0x18d: {  	_ =	swait.ge [sflag:s9], $0x4000  }
0x18e: {  	[sflag:s9] =	ssyncset.done $0x0  }
0x18f: {  	s10 =	rddreg [dreg:$0x13];
	[sflag:s9] =	ssyncadd.s32 $0xFFFFC000  }
0x190: {  	[hbm4b:s10+s3] =	stream.strided.scatter [tilespmem:s7], [sflag:$0x3], $0x4000, s6, s3, $0x38;
	[tilespmem:$0x9000] =	vst v63  }
0x191: {  	_ =	swait.ge [sflag:s2], $0x4000  }
0x192: {  	[sflag:s2] =	ssyncset.done $0x0  }
0x193: {  	[sflag:s2] =	ssyncadd.s32 $0xFFFFC000  }
0x194: {  	[tilespmem:s7], [sflag:$0x1] =	stream.indirect.gather [hbm4b:s5+s3], $0x80, s18, s3, $0xb8;
	[tilespmem:$0x9000] =	vst v63  }
0x195: {  	_ =	swait.ge [sflag:s8], $0x4000  }
0x196: {  	[sflag:s8] =	ssyncset.done $0x0  }
0x197: {  	s10 =	rddreg [dreg:$0x14];
	[sflag:s8] =	ssyncadd.s32 $0xFFFFC000  }
0x198: {  	[hbm4b:s10+s3] =	stream.strided.scatter [tilespmem:s4], [sflag:$0x3], $0x4000, s6, s3, $0x38;
	[tilespmem:$0x9000] =	vst v63  }
0x199: {  	_ =	swait.ge [sflag:s2], $0x4000  }
0x19a: {  	[sflag:s2] =	ssyncset.done $0x0  }
0x19b: {  	[sflag:s2] =	ssyncadd.s32 $0xFFFFC000  }
0x19c: {  	[tilespmem:s4], [sflag:$0x2] =	stream.indirect.gather [hbm4b:s5+s3], $0x80, s17, s3, $0xb8;
	[tilespmem:$0x9000] =	vst v63  }
0x19d: {  	_ =	swait.ge [sflag:s9], $0x4000  }
0x19e: {  	[sflag:s9] =	ssyncset.done $0x0  }
0x19f: {  	s10 =	rddreg [dreg:$0x15];
	[sflag:s9] =	ssyncadd.s32 $0xFFFFC000  }
0x1a0: {  	[hbm4b:s10+s3] =	stream.strided.scatter [tilespmem:s7], [sflag:$0x3], $0x4000, s6, s3, $0x38;
	[tilespmem:$0x9000] =	vst v63  }
0x1a1: {  	_ =	swait.ge [sflag:s2], $0x4000  }
0x1a2: {  	[sflag:s2] =	ssyncset.done $0x0  }
0x1a3: {  	[sflag:s2] =	ssyncadd.s32 $0xFFFFC000  }
0x1a4: {  	[tilespmem:s7], [sflag:$0x1] =	stream.indirect.gather [hbm4b:s5+s3], $0x80, s16, s3, $0xb8;
	[tilespmem:$0x9000] =	vst v63  }
0x1a5: {  	_ =	swait.ge [sflag:s8], $0x4000  }
0x1a6: {  	[sflag:s8] =	ssyncset.done $0x0  }
0x1a7: {  	s10 =	rddreg [dreg:$0x16];
	[sflag:s8] =	ssyncadd.s32 $0xFFFFC000  }
0x1a8: {  	[hbm4b:s10+s3] =	stream.strided.scatter [tilespmem:s4], [sflag:$0x3], $0x4000, s6, s3, $0x38;
	[tilespmem:$0x9000] =	vst v63  }
0x1a9: {  	_ =	swait.ge [sflag:s2], $0x4000  }
0x1aa: {  	[sflag:s2] =	ssyncset.done $0x0  }
0x1ab: {  	[sflag:s2] =	ssyncadd.s32 $0xFFFFC000  }
0x1ac: {  	[tilespmem:s4], [sflag:$0x2] =	stream.indirect.gather [hbm4b:s5+s3], $0x80, s15, s3, $0xb8;
	[tilespmem:$0x9000] =	vst v63  }
0x1ad: {  	_ =	swait.ge [sflag:s9], $0x4000  }
0x1ae: {  	[sflag:s9] =	ssyncset.done $0x0  }
0x1af: {  	s10 =	rddreg [dreg:$0x17];
	[sflag:s9] =	ssyncadd.s32 $0xFFFFC000  }
0x1b0: {  	[hbm4b:s10+s3] =	stream.strided.scatter [tilespmem:s7], [sflag:$0x3], $0x4000, s6, s3, $0x38;
	[tilespmem:$0x9000] =	vst v63  }
0x1b1: {  	_ =	swait.ge [sflag:s2], $0x4000  }
0x1b2: {  	[sflag:s2] =	ssyncset.done $0x0  }
0x1b3: {  	[sflag:s2] =	ssyncadd.s32 $0xFFFFC000  }
0x1b4: {  	[tilespmem:s7], [sflag:$0x1] =	stream.indirect.gather [hbm4b:s5+s3], $0x80, s14, s3, $0xb8;
	[tilespmem:$0x9000] =	vst v63  }
0x1b5: {  	_ =	swait.ge [sflag:s8], $0x4000  }
0x1b6: {  	[sflag:s8] =	ssyncset.done $0x0  }
0x1b7: {  	s10 =	rddreg [dreg:$0x18];
	[sflag:s8] =	ssyncadd.s32 $0xFFFFC000  }
0x1b8: {  	[hbm4b:s10+s3] =	stream.strided.scatter [tilespmem:s4], [sflag:$0x3], $0x4000, s6, s3, $0x38;
	[tilespmem:$0x9000] =	vst v63  }
0x1b9: {  	_ =	swait.ge [sflag:s2], $0x4000  }
0x1ba: {  	[sflag:s2] =	ssyncset.done $0x0  }
0x1bb: {  	[sflag:s2] =	ssyncadd.s32 $0xFFFFC000  }
0x1bc: {  	[tilespmem:s4], [sflag:$0x2] =	stream.indirect.gather [hbm4b:s5+s3], $0x80, s13, s3, $0xb8;
	[tilespmem:$0x9000] =	vst v63  }
0x1bd: {  	_ =	swait.ge [sflag:s9], $0x4000  }
0x1be: {  	[sflag:s9] =	ssyncset.done $0x0  }
0x1bf: {  	s10 =	rddreg [dreg:$0x19];
	[sflag:s9] =	ssyncadd.s32 $0xFFFFC000  }
0x1c0: {  	[hbm4b:s10+s3] =	stream.strided.scatter [tilespmem:s7], [sflag:$0x3], $0x4000, s6, s3, $0x38;
	[tilespmem:$0x9000] =	vst v63  }
0x1c1: {  	_ =	swait.ge [sflag:s2], $0x4000  }
0x1c2: {  	[sflag:s2] =	ssyncset.done $0x0  }
0x1c3: {  	[sflag:s2] =	ssyncadd.s32 $0xFFFFC000  }
0x1c4: {  	[tilespmem:s7], [sflag:$0x1] =	stream.indirect.gather [hbm4b:s5+s3], $0x80, s12, s3, $0xb8;
	[tilespmem:$0x9000] =	vst v63  }
0x1c5: {  	_ =	swait.ge [sflag:s8], $0x4000  }
0x1c6: {  	[sflag:s8] =	ssyncset.done $0x0  }
0x1c7: {  	s10 =	rddreg [dreg:$0x1a];
	[sflag:s8] =	ssyncadd.s32 $0xFFFFC000  }
0x1c8: {  	[hbm4b:s10+s3] =	stream.strided.scatter [tilespmem:s4], [sflag:$0x3], $0x4000, s6, s3, $0x38;
	[tilespmem:$0x9000] =	vst v63  }
0x1c9: {  	_ =	swait.ge [sflag:s2], $0x4000  }
0x1ca: {  	[sflag:s2] =	ssyncset.done $0x0  }
0x1cb: {  	[sflag:s2] =	ssyncadd.s32 $0xFFFFC000  }
0x1cc: {  	[tilespmem:s4], [sflag:$0x2] =	stream.indirect.gather [hbm4b:s5+s3], $0x80, s11, s3, $0xb8;
	[tilespmem:$0x9000] =	vst v63  }
0x1cd: {  	_ =	swait.ge [sflag:s9], $0x4000  }
0x1ce: {  	[sflag:s9] =	ssyncset.done $0x0  }
0x1cf: {  	s10 =	rddreg [dreg:$0x1b];
	[sflag:s9] =	ssyncadd.s32 $0xFFFFC000  }
0x1d0: {  	[hbm4b:s10+s3] =	stream.strided.scatter [tilespmem:s7], [sflag:$0x3], $0x4000, s6, s3, $0x38;
	[tilespmem:$0x9000] =	vst v63  }
0x1d1: {  	_ =	swait.ge [sflag:s2], $0x4000  }
0x1d2: {  	[sflag:s2] =	ssyncset.done $0x0  }
0x1d3: {  	[sflag:s2] =	ssyncadd.s32 $0xFFFFC000  }
0x1d4: {  	p1 =	sne.s32 s1, $0x1;
	_ =	swait.ge [sflag:s8], $0x4000  }
.Ltmp2:
0x1d5: {  	[sflag:s8] =	ssyncset.done $0x0;
	(pc) =	sbr.rel @p1 .LBB2_4-.Ltmp2, $4  }
0x1d6: {  	s10 =	rddreg [dreg:$0x1c];
	[sflag:s8] =	ssyncadd.s32 $0xFFFFC000  }
0x1d7: {  	[hbm4b:s10+s3] =	stream.strided.scatter [tilespmem:s4], [sflag:$0x3], $0x4000, s6, s3, $0x38;
	[tilespmem:$0x9000] =	vst v63  }
0x1d8: {  	_ =	swait.ge [sflag:s2], $0x4000  }
0x1d9: {  	s1 =	sadd.s32 $0xFFFFFFFF, s1;
	s0 =	rddreg [dreg:$0x2];
	[sflag:s2] =	ssyncset.done $0x0  }
0x1da: {  	s11 =	simm.s32 $0x300  }
0x1db: {  	s31 =	simm.s32 $0x380;
	s30 =	simm.s32 $0x480;
	s29 =	simm.s32 $0x500  }
0x1dc: {  	s28 =	simm.s32 $0x580;
	s24 =	simm.s32 $0x600;
	s23 =	simm.s32 $0x680  }
0x1dd: {  	s22 =	simm.s32 $0x700;
	s21 =	simm.s32 $0x780;
	s20 =	simm.s32 $0x800  }
0x1de: {  	s19 =	simm.s32 $0x880;
	s18 =	simm.s32 $0x900;
	s17 =	simm.s32 $0x980  }
0x1df: {  	s16 =	simm.s32 $0xA00;
	s15 =	simm.s32 $0xA80;
	s14 =	simm.s32 $0xB00  }
0x1e0: {  	s13 =	simm.s32 $0xB80;
	s12 =	simm.s32 $0xC00;
	s10 =	stileid.u32  }
.LBB2_6:
0x1e1: {  	s1 =	rddreg [dreg:$0x1d];
	[sflag:s2] =	ssyncadd.s32 @p0 $0xFFFFC000  }
0x1e2: {  	[tilespmem:s26], [sflag:$0x3] =	stream.strided.gather [hbm4b:s0+s25], $0x1000, s1, s25, $0x38;
	[tilespmem:$0x9000] =	vst v63  }
0x1e3: {  	_ =	swait.ge [sflag:s2], $0x1000  }
0x1e4: {  	[sflag:s2] =	ssyncset.done $0x0  }
0x1e5: {  	[sflag:s2] =	ssyncadd.s32 $0xFFFFF000  }
0x1e6: {  	[tilespmem:s7], [sflag:$0x1] =	stream.indirect.gather [hbm4b:s5+s3], $0x80, s26, s3, $0xb8;
	[tilespmem:$0x9000] =	vst v63  }
0x1e7: {  	_ = 	snop  }
0x1e8: {  	[tilespmem:s4], [sflag:$0x2] =	stream.indirect.gather [hbm4b:s5+s3], $0x80, s3, s3, $0xb8;
	[tilespmem:$0x9000] =	vst v63  }
0x1e9: {  	_ =	swait.ge [sflag:s9], $0x4000  }
0x1ea: {  	[sflag:s9] =	ssyncset.done $0x0  }
0x1eb: {  	s1 =	rddreg [dreg:$0x3];
	[sflag:s9] =	ssyncadd.s32 $0xFFFFC000  }
0x1ec: {  	[hbm4b:s1+s3] =	stream.strided.scatter [tilespmem:s7], [sflag:$0x3], $0x4000, s6, s3, $0x38;
	[tilespmem:$0x9000] =	vst v63  }
0x1ed: {  	_ =	swait.ge [sflag:s2], $0x4000  }
0x1ee: {  	[sflag:s2] =	ssyncset.done $0x0  }
0x1ef: {  	s26 =	rddreg [dreg:$0x1e];
	[sflag:s2] =	ssyncadd.s32 $0xFFFFC000  }
0x1f0: {  	[tilespmem:s7], [sflag:$0x1] =	stream.indirect.gather [hbm4b:s5+s3], $0x80, s26, s3, $0xb8;
	[tilespmem:$0x9000] =	vst v63  }
0x1f1: {  	_ =	swait.ge [sflag:s8], $0x4000  }
0x1f2: {  	[sflag:s8] =	ssyncset.done $0x0  }
0x1f3: {  	s1 =	rddreg [dreg:$0x4];
	[sflag:s8] =	ssyncadd.s32 $0xFFFFC000  }
0x1f4: {  	[hbm4b:s1+s3] =	stream.strided.scatter [tilespmem:s4], [sflag:$0x3], $0x4000, s6, s3, $0x38;
	[tilespmem:$0x9000] =	vst v63  }
0x1f5: {  	_ =	swait.ge [sflag:s2], $0x4000  }
0x1f6: {  	[sflag:s2] =	ssyncset.done $0x0  }
0x1f7: {  	s26 =	rddreg [dreg:$0x1f];
	[sflag:s2] =	ssyncadd.s32 $0xFFFFC000  }
0x1f8: {  	[tilespmem:s4], [sflag:$0x2] =	stream.indirect.gather [hbm4b:s5+s3], $0x80, s26, s3, $0xb8;
	[tilespmem:$0x9000] =	vst v63  }
0x1f9: {  	_ =	swait.ge [sflag:s9], $0x4000  }
0x1fa: {  	[sflag:s9] =	ssyncset.done $0x0  }
0x1fb: {  	s1 =	rddreg [dreg:$0x5];
	[sflag:s9] =	ssyncadd.s32 $0xFFFFC000  }
0x1fc: {  	[hbm4b:s1+s3] =	stream.strided.scatter [tilespmem:s7], [sflag:$0x3], $0x4000, s6, s3, $0x38;
	[tilespmem:$0x9000] =	vst v63  }
0x1fd: {  	_ =	swait.ge [sflag:s2], $0x4000  }
0x1fe: {  	s26 =	sld [smem:$0x7FC]  }
0x1ff: {  	[sflag:s2] =	ssyncset.done $0x0  }
0x200: {  	[sflag:s2] =	ssyncadd.s32 $0xFFFFC000  }
0x201: {  	[tilespmem:s7], [sflag:$0x1] =	stream.indirect.gather [hbm4b:s5+s3], $0x80, s26, s3, $0xb8;
	[tilespmem:$0x9000] =	vst v63  }
0x202: {  	_ =	swait.ge [sflag:s8], $0x4000  }
0x203: {  	[sflag:s8] =	ssyncset.done $0x0  }
0x204: {  	s1 =	rddreg [dreg:$0x6];
	[sflag:s8] =	ssyncadd.s32 $0xFFFFC000  }
0x205: {  	[hbm4b:s1+s3] =	stream.strided.scatter [tilespmem:s4], [sflag:$0x3], $0x4000, s6, s3, $0x38;
	[tilespmem:$0x9000] =	vst v63  }
0x206: {  	_ =	swait.ge [sflag:s2], $0x4000  }
0x207: {  	s26 =	sld [smem:$0x7FD]  }
0x208: {  	[sflag:s2] =	ssyncset.done $0x0  }
0x209: {  	[sflag:s2] =	ssyncadd.s32 $0xFFFFC000  }
0x20a: {  	[tilespmem:s4], [sflag:$0x2] =	stream.indirect.gather [hbm4b:s5+s3], $0x80, s26, s3, $0xb8;
	[tilespmem:$0x9000] =	vst v63  }
0x20b: {  	_ =	swait.ge [sflag:s9], $0x4000  }
0x20c: {  	[sflag:s9] =	ssyncset.done $0x0  }
0x20d: {  	s1 =	rddreg [dreg:$0x7];
	[sflag:s9] =	ssyncadd.s32 $0xFFFFC000  }
0x20e: {  	[hbm4b:s1+s3] =	stream.strided.scatter [tilespmem:s7], [sflag:$0x3], $0x4000, s6, s3, $0x38;
	[tilespmem:$0x9000] =	vst v63  }
0x20f: {  	_ =	swait.ge [sflag:s2], $0x4000  }
0x210: {  	[sflag:s2] =	ssyncset.done $0x0  }
0x211: {  	[sflag:s2] =	ssyncadd.s32 $0xFFFFC000  }
0x212: {  	[tilespmem:s7], [sflag:$0x1] =	stream.indirect.gather [hbm4b:s5+s3], $0x80, s11, s3, $0xb8;
	[tilespmem:$0x9000] =	vst v63  }
0x213: {  	_ =	swait.ge [sflag:s8], $0x4000  }
0x214: {  	[sflag:s8] =	ssyncset.done $0x0  }
0x215: {  	s26 =	rddreg [dreg:$0x8];
	[sflag:s8] =	ssyncadd.s32 $0xFFFFC000  }
0x216: {  	[hbm4b:s26+s3] =	stream.strided.scatter [tilespmem:s4], [sflag:$0x3], $0x4000, s6, s3, $0x38;
	[tilespmem:$0x9000] =	vst v63  }
0x217: {  	_ =	swait.ge [sflag:s2], $0x4000  }
0x218: {  	[sflag:s2] =	ssyncset.done $0x0  }
0x219: {  	[sflag:s2] =	ssyncadd.s32 $0xFFFFC000  }
0x21a: {  	[tilespmem:s4], [sflag:$0x2] =	stream.indirect.gather [hbm4b:s5+s3], $0x80, s31, s3, $0xb8;
	[tilespmem:$0x9000] =	vst v63  }
0x21b: {  	_ =	swait.ge [sflag:s9], $0x4000  }
0x21c: {  	[sflag:s9] =	ssyncset.done $0x0  }
0x21d: {  	s1 =	rddreg [dreg:$0x9];
	[sflag:s9] =	ssyncadd.s32 $0xFFFFC000  }
0x21e: {  	[hbm4b:s1+s3] =	stream.strided.scatter [tilespmem:s7], [sflag:$0x3], $0x4000, s6, s3, $0x38;
	[tilespmem:$0x9000] =	vst v63  }
0x21f: {  	_ =	swait.ge [sflag:s2], $0x4000  }
0x220: {  	[sflag:s2] =	ssyncset.done $0x0  }
0x221: {  	[sflag:s2] =	ssyncadd.s32 $0xFFFFC000  }
0x222: {  	[tilespmem:s7], [sflag:$0x1] =	stream.indirect.gather [hbm4b:s5+s3], $0x80, s25, s3, $0xb8;
	[tilespmem:$0x9000] =	vst v63  }
0x223: {  	_ =	swait.ge [sflag:s8], $0x4000  }
0x224: {  	[sflag:s8] =	ssyncset.done $0x0  }
0x225: {  	s11 =	rddreg [dreg:$0xa];
	[sflag:s8] =	ssyncadd.s32 $0xFFFFC000  }
0x226: {  	[hbm4b:s11+s3] =	stream.strided.scatter [tilespmem:s4], [sflag:$0x3], $0x4000, s6, s3, $0x38;
	[tilespmem:$0x9000] =	vst v63  }
0x227: {  	_ =	swait.ge [sflag:s2], $0x4000  }
0x228: {  	[sflag:s2] =	ssyncset.done $0x0  }
0x229: {  	[sflag:s2] =	ssyncadd.s32 $0xFFFFC000  }
0x22a: {  	[tilespmem:s4], [sflag:$0x2] =	stream.indirect.gather [hbm4b:s5+s3], $0x80, s30, s3, $0xb8;
	[tilespmem:$0x9000] =	vst v63  }
0x22b: {  	_ =	swait.ge [sflag:s9], $0x4000  }
0x22c: {  	[sflag:s9] =	ssyncset.done $0x0  }
0x22d: {  	s25 =	rddreg [dreg:$0xb];
	[sflag:s9] =	ssyncadd.s32 $0xFFFFC000  }
0x22e: {  	[hbm4b:s25+s3] =	stream.strided.scatter [tilespmem:s7], [sflag:$0x3], $0x4000, s6, s3, $0x38;
	[tilespmem:$0x9000] =	vst v63  }
0x22f: {  	_ =	swait.ge [sflag:s2], $0x4000  }
0x230: {  	[sflag:s2] =	ssyncset.done $0x0  }
0x231: {  	[sflag:s2] =	ssyncadd.s32 $0xFFFFC000  }
0x232: {  	[tilespmem:s7], [sflag:$0x1] =	stream.indirect.gather [hbm4b:s5+s3], $0x80, s29, s3, $0xb8;
	[tilespmem:$0x9000] =	vst v63  }
0x233: {  	_ =	swait.ge [sflag:s8], $0x4000  }
0x234: {  	[sflag:s8] =	ssyncset.done $0x0  }
0x235: {  	s26 =	rddreg [dreg:$0xc];
	[sflag:s8] =	ssyncadd.s32 $0xFFFFC000  }
0x236: {  	[hbm4b:s26+s3] =	stream.strided.scatter [tilespmem:s4], [sflag:$0x3], $0x4000, s6, s3, $0x38;
	[tilespmem:$0x9000] =	vst v63  }
0x237: {  	_ =	swait.ge [sflag:s2], $0x4000  }
0x238: {  	[sflag:s2] =	ssyncset.done $0x0  }
0x239: {  	[sflag:s2] =	ssyncadd.s32 $0xFFFFC000  }
0x23a: {  	[tilespmem:s4], [sflag:$0x2] =	stream.indirect.gather [hbm4b:s5+s3], $0x80, s28, s3, $0xb8;
	[tilespmem:$0x9000] =	vst v63  }
0x23b: {  	_ =	swait.ge [sflag:s9], $0x4000  }
0x23c: {  	[sflag:s9] =	ssyncset.done $0x0  }
0x23d: {  	s28 =	rddreg [dreg:$0xd];
	[sflag:s9] =	ssyncadd.s32 $0xFFFFC000  }
0x23e: {  	[hbm4b:s28+s3] =	stream.strided.scatter [tilespmem:s7], [sflag:$0x3], $0x4000, s6, s3, $0x38;
	[tilespmem:$0x9000] =	vst v63  }
0x23f: {  	_ =	swait.ge [sflag:s2], $0x4000  }
0x240: {  	[sflag:s2] =	ssyncset.done $0x0  }
0x241: {  	[sflag:s2] =	ssyncadd.s32 $0xFFFFC000  }
0x242: {  	[tilespmem:s7], [sflag:$0x1] =	stream.indirect.gather [hbm4b:s5+s3], $0x80, s24, s3, $0xb8;
	[tilespmem:$0x9000] =	vst v63  }
0x243: {  	_ =	swait.ge [sflag:s8], $0x4000  }
0x244: {  	[sflag:s8] =	ssyncset.done $0x0  }
0x245: {  	s29 =	rddreg [dreg:$0xe];
	[sflag:s8] =	ssyncadd.s32 $0xFFFFC000  }
0x246: {  	[hbm4b:s29+s3] =	stream.strided.scatter [tilespmem:s4], [sflag:$0x3], $0x4000, s6, s3, $0x38;
	[tilespmem:$0x9000] =	vst v63  }
0x247: {  	_ =	swait.ge [sflag:s2], $0x4000  }
0x248: {  	[sflag:s2] =	ssyncset.done $0x0  }
0x249: {  	[sflag:s2] =	ssyncadd.s32 $0xFFFFC000  }
0x24a: {  	[tilespmem:s4], [sflag:$0x2] =	stream.indirect.gather [hbm4b:s5+s3], $0x80, s23, s3, $0xb8;
	[tilespmem:$0x9000] =	vst v63  }
0x24b: {  	_ =	swait.ge [sflag:s9], $0x4000  }
0x24c: {  	[sflag:s9] =	ssyncset.done $0x0  }
0x24d: {  	s30 =	rddreg [dreg:$0xf];
	[sflag:s9] =	ssyncadd.s32 $0xFFFFC000  }
0x24e: {  	[hbm4b:s30+s3] =	stream.strided.scatter [tilespmem:s7], [sflag:$0x3], $0x4000, s6, s3, $0x38;
	[tilespmem:$0x9000] =	vst v63  }
0x24f: {  	_ =	swait.ge [sflag:s2], $0x4000  }
0x250: {  	[sflag:s2] =	ssyncset.done $0x0  }
0x251: {  	[sflag:s2] =	ssyncadd.s32 $0xFFFFC000  }
0x252: {  	[tilespmem:s7], [sflag:$0x1] =	stream.indirect.gather [hbm4b:s5+s3], $0x80, s22, s3, $0xb8;
	[tilespmem:$0x9000] =	vst v63  }
0x253: {  	_ =	swait.ge [sflag:s8], $0x4000  }
0x254: {  	[sflag:s8] =	ssyncset.done $0x0  }
0x255: {  	s31 =	rddreg [dreg:$0x10];
	[sflag:s8] =	ssyncadd.s32 $0xFFFFC000  }
0x256: {  	[hbm4b:s31+s3] =	stream.strided.scatter [tilespmem:s4], [sflag:$0x3], $0x4000, s6, s3, $0x38;
	[tilespmem:$0x9000] =	vst v63  }
0x257: {  	_ =	swait.ge [sflag:s2], $0x4000  }
0x258: {  	[sflag:s2] =	ssyncset.done $0x0  }
0x259: {  	[sflag:s2] =	ssyncadd.s32 $0xFFFFC000  }
0x25a: {  	[tilespmem:s4], [sflag:$0x2] =	stream.indirect.gather [hbm4b:s5+s3], $0x80, s21, s3, $0xb8;
	[tilespmem:$0x9000] =	vst v63  }
0x25b: {  	_ =	swait.ge [sflag:s9], $0x4000  }
0x25c: {  	[sflag:s9] =	ssyncset.done $0x0  }
0x25d: {  	s1 =	rddreg [dreg:$0x11];
	[sflag:s9] =	ssyncadd.s32 $0xFFFFC000  }
0x25e: {  	[hbm4b:s1+s3] =	stream.strided.scatter [tilespmem:s7], [sflag:$0x3], $0x4000, s6, s3, $0x38;
	[tilespmem:$0x9000] =	vst v63  }
0x25f: {  	_ =	swait.ge [sflag:s2], $0x4000  }
0x260: {  	[sflag:s2] =	ssyncset.done $0x0  }
0x261: {  	[sflag:s2] =	ssyncadd.s32 $0xFFFFC000  }
0x262: {  	[tilespmem:s7], [sflag:$0x1] =	stream.indirect.gather [hbm4b:s5+s3], $0x80, s20, s3, $0xb8;
	[tilespmem:$0x9000] =	vst v63  }
0x263: {  	_ =	swait.ge [sflag:s8], $0x4000  }
0x264: {  	[sflag:s8] =	ssyncset.done $0x0  }
0x265: {  	s11 =	rddreg [dreg:$0x12];
	[sflag:s8] =	ssyncadd.s32 $0xFFFFC000  }
0x266: {  	[hbm4b:s11+s3] =	stream.strided.scatter [tilespmem:s4], [sflag:$0x3], $0x4000, s6, s3, $0x38;
	[tilespmem:$0x9000] =	vst v63  }
0x267: {  	_ =	swait.ge [sflag:s2], $0x4000  }
0x268: {  	[sflag:s2] =	ssyncset.done $0x0  }
0x269: {  	[sflag:s2] =	ssyncadd.s32 $0xFFFFC000  }
0x26a: {  	[tilespmem:s4], [sflag:$0x2] =	stream.indirect.gather [hbm4b:s5+s3], $0x80, s19, s3, $0xb8;
	[tilespmem:$0x9000] =	vst v63  }
0x26b: {  	_ =	swait.ge [sflag:s9], $0x4000  }
0x26c: {  	[sflag:s9] =	ssyncset.done $0x0  }
0x26d: {  	s20 =	rddreg [dreg:$0x13];
	[sflag:s9] =	ssyncadd.s32 $0xFFFFC000  }
0x26e: {  	[hbm4b:s20+s3] =	stream.strided.scatter [tilespmem:s7], [sflag:$0x3], $0x4000, s6, s3, $0x38;
	[tilespmem:$0x9000] =	vst v63  }
0x26f: {  	_ =	swait.ge [sflag:s2], $0x4000  }
0x270: {  	[sflag:s2] =	ssyncset.done $0x0  }
0x271: {  	[sflag:s2] =	ssyncadd.s32 $0xFFFFC000  }
0x272: {  	[tilespmem:s7], [sflag:$0x1] =	stream.indirect.gather [hbm4b:s5+s3], $0x80, s18, s3, $0xb8;
	[tilespmem:$0x9000] =	vst v63  }
0x273: {  	_ =	swait.ge [sflag:s8], $0x4000  }
0x274: {  	[sflag:s8] =	ssyncset.done $0x0  }
0x275: {  	s21 =	rddreg [dreg:$0x14];
	[sflag:s8] =	ssyncadd.s32 $0xFFFFC000  }
0x276: {  	[hbm4b:s21+s3] =	stream.strided.scatter [tilespmem:s4], [sflag:$0x3], $0x4000, s6, s3, $0x38;
	[tilespmem:$0x9000] =	vst v63  }
0x277: {  	_ =	swait.ge [sflag:s2], $0x4000  }
0x278: {  	[sflag:s2] =	ssyncset.done $0x0  }
0x279: {  	[sflag:s2] =	ssyncadd.s32 $0xFFFFC000  }
0x27a: {  	[tilespmem:s4], [sflag:$0x2] =	stream.indirect.gather [hbm4b:s5+s3], $0x80, s17, s3, $0xb8;
	[tilespmem:$0x9000] =	vst v63  }
0x27b: {  	_ =	swait.ge [sflag:s9], $0x4000  }
0x27c: {  	[sflag:s9] =	ssyncset.done $0x0  }
0x27d: {  	s22 =	rddreg [dreg:$0x15];
	[sflag:s9] =	ssyncadd.s32 $0xFFFFC000  }
0x27e: {  	[hbm4b:s22+s3] =	stream.strided.scatter [tilespmem:s7], [sflag:$0x3], $0x4000, s6, s3, $0x38;
	[tilespmem:$0x9000] =	vst v63  }
0x27f: {  	_ =	swait.ge [sflag:s2], $0x4000  }
0x280: {  	[sflag:s2] =	ssyncset.done $0x0  }
0x281: {  	[sflag:s2] =	ssyncadd.s32 $0xFFFFC000  }
0x282: {  	[tilespmem:s7], [sflag:$0x1] =	stream.indirect.gather [hbm4b:s5+s3], $0x80, s16, s3, $0xb8;
	[tilespmem:$0x9000] =	vst v63  }
0x283: {  	_ =	swait.ge [sflag:s8], $0x4000  }
0x284: {  	[sflag:s8] =	ssyncset.done $0x0  }
0x285: {  	s23 =	rddreg [dreg:$0x16];
	[sflag:s8] =	ssyncadd.s32 $0xFFFFC000  }
0x286: {  	[hbm4b:s23+s3] =	stream.strided.scatter [tilespmem:s4], [sflag:$0x3], $0x4000, s6, s3, $0x38;
	[tilespmem:$0x9000] =	vst v63  }
0x287: {  	_ =	swait.ge [sflag:s2], $0x4000  }
0x288: {  	[sflag:s2] =	ssyncset.done $0x0  }
0x289: {  	[sflag:s2] =	ssyncadd.s32 $0xFFFFC000  }
0x28a: {  	[tilespmem:s4], [sflag:$0x2] =	stream.indirect.gather [hbm4b:s5+s3], $0x80, s15, s3, $0xb8;
	[tilespmem:$0x9000] =	vst v63  }
0x28b: {  	_ =	swait.ge [sflag:s9], $0x4000  }
0x28c: {  	[sflag:s9] =	ssyncset.done $0x0  }
0x28d: {  	s24 =	rddreg [dreg:$0x17];
	[sflag:s9] =	ssyncadd.s32 $0xFFFFC000  }
0x28e: {  	[hbm4b:s24+s3] =	stream.strided.scatter [tilespmem:s7], [sflag:$0x3], $0x4000, s6, s3, $0x38;
	[tilespmem:$0x9000] =	vst v63  }
0x28f: {  	_ =	swait.ge [sflag:s2], $0x4000  }
0x290: {  	[sflag:s2] =	ssyncset.done $0x0  }
0x291: {  	[sflag:s2] =	ssyncadd.s32 $0xFFFFC000  }
0x292: {  	[tilespmem:s7], [sflag:$0x1] =	stream.indirect.gather [hbm4b:s5+s3], $0x80, s14, s3, $0xb8;
	[tilespmem:$0x9000] =	vst v63  }
0x293: {  	_ =	swait.ge [sflag:s8], $0x4000  }
0x294: {  	[sflag:s8] =	ssyncset.done $0x0  }
0x295: {  	s25 =	rddreg [dreg:$0x18];
	[sflag:s8] =	ssyncadd.s32 $0xFFFFC000  }
0x296: {  	[hbm4b:s25+s3] =	stream.strided.scatter [tilespmem:s4], [sflag:$0x3], $0x4000, s6, s3, $0x38;
	[tilespmem:$0x9000] =	vst v63  }
0x297: {  	_ =	swait.ge [sflag:s2], $0x4000  }
0x298: {  	[sflag:s2] =	ssyncset.done $0x0  }
0x299: {  	[sflag:s2] =	ssyncadd.s32 $0xFFFFC000  }
0x29a: {  	[tilespmem:s4], [sflag:$0x2] =	stream.indirect.gather [hbm4b:s5+s3], $0x80, s13, s3, $0xb8;
	[tilespmem:$0x9000] =	vst v63  }
0x29b: {  	_ =	swait.ge [sflag:s9], $0x4000  }
0x29c: {  	[sflag:s9] =	ssyncset.done $0x0  }
0x29d: {  	s26 =	rddreg [dreg:$0x19];
	[sflag:s9] =	ssyncadd.s32 $0xFFFFC000  }
0x29e: {  	[hbm4b:s26+s3] =	stream.strided.scatter [tilespmem:s7], [sflag:$0x3], $0x4000, s6, s3, $0x38;
	[tilespmem:$0x9000] =	vst v63  }
0x29f: {  	_ =	swait.ge [sflag:s2], $0x4000  }
0x2a0: {  	[sflag:s2] =	ssyncset.done $0x0  }
0x2a1: {  	[sflag:s2] =	ssyncadd.s32 $0xFFFFC000  }
0x2a2: {  	[tilespmem:s7], [sflag:$0x1] =	stream.indirect.gather [hbm4b:s5+s3], $0x80, s12, s3, $0xb8;
	[tilespmem:$0x9000] =	vst v63  }
0x2a3: {  	_ =	swait.ge [sflag:s8], $0x4000  }
0x2a4: {  	[sflag:s8] =	ssyncset.done $0x0  }
0x2a5: {  	s28 =	rddreg [dreg:$0x1a];
	[sflag:s8] =	ssyncadd.s32 $0xFFFFC000  }
0x2a6: {  	[hbm4b:s28+s3] =	stream.strided.scatter [tilespmem:s4], [sflag:$0x3], $0x4000, s6, s3, $0x38;
	[tilespmem:$0x9000] =	vst v63  }
0x2a7: {  	_ =	swait.ge [sflag:s2], $0x4000  }
0x2a8: {  	[sflag:s2] =	ssyncset.done $0x0  }
0x2a9: {  	s29 =	simm.s32 $0xC80;
	[sflag:s2] =	ssyncadd.s32 $0xFFFFC000  }
0x2aa: {  	[tilespmem:s4], [sflag:$0x2] =	stream.indirect.gather [hbm4b:s5+s3], $0x80, s29, s3, $0xb8;
	[tilespmem:$0x9000] =	vst v63  }
0x2ab: {  	_ =	swait.ge [sflag:s9], $0x4000  }
0x2ac: {  	[sflag:s9] =	ssyncset.done $0x0  }
0x2ad: {  	s30 =	rddreg [dreg:$0x1b];
	[sflag:s9] =	ssyncadd.s32 $0xFFFFC000  }
0x2ae: {  	[hbm4b:s30+s3] =	stream.strided.scatter [tilespmem:s7], [sflag:$0x3], $0x4000, s6, s3, $0x38;
	[tilespmem:$0x9000] =	vst v63  }
0x2af: {  	_ =	swait.ge [sflag:s2], $0x4000  }
0x2b0: {  	[sflag:s2] =	ssyncset.done $0x0  }
0x2b1: {  	[sflag:s2] =	ssyncadd.s32 $0xFFFFC000  }
0x2b2: {  	_ =	swait.ge [sflag:s8], $0x4000  }
0x2b3: {  	[sflag:s8] =	ssyncset.done $0x0  }
0x2b4: {  	s31 =	rddreg [dreg:$0x1c];
	[sflag:s8] =	ssyncadd.s32 $0xFFFFC000  }
0x2b5: {  	[hbm4b:s31+s3] =	stream.strided.scatter [tilespmem:s4], [sflag:$0x3], $0x4000, s6, s3, $0x38;
	[tilespmem:$0x9000] =	vst v63  }
0x2b6: {  	_ =	swait.ge [sflag:s2], $0x4000  }
0x2b7: {  	[sflag:s2] =	ssyncset.done $0x0  }
0x2b8: {  	[sflag:s2] =	ssyncadd.s32 $0xFFFFC000  }
0x2b9: {  	_ =	sfence.sel $0x180000  }
0x2ba: {  	[bflag:$0x0] =	sbarrier.arrive $0xFFFF  }
0x2bb: {  	_ =	strace $0x90000047  }
0x2bc: {  	[bflag:$0x2] =	sbarrier.arrive $0xFFFF  }
0x2bd: {  	p0 =	sne.s32 s10, $0x0;
	s0 =	rddreg [dreg:$0x1]  }
0x2be: {  	s0 =	sadd.s32 @!p0 $0x100000, s0  }
0x2bf: {  	[sflag:s0] =	ssyncadd.tile.s32 @!p0 $0x1;
	_ =	shalt  }
.LBB2_1:
0x2c0: {  	s11 =	simm.s32 $0x300  }
0x2c1: {  	s31 =	simm.s32 $0x380;
	s30 =	simm.s32 $0x480;
	s29 =	simm.s32 $0x500  }
.Ltmp3:
0x2c2: {  	s28 =	simm.s32 $0x580;
	s24 =	simm.s32 $0x600;
	(pc) =	sbr.rel .LBB2_6-.Ltmp3, $4  }
0x2c3: {  	s23 =	simm.s32 $0x680;
	s22 =	simm.s32 $0x700;
	s21 =	simm.s32 $0x780  }
0x2c4: {  	s20 =	simm.s32 $0x800;
	s19 =	simm.s32 $0x880;
	s18 =	simm.s32 $0x900  }
0x2c5: {  	s17 =	simm.s32 $0x980;
	s16 =	simm.s32 $0xA00;
	s15 =	simm.s32 $0xA80  }
0x2c6: {  	s14 =	simm.s32 $0xB00;
	s13 =	simm.s32 $0xB80;
	s12 =	simm.s32 $0xC00  }
.LBB2_3:
0x2c7: {  	s11 =	simm.s32 $0x300;
	s31 =	simm.s32 $0x380  }
0x2c8: {  	s30 =	simm.s32 $0x480;
	s29 =	simm.s32 $0x500;
	s28 =	simm.s32 $0x580  }
.Ltmp4:
0x2c9: {  	s24 =	simm.s32 $0x600;
	s23 =	simm.s32 $0x680;
	(pc) =	sbr.rel .LBB2_6-.Ltmp4, $4  }
0x2ca: {  	s22 =	simm.s32 $0x700;
	s21 =	simm.s32 $0x780;
	s20 =	simm.s32 $0x800  }
0x2cb: {  	s19 =	simm.s32 $0x880;
	s18 =	simm.s32 $0x900;
	s17 =	simm.s32 $0x980  }
0x2cc: {  	s16 =	simm.s32 $0xA00;
	s15 =	simm.s32 $0xA80;
	s14 =	simm.s32 $0xB00  }
0x2cd: {  	s13 =	simm.s32 $0xB80;
	s12 =	simm.s32 $0xC00;
	s10 =	stileid.u32  }
.Lfunc_end2:
_tile_overlayer_lowered:
.L_overlay_start_2:
0x2ce: {  	(tag) =	ssettag $0x2  }
0x2cf: {  	s0 =	rddreg [dreg:$0x0];
	s2 =	stileid.u32  }
0x2d0: {  	s1 =	rddreg [dreg:$0x1];
	p0 =	sne.s32 s2, $0x0  }
0x2d1: {  	s3 =	rddreg [dreg:$0x2];
	[bflag:$0x3] =	sbarrier.arrive $0xFFFF;
	s2 =	simm.s32 @!p0 $0x1C03  }
0x2d2: {  	[timem:s3], [sflag:s2] =	dma.local @!p0 [hbm:s0], s1  }
0x2d3: {  	s0 =	simm.s32 @!p0 $0x3  }
0x2d4: {  	_ =	swait.ge @!p0 [sflag:s0], s1  }
0x2d5: {  	s1 =	ssub.s32 @!p0 $0x0, s1;
	[sflag:s0] =	ssyncset.done @!p0 $0x0  }
0x2d6: {  	[sflag:s0] =	ssyncadd.s32 @!p0 s1  }
0x2d7: {  	[bflag:$0x3] =	sbarrier.arrive $0xFFFF  }
0x2d8: {  	_ =	shalt  }

</sc_bundles>
